<compile_context>
chip_gen: v7x
topology: tpu7x:2x2x1
jax: 0.10.2.dev20260603
libtpu: 0.0.44.dev20260713+nightly
codegen_flags: <defaults>
</compile_context>

<pallas_src>
import functools
import math

import jax
import jax.numpy as jnp
from jax import lax
from jax.experimental import pallas as pl
from jax.experimental.pallas import tpu as pltpu
from jax.experimental.pallas import tpu_sc as plsc

N = 10000
E = 320000
DIN = 128
H = 8
C = 16
TD = 64
ED = 16
HC = H * C

NC = 2
NS = 16
NW = NC * NS
EPW = E // NW
BLK = 64
NBLK = 158
AC = 144
CH = 624
TAIL = N - NS * CH

F32 = jnp.float32
I32 = jnp.int32
_PREC = jax.lax.Precision.HIGHEST


def _prep_body(ts_ref, tlog_ref, tnorm_ref):
    t = ts_ref[...]
    mn = jnp.min(t)
    mx = jnp.max(t)
    tlog_ref[...] = jnp.log1p(t + 1e-6)
    tnorm_ref[...] = jnp.where(mx > mn, (t - mn) / (mx - mn + 1e-6),
                               jnp.ones_like(t))


def _prep(ts2d):
    return pl.pallas_call(
        _prep_body,
        out_shape=[jax.ShapeDtypeStruct((E // 128, 128), F32)] * 2,
    )(ts2d)


def _base_body(tlog_ref, tnorm_ref, ea_ref, fcat_ref, ph_ref, tb_ref, bep_ref,
               wea_ref, wte_ref, out_ref):
    ang = tlog_ref[...] * fcat_ref[...] + ph_ref[...]
    te = jnp.sin(ang)
    acc = jnp.dot(te, wte_ref[...], precision=_PREC)
    acc += jnp.dot(ea_ref[...], wea_ref[...], precision=_PREC)
    out_ref[...] = acc + tnorm_ref[...] * tb_ref[...] + bep_ref[...]


def _edge_bases(tlog_col, tnorm_col, ea, fcat, ph, tb, bep, wea, wte):
    nb = 80
    eb = E // nb
    full = lambda s: pl.BlockSpec(s, lambda i: (0, 0))
    return pl.pallas_call(
        _base_body,
        grid=(nb,),
        in_specs=[
            pl.BlockSpec((eb, 1), lambda i: (i, 0)),
            pl.BlockSpec((eb, 1), lambda i: (i, 0)),
            pl.BlockSpec((eb, ED), lambda i: (i, 0)),
            full((1, 128)), full((1, 128)), full((1, 16)), full((1, 16)),
            full((ED, 16)), full((128, 16)),
        ],
        out_specs=pl.BlockSpec((eb, 16), lambda i: (i, 0)),
        out_shape=jax.ShapeDtypeStruct((E, 16), F32),
    )(tlog_col, tnorm_col, ea, fcat, ph, tb, bep, wea, wte)


def _qkv_body(x_ref, w_ref, qv_ref, k_ref):
    r = jnp.dot(x_ref[...], w_ref[...], precision=_PREC)
    qv_ref[...] = r[:, :2 * HC]
    k_ref[...] = r[:, 2 * HC:]


def _qkv(x, wqvk):
    nb = 5
    rb = N // nb
    return pl.pallas_call(
        _qkv_body,
        grid=(nb,),
        in_specs=[
            pl.BlockSpec((rb, DIN), lambda i: (i, 0)),
            pl.BlockSpec((DIN, 3 * HC), lambda i: (0, 0)),
        ],
        out_specs=[
            pl.BlockSpec((rb, 2 * HC), lambda i: (i, 0)),
            pl.BlockSpec((rb, HC), lambda i: (i, 0)),
        ],
        out_shape=[
            jax.ShapeDtypeStruct((N, 2 * HC), F32),
            jax.ShapeDtypeStruct((N, HC), F32),
        ],
    )(x, wqvk)


def _norm_elu(acc_ref):
    m = acc_ref[0] + acc_ref[1]
    a = m[:, HC:HC + 16]
    rec = 1.0 / (a + 1e-8)
    hsel = lax.broadcasted_iota(I32, (16, HC), 0)
    jsel = lax.broadcasted_iota(I32, (16, HC), 1) // C
    sel = (hsel == jsel).astype(F32)
    rexp = jnp.dot(rec, sel, precision=_PREC)
    hid = m[:, :HC] * rexp
    return jnp.where(hid > 0, hid, jnp.exp(hid) - 1.0)


def _mid_body(acc_ref, w_ref, qv_ref, k_ref):
    eh = _norm_elu(acc_ref)
    r = jnp.dot(eh, w_ref[...], precision=_PREC)
    qv_ref[...] = r[:, :2 * HC]
    k_ref[...] = r[:, 2 * HC:]


def _mid(acc, wqvk):
    nb = 5
    rb = N // nb
    return pl.pallas_call(
        _mid_body,
        grid=(nb,),
        in_specs=[
            pl.BlockSpec((2, rb, AC), lambda i: (0, i, 0)),
            pl.BlockSpec((DIN, 3 * HC), lambda i: (0, 0)),
        ],
        out_specs=[
            pl.BlockSpec((rb, 2 * HC), lambda i: (i, 0)),
            pl.BlockSpec((rb, HC), lambda i: (i, 0)),
        ],
        out_shape=[
            jax.ShapeDtypeStruct((N, 2 * HC), F32),
            jax.ShapeDtypeStruct((N, HC), F32),
        ],
    )(acc, wqvk)


def _final_body(acc_ref, w_ref, b_ref, out_ref):
    eh = _norm_elu(acc_ref)
    out_ref[...] = jnp.dot(eh, w_ref[...], precision=_PREC) + b_ref[...]


def _final(acc, wout_t, bout2d):
    nb = 5
    rb = N // nb
    return pl.pallas_call(
        _final_body,
        grid=(nb,),
        in_specs=[
            pl.BlockSpec((2, rb, AC), lambda i: (0, i, 0)),
            pl.BlockSpec((DIN, 2), lambda i: (0, 0)),
            pl.BlockSpec((1, 2), lambda i: (0, 0)),
        ],
        out_specs=pl.BlockSpec((rb, 2), lambda i: (i, 0)),
        out_shape=jax.ShapeDtypeStruct((N, 2), F32),
    )(acc, wout_t, bout2d)


def _sc_layer(qv, k, base, edge_index, zeros, layer):
    mesh = plsc.VectorSubcoreMesh(core_axis_name="c", subcore_axis_name="s",
                                  num_cores=NC, num_subcores=NS)
    col0 = 8 * layer
    isqrtc = 1.0 / math.sqrt(C)

    @functools.partial(
        pl.kernel,
        out_type=jax.ShapeDtypeStruct((NC, N, AC), F32),
        mesh=mesh,
        compiler_params=pltpu.CompilerParams(use_tc_tiling_on_sc=False,
                                             needs_layout_passes=False),
        scratch_types=[
            pltpu.VMEM((2, 2, BLK), I32),
            pltpu.VMEM((2, BLK, 17), F32),
            pltpu.VMEM((BLK, 2 * HC), F32),
            pltpu.VMEM((BLK, HC), F32),
            pltpu.VMEM((BLK, AC), F32),
            pltpu.VMEM_SHARED((N, AC), F32),
            pltpu.SemaphoreType.DMA,
            pltpu.SemaphoreType.DMA,
            pltpu.SemaphoreType.DMA,
            pltpu.SemaphoreType.DMA,
        ],
    )
    def body(qv_hbm, k_hbm, base_hbm, ei_hbm, zero_hbm,
             out_acc, sd_v, base_v, qv_rows, k_rows, out_buf, acc,
             sem_q, sem_k, sem_sd, sem_b):
        core = lax.axis_index("c")
        sub = lax.axis_index("s")
        wid = sub * NC + core
        r0 = sub * CH

        pltpu.sync_copy(zero_hbm, acc.at[pl.ds(r0, CH), :])

        @pl.when(sub == NS - 1)
        def _zero_tail():
            pltpu.sync_copy(zero_hbm.at[pl.ds(0, TAIL), :],
                            acc.at[pl.ds(NS * CH, TAIL), :])

        def zrow(i, _):
            out_buf[i, pl.ds(HC, 16)] = jnp.zeros((16,), F32)
            return 0
        lax.fori_loop(0, BLK, zrow, 0)

        plsc.subcore_barrier()

        lanes = lax.iota(I32, 16)
        ebase = wid * EPW

        def eoff(b):
            return ebase + jnp.minimum(b * BLK, EPW - BLK)

        def prefetch(b, buf):
            e0 = eoff(b)
            pltpu.async_copy(ei_hbm.at[:, pl.ds(e0, BLK)], sd_v.at[buf], sem_sd)
            pltpu.async_copy(base_hbm.at[pl.ds(e0, BLK), :],
                             base_v.at[buf, :, pl.ds(0, 16)], sem_b)

        def drain_prefetch(buf):
            pltpu.make_async_copy(ei_hbm.at[:, pl.ds(0, BLK)], sd_v.at[buf],
                                  sem_sd).wait()
            pltpu.make_async_copy(base_hbm.at[pl.ds(0, BLK), :],
                                  base_v.at[buf, :, pl.ds(0, 16)], sem_b).wait()

        def process(b, cur, nxt):
            drain_prefetch(cur)
            cp1 = pltpu.async_copy(qv_hbm.at[sd_v.at[cur, 0]], qv_rows, sem_q)
            cp2 = pltpu.async_copy(k_hbm.at[sd_v.at[cur, 1]], k_rows, sem_k)
            prefetch(b + 1, nxt)
            cp1.wait()
            cp2.wait()
            thresh = jnp.where(
                b == NBLK - 2, NBLK * BLK - EPW - BLK,
                jnp.where(b == NBLK - 1, BLK, 0))

            def grp_body(g):
                rows = g * 16 + lanes

                def dot_step(c, ds):
                    rc = (lanes + c) & 15
                    out = []
                    for h in range(H):
                        cc = h * C + rc
                        qc = plsc.load_gather(qv_rows, [rows, cc])
                        kc = plsc.load_gather(k_rows, [rows, cc])
                        out.append(ds[h] + qc * kc)
                    return tuple(out)

                ds = lax.fori_loop(
                    0, C, dot_step,
                    tuple(jnp.zeros((16,), F32) for _ in range(H)))
                avs = []
                for h in range(H):
                    a = ds[h] * isqrtc
                    a = a + plsc.load_gather(
                        base_v.at[cur], [rows, jnp.full((16,), col0 + h, I32)])
                    a = jnp.where(a > 0, a, a * 0.2)
                    a = jnp.exp(a)
                    a = jnp.where(rows >= thresh, a, 0.0)
                    plsc.store_scatter(out_buf, [rows, jnp.full((16,), HC + h, I32)], a)
                    avs.append(a)

                def av_step(c, carry):
                    rc = (lanes + c) & 15
                    for h in range(H):
                        col = h * C + rc
                        vc = plsc.load_gather(qv_rows, [rows, HC + col])
                        plsc.store_scatter(out_buf, [rows, col], avs[h] * vc)
                    return carry

                lax.fori_loop(0, C, av_step, 0)

            plsc.parallel_loop(0, BLK // 16, step=1, unroll=1)(grp_body)
            pltpu.sync_copy(out_buf, acc.at[sd_v.at[cur, 1]], add=True)

        prefetch(0, 0)

        def pair_body(p, _):
            process(2 * p, 0, 1)
            process(2 * p + 1, 1, 0)
            return 0

        lax.fori_loop(0, NBLK // 2, pair_body, 0)
        drain_prefetch(0)

        plsc.subcore_barrier()

        pltpu.sync_copy(acc.at[pl.ds(r0, CH), :], out_acc.at[core, pl.ds(r0, CH), :])

        @pl.when(sub == NS - 1)
        def _write_tail():
            pltpu.sync_copy(acc.at[pl.ds(NS * CH, TAIL), :],
                            out_acc.at[core, pl.ds(NS * CH, TAIL), :])

    return body(qv, k, base, edge_index, zeros)


def _wep_split(wep):
    wea = wep[:, :ED].T
    wsin = wep[:, ED::2].T
    wcos = wep[:, ED + 1::2].T
    return wea, wsin, wcos


def kernel(x, edge_index, edge_attr, timestamps, Wq1, Wk1, Wv1, freq1, tb1,
           Wep1, bep1, Wq2, Wk2, Wv2, freq2, tb2, Wep2, bep2, Wout, bout):
    zeros = jnp.zeros((CH, AC), F32)

    tlog2, tnorm2 = _prep(timestamps.reshape(E // 128, 128))

    wea1, wsin1, wcos1 = _wep_split(Wep1)
    wea2, wsin2, wcos2 = _wep_split(Wep2)
    z32_8 = jnp.zeros((32, 8), F32)
    wte = jnp.concatenate([
        jnp.concatenate([wsin1, z32_8], axis=1),
        jnp.concatenate([wcos1, z32_8], axis=1),
        jnp.concatenate([z32_8, wsin2], axis=1),
        jnp.concatenate([z32_8, wcos2], axis=1),
    ], axis=0)
    fcat = jnp.concatenate([freq1, freq1, freq2, freq2]).reshape(1, 128)
    half_pi = jnp.float32(math.pi / 2)
    ph = jnp.concatenate([
        jnp.zeros((32,), F32), jnp.full((32,), half_pi, F32),
        jnp.zeros((32,), F32), jnp.full((32,), half_pi, F32),
    ]).reshape(1, 128)
    base = _edge_bases(
        tlog2.reshape(E, 1), tnorm2.reshape(E, 1), edge_attr, fcat, ph,
        jnp.concatenate([tb1, tb2]).reshape(1, 16),
        jnp.concatenate([bep1, bep2]).reshape(1, 16),
        jnp.concatenate([wea1, wea2], axis=1),
        wte,
    )

    wqvk1 = jnp.concatenate([Wq1.T, Wv1.T, Wk1.T], axis=1)
    wqvk2 = jnp.concatenate([Wq2.T, Wv2.T, Wk2.T], axis=1)

    qv1, k1 = _qkv(x, wqvk1)
    acc1 = _sc_layer(qv1, k1, base, edge_index, zeros, 0)
    qv2, k2 = _mid(acc1, wqvk2)
    acc2 = _sc_layer(qv2, k2, base, edge_index, zeros, 1)
    return _final(acc2, Wout.T, bout.reshape(1, 2))

# --- scband reference (transcript-rebuilt; emitter-appended) ---
"""Pipeline reference for scband-temporal-gatfraud-detector-19567871001358 (READ-ONLY COPY).

The authoritative reference and input builder live on the scoring server;
editing this copy changes nothing except your own understanding.
"""

import jax, jax.numpy as jnp
import numpy as np
import math

N = 10000
E = 320000
DIN = 128
H = 8
C = 16
TD = 64
ED = 16
OUT = 2
HC = H * C


def _time_encode(ts, freq):
    tn = jnp.log1p(ts + 1e-6)
    ang = tn * freq[None, :]
    te = jnp.zeros((ts.shape[0], TD), dtype=ts.dtype)
    te = te.at[:, 0::2].set(jnp.sin(ang))
    te = te.at[:, 1::2].set(jnp.cos(ang))
    return te


def _gat_layer(x, edge_index, edge_attr, timestamps, Wq, Wk, Wv, freq, tb, Wep, bep):
    n = x.shape[0]
    q = (x @ Wq.T).reshape(n, H, C)
    k = (x @ Wk.T).reshape(n, H, C)
    v = (x @ Wv.T).reshape(n, H, C)
    src = edge_index[0]
    dst = edge_index[1]
    attn = (q[src] * k[dst]).sum(-1) / math.sqrt(C)
    ts = timestamps.reshape(-1, 1)
    te = _time_encode(ts, freq)
    mx = ts.max()
    mn = ts.min()
    time_norm = jnp.where(mx > mn, (ts - mn) / (mx - mn + 1e-6), jnp.ones_like(ts))
    attn = attn + tb[None, :] * time_norm
    edge_time = jnp.concatenate([edge_attr, te], axis=-1)
    attn = attn + edge_time @ Wep.T + bep
    attn = jax.nn.leaky_relu(attn, 0.2)
    aexp = jnp.exp(attn)
    asum = jax.ops.segment_sum(aexp, dst, num_segments=n)
    anorm = aexp / (asum[dst] + 1e-8)
    wv = anorm[..., None] * v[src]
    out = jax.ops.segment_sum(wv, dst, num_segments=n)
    return out.reshape(n, HC)


def setup_inputs(seed: int = 0):
    key = jax.random.key(seed)
    ks = jax.random.split(key, 24)
    inp = {}
    inp["x"] = jax.random.normal(ks[0], (N, DIN), dtype=jnp.float32)
    inp["edge_index"] = jax.random.randint(ks[1], (2, E), 0, N)
    inp["edge_attr"] = jax.random.uniform(ks[2], (E, ED), dtype=jnp.float32)
    inp["timestamps"] = jax.random.uniform(ks[3], (E,), dtype=jnp.float32)
    s1 = 1.0 / math.sqrt(DIN)
    inp["Wq1"] = jax.random.normal(ks[4], (HC, DIN), dtype=jnp.float32) * s1
    inp["Wk1"] = jax.random.normal(ks[5], (HC, DIN), dtype=jnp.float32) * s1
    inp["Wv1"] = jax.random.normal(ks[6], (HC, DIN), dtype=jnp.float32) * s1
    inp["freq1"] = jax.random.normal(ks[7], (TD // 2,), dtype=jnp.float32)
    inp["tb1"] = jax.random.normal(ks[8], (H,), dtype=jnp.float32) * 0.1
    inp["Wep1"] = jax.random.normal(ks[9], (H, ED + TD), dtype=jnp.float32) * (1.0 / math.sqrt(ED + TD))
    inp["bep1"] = jnp.zeros((H,), dtype=jnp.float32)
    s2 = 1.0 / math.sqrt(HC)
    inp["Wq2"] = jax.random.normal(ks[10], (HC, HC), dtype=jnp.float32) * s2
    inp["Wk2"] = jax.random.normal(ks[11], (HC, HC), dtype=jnp.float32) * s2
    inp["Wv2"] = jax.random.normal(ks[12], (HC, HC), dtype=jnp.float32) * s2
    inp["freq2"] = jax.random.normal(ks[13], (TD // 2,), dtype=jnp.float32)
    inp["tb2"] = jax.random.normal(ks[14], (H,), dtype=jnp.float32) * 0.1
    inp["Wep2"] = jax.random.normal(ks[15], (H, ED + TD), dtype=jnp.float32) * (1.0 / math.sqrt(ED + TD))
    inp["bep2"] = jnp.zeros((H,), dtype=jnp.float32)
    inp["Wout"] = jax.random.normal(ks[16], (OUT, HC), dtype=jnp.float32) * s2
    inp["bout"] = jnp.zeros((OUT,), dtype=jnp.float32)
    return inp


def reference(x, edge_index, edge_attr, timestamps, Wq1, Wk1, Wv1, freq1, tb1, Wep1, bep1, Wq2, Wk2, Wv2, freq2, tb2, Wep2, bep2, Wout, bout):
    h = _gat_layer(x, edge_index, edge_attr, timestamps, Wq1, Wk1, Wv1, freq1, tb1, Wep1, bep1)
    h = jax.nn.elu(h)
    h = _gat_layer(h, edge_index, edge_attr, timestamps, Wq2, Wk2, Wv2, freq2, tb2, Wep2, bep2)
    h = jax.nn.elu(h)
    return h @ Wout.T + bout

if __name__ == "__main__":
    import jax
    _d = setup_inputs()
    print(jax.jit(kernel)(*tuple(_d.values())))

</pallas_src>

<mosaic_0001>
#map = affine_map<(d0, d1) -> (0, 0)>
#map1 = affine_map<(d0, d1) -> (0, 0, 0)>
module attributes {stable_mosaic.version = 14 : i64} {
  func.func @body(%arg0: i32, %arg1: i32, %arg2: memref<10000x256xf32, #tpu.memory_space<hbm>>, %arg3: memref<10000x128xf32, #tpu.memory_space<hbm>>, %arg4: memref<320000x16xf32, #tpu.memory_space<hbm>>, %arg5: memref<2x320000xi32, #tpu.memory_space<hbm>>, %arg6: memref<624x144xf32, #tpu.memory_space<hbm>>, %arg7: memref<2x10000x144xf32, #tpu.memory_space<hbm>>, %arg8: memref<2x2x64xi32, #tpu.memory_space<vmem>>, %arg9: memref<2x64x17xf32, #tpu.memory_space<vmem>>, %arg10: memref<64x256xf32, #tpu.memory_space<vmem>>, %arg11: memref<64x128xf32, #tpu.memory_space<vmem>>, %arg12: memref<64x144xf32, #tpu.memory_space<vmem>>, %arg13: memref<10000x144xf32, #tpu.memory_space<vmem_shared>>, %arg14: memref<!tpu.dma_semaphore, #tpu.memory_space<semaphore_mem>>, %arg15: memref<!tpu.dma_semaphore, #tpu.memory_space<semaphore_mem>>, %arg16: memref<!tpu.dma_semaphore, #tpu.memory_space<semaphore_mem>>, %arg17: memref<!tpu.dma_semaphore, #tpu.memory_space<semaphore_mem>>) attributes {dimension_semantics = [#tpu.dimension_semantics<core_parallel>, #tpu.dimension_semantics<subcore_parallel>], iteration_bounds = array<i64: 2, 16>, scalar_prefetch = 0 : i64, scratch_operands = 10 : i64, tpu.core_type = #tpu.core_type<sc_vector_subcore>, window_params = [{transform_indices = #map}, {transform_indices = #map}, {transform_indices = #map}, {transform_indices = #map}, {transform_indices = #map}, {transform_indices = #map1}]} {
    %mul3A = arith.constant 2 : i32
    %mul3A_0 = arith.muli %arg1, %mul3A : i32
    %add3A = arith.addi %mul3A_0, %arg0 : i32
    %mul3A_1 = arith.constant 624 : i32
    %mul3A_2 = arith.muli %arg1, %mul3A_1 : i32
    "tpu.region"() ({
      %run_scoped3A = tpu.sem_alloc : memref<!tpu.dma_semaphore, #tpu.memory_space<semaphore_mem>>
      %dma_start3A_83 = arith.constant 0 : i32
      %dma_start3A_84 = tpu.memref_slice %arg13[%mul3A_2, %dma_start3A_83] : memref<10000x144xf32, #tpu.memory_space<vmem_shared>> -> memref<624x144xf32, #tpu.memory_space<vmem_shared>>
      tpu.enqueue_dma source(%arg6 : memref<624x144xf32, #tpu.memory_space<hbm>>) target(%dma_start3A_84 : memref<624x144xf32, #tpu.memory_space<vmem_shared>>) target_semaphore(%run_scoped3A : memref<!tpu.dma_semaphore, #tpu.memory_space<semaphore_mem>>)
      %dma_wait3A_85 = arith.constant 0 : i32
      %dma_wait3A_86 = tpu.memref_slice %arg13[%mul3A_2, %dma_wait3A_85] : memref<10000x144xf32, #tpu.memory_space<vmem_shared>> -> memref<624x144xf32, #tpu.memory_space<vmem_shared>>
      tpu.wait_dma2 semaphore(%run_scoped3A : memref<!tpu.dma_semaphore, #tpu.memory_space<semaphore_mem>>) src(%arg6 : memref<624x144xf32, #tpu.memory_space<hbm>>) dst(%dma_wait3A_86 : memref<624x144xf32, #tpu.memory_space<vmem_shared>>)
      tpu.yield
    }) : () -> ()
    %eq3A = arith.constant 15 : i32
    %eq3A_3 = arith.cmpi eq, %arg1, %eq3A : i32
    %convert_element_type3A = arith.extui %eq3A_3 : i1 to i32
    %cond3A = arith.constant 0 : i32
    %cond3A_4 = arith.cmpi ne, %convert_element_type3A, %cond3A : i32
    scf.if %cond3A_4 {
      "tpu.region"() ({
        %run_scoped3A = tpu.sem_alloc : memref<!tpu.dma_semaphore, #tpu.memory_space<semaphore_mem>>
        %dma_start3A_83 = arith.constant 9984 : i32
        %dma_start3A_84 = arith.constant 0 : i32
        %dma_start3A_85 = tpu.memref_slice %arg13[%dma_start3A_83, %dma_start3A_84] : memref<10000x144xf32, #tpu.memory_space<vmem_shared>> -> memref<16x144xf32, #tpu.memory_space<vmem_shared>>
        %dma_start3A_86 = arith.constant 0 : i32
        %dma_start3A_87 = arith.constant 0 : i32
        %dma_start3A_88 = tpu.memref_slice %arg6[%dma_start3A_86, %dma_start3A_87] : memref<624x144xf32, #tpu.memory_space<hbm>> -> memref<16x144xf32, #tpu.memory_space<hbm>>
        tpu.enqueue_dma source(%dma_start3A_88 : memref<16x144xf32, #tpu.memory_space<hbm>>) target(%dma_start3A_85 : memref<16x144xf32, #tpu.memory_space<vmem_shared>>) target_semaphore(%run_scoped3A : memref<!tpu.dma_semaphore, #tpu.memory_space<semaphore_mem>>)
        %dma_wait3A_89 = arith.constant 9984 : i32
        %dma_wait3A_90 = arith.constant 0 : i32
        %dma_wait3A_91 = tpu.memref_slice %arg13[%dma_wait3A_89, %dma_wait3A_90] : memref<10000x144xf32, #tpu.memory_space<vmem_shared>> -> memref<16x144xf32, #tpu.memory_space<vmem_shared>>
        %dma_wait3A_92 = arith.constant 0 : i32
        %dma_wait3A_93 = arith.constant 0 : i32
        %dma_wait3A_94 = tpu.memref_slice %arg6[%dma_wait3A_92, %dma_wait3A_93] : memref<624x144xf32, #tpu.memory_space<hbm>> -> memref<16x144xf32, #tpu.memory_space<hbm>>
        tpu.wait_dma2 semaphore(%run_scoped3A : memref<!tpu.dma_semaphore, #tpu.memory_space<semaphore_mem>>) src(%dma_wait3A_94 : memref<16x144xf32, #tpu.memory_space<hbm>>) dst(%dma_wait3A_91 : memref<16x144xf32, #tpu.memory_space<vmem_shared>>)
        tpu.yield
      }) : () -> ()
    } else {
    }
    %scan3A = arith.constant 0 : i32
    %scan3A_5 = arith.constant 0 : i32
    %scan3A_6 = arith.constant 64 : i32
    %scan3A_7 = arith.addi %scan3A_5, %scan3A_6 : i32
    %scan3A_8 = arith.constant 1 : i32
    %scan3A_9 = scf.for %scan3A_83 = %scan3A_5 to %scan3A_7 step %scan3A_8 iter_args(%scan3A_84 = %scan3A) -> (i32)  : i32 {
      %broadcast_in_dim3A = arith.constant 0.000000e+00 : f32
      %broadcast_in_dim3A_85 = vector.broadcast %broadcast_in_dim3A : f32 to vector<16xf32>
      %swap3A = arith.index_cast %scan3A_83 : i32 to index
      %swap3A_86 = arith.constant 128 : index
      %swap3A_87 = tpu.vector_load %arg12[%swap3A, %swap3A_86] {strides = array<i32>} : memref<64x144xf32, #tpu.memory_space<vmem>>, vector<16xf32>,
      tpu.vector_store %arg12[%swap3A, %swap3A_86], %broadcast_in_dim3A_85 {strides = array<i32>} : memref<64x144xf32, #tpu.memory_space<vmem>>, vector<16xf32>,
      %scan3A_88 = arith.constant 0 : i32
      scf.yield %scan3A_88 : i32
    }
    %scan3A_10 = arith.constant 64 : i32
    %barrier3A = arith.constant 0 : index
    tpu.barrier barrier_id(%barrier3A)
    %iota3A = tpu.iota {dimensions = array<i32: 0>} : vector<16xi32>
    %mul3A_11 = arith.constant 10000 : i32
    %mul3A_12 = arith.muli %add3A, %mul3A_11 : i32
    %min3A = arith.constant 0 : i32
    %min3A_13 = arith.constant 9936 : i32
    %min3A_14 = arith.minsi %min3A, %min3A_13 : i32
    %add3A_15 = arith.addi %mul3A_12, %min3A_14 : i32
    %dma_start3A = arith.constant 0 : i32
    %dma_start3A_16 = arith.constant 0 : i32
    %dma_start3A_17 = arith.constant 0 : i32
    %dma_start3A_18 = tpu.memref_slice %arg8[%dma_start3A, %dma_start3A_16, %dma_start3A_17] : memref<2x2x64xi32, #tpu.memory_space<vmem>> -> memref<1x2x64xi32, #tpu.memory_space<vmem>>
    %dma_start3A_19 = tpu.memref_squeeze %dma_start3A_18 : memref<1x2x64xi32, #tpu.memory_space<vmem>> -> memref<2x64xi32, #tpu.memory_space<vmem>>
    %dma_start3A_20 = arith.constant 0 : i32
    %dma_start3A_21 = tpu.memref_slice %arg5[%dma_start3A_20, %add3A_15] : memref<2x320000xi32, #tpu.memory_space<hbm>> -> memref<2x64xi32, #tpu.memory_space<hbm>>
    %dma_start3A_22 = arith.constant 0 : i32
    %dma_start3A_23 = arith.constant 0 : i32
    %dma_start3A_24 = tpu.memref_slice %arg8[%dma_start3A, %dma_start3A_22, %dma_start3A_23] : memref<2x2x64xi32, #tpu.memory_space<vmem>> -> memref<1x2x64xi32, #tpu.memory_space<vmem>>
    %dma_start3A_25 = tpu.memref_squeeze %dma_start3A_24 : memref<1x2x64xi32, #tpu.memory_space<vmem>> -> memref<2x64xi32, #tpu.memory_space<vmem>>
    %dma_start3A_26 = arith.constant 0 : i32
    %dma_start3A_27 = tpu.memref_slice %arg5[%dma_start3A_26, %add3A_15] : memref<2x320000xi32, #tpu.memory_space<hbm>> -> memref<2x64xi32, #tpu.memory_space<hbm>>
    tpu.enqueue_dma source(%dma_start3A_27 : memref<2x64xi32, #tpu.memory_space<hbm>>) target(%dma_start3A_25 : memref<2x64xi32, #tpu.memory_space<vmem>>) target_semaphore(%arg16 : memref<!tpu.dma_semaphore, #tpu.memory_space<semaphore_mem>>)
    %dma_start3A_28 = arith.constant 0 : i32
    %dma_start3A_29 = arith.constant 0 : i32
    %dma_start3A_30 = arith.constant 0 : i32
    %dma_start3A_31 = tpu.memref_slice %arg9[%dma_start3A_28, %dma_start3A_29, %dma_start3A_30] : memref<2x64x17xf32, #tpu.memory_space<vmem>> -> memref<1x64x16xf32, #tpu.memory_space<vmem>>
    %dma_start3A_32 = tpu.memref_squeeze %dma_start3A_31 : memref<1x64x16xf32, #tpu.memory_space<vmem>> -> memref<64x16xf32, #tpu.memory_space<vmem>>
    %dma_start3A_33 = arith.constant 0 : i32
    %dma_start3A_34 = tpu.memref_slice %arg4[%add3A_15, %dma_start3A_33] : memref<320000x16xf32, #tpu.memory_space<hbm>> -> memref<64x16xf32, #tpu.memory_space<hbm>>
    %dma_start3A_35 = arith.constant 0 : i32
    %dma_start3A_36 = arith.constant 0 : i32
    %dma_start3A_37 = tpu.memref_slice %arg9[%dma_start3A_28, %dma_start3A_35, %dma_start3A_36] : memref<2x64x17xf32, #tpu.memory_space<vmem>> -> memref<1x64x16xf32, #tpu.memory_space<vmem>>
    %dma_start3A_38 = tpu.memref_squeeze %dma_start3A_37 : memref<1x64x16xf32, #tpu.memory_space<vmem>> -> memref<64x16xf32, #tpu.memory_space<vmem>>
    %dma_start3A_39 = arith.constant 0 : i32
    %dma_start3A_40 = tpu.memref_slice %arg4[%add3A_15, %dma_start3A_39] : memref<320000x16xf32, #tpu.memory_space<hbm>> -> memref<64x16xf32, #tpu.memory_space<hbm>>
    tpu.enqueue_dma source(%dma_start3A_40 : memref<64x16xf32, #tpu.memory_space<hbm>>) target(%dma_start3A_38 : memref<64x16xf32, #tpu.memory_space<vmem>>) target_semaphore(%arg17 : memref<!tpu.dma_semaphore, #tpu.memory_space<semaphore_mem>>)
    %scan3A_41 = arith.constant 0 : i32
    %scan3A_42 = arith.constant 0 : i32
    %scan3A_43 = arith.constant 79 : i32
    %scan3A_44 = arith.addi %scan3A_42, %scan3A_43 : i32
    %scan3A_45 = arith.constant 1 : i32
    %scan3A_46 = scf.for %scan3A_83 = %scan3A_42 to %scan3A_44 step %scan3A_45 iter_args(%scan3A_84 = %scan3A_41) -> (i32)  : i32 {
      %mul3A_85 = arith.constant 2 : i32
      %mul3A_86 = arith.muli %mul3A_85, %scan3A_83 : i32
      %dma_wait3A_87 = arith.constant 0 : i32
      %dma_wait3A_88 = arith.constant 0 : i32
      %dma_wait3A_89 = arith.constant 0 : i32
      %dma_wait3A_90 = tpu.memref_slice %arg8[%dma_wait3A_87, %dma_wait3A_88, %dma_wait3A_89] : memref<2x2x64xi32, #tpu.memory_space<vmem>> -> memref<1x2x64xi32, #tpu.memory_space<vmem>>
      %dma_wait3A_91 = tpu.memref_squeeze %dma_wait3A_90 : memref<1x2x64xi32, #tpu.memory_space<vmem>> -> memref<2x64xi32, #tpu.memory_space<vmem>>
      %dma_wait3A_92 = arith.constant 0 : i32
      %dma_wait3A_93 = arith.constant 0 : i32
      %dma_wait3A_94 = tpu.memref_slice %arg5[%dma_wait3A_92, %dma_wait3A_93] : memref<2x320000xi32, #tpu.memory_space<hbm>> -> memref<2x64xi32, #tpu.memory_space<hbm>>
      %dma_wait3A_95 = arith.constant 0 : i32
      %dma_wait3A_96 = arith.constant 0 : i32
      %dma_wait3A_97 = tpu.memref_slice %arg8[%dma_wait3A_87, %dma_wait3A_95, %dma_wait3A_96] : memref<2x2x64xi32, #tpu.memory_space<vmem>> -> memref<1x2x64xi32, #tpu.memory_space<vmem>>
      %dma_wait3A_98 = tpu.memref_squeeze %dma_wait3A_97 : memref<1x2x64xi32, #tpu.memory_space<vmem>> -> memref<2x64xi32, #tpu.memory_space<vmem>>
      %dma_wait3A_99 = arith.constant 0 : i32
      %dma_wait3A_100 = arith.constant 0 : i32
      %dma_wait3A_101 = tpu.memref_slice %arg5[%dma_wait3A_99, %dma_wait3A_100] : memref<2x320000xi32, #tpu.memory_space<hbm>> -> memref<2x64xi32, #tpu.memory_space<hbm>>
      tpu.wait_dma2 semaphore(%arg16 : memref<!tpu.dma_semaphore, #tpu.memory_space<semaphore_mem>>) src(%dma_wait3A_101 : memref<2x64xi32, #tpu.memory_space<hbm>>) dst(%dma_wait3A_98 : memref<2x64xi32, #tpu.memory_space<vmem>>)
      %dma_wait3A_102 = arith.constant 0 : i32
      %dma_wait3A_103 = arith.constant 0 : i32
      %dma_wait3A_104 = arith.constant 0 : i32
      %dma_wait3A_105 = tpu.memref_slice %arg9[%dma_wait3A_102, %dma_wait3A_103, %dma_wait3A_104] : memref<2x64x17xf32, #tpu.memory_space<vmem>> -> memref<1x64x16xf32, #tpu.memory_space<vmem>>
      %dma_wait3A_106 = tpu.memref_squeeze %dma_wait3A_105 : memref<1x64x16xf32, #tpu.memory_space<vmem>> -> memref<64x16xf32, #tpu.memory_space<vmem>>
      %dma_wait3A_107 = arith.constant 0 : i32
      %dma_wait3A_108 = arith.constant 0 : i32
      %dma_wait3A_109 = tpu.memref_slice %arg4[%dma_wait3A_107, %dma_wait3A_108] : memref<320000x16xf32, #tpu.memory_space<hbm>> -> memref<64x16xf32, #tpu.memory_space<hbm>>
      %dma_wait3A_110 = arith.constant 0 : i32
      %dma_wait3A_111 = arith.constant 0 : i32
      %dma_wait3A_112 = tpu.memref_slice %arg9[%dma_wait3A_102, %dma_wait3A_110, %dma_wait3A_111] : memref<2x64x17xf32, #tpu.memory_space<vmem>> -> memref<1x64x16xf32, #tpu.memory_space<vmem>>
      %dma_wait3A_113 = tpu.memref_squeeze %dma_wait3A_112 : memref<1x64x16xf32, #tpu.memory_space<vmem>> -> memref<64x16xf32, #tpu.memory_space<vmem>>
      %dma_wait3A_114 = arith.constant 0 : i32
      %dma_wait3A_115 = arith.constant 0 : i32
      %dma_wait3A_116 = tpu.memref_slice %arg4[%dma_wait3A_114, %dma_wait3A_115] : memref<320000x16xf32, #tpu.memory_space<hbm>> -> memref<64x16xf32, #tpu.memory_space<hbm>>
      tpu.wait_dma2 semaphore(%arg17 : memref<!tpu.dma_semaphore, #tpu.memory_space<semaphore_mem>>) src(%dma_wait3A_116 : memref<64x16xf32, #tpu.memory_space<hbm>>) dst(%dma_wait3A_113 : memref<64x16xf32, #tpu.memory_space<vmem>>)
      %dma_start3A_117 = arith.constant 0 : i32
      %dma_start3A_118 = arith.constant 0 : i32
      %dma_start3A_119 = arith.constant 0 : i32
      %dma_start3A_120 = tpu.memref_slice %arg8[%dma_start3A_117, %dma_start3A_118, %dma_start3A_119] : memref<2x2x64xi32, #tpu.memory_space<vmem>> -> memref<1x1x64xi32, #tpu.memory_space<vmem>>
      %dma_start3A_121 = tpu.memref_squeeze %dma_start3A_120 : memref<1x1x64xi32, #tpu.memory_space<vmem>> -> memref<64xi32, #tpu.memory_space<vmem>>
      %dma_start3A_122 = arith.constant 0 : i32
      %dma_start3A_123 = arith.constant 0 : i32
      %dma_start3A_124 = tpu.memref_slice %arg2[%dma_start3A_122, %dma_start3A_123] : memref<10000x256xf32, #tpu.memory_space<hbm>> -> memref<10000x256xf32, #tpu.memory_space<hbm>>
      tpu.enqueue_indirect_dma source(%dma_start3A_124 : memref<10000x256xf32, #tpu.memory_space<hbm>>) target(%arg10 : memref<64x256xf32, #tpu.memory_space<vmem>>) offsets(%dma_start3A_121 : memref<64xi32, #tpu.memory_space<vmem>>) semaphore(%arg14 : memref<!tpu.dma_semaphore, #tpu.memory_space<semaphore_mem>>)
      %dma_start3A_125 = arith.constant 0 : i32
      %dma_start3A_126 = arith.constant 1 : i32
      %dma_start3A_127 = arith.constant 0 : i32
      %dma_start3A_128 = tpu.memref_slice %arg8[%dma_start3A_125, %dma_start3A_126, %dma_start3A_127] : memref<2x2x64xi32, #tpu.memory_space<vmem>> -> memref<1x1x64xi32, #tpu.memory_space<vmem>>
      %dma_start3A_129 = tpu.memref_squeeze %dma_start3A_128 : memref<1x1x64xi32, #tpu.memory_space<vmem>> -> memref<64xi32, #tpu.memory_space<vmem>>
      %dma_start3A_130 = arith.constant 0 : i32
      %dma_start3A_131 = arith.constant 0 : i32
      %dma_start3A_132 = tpu.memref_slice %arg3[%dma_start3A_130, %dma_start3A_131] : memref<10000x128xf32, #tpu.memory_space<hbm>> -> memref<10000x128xf32, #tpu.memory_space<hbm>>
      tpu.enqueue_indirect_dma source(%dma_start3A_132 : memref<10000x128xf32, #tpu.memory_space<hbm>>) target(%arg11 : memref<64x128xf32, #tpu.memory_space<vmem>>) offsets(%dma_start3A_129 : memref<64xi32, #tpu.memory_space<vmem>>) semaphore(%arg15 : memref<!tpu.dma_semaphore, #tpu.memory_space<semaphore_mem>>)
      %add3A_133 = arith.constant 1 : i32
      %add3A_134 = arith.addi %mul3A_86, %add3A_133 : i32
      %mul3A_135 = arith.constant 64 : i32
      %mul3A_136 = arith.muli %add3A_134, %mul3A_135 : i32
      %min3A_137 = arith.constant 9936 : i32
      %min3A_138 = arith.minsi %mul3A_136, %min3A_137 : i32
      %add3A_139 = arith.addi %mul3A_12, %min3A_138 : i32
      %dma_start3A_140 = arith.constant 1 : i32
      %dma_start3A_141 = arith.constant 0 : i32
      %dma_start3A_142 = arith.constant 0 : i32
      %dma_start3A_143 = tpu.memref_slice %arg8[%dma_start3A_140, %dma_start3A_141, %dma_start3A_142] : memref<2x2x64xi32, #tpu.memory_space<vmem>> -> memref<1x2x64xi32, #tpu.memory_space<vmem>>
      %dma_start3A_144 = tpu.memref_squeeze %dma_start3A_143 : memref<1x2x64xi32, #tpu.memory_space<vmem>> -> memref<2x64xi32, #tpu.memory_space<vmem>>
      %dma_start3A_145 = arith.constant 0 : i32
      %dma_start3A_146 = tpu.memref_slice %arg5[%dma_start3A_145, %add3A_139] : memref<2x320000xi32, #tpu.memory_space<hbm>> -> memref<2x64xi32, #tpu.memory_space<hbm>>
      %dma_start3A_147 = arith.constant 0 : i32
      %dma_start3A_148 = arith.constant 0 : i32
      %dma_start3A_149 = tpu.memref_slice %arg8[%dma_start3A_140, %dma_start3A_147, %dma_start3A_148] : memref<2x2x64xi32, #tpu.memory_space<vmem>> -> memref<1x2x64xi32, #tpu.memory_space<vmem>>
      %dma_start3A_150 = tpu.memref_squeeze %dma_start3A_149 : memref<1x2x64xi32, #tpu.memory_space<vmem>> -> memref<2x64xi32, #tpu.memory_space<vmem>>
      %dma_start3A_151 = arith.constant 0 : i32
      %dma_start3A_152 = tpu.memref_slice %arg5[%dma_start3A_151, %add3A_139] : memref<2x320000xi32, #tpu.memory_space<hbm>> -> memref<2x64xi32, #tpu.memory_space<hbm>>
      tpu.enqueue_dma source(%dma_start3A_152 : memref<2x64xi32, #tpu.memory_space<hbm>>) target(%dma_start3A_150 : memref<2x64xi32, #tpu.memory_space<vmem>>) target_semaphore(%arg16 : memref<!tpu.dma_semaphore, #tpu.memory_space<semaphore_mem>>)
      %dma_start3A_153 = arith.constant 1 : i32
      %dma_start3A_154 = arith.constant 0 : i32
      %dma_start3A_155 = arith.constant 0 : i32
      %dma_start3A_156 = tpu.memref_slice %arg9[%dma_start3A_153, %dma_start3A_154, %dma_start3A_155] : memref<2x64x17xf32, #tpu.memory_space<vmem>> -> memref<1x64x16xf32, #tpu.memory_space<vmem>>
      %dma_start3A_157 = tpu.memref_squeeze %dma_start3A_156 : memref<1x64x16xf32, #tpu.memory_space<vmem>> -> memref<64x16xf32, #tpu.memory_space<vmem>>
      %dma_start3A_158 = arith.constant 0 : i32
      %dma_start3A_159 = tpu.memref_slice %arg4[%add3A_139, %dma_start3A_158] : memref<320000x16xf32, #tpu.memory_space<hbm>> -> memref<64x16xf32, #tpu.memory_space<hbm>>
      %dma_start3A_160 = arith.constant 0 : i32
      %dma_start3A_161 = arith.constant 0 : i32
      %dma_start3A_162 = tpu.memref_slice %arg9[%dma_start3A_153, %dma_start3A_160, %dma_start3A_161] : memref<2x64x17xf32, #tpu.memory_space<vmem>> -> memref<1x64x16xf32, #tpu.memory_space<vmem>>
      %dma_start3A_163 = tpu.memref_squeeze %dma_start3A_162 : memref<1x64x16xf32, #tpu.memory_space<vmem>> -> memref<64x16xf32, #tpu.memory_space<vmem>>
      %dma_start3A_164 = arith.constant 0 : i32
      %dma_start3A_165 = tpu.memref_slice %arg4[%add3A_139, %dma_start3A_164] : memref<320000x16xf32, #tpu.memory_space<hbm>> -> memref<64x16xf32, #tpu.memory_space<hbm>>
      tpu.enqueue_dma source(%dma_start3A_165 : memref<64x16xf32, #tpu.memory_space<hbm>>) target(%dma_start3A_163 : memref<64x16xf32, #tpu.memory_space<vmem>>) target_semaphore(%arg17 : memref<!tpu.dma_semaphore, #tpu.memory_space<semaphore_mem>>)
      %dma_wait3A_166 = arith.constant 0 : i32
      %dma_wait3A_167 = arith.constant 0 : i32
      %dma_wait3A_168 = arith.constant 0 : i32
      %dma_wait3A_169 = tpu.memref_slice %arg8[%dma_wait3A_166, %dma_wait3A_167, %dma_wait3A_168] : memref<2x2x64xi32, #tpu.memory_space<vmem>> -> memref<1x1x64xi32, #tpu.memory_space<vmem>>
      %dma_wait3A_170 = tpu.memref_squeeze %dma_wait3A_169 : memref<1x1x64xi32, #tpu.memory_space<vmem>> -> memref<64xi32, #tpu.memory_space<vmem>>
      %dma_wait3A_171 = arith.constant 0 : i32
      %dma_wait3A_172 = arith.constant 0 : i32
      %dma_wait3A_173 = tpu.memref_slice %arg2[%dma_wait3A_171, %dma_wait3A_172] : memref<10000x256xf32, #tpu.memory_space<hbm>> -> memref<10000x256xf32, #tpu.memory_space<hbm>>
      tpu.wait_indirect_dma semaphore(%arg14 : memref<!tpu.dma_semaphore, #tpu.memory_space<semaphore_mem>>) src(%dma_wait3A_173 : memref<10000x256xf32, #tpu.memory_space<hbm>>) dst(%arg10 : memref<64x256xf32, #tpu.memory_space<vmem>>)
      %dma_wait3A_174 = arith.constant 0 : i32
      %dma_wait3A_175 = arith.constant 1 : i32
      %dma_wait3A_176 = arith.constant 0 : i32
      %dma_wait3A_177 = tpu.memref_slice %arg8[%dma_wait3A_174, %dma_wait3A_175, %dma_wait3A_176] : memref<2x2x64xi32, #tpu.memory_space<vmem>> -> memref<1x1x64xi32, #tpu.memory_space<vmem>>
      %dma_wait3A_178 = tpu.memref_squeeze %dma_wait3A_177 : memref<1x1x64xi32, #tpu.memory_space<vmem>> -> memref<64xi32, #tpu.memory_space<vmem>>
      %dma_wait3A_179 = arith.constant 0 : i32
      %dma_wait3A_180 = arith.constant 0 : i32
      %dma_wait3A_181 = tpu.memref_slice %arg3[%dma_wait3A_179, %dma_wait3A_180] : memref<10000x128xf32, #tpu.memory_space<hbm>> -> memref<10000x128xf32, #tpu.memory_space<hbm>>
      tpu.wait_indirect_dma semaphore(%arg15 : memref<!tpu.dma_semaphore, #tpu.memory_space<semaphore_mem>>) src(%dma_wait3A_181 : memref<10000x128xf32, #tpu.memory_space<hbm>>) dst(%arg11 : memref<64x128xf32, #tpu.memory_space<vmem>>)
      %eq3A_182 = arith.constant 156 : i32
      %eq3A_183 = arith.cmpi eq, %mul3A_86, %eq3A_182 : i32
      %eq3A_184 = arith.constant 157 : i32
      %eq3A_185 = arith.cmpi eq, %mul3A_86, %eq3A_184 : i32
      %jit3A = arith.constant 64 : i32
      %jit3A_186 = arith.constant 0 : i32
      %select_n3A = arith.select %eq3A_185, %jit3A, %jit3A_186 : i32
      %jit3A_187 = arith.constant 48 : i32
      %select_n3A_188 = arith.select %eq3A_183, %jit3A_187, %select_n3A : i32
      %parallel_loop3A = arith.constant 0 : i32
      %parallel_loop3A_189 = arith.constant 4 : i32
      %parallel_loop3A_190 = arith.constant 1 : i32
      scf.for %parallel_loop3A_306 = %parallel_loop3A to %parallel_loop3A_189 step %parallel_loop3A_190  : i32 {
        %parallel_loop3A_307 = arith.constant 16 : i32
        %parallel_loop3A_308 = arith.muli %parallel_loop3A_306, %parallel_loop3A_307 : i32
        %parallel_loop3A_309 = vector.broadcast %parallel_loop3A_308 : i32 to vector<16xi32>
        %parallel_loop3A_310 = arith.addi %parallel_loop3A_309, %iota3A : vector<16xi32>
        %parallel_loop3A_311 = arith.constant 0.000000e+00 : f32
        %parallel_loop3A_312 = vector.broadcast %parallel_loop3A_311 : f32 to vector<16xf32>
        %parallel_loop3A_313 = arith.constant 0.000000e+00 : f32
        %parallel_loop3A_314 = vector.broadcast %parallel_loop3A_313 : f32 to vector<16xf32>
        %parallel_loop3A_315 = arith.constant 0.000000e+00 : f32
        %parallel_loop3A_316 = vector.broadcast %parallel_loop3A_315 : f32 to vector<16xf32>
        %parallel_loop3A_317 = arith.constant 0.000000e+00 : f32
        %parallel_loop3A_318 = vector.broadcast %parallel_loop3A_317 : f32 to vector<16xf32>
        %parallel_loop3A_319 = arith.constant 0.000000e+00 : f32
        %parallel_loop3A_320 = vector.broadcast %parallel_loop3A_319 : f32 to vector<16xf32>
        %parallel_loop3A_321 = arith.constant 0.000000e+00 : f32
        %parallel_loop3A_322 = vector.broadcast %parallel_loop3A_321 : f32 to vector<16xf32>
        %parallel_loop3A_323 = arith.constant 0.000000e+00 : f32
        %parallel_loop3A_324 = vector.broadcast %parallel_loop3A_323 : f32 to vector<16xf32>
        %parallel_loop3A_325 = arith.constant 0.000000e+00 : f32
        %parallel_loop3A_326 = vector.broadcast %parallel_loop3A_325 : f32 to vector<16xf32>
        %parallel_loop3A_327 = arith.constant 0 : i32
        %parallel_loop3A_328 = arith.constant 16 : i32
        %parallel_loop3A_329 = arith.addi %parallel_loop3A_327, %parallel_loop3A_328 : i32
        %parallel_loop3A_330 = arith.constant 1 : i32
        %parallel_loop3A_331:8 = scf.for %scan3A_555 = %parallel_loop3A_327 to %parallel_loop3A_329 step %parallel_loop3A_330 iter_args(%scan3A_556 = %parallel_loop3A_312, %scan3A_557 = %parallel_loop3A_314, %scan3A_558 = %parallel_loop3A_316, %scan3A_559 = %parallel_loop3A_318, %scan3A_560 = %parallel_loop3A_320, %scan3A_561 = %parallel_loop3A_322, %scan3A_562 = %parallel_loop3A_324, %scan3A_563 = %parallel_loop3A_326) -> (vector<16xf32>, vector<16xf32>, vector<16xf32>, vector<16xf32>, vector<16xf32>, vector<16xf32>, vector<16xf32>, vector<16xf32>)  : i32 {
          %parallel_loop3A_564 = vector.broadcast %scan3A_555 : i32 to vector<16xi32>
          %parallel_loop3A_565 = arith.addi %iota3A, %parallel_loop3A_564 : vector<16xi32>
          %parallel_loop3A_566 = arith.constant 15 : i32
          %parallel_loop3A_567 = vector.broadcast %parallel_loop3A_566 : i32 to vector<16xi32>
          %parallel_loop3A_568 = arith.andi %parallel_loop3A_565, %parallel_loop3A_567 : vector<16xi32>
          %parallel_loop3A_569 = arith.constant 0 : i32
          %parallel_loop3A_570 = vector.broadcast %parallel_loop3A_569 : i32 to vector<16xi32>
          %parallel_loop3A_571 = arith.addi %parallel_loop3A_570, %parallel_loop3A_568 : vector<16xi32>
          %parallel_loop3A_572 = tpu.vector_load_idx %arg10[%parallel_loop3A_310, %parallel_loop3A_571] : memref<64x256xf32, #tpu.memory_space<vmem>>[vector<16xi32>, vector<16xi32>], vector<16xf32>,
          %parallel_loop3A_573 = tpu.vector_load_idx %arg11[%parallel_loop3A_310, %parallel_loop3A_571] : memref<64x128xf32, #tpu.memory_space<vmem>>[vector<16xi32>, vector<16xi32>], vector<16xf32>,
          %parallel_loop3A_574 = arith.mulf %parallel_loop3A_572, %parallel_loop3A_573 : vector<16xf32>
          %parallel_loop3A_575 = arith.addf %scan3A_556, %parallel_loop3A_574 : vector<16xf32>
          %parallel_loop3A_576 = arith.constant 16 : i32
          %parallel_loop3A_577 = vector.broadcast %parallel_loop3A_576 : i32 to vector<16xi32>
          %parallel_loop3A_578 = arith.addi %parallel_loop3A_577, %parallel_loop3A_568 : vector<16xi32>
          %parallel_loop3A_579 = tpu.vector_load_idx %arg10[%parallel_loop3A_310, %parallel_loop3A_578] : memref<64x256xf32, #tpu.memory_space<vmem>>[vector<16xi32>, vector<16xi32>], vector<16xf32>,
          %parallel_loop3A_580 = tpu.vector_load_idx %arg11[%parallel_loop3A_310, %parallel_loop3A_578] : memref<64x128xf32, #tpu.memory_space<vmem>>[vector<16xi32>, vector<16xi32>], vector<16xf32>,
          %parallel_loop3A_581 = arith.mulf %parallel_loop3A_579, %parallel_loop3A_580 : vector<16xf32>
          %parallel_loop3A_582 = arith.addf %scan3A_557, %parallel_loop3A_581 : vector<16xf32>
          %parallel_loop3A_583 = arith.constant 32 : i32
          %parallel_loop3A_584 = vector.broadcast %parallel_loop3A_583 : i32 to vector<16xi32>
          %parallel_loop3A_585 = arith.addi %parallel_loop3A_584, %parallel_loop3A_568 : vector<16xi32>
          %parallel_loop3A_586 = tpu.vector_load_idx %arg10[%parallel_loop3A_310, %parallel_loop3A_585] : memref<64x256xf32, #tpu.memory_space<vmem>>[vector<16xi32>, vector<16xi32>], vector<16xf32>,
          %parallel_loop3A_587 = tpu.vector_load_idx %arg11[%parallel_loop3A_310, %parallel_loop3A_585] : memref<64x128xf32, #tpu.memory_space<vmem>>[vector<16xi32>, vector<16xi32>], vector<16xf32>,
          %parallel_loop3A_588 = arith.mulf %parallel_loop3A_586, %parallel_loop3A_587 : vector<16xf32>
          %parallel_loop3A_589 = arith.addf %scan3A_558, %parallel_loop3A_588 : vector<16xf32>
          %parallel_loop3A_590 = arith.constant 48 : i32
          %parallel_loop3A_591 = vector.broadcast %parallel_loop3A_590 : i32 to vector<16xi32>
          %parallel_loop3A_592 = arith.addi %parallel_loop3A_591, %parallel_loop3A_568 : vector<16xi32>
          %parallel_loop3A_593 = tpu.vector_load_idx %arg10[%parallel_loop3A_310, %parallel_loop3A_592] : memref<64x256xf32, #tpu.memory_space<vmem>>[vector<16xi32>, vector<16xi32>], vector<16xf32>,
          %parallel_loop3A_594 = tpu.vector_load_idx %arg11[%parallel_loop3A_310, %parallel_loop3A_592] : memref<64x128xf32, #tpu.memory_space<vmem>>[vector<16xi32>, vector<16xi32>], vector<16xf32>,
          %parallel_loop3A_595 = arith.mulf %parallel_loop3A_593, %parallel_loop3A_594 : vector<16xf32>
          %parallel_loop3A_596 = arith.addf %scan3A_559, %parallel_loop3A_595 : vector<16xf32>
          %parallel_loop3A_597 = arith.constant 64 : i32
          %parallel_loop3A_598 = vector.broadcast %parallel_loop3A_597 : i32 to vector<16xi32>
          %parallel_loop3A_599 = arith.addi %parallel_loop3A_598, %parallel_loop3A_568 : vector<16xi32>
          %parallel_loop3A_600 = tpu.vector_load_idx %arg10[%parallel_loop3A_310, %parallel_loop3A_599] : memref<64x256xf32, #tpu.memory_space<vmem>>[vector<16xi32>, vector<16xi32>], vector<16xf32>,
          %parallel_loop3A_601 = tpu.vector_load_idx %arg11[%parallel_loop3A_310, %parallel_loop3A_599] : memref<64x128xf32, #tpu.memory_space<vmem>>[vector<16xi32>, vector<16xi32>], vector<16xf32>,
          %parallel_loop3A_602 = arith.mulf %parallel_loop3A_600, %parallel_loop3A_601 : vector<16xf32>
          %parallel_loop3A_603 = arith.addf %scan3A_560, %parallel_loop3A_602 : vector<16xf32>
          %parallel_loop3A_604 = arith.constant 80 : i32
          %parallel_loop3A_605 = vector.broadcast %parallel_loop3A_604 : i32 to vector<16xi32>
          %parallel_loop3A_606 = arith.addi %parallel_loop3A_605, %parallel_loop3A_568 : vector<16xi32>
          %parallel_loop3A_607 = tpu.vector_load_idx %arg10[%parallel_loop3A_310, %parallel_loop3A_606] : memref<64x256xf32, #tpu.memory_space<vmem>>[vector<16xi32>, vector<16xi32>], vector<16xf32>,
          %parallel_loop3A_608 = tpu.vector_load_idx %arg11[%parallel_loop3A_310, %parallel_loop3A_606] : memref<64x128xf32, #tpu.memory_space<vmem>>[vector<16xi32>, vector<16xi32>], vector<16xf32>,
          %parallel_loop3A_609 = arith.mulf %parallel_loop3A_607, %parallel_loop3A_608 : vector<16xf32>
          %parallel_loop3A_610 = arith.addf %scan3A_561, %parallel_loop3A_609 : vector<16xf32>
          %parallel_loop3A_611 = arith.constant 96 : i32
          %parallel_loop3A_612 = vector.broadcast %parallel_loop3A_611 : i32 to vector<16xi32>
          %parallel_loop3A_613 = arith.addi %parallel_loop3A_612, %parallel_loop3A_568 : vector<16xi32>
          %parallel_loop3A_614 = tpu.vector_load_idx %arg10[%parallel_loop3A_310, %parallel_loop3A_613] : memref<64x256xf32, #tpu.memory_space<vmem>>[vector<16xi32>, vector<16xi32>], vector<16xf32>,
          %parallel_loop3A_615 = tpu.vector_load_idx %arg11[%parallel_loop3A_310, %parallel_loop3A_613] : memref<64x128xf32, #tpu.memory_space<vmem>>[vector<16xi32>, vector<16xi32>], vector<16xf32>,
          %parallel_loop3A_616 = arith.mulf %parallel_loop3A_614, %parallel_loop3A_615 : vector<16xf32>
          %parallel_loop3A_617 = arith.addf %scan3A_562, %parallel_loop3A_616 : vector<16xf32>
          %parallel_loop3A_618 = arith.constant 112 : i32
          %parallel_loop3A_619 = vector.broadcast %parallel_loop3A_618 : i32 to vector<16xi32>
          %parallel_loop3A_620 = arith.addi %parallel_loop3A_619, %parallel_loop3A_568 : vector<16xi32>
          %parallel_loop3A_621 = tpu.vector_load_idx %arg10[%parallel_loop3A_310, %parallel_loop3A_620] : memref<64x256xf32, #tpu.memory_space<vmem>>[vector<16xi32>, vector<16xi32>], vector<16xf32>,
          %parallel_loop3A_622 = tpu.vector_load_idx %arg11[%parallel_loop3A_310, %parallel_loop3A_620] : memref<64x128xf32, #tpu.memory_space<vmem>>[vector<16xi32>, vector<16xi32>], vector<16xf32>,
          %parallel_loop3A_623 = arith.mulf %parallel_loop3A_621, %parallel_loop3A_622 : vector<16xf32>
          %parallel_loop3A_624 = arith.addf %scan3A_563, %parallel_loop3A_623 : vector<16xf32>
          scf.yield %parallel_loop3A_575, %parallel_loop3A_582, %parallel_loop3A_589, %parallel_loop3A_596, %parallel_loop3A_603, %parallel_loop3A_610, %parallel_loop3A_617, %parallel_loop3A_624 : vector<16xf32>, vector<16xf32>, vector<16xf32>, vector<16xf32>, vector<16xf32>, vector<16xf32>, vector<16xf32>, vector<16xf32>
        }
        %parallel_loop3A_332 = arith.constant 16 : i32
        %parallel_loop3A_333 = arith.constant 2.500000e-01 : f32
        %parallel_loop3A_334 = vector.broadcast %parallel_loop3A_333 : f32 to vector<16xf32>
        %parallel_loop3A_335 = arith.mulf %parallel_loop3A_331#0, %parallel_loop3A_334 : vector<16xf32>
        %parallel_loop3A_336 = arith.constant 8 : i32
        %parallel_loop3A_337 = vector.broadcast %parallel_loop3A_336 : i32 to vector<16xi32>
        %parallel_loop3A_338 = arith.constant 0 : i32
        %parallel_loop3A_339 = arith.constant 0 : i32
        %parallel_loop3A_340 = arith.constant 0 : i32
        %parallel_loop3A_341 = tpu.memref_slice %arg9[%parallel_loop3A_338, %parallel_loop3A_339, %parallel_loop3A_340] : memref<2x64x17xf32, #tpu.memory_space<vmem>> -> memref<1x64x17xf32, #tpu.memory_space<vmem>>
        %parallel_loop3A_342 = tpu.memref_squeeze %parallel_loop3A_341 : memref<1x64x17xf32, #tpu.memory_space<vmem>> -> memref<64x17xf32, #tpu.memory_space<vmem>>
        %parallel_loop3A_343 = tpu.vector_load_idx %parallel_loop3A_342[%parallel_loop3A_310, %parallel_loop3A_337] : memref<64x17xf32, #tpu.memory_space<vmem>>[vector<16xi32>, vector<16xi32>], vector<16xf32>,
        %parallel_loop3A_344 = arith.addf %parallel_loop3A_335, %parallel_loop3A_343 : vector<16xf32>
        %parallel_loop3A_345 = arith.constant 0.000000e+00 : f32
        %parallel_loop3A_346 = vector.broadcast %parallel_loop3A_345 : f32 to vector<16xf32>
        %parallel_loop3A_347 = arith.cmpf ogt, %parallel_loop3A_344, %parallel_loop3A_346 : vector<16xf32>
        %parallel_loop3A_348 = arith.constant 2.000000e-01 : f32
        %parallel_loop3A_349 = vector.broadcast %parallel_loop3A_348 : f32 to vector<16xf32>
        %parallel_loop3A_350 = arith.mulf %parallel_loop3A_344, %parallel_loop3A_349 : vector<16xf32>
        %parallel_loop3A_351 = arith.select %parallel_loop3A_347, %parallel_loop3A_344, %parallel_loop3A_350 : vector<16xi1>, vector<16xf32>
        %parallel_loop3A_352 = math.exp %parallel_loop3A_351 : vector<16xf32>
        %parallel_loop3A_353 = vector.broadcast %select_n3A_188 : i32 to vector<16xi32>
        %parallel_loop3A_354 = arith.cmpi sge, %parallel_loop3A_310, %parallel_loop3A_353 : vector<16xi32>
        %parallel_loop3A_355 = arith.constant 0.000000e+00 : f32
        %parallel_loop3A_356 = vector.broadcast %parallel_loop3A_355 : f32 to vector<16xf32>
        %parallel_loop3A_357 = arith.select %parallel_loop3A_354, %parallel_loop3A_352, %parallel_loop3A_356 : vector<16xi1>, vector<16xf32>
        %parallel_loop3A_358 = arith.constant 128 : i32
        %parallel_loop3A_359 = vector.broadcast %parallel_loop3A_358 : i32 to vector<16xi32>
        tpu.vector_store_idx %arg12[%parallel_loop3A_310, %parallel_loop3A_359], %parallel_loop3A_357 : memref<64x144xf32, #tpu.memory_space<vmem>>[vector<16xi32>, vector<16xi32>], vector<16xf32>,
        %parallel_loop3A_360 = arith.constant 2.500000e-01 : f32
        %parallel_loop3A_361 = vector.broadcast %parallel_loop3A_360 : f32 to vector<16xf32>
        %parallel_loop3A_362 = arith.mulf %parallel_loop3A_331#1, %parallel_loop3A_361 : vector<16xf32>
        %parallel_loop3A_363 = arith.constant 9 : i32
        %parallel_loop3A_364 = vector.broadcast %parallel_loop3A_363 : i32 to vector<16xi32>
        %parallel_loop3A_365 = arith.constant 0 : i32
        %parallel_loop3A_366 = arith.constant 0 : i32
        %parallel_loop3A_367 = arith.constant 0 : i32
        %parallel_loop3A_368 = tpu.memref_slice %arg9[%parallel_loop3A_365, %parallel_loop3A_366, %parallel_loop3A_367] : memref<2x64x17xf32, #tpu.memory_space<vmem>> -> memref<1x64x17xf32, #tpu.memory_space<vmem>>
        %parallel_loop3A_369 = tpu.memref_squeeze %parallel_loop3A_368 : memref<1x64x17xf32, #tpu.memory_space<vmem>> -> memref<64x17xf32, #tpu.memory_space<vmem>>
        %parallel_loop3A_370 = tpu.vector_load_idx %parallel_loop3A_369[%parallel_loop3A_310, %parallel_loop3A_364] : memref<64x17xf32, #tpu.memory_space<vmem>>[vector<16xi32>, vector<16xi32>], vector<16xf32>,
        %parallel_loop3A_371 = arith.addf %parallel_loop3A_362, %parallel_loop3A_370 : vector<16xf32>
        %parallel_loop3A_372 = arith.constant 0.000000e+00 : f32
        %parallel_loop3A_373 = vector.broadcast %parallel_loop3A_372 : f32 to vector<16xf32>
        %parallel_loop3A_374 = arith.cmpf ogt, %parallel_loop3A_371, %parallel_loop3A_373 : vector<16xf32>
        %parallel_loop3A_375 = arith.constant 2.000000e-01 : f32
        %parallel_loop3A_376 = vector.broadcast %parallel_loop3A_375 : f32 to vector<16xf32>
        %parallel_loop3A_377 = arith.mulf %parallel_loop3A_371, %parallel_loop3A_376 : vector<16xf32>
        %parallel_loop3A_378 = arith.select %parallel_loop3A_374, %parallel_loop3A_371, %parallel_loop3A_377 : vector<16xi1>, vector<16xf32>
        %parallel_loop3A_379 = math.exp %parallel_loop3A_378 : vector<16xf32>
        %parallel_loop3A_380 = vector.broadcast %select_n3A_188 : i32 to vector<16xi32>
        %parallel_loop3A_381 = arith.cmpi sge, %parallel_loop3A_310, %parallel_loop3A_380 : vector<16xi32>
        %parallel_loop3A_382 = arith.constant 0.000000e+00 : f32
        %parallel_loop3A_383 = vector.broadcast %parallel_loop3A_382 : f32 to vector<16xf32>
        %parallel_loop3A_384 = arith.select %parallel_loop3A_381, %parallel_loop3A_379, %parallel_loop3A_383 : vector<16xi1>, vector<16xf32>
        %parallel_loop3A_385 = arith.constant 129 : i32
        %parallel_loop3A_386 = vector.broadcast %parallel_loop3A_385 : i32 to vector<16xi32>
        tpu.vector_store_idx %arg12[%parallel_loop3A_310, %parallel_loop3A_386], %parallel_loop3A_384 : memref<64x144xf32, #tpu.memory_space<vmem>>[vector<16xi32>, vector<16xi32>], vector<16xf32>,
        %parallel_loop3A_387 = arith.constant 2.500000e-01 : f32
        %parallel_loop3A_388 = vector.broadcast %parallel_loop3A_387 : f32 to vector<16xf32>
        %parallel_loop3A_389 = arith.mulf %parallel_loop3A_331#2, %parallel_loop3A_388 : vector<16xf32>
        %parallel_loop3A_390 = arith.constant 10 : i32
        %parallel_loop3A_391 = vector.broadcast %parallel_loop3A_390 : i32 to vector<16xi32>
        %parallel_loop3A_392 = arith.constant 0 : i32
        %parallel_loop3A_393 = arith.constant 0 : i32
        %parallel_loop3A_394 = arith.constant 0 : i32
        %parallel_loop3A_395 = tpu.memref_slice %arg9[%parallel_loop3A_392, %parallel_loop3A_393, %parallel_loop3A_394] : memref<2x64x17xf32, #tpu.memory_space<vmem>> -> memref<1x64x17xf32, #tpu.memory_space<vmem>>
        %parallel_loop3A_396 = tpu.memref_squeeze %parallel_loop3A_395 : memref<1x64x17xf32, #tpu.memory_space<vmem>> -> memref<64x17xf32, #tpu.memory_space<vmem>>
        %parallel_loop3A_397 = tpu.vector_load_idx %parallel_loop3A_396[%parallel_loop3A_310, %parallel_loop3A_391] : memref<64x17xf32, #tpu.memory_space<vmem>>[vector<16xi32>, vector<16xi32>], vector<16xf32>,
        %parallel_loop3A_398 = arith.addf %parallel_loop3A_389, %parallel_loop3A_397 : vector<16xf32>
        %parallel_loop3A_399 = arith.constant 0.000000e+00 : f32
        %parallel_loop3A_400 = vector.broadcast %parallel_loop3A_399 : f32 to vector<16xf32>
        %parallel_loop3A_401 = arith.cmpf ogt, %parallel_loop3A_398, %parallel_loop3A_400 : vector<16xf32>
        %parallel_loop3A_402 = arith.constant 2.000000e-01 : f32
        %parallel_loop3A_403 = vector.broadcast %parallel_loop3A_402 : f32 to vector<16xf32>
        %parallel_loop3A_404 = arith.mulf %parallel_loop3A_398, %parallel_loop3A_403 : vector<16xf32>
        %parallel_loop3A_405 = arith.select %parallel_loop3A_401, %parallel_loop3A_398, %parallel_loop3A_404 : vector<16xi1>, vector<16xf32>
        %parallel_loop3A_406 = math.exp %parallel_loop3A_405 : vector<16xf32>
        %parallel_loop3A_407 = vector.broadcast %select_n3A_188 : i32 to vector<16xi32>
        %parallel_loop3A_408 = arith.cmpi sge, %parallel_loop3A_310, %parallel_loop3A_407 : vector<16xi32>
        %parallel_loop3A_409 = arith.constant 0.000000e+00 : f32
        %parallel_loop3A_410 = vector.broadcast %parallel_loop3A_409 : f32 to vector<16xf32>
        %parallel_loop3A_411 = arith.select %parallel_loop3A_408, %parallel_loop3A_406, %parallel_loop3A_410 : vector<16xi1>, vector<16xf32>
        %parallel_loop3A_412 = arith.constant 130 : i32
        %parallel_loop3A_413 = vector.broadcast %parallel_loop3A_412 : i32 to vector<16xi32>
        tpu.vector_store_idx %arg12[%parallel_loop3A_310, %parallel_loop3A_413], %parallel_loop3A_411 : memref<64x144xf32, #tpu.memory_space<vmem>>[vector<16xi32>, vector<16xi32>], vector<16xf32>,
        %parallel_loop3A_414 = arith.constant 2.500000e-01 : f32
        %parallel_loop3A_415 = vector.broadcast %parallel_loop3A_414 : f32 to vector<16xf32>
        %parallel_loop3A_416 = arith.mulf %parallel_loop3A_331#3, %parallel_loop3A_415 : vector<16xf32>
        %parallel_loop3A_417 = arith.constant 11 : i32
        %parallel_loop3A_418 = vector.broadcast %parallel_loop3A_417 : i32 to vector<16xi32>
        %parallel_loop3A_419 = arith.constant 0 : i32
        %parallel_loop3A_420 = arith.constant 0 : i32
        %parallel_loop3A_421 = arith.constant 0 : i32
        %parallel_loop3A_422 = tpu.memref_slice %arg9[%parallel_loop3A_419, %parallel_loop3A_420, %parallel_loop3A_421] : memref<2x64x17xf32, #tpu.memory_space<vmem>> -> memref<1x64x17xf32, #tpu.memory_space<vmem>>
        %parallel_loop3A_423 = tpu.memref_squeeze %parallel_loop3A_422 : memref<1x64x17xf32, #tpu.memory_space<vmem>> -> memref<64x17xf32, #tpu.memory_space<vmem>>
        %parallel_loop3A_424 = tpu.vector_load_idx %parallel_loop3A_423[%parallel_loop3A_310, %parallel_loop3A_418] : memref<64x17xf32, #tpu.memory_space<vmem>>[vector<16xi32>, vector<16xi32>], vector<16xf32>,
        %parallel_loop3A_425 = arith.addf %parallel_loop3A_416, %parallel_loop3A_424 : vector<16xf32>
        %parallel_loop3A_426 = arith.constant 0.000000e+00 : f32
        %parallel_loop3A_427 = vector.broadcast %parallel_loop3A_426 : f32 to vector<16xf32>
        %parallel_loop3A_428 = arith.cmpf ogt, %parallel_loop3A_425, %parallel_loop3A_427 : vector<16xf32>
        %parallel_loop3A_429 = arith.constant 2.000000e-01 : f32
        %parallel_loop3A_430 = vector.broadcast %parallel_loop3A_429 : f32 to vector<16xf32>
        %parallel_loop3A_431 = arith.mulf %parallel_loop3A_425, %parallel_loop3A_430 : vector<16xf32>
        %parallel_loop3A_432 = arith.select %parallel_loop3A_428, %parallel_loop3A_425, %parallel_loop3A_431 : vector<16xi1>, vector<16xf32>
        %parallel_loop3A_433 = math.exp %parallel_loop3A_432 : vector<16xf32>
        %parallel_loop3A_434 = vector.broadcast %select_n3A_188 : i32 to vector<16xi32>
        %parallel_loop3A_435 = arith.cmpi sge, %parallel_loop3A_310, %parallel_loop3A_434 : vector<16xi32>
        %parallel_loop3A_436 = arith.constant 0.000000e+00 : f32
        %parallel_loop3A_437 = vector.broadcast %parallel_loop3A_436 : f32 to vector<16xf32>
        %parallel_loop3A_438 = arith.select %parallel_loop3A_435, %parallel_loop3A_433, %parallel_loop3A_437 : vector<16xi1>, vector<16xf32>
        %parallel_loop3A_439 = arith.constant 131 : i32
        %parallel_loop3A_440 = vector.broadcast %parallel_loop3A_439 : i32 to vector<16xi32>
        tpu.vector_store_idx %arg12[%parallel_loop3A_310, %parallel_loop3A_440], %parallel_loop3A_438 : memref<64x144xf32, #tpu.memory_space<vmem>>[vector<16xi32>, vector<16xi32>], vector<16xf32>,
        %parallel_loop3A_441 = arith.constant 2.500000e-01 : f32
        %parallel_loop3A_442 = vector.broadcast %parallel_loop3A_441 : f32 to vector<16xf32>
        %parallel_loop3A_443 = arith.mulf %parallel_loop3A_331#4, %parallel_loop3A_442 : vector<16xf32>
        %parallel_loop3A_444 = arith.constant 12 : i32
        %parallel_loop3A_445 = vector.broadcast %parallel_loop3A_444 : i32 to vector<16xi32>
        %parallel_loop3A_446 = arith.constant 0 : i32
        %parallel_loop3A_447 = arith.constant 0 : i32
        %parallel_loop3A_448 = arith.constant 0 : i32
        %parallel_loop3A_449 = tpu.memref_slice %arg9[%parallel_loop3A_446, %parallel_loop3A_447, %parallel_loop3A_448] : memref<2x64x17xf32, #tpu.memory_space<vmem>> -> memref<1x64x17xf32, #tpu.memory_space<vmem>>
        %parallel_loop3A_450 = tpu.memref_squeeze %parallel_loop3A_449 : memref<1x64x17xf32, #tpu.memory_space<vmem>> -> memref<64x17xf32, #tpu.memory_space<vmem>>
        %parallel_loop3A_451 = tpu.vector_load_idx %parallel_loop3A_450[%parallel_loop3A_310, %parallel_loop3A_445] : memref<64x17xf32, #tpu.memory_space<vmem>>[vector<16xi32>, vector<16xi32>], vector<16xf32>,
        %parallel_loop3A_452 = arith.addf %parallel_loop3A_443, %parallel_loop3A_451 : vector<16xf32>
        %parallel_loop3A_453 = arith.constant 0.000000e+00 : f32
        %parallel_loop3A_454 = vector.broadcast %parallel_loop3A_453 : f32 to vector<16xf32>
        %parallel_loop3A_455 = arith.cmpf ogt, %parallel_loop3A_452, %parallel_loop3A_454 : vector<16xf32>
        %parallel_loop3A_456 = arith.constant 2.000000e-01 : f32
        %parallel_loop3A_457 = vector.broadcast %parallel_loop3A_456 : f32 to vector<16xf32>
        %parallel_loop3A_458 = arith.mulf %parallel_loop3A_452, %parallel_loop3A_457 : vector<16xf32>
        %parallel_loop3A_459 = arith.select %parallel_loop3A_455, %parallel_loop3A_452, %parallel_loop3A_458 : vector<16xi1>, vector<16xf32>
        %parallel_loop3A_460 = math.exp %parallel_loop3A_459 : vector<16xf32>
        %parallel_loop3A_461 = vector.broadcast %select_n3A_188 : i32 to vector<16xi32>
        %parallel_loop3A_462 = arith.cmpi sge, %parallel_loop3A_310, %parallel_loop3A_461 : vector<16xi32>
        %parallel_loop3A_463 = arith.constant 0.000000e+00 : f32
        %parallel_loop3A_464 = vector.broadcast %parallel_loop3A_463 : f32 to vector<16xf32>
        %parallel_loop3A_465 = arith.select %parallel_loop3A_462, %parallel_loop3A_460, %parallel_loop3A_464 : vector<16xi1>, vector<16xf32>
        %parallel_loop3A_466 = arith.constant 132 : i32
        %parallel_loop3A_467 = vector.broadcast %parallel_loop3A_466 : i32 to vector<16xi32>
        tpu.vector_store_idx %arg12[%parallel_loop3A_310, %parallel_loop3A_467], %parallel_loop3A_465 : memref<64x144xf32, #tpu.memory_space<vmem>>[vector<16xi32>, vector<16xi32>], vector<16xf32>,
        %parallel_loop3A_468 = arith.constant 2.500000e-01 : f32
        %parallel_loop3A_469 = vector.broadcast %parallel_loop3A_468 : f32 to vector<16xf32>
        %parallel_loop3A_470 = arith.mulf %parallel_loop3A_331#5, %parallel_loop3A_469 : vector<16xf32>
        %parallel_loop3A_471 = arith.constant 13 : i32
        %parallel_loop3A_472 = vector.broadcast %parallel_loop3A_471 : i32 to vector<16xi32>
        %parallel_loop3A_473 = arith.constant 0 : i32
        %parallel_loop3A_474 = arith.constant 0 : i32
        %parallel_loop3A_475 = arith.constant 0 : i32
        %parallel_loop3A_476 = tpu.memref_slice %arg9[%parallel_loop3A_473, %parallel_loop3A_474, %parallel_loop3A_475] : memref<2x64x17xf32, #tpu.memory_space<vmem>> -> memref<1x64x17xf32, #tpu.memory_space<vmem>>
        %parallel_loop3A_477 = tpu.memref_squeeze %parallel_loop3A_476 : memref<1x64x17xf32, #tpu.memory_space<vmem>> -> memref<64x17xf32, #tpu.memory_space<vmem>>
        %parallel_loop3A_478 = tpu.vector_load_idx %parallel_loop3A_477[%parallel_loop3A_310, %parallel_loop3A_472] : memref<64x17xf32, #tpu.memory_space<vmem>>[vector<16xi32>, vector<16xi32>], vector<16xf32>,
        %parallel_loop3A_479 = arith.addf %parallel_loop3A_470, %parallel_loop3A_478 : vector<16xf32>
        %parallel_loop3A_480 = arith.constant 0.000000e+00 : f32
        %parallel_loop3A_481 = vector.broadcast %parallel_loop3A_480 : f32 to vector<16xf32>
        %parallel_loop3A_482 = arith.cmpf ogt, %parallel_loop3A_479, %parallel_loop3A_481 : vector<16xf32>
        %parallel_loop3A_483 = arith.constant 2.000000e-01 : f32
        %parallel_loop3A_484 = vector.broadcast %parallel_loop3A_483 : f32 to vector<16xf32>
        %parallel_loop3A_485 = arith.mulf %parallel_loop3A_479, %parallel_loop3A_484 : vector<16xf32>
        %parallel_loop3A_486 = arith.select %parallel_loop3A_482, %parallel_loop3A_479, %parallel_loop3A_485 : vector<16xi1>, vector<16xf32>
        %parallel_loop3A_487 = math.exp %parallel_loop3A_486 : vector<16xf32>
        %parallel_loop3A_488 = vector.broadcast %select_n3A_188 : i32 to vector<16xi32>
        %parallel_loop3A_489 = arith.cmpi sge, %parallel_loop3A_310, %parallel_loop3A_488 : vector<16xi32>
        %parallel_loop3A_490 = arith.constant 0.000000e+00 : f32
        %parallel_loop3A_491 = vector.broadcast %parallel_loop3A_490 : f32 to vector<16xf32>
        %parallel_loop3A_492 = arith.select %parallel_loop3A_489, %parallel_loop3A_487, %parallel_loop3A_491 : vector<16xi1>, vector<16xf32>
        %parallel_loop3A_493 = arith.constant 133 : i32
        %parallel_loop3A_494 = vector.broadcast %parallel_loop3A_493 : i32 to vector<16xi32>
        tpu.vector_store_idx %arg12[%parallel_loop3A_310, %parallel_loop3A_494], %parallel_loop3A_492 : memref<64x144xf32, #tpu.memory_space<vmem>>[vector<16xi32>, vector<16xi32>], vector<16xf32>,
        %parallel_loop3A_495 = arith.constant 2.500000e-01 : f32
        %parallel_loop3A_496 = vector.broadcast %parallel_loop3A_495 : f32 to vector<16xf32>
        %parallel_loop3A_497 = arith.mulf %parallel_loop3A_331#6, %parallel_loop3A_496 : vector<16xf32>
        %parallel_loop3A_498 = arith.constant 14 : i32
        %parallel_loop3A_499 = vector.broadcast %parallel_loop3A_498 : i32 to vector<16xi32>
        %parallel_loop3A_500 = arith.constant 0 : i32
        %parallel_loop3A_501 = arith.constant 0 : i32
        %parallel_loop3A_502 = arith.constant 0 : i32
        %parallel_loop3A_503 = tpu.memref_slice %arg9[%parallel_loop3A_500, %parallel_loop3A_501, %parallel_loop3A_502] : memref<2x64x17xf32, #tpu.memory_space<vmem>> -> memref<1x64x17xf32, #tpu.memory_space<vmem>>
        %parallel_loop3A_504 = tpu.memref_squeeze %parallel_loop3A_503 : memref<1x64x17xf32, #tpu.memory_space<vmem>> -> memref<64x17xf32, #tpu.memory_space<vmem>>
        %parallel_loop3A_505 = tpu.vector_load_idx %parallel_loop3A_504[%parallel_loop3A_310, %parallel_loop3A_499] : memref<64x17xf32, #tpu.memory_space<vmem>>[vector<16xi32>, vector<16xi32>], vector<16xf32>,
        %parallel_loop3A_506 = arith.addf %parallel_loop3A_497, %parallel_loop3A_505 : vector<16xf32>
        %parallel_loop3A_507 = arith.constant 0.000000e+00 : f32
        %parallel_loop3A_508 = vector.broadcast %parallel_loop3A_507 : f32 to vector<16xf32>
        %parallel_loop3A_509 = arith.cmpf ogt, %parallel_loop3A_506, %parallel_loop3A_508 : vector<16xf32>
        %parallel_loop3A_510 = arith.constant 2.000000e-01 : f32
        %parallel_loop3A_511 = vector.broadcast %parallel_loop3A_510 : f32 to vector<16xf32>
        %parallel_loop3A_512 = arith.mulf %parallel_loop3A_506, %parallel_loop3A_511 : vector<16xf32>
        %parallel_loop3A_513 = arith.select %parallel_loop3A_509, %parallel_loop3A_506, %parallel_loop3A_512 : vector<16xi1>, vector<16xf32>
        %parallel_loop3A_514 = math.exp %parallel_loop3A_513 : vector<16xf32>
        %parallel_loop3A_515 = vector.broadcast %select_n3A_188 : i32 to vector<16xi32>
        %parallel_loop3A_516 = arith.cmpi sge, %parallel_loop3A_310, %parallel_loop3A_515 : vector<16xi32>
        %parallel_loop3A_517 = arith.constant 0.000000e+00 : f32
        %parallel_loop3A_518 = vector.broadcast %parallel_loop3A_517 : f32 to vector<16xf32>
        %parallel_loop3A_519 = arith.select %parallel_loop3A_516, %parallel_loop3A_514, %parallel_loop3A_518 : vector<16xi1>, vector<16xf32>
        %parallel_loop3A_520 = arith.constant 134 : i32
        %parallel_loop3A_521 = vector.broadcast %parallel_loop3A_520 : i32 to vector<16xi32>
        tpu.vector_store_idx %arg12[%parallel_loop3A_310, %parallel_loop3A_521], %parallel_loop3A_519 : memref<64x144xf32, #tpu.memory_space<vmem>>[vector<16xi32>, vector<16xi32>], vector<16xf32>,
        %parallel_loop3A_522 = arith.constant 2.500000e-01 : f32
        %parallel_loop3A_523 = vector.broadcast %parallel_loop3A_522 : f32 to vector<16xf32>
        %parallel_loop3A_524 = arith.mulf %parallel_loop3A_331#7, %parallel_loop3A_523 : vector<16xf32>
        %parallel_loop3A_525 = arith.constant 15 : i32
        %parallel_loop3A_526 = vector.broadcast %parallel_loop3A_525 : i32 to vector<16xi32>
        %parallel_loop3A_527 = arith.constant 0 : i32
        %parallel_loop3A_528 = arith.constant 0 : i32
        %parallel_loop3A_529 = arith.constant 0 : i32
        %parallel_loop3A_530 = tpu.memref_slice %arg9[%parallel_loop3A_527, %parallel_loop3A_528, %parallel_loop3A_529] : memref<2x64x17xf32, #tpu.memory_space<vmem>> -> memref<1x64x17xf32, #tpu.memory_space<vmem>>
        %parallel_loop3A_531 = tpu.memref_squeeze %parallel_loop3A_530 : memref<1x64x17xf32, #tpu.memory_space<vmem>> -> memref<64x17xf32, #tpu.memory_space<vmem>>
        %parallel_loop3A_532 = tpu.vector_load_idx %parallel_loop3A_531[%parallel_loop3A_310, %parallel_loop3A_526] : memref<64x17xf32, #tpu.memory_space<vmem>>[vector<16xi32>, vector<16xi32>], vector<16xf32>,
        %parallel_loop3A_533 = arith.addf %parallel_loop3A_524, %parallel_loop3A_532 : vector<16xf32>
        %parallel_loop3A_534 = arith.constant 0.000000e+00 : f32
        %parallel_loop3A_535 = vector.broadcast %parallel_loop3A_534 : f32 to vector<16xf32>
        %parallel_loop3A_536 = arith.cmpf ogt, %parallel_loop3A_533, %parallel_loop3A_535 : vector<16xf32>
        %parallel_loop3A_537 = arith.constant 2.000000e-01 : f32
        %parallel_loop3A_538 = vector.broadcast %parallel_loop3A_537 : f32 to vector<16xf32>
        %parallel_loop3A_539 = arith.mulf %parallel_loop3A_533, %parallel_loop3A_538 : vector<16xf32>
        %parallel_loop3A_540 = arith.select %parallel_loop3A_536, %parallel_loop3A_533, %parallel_loop3A_539 : vector<16xi1>, vector<16xf32>
        %parallel_loop3A_541 = math.exp %parallel_loop3A_540 : vector<16xf32>
        %parallel_loop3A_542 = vector.broadcast %select_n3A_188 : i32 to vector<16xi32>
        %parallel_loop3A_543 = arith.cmpi sge, %parallel_loop3A_310, %parallel_loop3A_542 : vector<16xi32>
        %parallel_loop3A_544 = arith.constant 0.000000e+00 : f32
        %parallel_loop3A_545 = vector.broadcast %parallel_loop3A_544 : f32 to vector<16xf32>
        %parallel_loop3A_546 = arith.select %parallel_loop3A_543, %parallel_loop3A_541, %parallel_loop3A_545 : vector<16xi1>, vector<16xf32>
        %parallel_loop3A_547 = arith.constant 135 : i32
        %parallel_loop3A_548 = vector.broadcast %parallel_loop3A_547 : i32 to vector<16xi32>
        tpu.vector_store_idx %arg12[%parallel_loop3A_310, %parallel_loop3A_548], %parallel_loop3A_546 : memref<64x144xf32, #tpu.memory_space<vmem>>[vector<16xi32>, vector<16xi32>], vector<16xf32>,
        %parallel_loop3A_549 = arith.constant 0 : i32
        %parallel_loop3A_550 = arith.constant 0 : i32
        %parallel_loop3A_551 = arith.constant 16 : i32
        %parallel_loop3A_552 = arith.addi %parallel_loop3A_550, %parallel_loop3A_551 : i32
        %parallel_loop3A_553 = arith.constant 1 : i32
        scf.for %scan3A_555 = %parallel_loop3A_550 to %parallel_loop3A_552 step %parallel_loop3A_553  : i32 {
          %parallel_loop3A_556 = vector.broadcast %scan3A_555 : i32 to vector<16xi32>
          %parallel_loop3A_557 = arith.addi %iota3A, %parallel_loop3A_556 : vector<16xi32>
          %parallel_loop3A_558 = arith.constant 15 : i32
          %parallel_loop3A_559 = vector.broadcast %parallel_loop3A_558 : i32 to vector<16xi32>
          %parallel_loop3A_560 = arith.andi %parallel_loop3A_557, %parallel_loop3A_559 : vector<16xi32>
          %parallel_loop3A_561 = arith.constant 0 : i32
          %parallel_loop3A_562 = vector.broadcast %parallel_loop3A_561 : i32 to vector<16xi32>
          %parallel_loop3A_563 = arith.addi %parallel_loop3A_562, %parallel_loop3A_560 : vector<16xi32>
          %parallel_loop3A_564 = arith.constant 128 : i32
          %parallel_loop3A_565 = vector.broadcast %parallel_loop3A_564 : i32 to vector<16xi32>
          %parallel_loop3A_566 = arith.addi %parallel_loop3A_565, %parallel_loop3A_563 : vector<16xi32>
          %parallel_loop3A_567 = tpu.vector_load_idx %arg10[%parallel_loop3A_310, %parallel_loop3A_566] : memref<64x256xf32, #tpu.memory_space<vmem>>[vector<16xi32>, vector<16xi32>], vector<16xf32>,
          %parallel_loop3A_568 = arith.mulf %parallel_loop3A_357, %parallel_loop3A_567 : vector<16xf32>
          tpu.vector_store_idx %arg12[%parallel_loop3A_310, %parallel_loop3A_563], %parallel_loop3A_568 : memref<64x144xf32, #tpu.memory_space<vmem>>[vector<16xi32>, vector<16xi32>], vector<16xf32>,
          %parallel_loop3A_569 = arith.constant 16 : i32
          %parallel_loop3A_570 = vector.broadcast %parallel_loop3A_569 : i32 to vector<16xi32>
          %parallel_loop3A_571 = arith.addi %parallel_loop3A_570, %parallel_loop3A_560 : vector<16xi32>
          %parallel_loop3A_572 = arith.constant 128 : i32
          %parallel_loop3A_573 = vector.broadcast %parallel_loop3A_572 : i32 to vector<16xi32>
          %parallel_loop3A_574 = arith.addi %parallel_loop3A_573, %parallel_loop3A_571 : vector<16xi32>
          %parallel_loop3A_575 = tpu.vector_load_idx %arg10[%parallel_loop3A_310, %parallel_loop3A_574] : memref<64x256xf32, #tpu.memory_space<vmem>>[vector<16xi32>, vector<16xi32>], vector<16xf32>,
          %parallel_loop3A_576 = arith.mulf %parallel_loop3A_384, %parallel_loop3A_575 : vector<16xf32>
          tpu.vector_store_idx %arg12[%parallel_loop3A_310, %parallel_loop3A_571], %parallel_loop3A_576 : memref<64x144xf32, #tpu.memory_space<vmem>>[vector<16xi32>, vector<16xi32>], vector<16xf32>,
          %parallel_loop3A_577 = arith.constant 32 : i32
          %parallel_loop3A_578 = vector.broadcast %parallel_loop3A_577 : i32 to vector<16xi32>
          %parallel_loop3A_579 = arith.addi %parallel_loop3A_578, %parallel_loop3A_560 : vector<16xi32>
          %parallel_loop3A_580 = arith.constant 128 : i32
          %parallel_loop3A_581 = vector.broadcast %parallel_loop3A_580 : i32 to vector<16xi32>
          %parallel_loop3A_582 = arith.addi %parallel_loop3A_581, %parallel_loop3A_579 : vector<16xi32>
          %parallel_loop3A_583 = tpu.vector_load_idx %arg10[%parallel_loop3A_310, %parallel_loop3A_582] : memref<64x256xf32, #tpu.memory_space<vmem>>[vector<16xi32>, vector<16xi32>], vector<16xf32>,
          %parallel_loop3A_584 = arith.mulf %parallel_loop3A_411, %parallel_loop3A_583 : vector<16xf32>
          tpu.vector_store_idx %arg12[%parallel_loop3A_310, %parallel_loop3A_579], %parallel_loop3A_584 : memref<64x144xf32, #tpu.memory_space<vmem>>[vector<16xi32>, vector<16xi32>], vector<16xf32>,
          %parallel_loop3A_585 = arith.constant 48 : i32
          %parallel_loop3A_586 = vector.broadcast %parallel_loop3A_585 : i32 to vector<16xi32>
          %parallel_loop3A_587 = arith.addi %parallel_loop3A_586, %parallel_loop3A_560 : vector<16xi32>
          %parallel_loop3A_588 = arith.constant 128 : i32
          %parallel_loop3A_589 = vector.broadcast %parallel_loop3A_588 : i32 to vector<16xi32>
          %parallel_loop3A_590 = arith.addi %parallel_loop3A_589, %parallel_loop3A_587 : vector<16xi32>
          %parallel_loop3A_591 = tpu.vector_load_idx %arg10[%parallel_loop3A_310, %parallel_loop3A_590] : memref<64x256xf32, #tpu.memory_space<vmem>>[vector<16xi32>, vector<16xi32>], vector<16xf32>,
          %parallel_loop3A_592 = arith.mulf %parallel_loop3A_438, %parallel_loop3A_591 : vector<16xf32>
          tpu.vector_store_idx %arg12[%parallel_loop3A_310, %parallel_loop3A_587], %parallel_loop3A_592 : memref<64x144xf32, #tpu.memory_space<vmem>>[vector<16xi32>, vector<16xi32>], vector<16xf32>,
          %parallel_loop3A_593 = arith.constant 64 : i32
          %parallel_loop3A_594 = vector.broadcast %parallel_loop3A_593 : i32 to vector<16xi32>
          %parallel_loop3A_595 = arith.addi %parallel_loop3A_594, %parallel_loop3A_560 : vector<16xi32>
          %parallel_loop3A_596 = arith.constant 128 : i32
          %parallel_loop3A_597 = vector.broadcast %parallel_loop3A_596 : i32 to vector<16xi32>
          %parallel_loop3A_598 = arith.addi %parallel_loop3A_597, %parallel_loop3A_595 : vector<16xi32>
          %parallel_loop3A_599 = tpu.vector_load_idx %arg10[%parallel_loop3A_310, %parallel_loop3A_598] : memref<64x256xf32, #tpu.memory_space<vmem>>[vector<16xi32>, vector<16xi32>], vector<16xf32>,
          %parallel_loop3A_600 = arith.mulf %parallel_loop3A_465, %parallel_loop3A_599 : vector<16xf32>
          tpu.vector_store_idx %arg12[%parallel_loop3A_310, %parallel_loop3A_595], %parallel_loop3A_600 : memref<64x144xf32, #tpu.memory_space<vmem>>[vector<16xi32>, vector<16xi32>], vector<16xf32>,
          %parallel_loop3A_601 = arith.constant 80 : i32
          %parallel_loop3A_602 = vector.broadcast %parallel_loop3A_601 : i32 to vector<16xi32>
          %parallel_loop3A_603 = arith.addi %parallel_loop3A_602, %parallel_loop3A_560 : vector<16xi32>
          %parallel_loop3A_604 = arith.constant 128 : i32
          %parallel_loop3A_605 = vector.broadcast %parallel_loop3A_604 : i32 to vector<16xi32>
          %parallel_loop3A_606 = arith.addi %parallel_loop3A_605, %parallel_loop3A_603 : vector<16xi32>
          %parallel_loop3A_607 = tpu.vector_load_idx %arg10[%parallel_loop3A_310, %parallel_loop3A_606] : memref<64x256xf32, #tpu.memory_space<vmem>>[vector<16xi32>, vector<16xi32>], vector<16xf32>,
          %parallel_loop3A_608 = arith.mulf %parallel_loop3A_492, %parallel_loop3A_607 : vector<16xf32>
          tpu.vector_store_idx %arg12[%parallel_loop3A_310, %parallel_loop3A_603], %parallel_loop3A_608 : memref<64x144xf32, #tpu.memory_space<vmem>>[vector<16xi32>, vector<16xi32>], vector<16xf32>,
          %parallel_loop3A_609 = arith.constant 96 : i32
          %parallel_loop3A_610 = vector.broadcast %parallel_loop3A_609 : i32 to vector<16xi32>
          %parallel_loop3A_611 = arith.addi %parallel_loop3A_610, %parallel_loop3A_560 : vector<16xi32>
          %parallel_loop3A_612 = arith.constant 128 : i32
          %parallel_loop3A_613 = vector.broadcast %parallel_loop3A_612 : i32 to vector<16xi32>
          %parallel_loop3A_614 = arith.addi %parallel_loop3A_613, %parallel_loop3A_611 : vector<16xi32>
          %parallel_loop3A_615 = tpu.vector_load_idx %arg10[%parallel_loop3A_310, %parallel_loop3A_614] : memref<64x256xf32, #tpu.memory_space<vmem>>[vector<16xi32>, vector<16xi32>], vector<16xf32>,
          %parallel_loop3A_616 = arith.mulf %parallel_loop3A_519, %parallel_loop3A_615 : vector<16xf32>
          tpu.vector_store_idx %arg12[%parallel_loop3A_310, %parallel_loop3A_611], %parallel_loop3A_616 : memref<64x144xf32, #tpu.memory_space<vmem>>[vector<16xi32>, vector<16xi32>], vector<16xf32>,
          %parallel_loop3A_617 = arith.constant 112 : i32
          %parallel_loop3A_618 = vector.broadcast %parallel_loop3A_617 : i32 to vector<16xi32>
          %parallel_loop3A_619 = arith.addi %parallel_loop3A_618, %parallel_loop3A_560 : vector<16xi32>
          %parallel_loop3A_620 = arith.constant 128 : i32
          %parallel_loop3A_621 = vector.broadcast %parallel_loop3A_620 : i32 to vector<16xi32>
          %parallel_loop3A_622 = arith.addi %parallel_loop3A_621, %parallel_loop3A_619 : vector<16xi32>
          %parallel_loop3A_623 = tpu.vector_load_idx %arg10[%parallel_loop3A_310, %parallel_loop3A_622] : memref<64x256xf32, #tpu.memory_space<vmem>>[vector<16xi32>, vector<16xi32>], vector<16xf32>,
          %parallel_loop3A_624 = arith.mulf %parallel_loop3A_546, %parallel_loop3A_623 : vector<16xf32>
          tpu.vector_store_idx %arg12[%parallel_loop3A_310, %parallel_loop3A_619], %parallel_loop3A_624 : memref<64x144xf32, #tpu.memory_space<vmem>>[vector<16xi32>, vector<16xi32>], vector<16xf32>,
        }
        %parallel_loop3A_554 = arith.constant 16 : i32
      } {sc.loop_unroll_factor = 1 : i64, sc.parallel_access}
      %run_scoped3A = arith.constant 0 : i32
      %run_scoped3A_191 = arith.constant 1 : i32
      "tpu.region"() ({
        %run_scoped3A_306 = tpu.sem_alloc : memref<!tpu.dma_semaphore, #tpu.memory_space<semaphore_mem>>
        %dma_start3A_307 = arith.constant 0 : i32
        %dma_start3A_308 = tpu.memref_slice %arg8[%run_scoped3A, %run_scoped3A_191, %dma_start3A_307] : memref<2x2x64xi32, #tpu.memory_space<vmem>> -> memref<1x1x64xi32, #tpu.memory_space<vmem>>
        %dma_start3A_309 = tpu.memref_squeeze %dma_start3A_308 : memref<1x1x64xi32, #tpu.memory_space<vmem>> -> memref<64xi32, #tpu.memory_space<vmem>>
        %dma_start3A_310 = arith.constant 0 : i32
        %dma_start3A_311 = arith.constant 0 : i32
        %dma_start3A_312 = tpu.memref_slice %arg13[%dma_start3A_310, %dma_start3A_311] : memref<10000x144xf32, #tpu.memory_space<vmem_shared>> -> memref<10000x144xf32, #tpu.memory_space<vmem_shared>>
        tpu.enqueue_indirect_dma source(%arg12 : memref<64x144xf32, #tpu.memory_space<vmem>>) target(%dma_start3A_312 : memref<10000x144xf32, #tpu.memory_space<vmem_shared>>) offsets(%dma_start3A_309 : memref<64xi32, #tpu.memory_space<vmem>>) semaphore(%run_scoped3A_306 : memref<!tpu.dma_semaphore, #tpu.memory_space<semaphore_mem>>) {add = true}
        %dma_wait3A_313 = arith.constant 0 : i32
        %dma_wait3A_314 = tpu.memref_slice %arg8[%run_scoped3A, %run_scoped3A_191, %dma_wait3A_313] : memref<2x2x64xi32, #tpu.memory_space<vmem>> -> memref<1x1x64xi32, #tpu.memory_space<vmem>>
        %dma_wait3A_315 = tpu.memref_squeeze %dma_wait3A_314 : memref<1x1x64xi32, #tpu.memory_space<vmem>> -> memref<64xi32, #tpu.memory_space<vmem>>
        %dma_wait3A_316 = arith.constant 0 : i32
        %dma_wait3A_317 = arith.constant 0 : i32
        %dma_wait3A_318 = tpu.memref_slice %arg13[%dma_wait3A_316, %dma_wait3A_317] : memref<10000x144xf32, #tpu.memory_space<vmem_shared>> -> memref<10000x144xf32, #tpu.memory_space<vmem_shared>>
        tpu.wait_indirect_dma semaphore(%run_scoped3A_306 : memref<!tpu.dma_semaphore, #tpu.memory_space<semaphore_mem>>) src(%arg12 : memref<64x144xf32, #tpu.memory_space<vmem>>) dst(%dma_wait3A_318 : memref<10000x144xf32, #tpu.memory_space<vmem_shared>>)
        tpu.yield
      }) : () -> ()
      %mul3A_192 = arith.constant 2 : i32
      %mul3A_193 = arith.muli %mul3A_192, %scan3A_83 : i32
      %add3A_194 = arith.constant 1 : i32
      %add3A_195 = arith.addi %mul3A_193, %add3A_194 : i32
      %dma_wait3A_196 = arith.constant 1 : i32
      %dma_wait3A_197 = arith.constant 0 : i32
      %dma_wait3A_198 = arith.constant 0 : i32
      %dma_wait3A_199 = tpu.memref_slice %arg8[%dma_wait3A_196, %dma_wait3A_197, %dma_wait3A_198] : memref<2x2x64xi32, #tpu.memory_space<vmem>> -> memref<1x2x64xi32, #tpu.memory_space<vmem>>
      %dma_wait3A_200 = tpu.memref_squeeze %dma_wait3A_199 : memref<1x2x64xi32, #tpu.memory_space<vmem>> -> memref<2x64xi32, #tpu.memory_space<vmem>>
      %dma_wait3A_201 = arith.constant 0 : i32
      %dma_wait3A_202 = arith.constant 0 : i32
      %dma_wait3A_203 = tpu.memref_slice %arg5[%dma_wait3A_201, %dma_wait3A_202] : memref<2x320000xi32, #tpu.memory_space<hbm>> -> memref<2x64xi32, #tpu.memory_space<hbm>>
      %dma_wait3A_204 = arith.constant 0 : i32
      %dma_wait3A_205 = arith.constant 0 : i32
      %dma_wait3A_206 = tpu.memref_slice %arg8[%dma_wait3A_196, %dma_wait3A_204, %dma_wait3A_205] : memref<2x2x64xi32, #tpu.memory_space<vmem>> -> memref<1x2x64xi32, #tpu.memory_space<vmem>>
      %dma_wait3A_207 = tpu.memref_squeeze %dma_wait3A_206 : memref<1x2x64xi32, #tpu.memory_space<vmem>> -> memref<2x64xi32, #tpu.memory_space<vmem>>
      %dma_wait3A_208 = arith.constant 0 : i32
      %dma_wait3A_209 = arith.constant 0 : i32
      %dma_wait3A_210 = tpu.memref_slice %arg5[%dma_wait3A_208, %dma_wait3A_209] : memref<2x320000xi32, #tpu.memory_space<hbm>> -> memref<2x64xi32, #tpu.memory_space<hbm>>
      tpu.wait_dma2 semaphore(%arg16 : memref<!tpu.dma_semaphore, #tpu.memory_space<semaphore_mem>>) src(%dma_wait3A_210 : memref<2x64xi32, #tpu.memory_space<hbm>>) dst(%dma_wait3A_207 : memref<2x64xi32, #tpu.memory_space<vmem>>)
      %dma_wait3A_211 = arith.constant 1 : i32
      %dma_wait3A_212 = arith.constant 0 : i32
      %dma_wait3A_213 = arith.constant 0 : i32
      %dma_wait3A_214 = tpu.memref_slice %arg9[%dma_wait3A_211, %dma_wait3A_212, %dma_wait3A_213] : memref<2x64x17xf32, #tpu.memory_space<vmem>> -> memref<1x64x16xf32, #tpu.memory_space<vmem>>
      %dma_wait3A_215 = tpu.memref_squeeze %dma_wait3A_214 : memref<1x64x16xf32, #tpu.memory_space<vmem>> -> memref<64x16xf32, #tpu.memory_space<vmem>>
      %dma_wait3A_216 = arith.constant 0 : i32
      %dma_wait3A_217 = arith.constant 0 : i32
      %dma_wait3A_218 = tpu.memref_slice %arg4[%dma_wait3A_216, %dma_wait3A_217] : memref<320000x16xf32, #tpu.memory_space<hbm>> -> memref<64x16xf32, #tpu.memory_space<hbm>>
      %dma_wait3A_219 = arith.constant 0 : i32
      %dma_wait3A_220 = arith.constant 0 : i32
      %dma_wait3A_221 = tpu.memref_slice %arg9[%dma_wait3A_211, %dma_wait3A_219, %dma_wait3A_220] : memref<2x64x17xf32, #tpu.memory_space<vmem>> -> memref<1x64x16xf32, #tpu.memory_space<vmem>>
      %dma_wait3A_222 = tpu.memref_squeeze %dma_wait3A_221 : memref<1x64x16xf32, #tpu.memory_space<vmem>> -> memref<64x16xf32, #tpu.memory_space<vmem>>
      %dma_wait3A_223 = arith.constant 0 : i32
      %dma_wait3A_224 = arith.constant 0 : i32
      %dma_wait3A_225 = tpu.memref_slice %arg4[%dma_wait3A_223, %dma_wait3A_224] : memref<320000x16xf32, #tpu.memory_space<hbm>> -> memref<64x16xf32, #tpu.memory_space<hbm>>
      tpu.wait_dma2 semaphore(%arg17 : memref<!tpu.dma_semaphore, #tpu.memory_space<semaphore_mem>>) src(%dma_wait3A_225 : memref<64x16xf32, #tpu.memory_space<hbm>>) dst(%dma_wait3A_222 : memref<64x16xf32, #tpu.memory_space<vmem>>)
      %dma_start3A_226 = arith.constant 1 : i32
      %dma_start3A_227 = arith.constant 0 : i32
      %dma_start3A_228 = arith.constant 0 : i32
      %dma_start3A_229 = tpu.memref_slice %arg8[%dma_start3A_226, %dma_start3A_227, %dma_start3A_228] : memref<2x2x64xi32, #tpu.memory_space<vmem>> -> memref<1x1x64xi32, #tpu.memory_space<vmem>>
      %dma_start3A_230 = tpu.memref_squeeze %dma_start3A_229 : memref<1x1x64xi32, #tpu.memory_space<vmem>> -> memref<64xi32, #tpu.memory_space<vmem>>
      %dma_start3A_231 = arith.constant 0 : i32
      %dma_start3A_232 = arith.constant 0 : i32
      %dma_start3A_233 = tpu.memref_slice %arg2[%dma_start3A_231, %dma_start3A_232] : memref<10000x256xf32, #tpu.memory_space<hbm>> -> memref<10000x256xf32, #tpu.memory_space<hbm>>
      tpu.enqueue_indirect_dma source(%dma_start3A_233 : memref<10000x256xf32, #tpu.memory_space<hbm>>) target(%arg10 : memref<64x256xf32, #tpu.memory_space<vmem>>) offsets(%dma_start3A_230 : memref<64xi32, #tpu.memory_space<vmem>>) semaphore(%arg14 : memref<!tpu.dma_semaphore, #tpu.memory_space<semaphore_mem>>)
      %dma_start3A_234 = arith.constant 1 : i32
      %dma_start3A_235 = arith.constant 1 : i32
      %dma_start3A_236 = arith.constant 0 : i32
      %dma_start3A_237 = tpu.memref_slice %arg8[%dma_start3A_234, %dma_start3A_235, %dma_start3A_236] : memref<2x2x64xi32, #tpu.memory_space<vmem>> -> memref<1x1x64xi32, #tpu.memory_space<vmem>>
      %dma_start3A_238 = tpu.memref_squeeze %dma_start3A_237 : memref<1x1x64xi32, #tpu.memory_space<vmem>> -> memref<64xi32, #tpu.memory_space<vmem>>
      %dma_start3A_239 = arith.constant 0 : i32
      %dma_start3A_240 = arith.constant 0 : i32
      %dma_start3A_241 = tpu.memref_slice %arg3[%dma_start3A_239, %dma_start3A_240] : memref<10000x128xf32, #tpu.memory_space<hbm>> -> memref<10000x128xf32, #tpu.memory_space<hbm>>
      tpu.enqueue_indirect_dma source(%dma_start3A_241 : memref<10000x128xf32, #tpu.memory_space<hbm>>) target(%arg11 : memref<64x128xf32, #tpu.memory_space<vmem>>) offsets(%dma_start3A_238 : memref<64xi32, #tpu.memory_space<vmem>>) semaphore(%arg15 : memref<!tpu.dma_semaphore, #tpu.memory_space<semaphore_mem>>)
      %add3A_242 = arith.constant 1 : i32
      %add3A_243 = arith.addi %add3A_195, %add3A_242 : i32
      %mul3A_244 = arith.constant 64 : i32
      %mul3A_245 = arith.muli %add3A_243, %mul3A_244 : i32
      %min3A_246 = arith.constant 9936 : i32
      %min3A_247 = arith.minsi %mul3A_245, %min3A_246 : i32
      %add3A_248 = arith.addi %mul3A_12, %min3A_247 : i32
      %dma_start3A_249 = arith.constant 0 : i32
      %dma_start3A_250 = arith.constant 0 : i32
      %dma_start3A_251 = arith.constant 0 : i32
      %dma_start3A_252 = tpu.memref_slice %arg8[%dma_start3A_249, %dma_start3A_250, %dma_start3A_251] : memref<2x2x64xi32, #tpu.memory_space<vmem>> -> memref<1x2x64xi32, #tpu.memory_space<vmem>>
      %dma_start3A_253 = tpu.memref_squeeze %dma_start3A_252 : memref<1x2x64xi32, #tpu.memory_space<vmem>> -> memref<2x64xi32, #tpu.memory_space<vmem>>
      %dma_start3A_254 = arith.constant 0 : i32
      %dma_start3A_255 = tpu.memref_slice %arg5[%dma_start3A_254, %add3A_248] : memref<2x320000xi32, #tpu.memory_space<hbm>> -> memref<2x64xi32, #tpu.memory_space<hbm>>
      %dma_start3A_256 = arith.constant 0 : i32
      %dma_start3A_257 = arith.constant 0 : i32
      %dma_start3A_258 = tpu.memref_slice %arg8[%dma_start3A_249, %dma_start3A_256, %dma_start3A_257] : memref<2x2x64xi32, #tpu.memory_space<vmem>> -> memref<1x2x64xi32, #tpu.memory_space<vmem>>
      %dma_start3A_259 = tpu.memref_squeeze %dma_start3A_258 : memref<1x2x64xi32, #tpu.memory_space<vmem>> -> memref<2x64xi32, #tpu.memory_space<vmem>>
      %dma_start3A_260 = arith.constant 0 : i32
      %dma_start3A_261 = tpu.memref_slice %arg5[%dma_start3A_260, %add3A_248] : memref<2x320000xi32, #tpu.memory_space<hbm>> -> memref<2x64xi32, #tpu.memory_space<hbm>>
      tpu.enqueue_dma source(%dma_start3A_261 : memref<2x64xi32, #tpu.memory_space<hbm>>) target(%dma_start3A_259 : memref<2x64xi32, #tpu.memory_space<vmem>>) target_semaphore(%arg16 : memref<!tpu.dma_semaphore, #tpu.memory_space<semaphore_mem>>)
      %dma_start3A_262 = arith.constant 0 : i32
      %dma_start3A_263 = arith.constant 0 : i32
      %dma_start3A_264 = arith.constant 0 : i32
      %dma_start3A_265 = tpu.memref_slice %arg9[%dma_start3A_262, %dma_start3A_263, %dma_start3A_264] : memref<2x64x17xf32, #tpu.memory_space<vmem>> -> memref<1x64x16xf32, #tpu.memory_space<vmem>>
      %dma_start3A_266 = tpu.memref_squeeze %dma_start3A_265 : memref<1x64x16xf32, #tpu.memory_space<vmem>> -> memref<64x16xf32, #tpu.memory_space<vmem>>
      %dma_start3A_267 = arith.constant 0 : i32
      %dma_start3A_268 = tpu.memref_slice %arg4[%add3A_248, %dma_start3A_267] : memref<320000x16xf32, #tpu.memory_space<hbm>> -> memref<64x16xf32, #tpu.memory_space<hbm>>
      %dma_start3A_269 = arith.constant 0 : i32
      %dma_start3A_270 = arith.constant 0 : i32
      %dma_start3A_271 = tpu.memref_slice %arg9[%dma_start3A_262, %dma_start3A_269, %dma_start3A_270] : memref<2x64x17xf32, #tpu.memory_space<vmem>> -> memref<1x64x16xf32, #tpu.memory_space<vmem>>
      %dma_start3A_272 = tpu.memref_squeeze %dma_start3A_271 : memref<1x64x16xf32, #tpu.memory_space<vmem>> -> memref<64x16xf32, #tpu.memory_space<vmem>>
      %dma_start3A_273 = arith.constant 0 : i32
      %dma_start3A_274 = tpu.memref_slice %arg4[%add3A_248, %dma_start3A_273] : memref<320000x16xf32, #tpu.memory_space<hbm>> -> memref<64x16xf32, #tpu.memory_space<hbm>>
      tpu.enqueue_dma source(%dma_start3A_274 : memref<64x16xf32, #tpu.memory_space<hbm>>) target(%dma_start3A_272 : memref<64x16xf32, #tpu.memory_space<vmem>>) target_semaphore(%arg17 : memref<!tpu.dma_semaphore, #tpu.memory_space<semaphore_mem>>)
      %dma_wait3A_275 = arith.constant 1 : i32
      %dma_wait3A_276 = arith.constant 0 : i32
      %dma_wait3A_277 = arith.constant 0 : i32
      %dma_wait3A_278 = tpu.memref_slice %arg8[%dma_wait3A_275, %dma_wait3A_276, %dma_wait3A_277] : memref<2x2x64xi32, #tpu.memory_space<vmem>> -> memref<1x1x64xi32, #tpu.memory_space<vmem>>
      %dma_wait3A_279 = tpu.memref_squeeze %dma_wait3A_278 : memref<1x1x64xi32, #tpu.memory_space<vmem>> -> memref<64xi32, #tpu.memory_space<vmem>>
      %dma_wait3A_280 = arith.constant 0 : i32
      %dma_wait3A_281 = arith.constant 0 : i32
      %dma_wait3A_282 = tpu.memref_slice %arg2[%dma_wait3A_280, %dma_wait3A_281] : memref<10000x256xf32, #tpu.memory_space<hbm>> -> memref<10000x256xf32, #tpu.memory_space<hbm>>
      tpu.wait_indirect_dma semaphore(%arg14 : memref<!tpu.dma_semaphore, #tpu.memory_space<semaphore_mem>>) src(%dma_wait3A_282 : memref<10000x256xf32, #tpu.memory_space<hbm>>) dst(%arg10 : memref<64x256xf32, #tpu.memory_space<vmem>>)
      %dma_wait3A_283 = arith.constant 1 : i32
      %dma_wait3A_284 = arith.constant 1 : i32
      %dma_wait3A_285 = arith.constant 0 : i32
      %dma_wait3A_286 = tpu.memref_slice %arg8[%dma_wait3A_283, %dma_wait3A_284, %dma_wait3A_285] : memref<2x2x64xi32, #tpu.memory_space<vmem>> -> memref<1x1x64xi32, #tpu.memory_space<vmem>>
      %dma_wait3A_287 = tpu.memref_squeeze %dma_wait3A_286 : memref<1x1x64xi32, #tpu.memory_space<vmem>> -> memref<64xi32, #tpu.memory_space<vmem>>
      %dma_wait3A_288 = arith.constant 0 : i32
      %dma_wait3A_289 = arith.constant 0 : i32
      %dma_wait3A_290 = tpu.memref_slice %arg3[%dma_wait3A_288, %dma_wait3A_289] : memref<10000x128xf32, #tpu.memory_space<hbm>> -> memref<10000x128xf32, #tpu.memory_space<hbm>>
      tpu.wait_indirect_dma semaphore(%arg15 : memref<!tpu.dma_semaphore, #tpu.memory_space<semaphore_mem>>) src(%dma_wait3A_290 : memref<10000x128xf32, #tpu.memory_space<hbm>>) dst(%arg11 : memref<64x128xf32, #tpu.memory_space<vmem>>)
      %eq3A_291 = arith.constant 156 : i32
      %eq3A_292 = arith.cmpi eq, %add3A_195, %eq3A_291 : i32
      %eq3A_293 = arith.constant 157 : i32
      %eq3A_294 = arith.cmpi eq, %add3A_195, %eq3A_293 : i32
      %jit3A_295 = arith.constant 64 : i32
      %jit3A_296 = arith.constant 0 : i32
      %select_n3A_297 = arith.select %eq3A_294, %jit3A_295, %jit3A_296 : i32
      %jit3A_298 = arith.constant 48 : i32
      %select_n3A_299 = arith.select %eq3A_292, %jit3A_298, %select_n3A_297 : i32
      %parallel_loop3A_300 = arith.constant 0 : i32
      %parallel_loop3A_301 = arith.constant 4 : i32
      %parallel_loop3A_302 = arith.constant 1 : i32
      scf.for %parallel_loop3A_306 = %parallel_loop3A_300 to %parallel_loop3A_301 step %parallel_loop3A_302  : i32 {
        %parallel_loop3A_307 = arith.constant 16 : i32
        %parallel_loop3A_308 = arith.muli %parallel_loop3A_306, %parallel_loop3A_307 : i32
        %parallel_loop3A_309 = vector.broadcast %parallel_loop3A_308 : i32 to vector<16xi32>
        %parallel_loop3A_310 = arith.addi %parallel_loop3A_309, %iota3A : vector<16xi32>
        %parallel_loop3A_311 = arith.constant 0.000000e+00 : f32
        %parallel_loop3A_312 = vector.broadcast %parallel_loop3A_311 : f32 to vector<16xf32>
        %parallel_loop3A_313 = arith.constant 0.000000e+00 : f32
        %parallel_loop3A_314 = vector.broadcast %parallel_loop3A_313 : f32 to vector<16xf32>
        %parallel_loop3A_315 = arith.constant 0.000000e+00 : f32
        %parallel_loop3A_316 = vector.broadcast %parallel_loop3A_315 : f32 to vector<16xf32>
        %parallel_loop3A_317 = arith.constant 0.000000e+00 : f32
        %parallel_loop3A_318 = vector.broadcast %parallel_loop3A_317 : f32 to vector<16xf32>
        %parallel_loop3A_319 = arith.constant 0.000000e+00 : f32
        %parallel_loop3A_320 = vector.broadcast %parallel_loop3A_319 : f32 to vector<16xf32>
        %parallel_loop3A_321 = arith.constant 0.000000e+00 : f32
        %parallel_loop3A_322 = vector.broadcast %parallel_loop3A_321 : f32 to vector<16xf32>
        %parallel_loop3A_323 = arith.constant 0.000000e+00 : f32
        %parallel_loop3A_324 = vector.broadcast %parallel_loop3A_323 : f32 to vector<16xf32>
        %parallel_loop3A_325 = arith.constant 0.000000e+00 : f32
        %parallel_loop3A_326 = vector.broadcast %parallel_loop3A_325 : f32 to vector<16xf32>
        %parallel_loop3A_327 = arith.constant 0 : i32
        %parallel_loop3A_328 = arith.constant 16 : i32
        %parallel_loop3A_329 = arith.addi %parallel_loop3A_327, %parallel_loop3A_328 : i32
        %parallel_loop3A_330 = arith.constant 1 : i32
        %parallel_loop3A_331:8 = scf.for %scan3A_555 = %parallel_loop3A_327 to %parallel_loop3A_329 step %parallel_loop3A_330 iter_args(%scan3A_556 = %parallel_loop3A_312, %scan3A_557 = %parallel_loop3A_314, %scan3A_558 = %parallel_loop3A_316, %scan3A_559 = %parallel_loop3A_318, %scan3A_560 = %parallel_loop3A_320, %scan3A_561 = %parallel_loop3A_322, %scan3A_562 = %parallel_loop3A_324, %scan3A_563 = %parallel_loop3A_326) -> (vector<16xf32>, vector<16xf32>, vector<16xf32>, vector<16xf32>, vector<16xf32>, vector<16xf32>, vector<16xf32>, vector<16xf32>)  : i32 {
          %parallel_loop3A_564 = vector.broadcast %scan3A_555 : i32 to vector<16xi32>
          %parallel_loop3A_565 = arith.addi %iota3A, %parallel_loop3A_564 : vector<16xi32>
          %parallel_loop3A_566 = arith.constant 15 : i32
          %parallel_loop3A_567 = vector.broadcast %parallel_loop3A_566 : i32 to vector<16xi32>
          %parallel_loop3A_568 = arith.andi %parallel_loop3A_565, %parallel_loop3A_567 : vector<16xi32>
          %parallel_loop3A_569 = arith.constant 0 : i32
          %parallel_loop3A_570 = vector.broadcast %parallel_loop3A_569 : i32 to vector<16xi32>
          %parallel_loop3A_571 = arith.addi %parallel_loop3A_570, %parallel_loop3A_568 : vector<16xi32>
          %parallel_loop3A_572 = tpu.vector_load_idx %arg10[%parallel_loop3A_310, %parallel_loop3A_571] : memref<64x256xf32, #tpu.memory_space<vmem>>[vector<16xi32>, vector<16xi32>], vector<16xf32>,
          %parallel_loop3A_573 = tpu.vector_load_idx %arg11[%parallel_loop3A_310, %parallel_loop3A_571] : memref<64x128xf32, #tpu.memory_space<vmem>>[vector<16xi32>, vector<16xi32>], vector<16xf32>,
          %parallel_loop3A_574 = arith.mulf %parallel_loop3A_572, %parallel_loop3A_573 : vector<16xf32>
          %parallel_loop3A_575 = arith.addf %scan3A_556, %parallel_loop3A_574 : vector<16xf32>
          %parallel_loop3A_576 = arith.constant 16 : i32
          %parallel_loop3A_577 = vector.broadcast %parallel_loop3A_576 : i32 to vector<16xi32>
          %parallel_loop3A_578 = arith.addi %parallel_loop3A_577, %parallel_loop3A_568 : vector<16xi32>
          %parallel_loop3A_579 = tpu.vector_load_idx %arg10[%parallel_loop3A_310, %parallel_loop3A_578] : memref<64x256xf32, #tpu.memory_space<vmem>>[vector<16xi32>, vector<16xi32>], vector<16xf32>,
          %parallel_loop3A_580 = tpu.vector_load_idx %arg11[%parallel_loop3A_310, %parallel_loop3A_578] : memref<64x128xf32, #tpu.memory_space<vmem>>[vector<16xi32>, vector<16xi32>], vector<16xf32>,
          %parallel_loop3A_581 = arith.mulf %parallel_loop3A_579, %parallel_loop3A_580 : vector<16xf32>
          %parallel_loop3A_582 = arith.addf %scan3A_557, %parallel_loop3A_581 : vector<16xf32>
          %parallel_loop3A_583 = arith.constant 32 : i32
          %parallel_loop3A_584 = vector.broadcast %parallel_loop3A_583 : i32 to vector<16xi32>
          %parallel_loop3A_585 = arith.addi %parallel_loop3A_584, %parallel_loop3A_568 : vector<16xi32>
          %parallel_loop3A_586 = tpu.vector_load_idx %arg10[%parallel_loop3A_310, %parallel_loop3A_585] : memref<64x256xf32, #tpu.memory_space<vmem>>[vector<16xi32>, vector<16xi32>], vector<16xf32>,
          %parallel_loop3A_587 = tpu.vector_load_idx %arg11[%parallel_loop3A_310, %parallel_loop3A_585] : memref<64x128xf32, #tpu.memory_space<vmem>>[vector<16xi32>, vector<16xi32>], vector<16xf32>,
          %parallel_loop3A_588 = arith.mulf %parallel_loop3A_586, %parallel_loop3A_587 : vector<16xf32>
          %parallel_loop3A_589 = arith.addf %scan3A_558, %parallel_loop3A_588 : vector<16xf32>
          %parallel_loop3A_590 = arith.constant 48 : i32
          %parallel_loop3A_591 = vector.broadcast %parallel_loop3A_590 : i32 to vector<16xi32>
          %parallel_loop3A_592 = arith.addi %parallel_loop3A_591, %parallel_loop3A_568 : vector<16xi32>
          %parallel_loop3A_593 = tpu.vector_load_idx %arg10[%parallel_loop3A_310, %parallel_loop3A_592] : memref<64x256xf32, #tpu.memory_space<vmem>>[vector<16xi32>, vector<16xi32>], vector<16xf32>,
          %parallel_loop3A_594 = tpu.vector_load_idx %arg11[%parallel_loop3A_310, %parallel_loop3A_592] : memref<64x128xf32, #tpu.memory_space<vmem>>[vector<16xi32>, vector<16xi32>], vector<16xf32>,
          %parallel_loop3A_595 = arith.mulf %parallel_loop3A_593, %parallel_loop3A_594 : vector<16xf32>
          %parallel_loop3A_596 = arith.addf %scan3A_559, %parallel_loop3A_595 : vector<16xf32>
          %parallel_loop3A_597 = arith.constant 64 : i32
          %parallel_loop3A_598 = vector.broadcast %parallel_loop3A_597 : i32 to vector<16xi32>
          %parallel_loop3A_599 = arith.addi %parallel_loop3A_598, %parallel_loop3A_568 : vector<16xi32>
          %parallel_loop3A_600 = tpu.vector_load_idx %arg10[%parallel_loop3A_310, %parallel_loop3A_599] : memref<64x256xf32, #tpu.memory_space<vmem>>[vector<16xi32>, vector<16xi32>], vector<16xf32>,
          %parallel_loop3A_601 = tpu.vector_load_idx %arg11[%parallel_loop3A_310, %parallel_loop3A_599] : memref<64x128xf32, #tpu.memory_space<vmem>>[vector<16xi32>, vector<16xi32>], vector<16xf32>,
          %parallel_loop3A_602 = arith.mulf %parallel_loop3A_600, %parallel_loop3A_601 : vector<16xf32>
          %parallel_loop3A_603 = arith.addf %scan3A_560, %parallel_loop3A_602 : vector<16xf32>
          %parallel_loop3A_604 = arith.constant 80 : i32
          %parallel_loop3A_605 = vector.broadcast %parallel_loop3A_604 : i32 to vector<16xi32>
          %parallel_loop3A_606 = arith.addi %parallel_loop3A_605, %parallel_loop3A_568 : vector<16xi32>
          %parallel_loop3A_607 = tpu.vector_load_idx %arg10[%parallel_loop3A_310, %parallel_loop3A_606] : memref<64x256xf32, #tpu.memory_space<vmem>>[vector<16xi32>, vector<16xi32>], vector<16xf32>,
          %parallel_loop3A_608 = tpu.vector_load_idx %arg11[%parallel_loop3A_310, %parallel_loop3A_606] : memref<64x128xf32, #tpu.memory_space<vmem>>[vector<16xi32>, vector<16xi32>], vector<16xf32>,
          %parallel_loop3A_609 = arith.mulf %parallel_loop3A_607, %parallel_loop3A_608 : vector<16xf32>
          %parallel_loop3A_610 = arith.addf %scan3A_561, %parallel_loop3A_609 : vector<16xf32>
          %parallel_loop3A_611 = arith.constant 96 : i32
          %parallel_loop3A_612 = vector.broadcast %parallel_loop3A_611 : i32 to vector<16xi32>
          %parallel_loop3A_613 = arith.addi %parallel_loop3A_612, %parallel_loop3A_568 : vector<16xi32>
          %parallel_loop3A_614 = tpu.vector_load_idx %arg10[%parallel_loop3A_310, %parallel_loop3A_613] : memref<64x256xf32, #tpu.memory_space<vmem>>[vector<16xi32>, vector<16xi32>], vector<16xf32>,
          %parallel_loop3A_615 = tpu.vector_load_idx %arg11[%parallel_loop3A_310, %parallel_loop3A_613] : memref<64x128xf32, #tpu.memory_space<vmem>>[vector<16xi32>, vector<16xi32>], vector<16xf32>,
          %parallel_loop3A_616 = arith.mulf %parallel_loop3A_614, %parallel_loop3A_615 : vector<16xf32>
          %parallel_loop3A_617 = arith.addf %scan3A_562, %parallel_loop3A_616 : vector<16xf32>
          %parallel_loop3A_618 = arith.constant 112 : i32
          %parallel_loop3A_619 = vector.broadcast %parallel_loop3A_618 : i32 to vector<16xi32>
          %parallel_loop3A_620 = arith.addi %parallel_loop3A_619, %parallel_loop3A_568 : vector<16xi32>
          %parallel_loop3A_621 = tpu.vector_load_idx %arg10[%parallel_loop3A_310, %parallel_loop3A_620] : memref<64x256xf32, #tpu.memory_space<vmem>>[vector<16xi32>, vector<16xi32>], vector<16xf32>,
          %parallel_loop3A_622 = tpu.vector_load_idx %arg11[%parallel_loop3A_310, %parallel_loop3A_620] : memref<64x128xf32, #tpu.memory_space<vmem>>[vector<16xi32>, vector<16xi32>], vector<16xf32>,
          %parallel_loop3A_623 = arith.mulf %parallel_loop3A_621, %parallel_loop3A_622 : vector<16xf32>
          %parallel_loop3A_624 = arith.addf %scan3A_563, %parallel_loop3A_623 : vector<16xf32>
          scf.yield %parallel_loop3A_575, %parallel_loop3A_582, %parallel_loop3A_589, %parallel_loop3A_596, %parallel_loop3A_603, %parallel_loop3A_610, %parallel_loop3A_617, %parallel_loop3A_624 : vector<16xf32>, vector<16xf32>, vector<16xf32>, vector<16xf32>, vector<16xf32>, vector<16xf32>, vector<16xf32>, vector<16xf32>
        }
        %parallel_loop3A_332 = arith.constant 16 : i32
        %parallel_loop3A_333 = arith.constant 2.500000e-01 : f32
        %parallel_loop3A_334 = vector.broadcast %parallel_loop3A_333 : f32 to vector<16xf32>
        %parallel_loop3A_335 = arith.mulf %parallel_loop3A_331#0, %parallel_loop3A_334 : vector<16xf32>
        %parallel_loop3A_336 = arith.constant 8 : i32
        %parallel_loop3A_337 = vector.broadcast %parallel_loop3A_336 : i32 to vector<16xi32>
        %parallel_loop3A_338 = arith.constant 1 : i32
        %parallel_loop3A_339 = arith.constant 0 : i32
        %parallel_loop3A_340 = arith.constant 0 : i32
        %parallel_loop3A_341 = tpu.memref_slice %arg9[%parallel_loop3A_338, %parallel_loop3A_339, %parallel_loop3A_340] : memref<2x64x17xf32, #tpu.memory_space<vmem>> -> memref<1x64x17xf32, #tpu.memory_space<vmem>>
        %parallel_loop3A_342 = tpu.memref_squeeze %parallel_loop3A_341 : memref<1x64x17xf32, #tpu.memory_space<vmem>> -> memref<64x17xf32, #tpu.memory_space<vmem>>
        %parallel_loop3A_343 = tpu.vector_load_idx %parallel_loop3A_342[%parallel_loop3A_310, %parallel_loop3A_337] : memref<64x17xf32, #tpu.memory_space<vmem>>[vector<16xi32>, vector<16xi32>], vector<16xf32>,
        %parallel_loop3A_344 = arith.addf %parallel_loop3A_335, %parallel_loop3A_343 : vector<16xf32>
        %parallel_loop3A_345 = arith.constant 0.000000e+00 : f32
        %parallel_loop3A_346 = vector.broadcast %parallel_loop3A_345 : f32 to vector<16xf32>
        %parallel_loop3A_347 = arith.cmpf ogt, %parallel_loop3A_344, %parallel_loop3A_346 : vector<16xf32>
        %parallel_loop3A_348 = arith.constant 2.000000e-01 : f32
        %parallel_loop3A_349 = vector.broadcast %parallel_loop3A_348 : f32 to vector<16xf32>
        %parallel_loop3A_350 = arith.mulf %parallel_loop3A_344, %parallel_loop3A_349 : vector<16xf32>
        %parallel_loop3A_351 = arith.select %parallel_loop3A_347, %parallel_loop3A_344, %parallel_loop3A_350 : vector<16xi1>, vector<16xf32>
        %parallel_loop3A_352 = math.exp %parallel_loop3A_351 : vector<16xf32>
        %parallel_loop3A_353 = vector.broadcast %select_n3A_299 : i32 to vector<16xi32>
        %parallel_loop3A_354 = arith.cmpi sge, %parallel_loop3A_310, %parallel_loop3A_353 : vector<16xi32>
        %parallel_loop3A_355 = arith.constant 0.000000e+00 : f32
        %parallel_loop3A_356 = vector.broadcast %parallel_loop3A_355 : f32 to vector<16xf32>
        %parallel_loop3A_357 = arith.select %parallel_loop3A_354, %parallel_loop3A_352, %parallel_loop3A_356 : vector<16xi1>, vector<16xf32>
        %parallel_loop3A_358 = arith.constant 128 : i32
        %parallel_loop3A_359 = vector.broadcast %parallel_loop3A_358 : i32 to vector<16xi32>
        tpu.vector_store_idx %arg12[%parallel_loop3A_310, %parallel_loop3A_359], %parallel_loop3A_357 : memref<64x144xf32, #tpu.memory_space<vmem>>[vector<16xi32>, vector<16xi32>], vector<16xf32>,
        %parallel_loop3A_360 = arith.constant 2.500000e-01 : f32
        %parallel_loop3A_361 = vector.broadcast %parallel_loop3A_360 : f32 to vector<16xf32>
        %parallel_loop3A_362 = arith.mulf %parallel_loop3A_331#1, %parallel_loop3A_361 : vector<16xf32>
        %parallel_loop3A_363 = arith.constant 9 : i32
        %parallel_loop3A_364 = vector.broadcast %parallel_loop3A_363 : i32 to vector<16xi32>
        %parallel_loop3A_365 = arith.constant 1 : i32
        %parallel_loop3A_366 = arith.constant 0 : i32
        %parallel_loop3A_367 = arith.constant 0 : i32
        %parallel_loop3A_368 = tpu.memref_slice %arg9[%parallel_loop3A_365, %parallel_loop3A_366, %parallel_loop3A_367] : memref<2x64x17xf32, #tpu.memory_space<vmem>> -> memref<1x64x17xf32, #tpu.memory_space<vmem>>
        %parallel_loop3A_369 = tpu.memref_squeeze %parallel_loop3A_368 : memref<1x64x17xf32, #tpu.memory_space<vmem>> -> memref<64x17xf32, #tpu.memory_space<vmem>>
        %parallel_loop3A_370 = tpu.vector_load_idx %parallel_loop3A_369[%parallel_loop3A_310, %parallel_loop3A_364] : memref<64x17xf32, #tpu.memory_space<vmem>>[vector<16xi32>, vector<16xi32>], vector<16xf32>,
        %parallel_loop3A_371 = arith.addf %parallel_loop3A_362, %parallel_loop3A_370 : vector<16xf32>
        %parallel_loop3A_372 = arith.constant 0.000000e+00 : f32
        %parallel_loop3A_373 = vector.broadcast %parallel_loop3A_372 : f32 to vector<16xf32>
        %parallel_loop3A_374 = arith.cmpf ogt, %parallel_loop3A_371, %parallel_loop3A_373 : vector<16xf32>
        %parallel_loop3A_375 = arith.constant 2.000000e-01 : f32
        %parallel_loop3A_376 = vector.broadcast %parallel_loop3A_375 : f32 to vector<16xf32>
        %parallel_loop3A_377 = arith.mulf %parallel_loop3A_371, %parallel_loop3A_376 : vector<16xf32>
        %parallel_loop3A_378 = arith.select %parallel_loop3A_374, %parallel_loop3A_371, %parallel_loop3A_377 : vector<16xi1>, vector<16xf32>
        %parallel_loop3A_379 = math.exp %parallel_loop3A_378 : vector<16xf32>
        %parallel_loop3A_380 = vector.broadcast %select_n3A_299 : i32 to vector<16xi32>
        %parallel_loop3A_381 = arith.cmpi sge, %parallel_loop3A_310, %parallel_loop3A_380 : vector<16xi32>
        %parallel_loop3A_382 = arith.constant 0.000000e+00 : f32
        %parallel_loop3A_383 = vector.broadcast %parallel_loop3A_382 : f32 to vector<16xf32>
        %parallel_loop3A_384 = arith.select %parallel_loop3A_381, %parallel_loop3A_379, %parallel_loop3A_383 : vector<16xi1>, vector<16xf32>
        %parallel_loop3A_385 = arith.constant 129 : i32
        %parallel_loop3A_386 = vector.broadcast %parallel_loop3A_385 : i32 to vector<16xi32>
        tpu.vector_store_idx %arg12[%parallel_loop3A_310, %parallel_loop3A_386], %parallel_loop3A_384 : memref<64x144xf32, #tpu.memory_space<vmem>>[vector<16xi32>, vector<16xi32>], vector<16xf32>,
        %parallel_loop3A_387 = arith.constant 2.500000e-01 : f32
        %parallel_loop3A_388 = vector.broadcast %parallel_loop3A_387 : f32 to vector<16xf32>
        %parallel_loop3A_389 = arith.mulf %parallel_loop3A_331#2, %parallel_loop3A_388 : vector<16xf32>
        %parallel_loop3A_390 = arith.constant 10 : i32
        %parallel_loop3A_391 = vector.broadcast %parallel_loop3A_390 : i32 to vector<16xi32>
        %parallel_loop3A_392 = arith.constant 1 : i32
        %parallel_loop3A_393 = arith.constant 0 : i32
        %parallel_loop3A_394 = arith.constant 0 : i32
        %parallel_loop3A_395 = tpu.memref_slice %arg9[%parallel_loop3A_392, %parallel_loop3A_393, %parallel_loop3A_394] : memref<2x64x17xf32, #tpu.memory_space<vmem>> -> memref<1x64x17xf32, #tpu.memory_space<vmem>>
        %parallel_loop3A_396 = tpu.memref_squeeze %parallel_loop3A_395 : memref<1x64x17xf32, #tpu.memory_space<vmem>> -> memref<64x17xf32, #tpu.memory_space<vmem>>
        %parallel_loop3A_397 = tpu.vector_load_idx %parallel_loop3A_396[%parallel_loop3A_310, %parallel_loop3A_391] : memref<64x17xf32, #tpu.memory_space<vmem>>[vector<16xi32>, vector<16xi32>], vector<16xf32>,
        %parallel_loop3A_398 = arith.addf %parallel_loop3A_389, %parallel_loop3A_397 : vector<16xf32>
        %parallel_loop3A_399 = arith.constant 0.000000e+00 : f32
        %parallel_loop3A_400 = vector.broadcast %parallel_loop3A_399 : f32 to vector<16xf32>
        %parallel_loop3A_401 = arith.cmpf ogt, %parallel_loop3A_398, %parallel_loop3A_400 : vector<16xf32>
        %parallel_loop3A_402 = arith.constant 2.000000e-01 : f32
        %parallel_loop3A_403 = vector.broadcast %parallel_loop3A_402 : f32 to vector<16xf32>
        %parallel_loop3A_404 = arith.mulf %parallel_loop3A_398, %parallel_loop3A_403 : vector<16xf32>
        %parallel_loop3A_405 = arith.select %parallel_loop3A_401, %parallel_loop3A_398, %parallel_loop3A_404 : vector<16xi1>, vector<16xf32>
        %parallel_loop3A_406 = math.exp %parallel_loop3A_405 : vector<16xf32>
        %parallel_loop3A_407 = vector.broadcast %select_n3A_299 : i32 to vector<16xi32>
        %parallel_loop3A_408 = arith.cmpi sge, %parallel_loop3A_310, %parallel_loop3A_407 : vector<16xi32>
        %parallel_loop3A_409 = arith.constant 0.000000e+00 : f32
        %parallel_loop3A_410 = vector.broadcast %parallel_loop3A_409 : f32 to vector<16xf32>
        %parallel_loop3A_411 = arith.select %parallel_loop3A_408, %parallel_loop3A_406, %parallel_loop3A_410 : vector<16xi1>, vector<16xf32>
        %parallel_loop3A_412 = arith.constant 130 : i32
        %parallel_loop3A_413 = vector.broadcast %parallel_loop3A_412 : i32 to vector<16xi32>
        tpu.vector_store_idx %arg12[%parallel_loop3A_310, %parallel_loop3A_413], %parallel_loop3A_411 : memref<64x144xf32, #tpu.memory_space<vmem>>[vector<16xi32>, vector<16xi32>], vector<16xf32>,
        %parallel_loop3A_414 = arith.constant 2.500000e-01 : f32
        %parallel_loop3A_415 = vector.broadcast %parallel_loop3A_414 : f32 to vector<16xf32>
        %parallel_loop3A_416 = arith.mulf %parallel_loop3A_331#3, %parallel_loop3A_415 : vector<16xf32>
        %parallel_loop3A_417 = arith.constant 11 : i32
        %parallel_loop3A_418 = vector.broadcast %parallel_loop3A_417 : i32 to vector<16xi32>
        %parallel_loop3A_419 = arith.constant 1 : i32
        %parallel_loop3A_420 = arith.constant 0 : i32
        %parallel_loop3A_421 = arith.constant 0 : i32
        %parallel_loop3A_422 = tpu.memref_slice %arg9[%parallel_loop3A_419, %parallel_loop3A_420, %parallel_loop3A_421] : memref<2x64x17xf32, #tpu.memory_space<vmem>> -> memref<1x64x17xf32, #tpu.memory_space<vmem>>
        %parallel_loop3A_423 = tpu.memref_squeeze %parallel_loop3A_422 : memref<1x64x17xf32, #tpu.memory_space<vmem>> -> memref<64x17xf32, #tpu.memory_space<vmem>>
        %parallel_loop3A_424 = tpu.vector_load_idx %parallel_loop3A_423[%parallel_loop3A_310, %parallel_loop3A_418] : memref<64x17xf32, #tpu.memory_space<vmem>>[vector<16xi32>, vector<16xi32>], vector<16xf32>,
        %parallel_loop3A_425 = arith.addf %parallel_loop3A_416, %parallel_loop3A_424 : vector<16xf32>
        %parallel_loop3A_426 = arith.constant 0.000000e+00 : f32
        %parallel_loop3A_427 = vector.broadcast %parallel_loop3A_426 : f32 to vector<16xf32>
        %parallel_loop3A_428 = arith.cmpf ogt, %parallel_loop3A_425, %parallel_loop3A_427 : vector<16xf32>
        %parallel_loop3A_429 = arith.constant 2.000000e-01 : f32
        %parallel_loop3A_430 = vector.broadcast %parallel_loop3A_429 : f32 to vector<16xf32>
        %parallel_loop3A_431 = arith.mulf %parallel_loop3A_425, %parallel_loop3A_430 : vector<16xf32>
        %parallel_loop3A_432 = arith.select %parallel_loop3A_428, %parallel_loop3A_425, %parallel_loop3A_431 : vector<16xi1>, vector<16xf32>
        %parallel_loop3A_433 = math.exp %parallel_loop3A_432 : vector<16xf32>
        %parallel_loop3A_434 = vector.broadcast %select_n3A_299 : i32 to vector<16xi32>
        %parallel_loop3A_435 = arith.cmpi sge, %parallel_loop3A_310, %parallel_loop3A_434 : vector<16xi32>
        %parallel_loop3A_436 = arith.constant 0.000000e+00 : f32
        %parallel_loop3A_437 = vector.broadcast %parallel_loop3A_436 : f32 to vector<16xf32>
        %parallel_loop3A_438 = arith.select %parallel_loop3A_435, %parallel_loop3A_433, %parallel_loop3A_437 : vector<16xi1>, vector<16xf32>
        %parallel_loop3A_439 = arith.constant 131 : i32
        %parallel_loop3A_440 = vector.broadcast %parallel_loop3A_439 : i32 to vector<16xi32>
        tpu.vector_store_idx %arg12[%parallel_loop3A_310, %parallel_loop3A_440], %parallel_loop3A_438 : memref<64x144xf32, #tpu.memory_space<vmem>>[vector<16xi32>, vector<16xi32>], vector<16xf32>,
        %parallel_loop3A_441 = arith.constant 2.500000e-01 : f32
        %parallel_loop3A_442 = vector.broadcast %parallel_loop3A_441 : f32 to vector<16xf32>
        %parallel_loop3A_443 = arith.mulf %parallel_loop3A_331#4, %parallel_loop3A_442 : vector<16xf32>
        %parallel_loop3A_444 = arith.constant 12 : i32
        %parallel_loop3A_445 = vector.broadcast %parallel_loop3A_444 : i32 to vector<16xi32>
        %parallel_loop3A_446 = arith.constant 1 : i32
        %parallel_loop3A_447 = arith.constant 0 : i32
        %parallel_loop3A_448 = arith.constant 0 : i32
        %parallel_loop3A_449 = tpu.memref_slice %arg9[%parallel_loop3A_446, %parallel_loop3A_447, %parallel_loop3A_448] : memref<2x64x17xf32, #tpu.memory_space<vmem>> -> memref<1x64x17xf32, #tpu.memory_space<vmem>>
        %parallel_loop3A_450 = tpu.memref_squeeze %parallel_loop3A_449 : memref<1x64x17xf32, #tpu.memory_space<vmem>> -> memref<64x17xf32, #tpu.memory_space<vmem>>
        %parallel_loop3A_451 = tpu.vector_load_idx %parallel_loop3A_450[%parallel_loop3A_310, %parallel_loop3A_445] : memref<64x17xf32, #tpu.memory_space<vmem>>[vector<16xi32>, vector<16xi32>], vector<16xf32>,
        %parallel_loop3A_452 = arith.addf %parallel_loop3A_443, %parallel_loop3A_451 : vector<16xf32>
        %parallel_loop3A_453 = arith.constant 0.000000e+00 : f32
        %parallel_loop3A_454 = vector.broadcast %parallel_loop3A_453 : f32 to vector<16xf32>
        %parallel_loop3A_455 = arith.cmpf ogt, %parallel_loop3A_452, %parallel_loop3A_454 : vector<16xf32>
        %parallel_loop3A_456 = arith.constant 2.000000e-01 : f32
        %parallel_loop3A_457 = vector.broadcast %parallel_loop3A_456 : f32 to vector<16xf32>
        %parallel_loop3A_458 = arith.mulf %parallel_loop3A_452, %parallel_loop3A_457 : vector<16xf32>
        %parallel_loop3A_459 = arith.select %parallel_loop3A_455, %parallel_loop3A_452, %parallel_loop3A_458 : vector<16xi1>, vector<16xf32>
        %parallel_loop3A_460 = math.exp %parallel_loop3A_459 : vector<16xf32>
        %parallel_loop3A_461 = vector.broadcast %select_n3A_299 : i32 to vector<16xi32>
        %parallel_loop3A_462 = arith.cmpi sge, %parallel_loop3A_310, %parallel_loop3A_461 : vector<16xi32>
        %parallel_loop3A_463 = arith.constant 0.000000e+00 : f32
        %parallel_loop3A_464 = vector.broadcast %parallel_loop3A_463 : f32 to vector<16xf32>
        %parallel_loop3A_465 = arith.select %parallel_loop3A_462, %parallel_loop3A_460, %parallel_loop3A_464 : vector<16xi1>, vector<16xf32>
        %parallel_loop3A_466 = arith.constant 132 : i32
        %parallel_loop3A_467 = vector.broadcast %parallel_loop3A_466 : i32 to vector<16xi32>
        tpu.vector_store_idx %arg12[%parallel_loop3A_310, %parallel_loop3A_467], %parallel_loop3A_465 : memref<64x144xf32, #tpu.memory_space<vmem>>[vector<16xi32>, vector<16xi32>], vector<16xf32>,
        %parallel_loop3A_468 = arith.constant 2.500000e-01 : f32
        %parallel_loop3A_469 = vector.broadcast %parallel_loop3A_468 : f32 to vector<16xf32>
        %parallel_loop3A_470 = arith.mulf %parallel_loop3A_331#5, %parallel_loop3A_469 : vector<16xf32>
        %parallel_loop3A_471 = arith.constant 13 : i32
        %parallel_loop3A_472 = vector.broadcast %parallel_loop3A_471 : i32 to vector<16xi32>
        %parallel_loop3A_473 = arith.constant 1 : i32
        %parallel_loop3A_474 = arith.constant 0 : i32
        %parallel_loop3A_475 = arith.constant 0 : i32
        %parallel_loop3A_476 = tpu.memref_slice %arg9[%parallel_loop3A_473, %parallel_loop3A_474, %parallel_loop3A_475] : memref<2x64x17xf32, #tpu.memory_space<vmem>> -> memref<1x64x17xf32, #tpu.memory_space<vmem>>
        %parallel_loop3A_477 = tpu.memref_squeeze %parallel_loop3A_476 : memref<1x64x17xf32, #tpu.memory_space<vmem>> -> memref<64x17xf32, #tpu.memory_space<vmem>>
        %parallel_loop3A_478 = tpu.vector_load_idx %parallel_loop3A_477[%parallel_loop3A_310, %parallel_loop3A_472] : memref<64x17xf32, #tpu.memory_space<vmem>>[vector<16xi32>, vector<16xi32>], vector<16xf32>,
        %parallel_loop3A_479 = arith.addf %parallel_loop3A_470, %parallel_loop3A_478 : vector<16xf32>
        %parallel_loop3A_480 = arith.constant 0.000000e+00 : f32
        %parallel_loop3A_481 = vector.broadcast %parallel_loop3A_480 : f32 to vector<16xf32>
        %parallel_loop3A_482 = arith.cmpf ogt, %parallel_loop3A_479, %parallel_loop3A_481 : vector<16xf32>
        %parallel_loop3A_483 = arith.constant 2.000000e-01 : f32
        %parallel_loop3A_484 = vector.broadcast %parallel_loop3A_483 : f32 to vector<16xf32>
        %parallel_loop3A_485 = arith.mulf %parallel_loop3A_479, %parallel_loop3A_484 : vector<16xf32>
        %parallel_loop3A_486 = arith.select %parallel_loop3A_482, %parallel_loop3A_479, %parallel_loop3A_485 : vector<16xi1>, vector<16xf32>
        %parallel_loop3A_487 = math.exp %parallel_loop3A_486 : vector<16xf32>
        %parallel_loop3A_488 = vector.broadcast %select_n3A_299 : i32 to vector<16xi32>
        %parallel_loop3A_489 = arith.cmpi sge, %parallel_loop3A_310, %parallel_loop3A_488 : vector<16xi32>
        %parallel_loop3A_490 = arith.constant 0.000000e+00 : f32
        %parallel_loop3A_491 = vector.broadcast %parallel_loop3A_490 : f32 to vector<16xf32>
        %parallel_loop3A_492 = arith.select %parallel_loop3A_489, %parallel_loop3A_487, %parallel_loop3A_491 : vector<16xi1>, vector<16xf32>
        %parallel_loop3A_493 = arith.constant 133 : i32
        %parallel_loop3A_494 = vector.broadcast %parallel_loop3A_493 : i32 to vector<16xi32>
        tpu.vector_store_idx %arg12[%parallel_loop3A_310, %parallel_loop3A_494], %parallel_loop3A_492 : memref<64x144xf32, #tpu.memory_space<vmem>>[vector<16xi32>, vector<16xi32>], vector<16xf32>,
        %parallel_loop3A_495 = arith.constant 2.500000e-01 : f32
        %parallel_loop3A_496 = vector.broadcast %parallel_loop3A_495 : f32 to vector<16xf32>
        %parallel_loop3A_497 = arith.mulf %parallel_loop3A_331#6, %parallel_loop3A_496 : vector<16xf32>
        %parallel_loop3A_498 = arith.constant 14 : i32
        %parallel_loop3A_499 = vector.broadcast %parallel_loop3A_498 : i32 to vector<16xi32>
        %parallel_loop3A_500 = arith.constant 1 : i32
        %parallel_loop3A_501 = arith.constant 0 : i32
        %parallel_loop3A_502 = arith.constant 0 : i32
        %parallel_loop3A_503 = tpu.memref_slice %arg9[%parallel_loop3A_500, %parallel_loop3A_501, %parallel_loop3A_502] : memref<2x64x17xf32, #tpu.memory_space<vmem>> -> memref<1x64x17xf32, #tpu.memory_space<vmem>>
        %parallel_loop3A_504 = tpu.memref_squeeze %parallel_loop3A_503 : memref<1x64x17xf32, #tpu.memory_space<vmem>> -> memref<64x17xf32, #tpu.memory_space<vmem>>
        %parallel_loop3A_505 = tpu.vector_load_idx %parallel_loop3A_504[%parallel_loop3A_310, %parallel_loop3A_499] : memref<64x17xf32, #tpu.memory_space<vmem>>[vector<16xi32>, vector<16xi32>], vector<16xf32>,
        %parallel_loop3A_506 = arith.addf %parallel_loop3A_497, %parallel_loop3A_505 : vector<16xf32>
        %parallel_loop3A_507 = arith.constant 0.000000e+00 : f32
        %parallel_loop3A_508 = vector.broadcast %parallel_loop3A_507 : f32 to vector<16xf32>
        %parallel_loop3A_509 = arith.cmpf ogt, %parallel_loop3A_506, %parallel_loop3A_508 : vector<16xf32>
        %parallel_loop3A_510 = arith.constant 2.000000e-01 : f32
        %parallel_loop3A_511 = vector.broadcast %parallel_loop3A_510 : f32 to vector<16xf32>
        %parallel_loop3A_512 = arith.mulf %parallel_loop3A_506, %parallel_loop3A_511 : vector<16xf32>
        %parallel_loop3A_513 = arith.select %parallel_loop3A_509, %parallel_loop3A_506, %parallel_loop3A_512 : vector<16xi1>, vector<16xf32>
        %parallel_loop3A_514 = math.exp %parallel_loop3A_513 : vector<16xf32>
        %parallel_loop3A_515 = vector.broadcast %select_n3A_299 : i32 to vector<16xi32>
        %parallel_loop3A_516 = arith.cmpi sge, %parallel_loop3A_310, %parallel_loop3A_515 : vector<16xi32>
        %parallel_loop3A_517 = arith.constant 0.000000e+00 : f32
        %parallel_loop3A_518 = vector.broadcast %parallel_loop3A_517 : f32 to vector<16xf32>
        %parallel_loop3A_519 = arith.select %parallel_loop3A_516, %parallel_loop3A_514, %parallel_loop3A_518 : vector<16xi1>, vector<16xf32>
        %parallel_loop3A_520 = arith.constant 134 : i32
        %parallel_loop3A_521 = vector.broadcast %parallel_loop3A_520 : i32 to vector<16xi32>
        tpu.vector_store_idx %arg12[%parallel_loop3A_310, %parallel_loop3A_521], %parallel_loop3A_519 : memref<64x144xf32, #tpu.memory_space<vmem>>[vector<16xi32>, vector<16xi32>], vector<16xf32>,
        %parallel_loop3A_522 = arith.constant 2.500000e-01 : f32
        %parallel_loop3A_523 = vector.broadcast %parallel_loop3A_522 : f32 to vector<16xf32>
        %parallel_loop3A_524 = arith.mulf %parallel_loop3A_331#7, %parallel_loop3A_523 : vector<16xf32>
        %parallel_loop3A_525 = arith.constant 15 : i32
        %parallel_loop3A_526 = vector.broadcast %parallel_loop3A_525 : i32 to vector<16xi32>
        %parallel_loop3A_527 = arith.constant 1 : i32
        %parallel_loop3A_528 = arith.constant 0 : i32
        %parallel_loop3A_529 = arith.constant 0 : i32
        %parallel_loop3A_530 = tpu.memref_slice %arg9[%parallel_loop3A_527, %parallel_loop3A_528, %parallel_loop3A_529] : memref<2x64x17xf32, #tpu.memory_space<vmem>> -> memref<1x64x17xf32, #tpu.memory_space<vmem>>
        %parallel_loop3A_531 = tpu.memref_squeeze %parallel_loop3A_530 : memref<1x64x17xf32, #tpu.memory_space<vmem>> -> memref<64x17xf32, #tpu.memory_space<vmem>>
        %parallel_loop3A_532 = tpu.vector_load_idx %parallel_loop3A_531[%parallel_loop3A_310, %parallel_loop3A_526] : memref<64x17xf32, #tpu.memory_space<vmem>>[vector<16xi32>, vector<16xi32>], vector<16xf32>,
        %parallel_loop3A_533 = arith.addf %parallel_loop3A_524, %parallel_loop3A_532 : vector<16xf32>
        %parallel_loop3A_534 = arith.constant 0.000000e+00 : f32
        %parallel_loop3A_535 = vector.broadcast %parallel_loop3A_534 : f32 to vector<16xf32>
        %parallel_loop3A_536 = arith.cmpf ogt, %parallel_loop3A_533, %parallel_loop3A_535 : vector<16xf32>
        %parallel_loop3A_537 = arith.constant 2.000000e-01 : f32
        %parallel_loop3A_538 = vector.broadcast %parallel_loop3A_537 : f32 to vector<16xf32>
        %parallel_loop3A_539 = arith.mulf %parallel_loop3A_533, %parallel_loop3A_538 : vector<16xf32>
        %parallel_loop3A_540 = arith.select %parallel_loop3A_536, %parallel_loop3A_533, %parallel_loop3A_539 : vector<16xi1>, vector<16xf32>
        %parallel_loop3A_541 = math.exp %parallel_loop3A_540 : vector<16xf32>
        %parallel_loop3A_542 = vector.broadcast %select_n3A_299 : i32 to vector<16xi32>
        %parallel_loop3A_543 = arith.cmpi sge, %parallel_loop3A_310, %parallel_loop3A_542 : vector<16xi32>
        %parallel_loop3A_544 = arith.constant 0.000000e+00 : f32
        %parallel_loop3A_545 = vector.broadcast %parallel_loop3A_544 : f32 to vector<16xf32>
        %parallel_loop3A_546 = arith.select %parallel_loop3A_543, %parallel_loop3A_541, %parallel_loop3A_545 : vector<16xi1>, vector<16xf32>
        %parallel_loop3A_547 = arith.constant 135 : i32
        %parallel_loop3A_548 = vector.broadcast %parallel_loop3A_547 : i32 to vector<16xi32>
        tpu.vector_store_idx %arg12[%parallel_loop3A_310, %parallel_loop3A_548], %parallel_loop3A_546 : memref<64x144xf32, #tpu.memory_space<vmem>>[vector<16xi32>, vector<16xi32>], vector<16xf32>,
        %parallel_loop3A_549 = arith.constant 0 : i32
        %parallel_loop3A_550 = arith.constant 0 : i32
        %parallel_loop3A_551 = arith.constant 16 : i32
        %parallel_loop3A_552 = arith.addi %parallel_loop3A_550, %parallel_loop3A_551 : i32
        %parallel_loop3A_553 = arith.constant 1 : i32
        scf.for %scan3A_555 = %parallel_loop3A_550 to %parallel_loop3A_552 step %parallel_loop3A_553  : i32 {
          %parallel_loop3A_556 = vector.broadcast %scan3A_555 : i32 to vector<16xi32>
          %parallel_loop3A_557 = arith.addi %iota3A, %parallel_loop3A_556 : vector<16xi32>
          %parallel_loop3A_558 = arith.constant 15 : i32
          %parallel_loop3A_559 = vector.broadcast %parallel_loop3A_558 : i32 to vector<16xi32>
          %parallel_loop3A_560 = arith.andi %parallel_loop3A_557, %parallel_loop3A_559 : vector<16xi32>
          %parallel_loop3A_561 = arith.constant 0 : i32
          %parallel_loop3A_562 = vector.broadcast %parallel_loop3A_561 : i32 to vector<16xi32>
          %parallel_loop3A_563 = arith.addi %parallel_loop3A_562, %parallel_loop3A_560 : vector<16xi32>
          %parallel_loop3A_564 = arith.constant 128 : i32
          %parallel_loop3A_565 = vector.broadcast %parallel_loop3A_564 : i32 to vector<16xi32>
          %parallel_loop3A_566 = arith.addi %parallel_loop3A_565, %parallel_loop3A_563 : vector<16xi32>
          %parallel_loop3A_567 = tpu.vector_load_idx %arg10[%parallel_loop3A_310, %parallel_loop3A_566] : memref<64x256xf32, #tpu.memory_space<vmem>>[vector<16xi32>, vector<16xi32>], vector<16xf32>,
          %parallel_loop3A_568 = arith.mulf %parallel_loop3A_357, %parallel_loop3A_567 : vector<16xf32>
          tpu.vector_store_idx %arg12[%parallel_loop3A_310, %parallel_loop3A_563], %parallel_loop3A_568 : memref<64x144xf32, #tpu.memory_space<vmem>>[vector<16xi32>, vector<16xi32>], vector<16xf32>,
          %parallel_loop3A_569 = arith.constant 16 : i32
          %parallel_loop3A_570 = vector.broadcast %parallel_loop3A_569 : i32 to vector<16xi32>
          %parallel_loop3A_571 = arith.addi %parallel_loop3A_570, %parallel_loop3A_560 : vector<16xi32>
          %parallel_loop3A_572 = arith.constant 128 : i32
          %parallel_loop3A_573 = vector.broadcast %parallel_loop3A_572 : i32 to vector<16xi32>
          %parallel_loop3A_574 = arith.addi %parallel_loop3A_573, %parallel_loop3A_571 : vector<16xi32>
          %parallel_loop3A_575 = tpu.vector_load_idx %arg10[%parallel_loop3A_310, %parallel_loop3A_574] : memref<64x256xf32, #tpu.memory_space<vmem>>[vector<16xi32>, vector<16xi32>], vector<16xf32>,
          %parallel_loop3A_576 = arith.mulf %parallel_loop3A_384, %parallel_loop3A_575 : vector<16xf32>
          tpu.vector_store_idx %arg12[%parallel_loop3A_310, %parallel_loop3A_571], %parallel_loop3A_576 : memref<64x144xf32, #tpu.memory_space<vmem>>[vector<16xi32>, vector<16xi32>], vector<16xf32>,
          %parallel_loop3A_577 = arith.constant 32 : i32
          %parallel_loop3A_578 = vector.broadcast %parallel_loop3A_577 : i32 to vector<16xi32>
          %parallel_loop3A_579 = arith.addi %parallel_loop3A_578, %parallel_loop3A_560 : vector<16xi32>
          %parallel_loop3A_580 = arith.constant 128 : i32
          %parallel_loop3A_581 = vector.broadcast %parallel_loop3A_580 : i32 to vector<16xi32>
          %parallel_loop3A_582 = arith.addi %parallel_loop3A_581, %parallel_loop3A_579 : vector<16xi32>
          %parallel_loop3A_583 = tpu.vector_load_idx %arg10[%parallel_loop3A_310, %parallel_loop3A_582] : memref<64x256xf32, #tpu.memory_space<vmem>>[vector<16xi32>, vector<16xi32>], vector<16xf32>,
          %parallel_loop3A_584 = arith.mulf %parallel_loop3A_411, %parallel_loop3A_583 : vector<16xf32>
          tpu.vector_store_idx %arg12[%parallel_loop3A_310, %parallel_loop3A_579], %parallel_loop3A_584 : memref<64x144xf32, #tpu.memory_space<vmem>>[vector<16xi32>, vector<16xi32>], vector<16xf32>,
          %parallel_loop3A_585 = arith.constant 48 : i32
          %parallel_loop3A_586 = vector.broadcast %parallel_loop3A_585 : i32 to vector<16xi32>
          %parallel_loop3A_587 = arith.addi %parallel_loop3A_586, %parallel_loop3A_560 : vector<16xi32>
          %parallel_loop3A_588 = arith.constant 128 : i32
          %parallel_loop3A_589 = vector.broadcast %parallel_loop3A_588 : i32 to vector<16xi32>
          %parallel_loop3A_590 = arith.addi %parallel_loop3A_589, %parallel_loop3A_587 : vector<16xi32>
          %parallel_loop3A_591 = tpu.vector_load_idx %arg10[%parallel_loop3A_310, %parallel_loop3A_590] : memref<64x256xf32, #tpu.memory_space<vmem>>[vector<16xi32>, vector<16xi32>], vector<16xf32>,
          %parallel_loop3A_592 = arith.mulf %parallel_loop3A_438, %parallel_loop3A_591 : vector<16xf32>
          tpu.vector_store_idx %arg12[%parallel_loop3A_310, %parallel_loop3A_587], %parallel_loop3A_592 : memref<64x144xf32, #tpu.memory_space<vmem>>[vector<16xi32>, vector<16xi32>], vector<16xf32>,
          %parallel_loop3A_593 = arith.constant 64 : i32
          %parallel_loop3A_594 = vector.broadcast %parallel_loop3A_593 : i32 to vector<16xi32>
          %parallel_loop3A_595 = arith.addi %parallel_loop3A_594, %parallel_loop3A_560 : vector<16xi32>
          %parallel_loop3A_596 = arith.constant 128 : i32
          %parallel_loop3A_597 = vector.broadcast %parallel_loop3A_596 : i32 to vector<16xi32>
          %parallel_loop3A_598 = arith.addi %parallel_loop3A_597, %parallel_loop3A_595 : vector<16xi32>
          %parallel_loop3A_599 = tpu.vector_load_idx %arg10[%parallel_loop3A_310, %parallel_loop3A_598] : memref<64x256xf32, #tpu.memory_space<vmem>>[vector<16xi32>, vector<16xi32>], vector<16xf32>,
          %parallel_loop3A_600 = arith.mulf %parallel_loop3A_465, %parallel_loop3A_599 : vector<16xf32>
          tpu.vector_store_idx %arg12[%parallel_loop3A_310, %parallel_loop3A_595], %parallel_loop3A_600 : memref<64x144xf32, #tpu.memory_space<vmem>>[vector<16xi32>, vector<16xi32>], vector<16xf32>,
          %parallel_loop3A_601 = arith.constant 80 : i32
          %parallel_loop3A_602 = vector.broadcast %parallel_loop3A_601 : i32 to vector<16xi32>
          %parallel_loop3A_603 = arith.addi %parallel_loop3A_602, %parallel_loop3A_560 : vector<16xi32>
          %parallel_loop3A_604 = arith.constant 128 : i32
          %parallel_loop3A_605 = vector.broadcast %parallel_loop3A_604 : i32 to vector<16xi32>
          %parallel_loop3A_606 = arith.addi %parallel_loop3A_605, %parallel_loop3A_603 : vector<16xi32>
          %parallel_loop3A_607 = tpu.vector_load_idx %arg10[%parallel_loop3A_310, %parallel_loop3A_606] : memref<64x256xf32, #tpu.memory_space<vmem>>[vector<16xi32>, vector<16xi32>], vector<16xf32>,
          %parallel_loop3A_608 = arith.mulf %parallel_loop3A_492, %parallel_loop3A_607 : vector<16xf32>
          tpu.vector_store_idx %arg12[%parallel_loop3A_310, %parallel_loop3A_603], %parallel_loop3A_608 : memref<64x144xf32, #tpu.memory_space<vmem>>[vector<16xi32>, vector<16xi32>], vector<16xf32>,
          %parallel_loop3A_609 = arith.constant 96 : i32
          %parallel_loop3A_610 = vector.broadcast %parallel_loop3A_609 : i32 to vector<16xi32>
          %parallel_loop3A_611 = arith.addi %parallel_loop3A_610, %parallel_loop3A_560 : vector<16xi32>
          %parallel_loop3A_612 = arith.constant 128 : i32
          %parallel_loop3A_613 = vector.broadcast %parallel_loop3A_612 : i32 to vector<16xi32>
          %parallel_loop3A_614 = arith.addi %parallel_loop3A_613, %parallel_loop3A_611 : vector<16xi32>
          %parallel_loop3A_615 = tpu.vector_load_idx %arg10[%parallel_loop3A_310, %parallel_loop3A_614] : memref<64x256xf32, #tpu.memory_space<vmem>>[vector<16xi32>, vector<16xi32>], vector<16xf32>,
          %parallel_loop3A_616 = arith.mulf %parallel_loop3A_519, %parallel_loop3A_615 : vector<16xf32>
          tpu.vector_store_idx %arg12[%parallel_loop3A_310, %parallel_loop3A_611], %parallel_loop3A_616 : memref<64x144xf32, #tpu.memory_space<vmem>>[vector<16xi32>, vector<16xi32>], vector<16xf32>,
          %parallel_loop3A_617 = arith.constant 112 : i32
          %parallel_loop3A_618 = vector.broadcast %parallel_loop3A_617 : i32 to vector<16xi32>
          %parallel_loop3A_619 = arith.addi %parallel_loop3A_618, %parallel_loop3A_560 : vector<16xi32>
          %parallel_loop3A_620 = arith.constant 128 : i32
          %parallel_loop3A_621 = vector.broadcast %parallel_loop3A_620 : i32 to vector<16xi32>
          %parallel_loop3A_622 = arith.addi %parallel_loop3A_621, %parallel_loop3A_619 : vector<16xi32>
          %parallel_loop3A_623 = tpu.vector_load_idx %arg10[%parallel_loop3A_310, %parallel_loop3A_622] : memref<64x256xf32, #tpu.memory_space<vmem>>[vector<16xi32>, vector<16xi32>], vector<16xf32>,
          %parallel_loop3A_624 = arith.mulf %parallel_loop3A_546, %parallel_loop3A_623 : vector<16xf32>
          tpu.vector_store_idx %arg12[%parallel_loop3A_310, %parallel_loop3A_619], %parallel_loop3A_624 : memref<64x144xf32, #tpu.memory_space<vmem>>[vector<16xi32>, vector<16xi32>], vector<16xf32>,
        }
        %parallel_loop3A_554 = arith.constant 16 : i32
      } {sc.loop_unroll_factor = 1 : i64, sc.parallel_access}
      %run_scoped3A_303 = arith.constant 1 : i32
      %run_scoped3A_304 = arith.constant 1 : i32
      "tpu.region"() ({
        %run_scoped3A_306 = tpu.sem_alloc : memref<!tpu.dma_semaphore, #tpu.memory_space<semaphore_mem>>
        %dma_start3A_307 = arith.constant 0 : i32
        %dma_start3A_308 = tpu.memref_slice %arg8[%run_scoped3A_303, %run_scoped3A_304, %dma_start3A_307] : memref<2x2x64xi32, #tpu.memory_space<vmem>> -> memref<1x1x64xi32, #tpu.memory_space<vmem>>
        %dma_start3A_309 = tpu.memref_squeeze %dma_start3A_308 : memref<1x1x64xi32, #tpu.memory_space<vmem>> -> memref<64xi32, #tpu.memory_space<vmem>>
        %dma_start3A_310 = arith.constant 0 : i32
        %dma_start3A_311 = arith.constant 0 : i32
        %dma_start3A_312 = tpu.memref_slice %arg13[%dma_start3A_310, %dma_start3A_311] : memref<10000x144xf32, #tpu.memory_space<vmem_shared>> -> memref<10000x144xf32, #tpu.memory_space<vmem_shared>>
        tpu.enqueue_indirect_dma source(%arg12 : memref<64x144xf32, #tpu.memory_space<vmem>>) target(%dma_start3A_312 : memref<10000x144xf32, #tpu.memory_space<vmem_shared>>) offsets(%dma_start3A_309 : memref<64xi32, #tpu.memory_space<vmem>>) semaphore(%run_scoped3A_306 : memref<!tpu.dma_semaphore, #tpu.memory_space<semaphore_mem>>) {add = true}
        %dma_wait3A_313 = arith.constant 0 : i32
        %dma_wait3A_314 = tpu.memref_slice %arg8[%run_scoped3A_303, %run_scoped3A_304, %dma_wait3A_313] : memref<2x2x64xi32, #tpu.memory_space<vmem>> -> memref<1x1x64xi32, #tpu.memory_space<vmem>>
        %dma_wait3A_315 = tpu.memref_squeeze %dma_wait3A_314 : memref<1x1x64xi32, #tpu.memory_space<vmem>> -> memref<64xi32, #tpu.memory_space<vmem>>
        %dma_wait3A_316 = arith.constant 0 : i32
        %dma_wait3A_317 = arith.constant 0 : i32
        %dma_wait3A_318 = tpu.memref_slice %arg13[%dma_wait3A_316, %dma_wait3A_317] : memref<10000x144xf32, #tpu.memory_space<vmem_shared>> -> memref<10000x144xf32, #tpu.memory_space<vmem_shared>>
        tpu.wait_indirect_dma semaphore(%run_scoped3A_306 : memref<!tpu.dma_semaphore, #tpu.memory_space<semaphore_mem>>) src(%arg12 : memref<64x144xf32, #tpu.memory_space<vmem>>) dst(%dma_wait3A_318 : memref<10000x144xf32, #tpu.memory_space<vmem_shared>>)
        tpu.yield
      }) : () -> ()
      %scan3A_305 = arith.constant 0 : i32
      scf.yield %scan3A_305 : i32
    }
    %scan3A_47 = arith.constant 79 : i32
    %dma_wait3A = arith.constant 0 : i32
    %dma_wait3A_48 = arith.constant 0 : i32
    %dma_wait3A_49 = arith.constant 0 : i32
    %dma_wait3A_50 = tpu.memref_slice %arg8[%dma_wait3A, %dma_wait3A_48, %dma_wait3A_49] : memref<2x2x64xi32, #tpu.memory_space<vmem>> -> memref<1x2x64xi32, #tpu.memory_space<vmem>>
    %dma_wait3A_51 = tpu.memref_squeeze %dma_wait3A_50 : memref<1x2x64xi32, #tpu.memory_space<vmem>> -> memref<2x64xi32, #tpu.memory_space<vmem>>
    %dma_wait3A_52 = arith.constant 0 : i32
    %dma_wait3A_53 = arith.constant 0 : i32
    %dma_wait3A_54 = tpu.memref_slice %arg5[%dma_wait3A_52, %dma_wait3A_53] : memref<2x320000xi32, #tpu.memory_space<hbm>> -> memref<2x64xi32, #tpu.memory_space<hbm>>
    %dma_wait3A_55 = arith.constant 0 : i32
    %dma_wait3A_56 = arith.constant 0 : i32
    %dma_wait3A_57 = tpu.memref_slice %arg8[%dma_wait3A, %dma_wait3A_55, %dma_wait3A_56] : memref<2x2x64xi32, #tpu.memory_space<vmem>> -> memref<1x2x64xi32, #tpu.memory_space<vmem>>
    %dma_wait3A_58 = tpu.memref_squeeze %dma_wait3A_57 : memref<1x2x64xi32, #tpu.memory_space<vmem>> -> memref<2x64xi32, #tpu.memory_space<vmem>>
    %dma_wait3A_59 = arith.constant 0 : i32
    %dma_wait3A_60 = arith.constant 0 : i32
    %dma_wait3A_61 = tpu.memref_slice %arg5[%dma_wait3A_59, %dma_wait3A_60] : memref<2x320000xi32, #tpu.memory_space<hbm>> -> memref<2x64xi32, #tpu.memory_space<hbm>>
    tpu.wait_dma2 semaphore(%arg16 : memref<!tpu.dma_semaphore, #tpu.memory_space<semaphore_mem>>) src(%dma_wait3A_61 : memref<2x64xi32, #tpu.memory_space<hbm>>) dst(%dma_wait3A_58 : memref<2x64xi32, #tpu.memory_space<vmem>>)
    %dma_wait3A_62 = arith.constant 0 : i32
    %dma_wait3A_63 = arith.constant 0 : i32
    %dma_wait3A_64 = arith.constant 0 : i32
    %dma_wait3A_65 = tpu.memref_slice %arg9[%dma_wait3A_62, %dma_wait3A_63, %dma_wait3A_64] : memref<2x64x17xf32, #tpu.memory_space<vmem>> -> memref<1x64x16xf32, #tpu.memory_space<vmem>>
    %dma_wait3A_66 = tpu.memref_squeeze %dma_wait3A_65 : memref<1x64x16xf32, #tpu.memory_space<vmem>> -> memref<64x16xf32, #tpu.memory_space<vmem>>
    %dma_wait3A_67 = arith.constant 0 : i32
    %dma_wait3A_68 = arith.constant 0 : i32
    %dma_wait3A_69 = tpu.memref_slice %arg4[%dma_wait3A_67, %dma_wait3A_68] : memref<320000x16xf32, #tpu.memory_space<hbm>> -> memref<64x16xf32, #tpu.memory_space<hbm>>
    %dma_wait3A_70 = arith.constant 0 : i32
    %dma_wait3A_71 = arith.constant 0 : i32
    %dma_wait3A_72 = tpu.memref_slice %arg9[%dma_wait3A_62, %dma_wait3A_70, %dma_wait3A_71] : memref<2x64x17xf32, #tpu.memory_space<vmem>> -> memref<1x64x16xf32, #tpu.memory_space<vmem>>
    %dma_wait3A_73 = tpu.memref_squeeze %dma_wait3A_72 : memref<1x64x16xf32, #tpu.memory_space<vmem>> -> memref<64x16xf32, #tpu.memory_space<vmem>>
    %dma_wait3A_74 = arith.constant 0 : i32
    %dma_wait3A_75 = arith.constant 0 : i32
    %dma_wait3A_76 = tpu.memref_slice %arg4[%dma_wait3A_74, %dma_wait3A_75] : memref<320000x16xf32, #tpu.memory_space<hbm>> -> memref<64x16xf32, #tpu.memory_space<hbm>>
    tpu.wait_dma2 semaphore(%arg17 : memref<!tpu.dma_semaphore, #tpu.memory_space<semaphore_mem>>) src(%dma_wait3A_76 : memref<64x16xf32, #tpu.memory_space<hbm>>) dst(%dma_wait3A_73 : memref<64x16xf32, #tpu.memory_space<vmem>>)
    %barrier3A_77 = arith.constant 0 : index
    tpu.barrier barrier_id(%barrier3A_77)
    "tpu.region"() ({
      %run_scoped3A = tpu.sem_alloc : memref<!tpu.dma_semaphore, #tpu.memory_space<semaphore_mem>>
      %dma_start3A_83 = arith.constant 0 : i32
      %dma_start3A_84 = tpu.memref_slice %arg7[%arg0, %mul3A_2, %dma_start3A_83] : memref<2x10000x144xf32, #tpu.memory_space<hbm>> -> memref<1x624x144xf32, #tpu.memory_space<hbm>>
      %dma_start3A_85 = tpu.memref_squeeze %dma_start3A_84 : memref<1x624x144xf32, #tpu.memory_space<hbm>> -> memref<624x144xf32, #tpu.memory_space<hbm>>
      %dma_start3A_86 = arith.constant 0 : i32
      %dma_start3A_87 = tpu.memref_slice %arg13[%mul3A_2, %dma_start3A_86] : memref<10000x144xf32, #tpu.memory_space<vmem_shared>> -> memref<624x144xf32, #tpu.memory_space<vmem_shared>>
      tpu.enqueue_dma source(%dma_start3A_87 : memref<624x144xf32, #tpu.memory_space<vmem_shared>>) target(%dma_start3A_85 : memref<624x144xf32, #tpu.memory_space<hbm>>) target_semaphore(%run_scoped3A : memref<!tpu.dma_semaphore, #tpu.memory_space<semaphore_mem>>)
      %dma_wait3A_88 = arith.constant 0 : i32
      %dma_wait3A_89 = tpu.memref_slice %arg7[%arg0, %mul3A_2, %dma_wait3A_88] : memref<2x10000x144xf32, #tpu.memory_space<hbm>> -> memref<1x624x144xf32, #tpu.memory_space<hbm>>
      %dma_wait3A_90 = tpu.memref_squeeze %dma_wait3A_89 : memref<1x624x144xf32, #tpu.memory_space<hbm>> -> memref<624x144xf32, #tpu.memory_space<hbm>>
      %dma_wait3A_91 = arith.constant 0 : i32
      %dma_wait3A_92 = tpu.memref_slice %arg13[%mul3A_2, %dma_wait3A_91] : memref<10000x144xf32, #tpu.memory_space<vmem_shared>> -> memref<624x144xf32, #tpu.memory_space<vmem_shared>>
      tpu.wait_dma2 semaphore(%run_scoped3A : memref<!tpu.dma_semaphore, #tpu.memory_space<semaphore_mem>>) src(%dma_wait3A_92 : memref<624x144xf32, #tpu.memory_space<vmem_shared>>) dst(%dma_wait3A_90 : memref<624x144xf32, #tpu.memory_space<hbm>>)
      tpu.yield
    }) : () -> ()
    %eq3A_78 = arith.constant 15 : i32
    %eq3A_79 = arith.cmpi eq, %arg1, %eq3A_78 : i32
    %convert_element_type3A_80 = arith.extui %eq3A_79 : i1 to i32
    %cond3A_81 = arith.constant 0 : i32
    %cond3A_82 = arith.cmpi ne, %convert_element_type3A_80, %cond3A_81 : i32
    scf.if %cond3A_82 {
      "tpu.region"() ({
        %run_scoped3A = tpu.sem_alloc : memref<!tpu.dma_semaphore, #tpu.memory_space<semaphore_mem>>
        %dma_start3A_83 = arith.constant 9984 : i32
        %dma_start3A_84 = arith.constant 0 : i32
        %dma_start3A_85 = tpu.memref_slice %arg7[%arg0, %dma_start3A_83, %dma_start3A_84] : memref<2x10000x144xf32, #tpu.memory_space<hbm>> -> memref<1x16x144xf32, #tpu.memory_space<hbm>>
        %dma_start3A_86 = tpu.memref_squeeze %dma_start3A_85 : memref<1x16x144xf32, #tpu.memory_space<hbm>> -> memref<16x144xf32, #tpu.memory_space<hbm>>
        %dma_start3A_87 = arith.constant 9984 : i32
        %dma_start3A_88 = arith.constant 0 : i32
        %dma_start3A_89 = tpu.memref_slice %arg13[%dma_start3A_87, %dma_start3A_88] : memref<10000x144xf32, #tpu.memory_space<vmem_shared>> -> memref<16x144xf32, #tpu.memory_space<vmem_shared>>
        tpu.enqueue_dma source(%dma_start3A_89 : memref<16x144xf32, #tpu.memory_space<vmem_shared>>) target(%dma_start3A_86 : memref<16x144xf32, #tpu.memory_space<hbm>>) target_semaphore(%run_scoped3A : memref<!tpu.dma_semaphore, #tpu.memory_space<semaphore_mem>>)
        %dma_wait3A_90 = arith.constant 9984 : i32
        %dma_wait3A_91 = arith.constant 0 : i32
        %dma_wait3A_92 = tpu.memref_slice %arg7[%arg0, %dma_wait3A_90, %dma_wait3A_91] : memref<2x10000x144xf32, #tpu.memory_space<hbm>> -> memref<1x16x144xf32, #tpu.memory_space<hbm>>
        %dma_wait3A_93 = tpu.memref_squeeze %dma_wait3A_92 : memref<1x16x144xf32, #tpu.memory_space<hbm>> -> memref<16x144xf32, #tpu.memory_space<hbm>>
        %dma_wait3A_94 = arith.constant 9984 : i32
        %dma_wait3A_95 = arith.constant 0 : i32
        %dma_wait3A_96 = tpu.memref_slice %arg13[%dma_wait3A_94, %dma_wait3A_95] : memref<10000x144xf32, #tpu.memory_space<vmem_shared>> -> memref<16x144xf32, #tpu.memory_space<vmem_shared>>
        tpu.wait_dma2 semaphore(%run_scoped3A : memref<!tpu.dma_semaphore, #tpu.memory_space<semaphore_mem>>) src(%dma_wait3A_96 : memref<16x144xf32, #tpu.memory_space<vmem_shared>>) dst(%dma_wait3A_93 : memref<16x144xf32, #tpu.memory_space<hbm>>)
        tpu.yield
      }) : () -> ()
    } else {
    }
    return
  }
}

#map = affine_map<(d0, d1) -> (0, 0)>
#map1 = affine_map<(d0, d1) -> (0, 0, 0)>
module attributes {stable_mosaic.version = 14 : i64} {
  func.func @body(%arg0: i32, %arg1: i32, %arg2: memref<10000x256xf32, #tpu.memory_space<hbm>>, %arg3: memref<10000x128xf32, #tpu.memory_space<hbm>>, %arg4: memref<320000x16xf32, #tpu.memory_space<hbm>>, %arg5: memref<2x320000xi32, #tpu.memory_space<hbm>>, %arg6: memref<624x144xf32, #tpu.memory_space<hbm>>, %arg7: memref<2x10000x144xf32, #tpu.memory_space<hbm>>, %arg8: memref<2x2x64xi32, #tpu.memory_space<vmem>>, %arg9: memref<2x64x17xf32, #tpu.memory_space<vmem>>, %arg10: memref<64x256xf32, #tpu.memory_space<vmem>>, %arg11: memref<64x128xf32, #tpu.memory_space<vmem>>, %arg12: memref<64x144xf32, #tpu.memory_space<vmem>>, %arg13: memref<10000x144xf32, #tpu.memory_space<vmem_shared>>, %arg14: memref<!tpu.dma_semaphore, #tpu.memory_space<semaphore_mem>>, %arg15: memref<!tpu.dma_semaphore, #tpu.memory_space<semaphore_mem>>, %arg16: memref<!tpu.dma_semaphore, #tpu.memory_space<semaphore_mem>>, %arg17: memref<!tpu.dma_semaphore, #tpu.memory_space<semaphore_mem>>) attributes {dimension_semantics = [#tpu.dimension_semantics<core_parallel>, #tpu.dimension_semantics<subcore_parallel>], iteration_bounds = array<i64: 2, 16>, scalar_prefetch = 0 : i64, scratch_operands = 10 : i64, tpu.core_type = #tpu.core_type<sc_vector_subcore>, window_params = [{transform_indices = #map}, {transform_indices = #map}, {transform_indices = #map}, {transform_indices = #map}, {transform_indices = #map}, {transform_indices = #map1}]} {
    %mul3A = arith.constant 2 : i32
    %mul3A_0 = arith.muli %arg1, %mul3A : i32
    %add3A = arith.addi %mul3A_0, %arg0 : i32
    %mul3A_1 = arith.constant 624 : i32
    %mul3A_2 = arith.muli %arg1, %mul3A_1 : i32
    "tpu.region"() ({
      %run_scoped3A = tpu.sem_alloc : memref<!tpu.dma_semaphore, #tpu.memory_space<semaphore_mem>>
      %dma_start3A_83 = arith.constant 0 : i32
      %dma_start3A_84 = tpu.memref_slice %arg13[%mul3A_2, %dma_start3A_83] : memref<10000x144xf32, #tpu.memory_space<vmem_shared>> -> memref<624x144xf32, #tpu.memory_space<vmem_shared>>
      tpu.enqueue_dma source(%arg6 : memref<624x144xf32, #tpu.memory_space<hbm>>) target(%dma_start3A_84 : memref<624x144xf32, #tpu.memory_space<vmem_shared>>) target_semaphore(%run_scoped3A : memref<!tpu.dma_semaphore, #tpu.memory_space<semaphore_mem>>)
      %dma_wait3A_85 = arith.constant 0 : i32
      %dma_wait3A_86 = tpu.memref_slice %arg13[%mul3A_2, %dma_wait3A_85] : memref<10000x144xf32, #tpu.memory_space<vmem_shared>> -> memref<624x144xf32, #tpu.memory_space<vmem_shared>>
      tpu.wait_dma2 semaphore(%run_scoped3A : memref<!tpu.dma_semaphore, #tpu.memory_space<semaphore_mem>>) src(%arg6 : memref<624x144xf32, #tpu.memory_space<hbm>>) dst(%dma_wait3A_86 : memref<624x144xf32, #tpu.memory_space<vmem_shared>>)
      tpu.yield
    }) : () -> ()
    %eq3A = arith.constant 15 : i32
    %eq3A_3 = arith.cmpi eq, %arg1, %eq3A : i32
    %convert_element_type3A = arith.extui %eq3A_3 : i1 to i32
    %cond3A = arith.constant 0 : i32
    %cond3A_4 = arith.cmpi ne, %convert_element_type3A, %cond3A : i32
    scf.if %cond3A_4 {
      "tpu.region"() ({
        %run_scoped3A = tpu.sem_alloc : memref<!tpu.dma_semaphore, #tpu.memory_space<semaphore_mem>>
        %dma_start3A_83 = arith.constant 9984 : i32
        %dma_start3A_84 = arith.constant 0 : i32
        %dma_start3A_85 = tpu.memref_slice %arg13[%dma_start3A_83, %dma_start3A_84] : memref<10000x144xf32, #tpu.memory_space<vmem_shared>> -> memref<16x144xf32, #tpu.memory_space<vmem_shared>>
        %dma_start3A_86 = arith.constant 0 : i32
        %dma_start3A_87 = arith.constant 0 : i32
        %dma_start3A_88 = tpu.memref_slice %arg6[%dma_start3A_86, %dma_start3A_87] : memref<624x144xf32, #tpu.memory_space<hbm>> -> memref<16x144xf32, #tpu.memory_space<hbm>>
        tpu.enqueue_dma source(%dma_start3A_88 : memref<16x144xf32, #tpu.memory_space<hbm>>) target(%dma_start3A_85 : memref<16x144xf32, #tpu.memory_space<vmem_shared>>) target_semaphore(%run_scoped3A : memref<!tpu.dma_semaphore, #tpu.memory_space<semaphore_mem>>)
        %dma_wait3A_89 = arith.constant 9984 : i32
        %dma_wait3A_90 = arith.constant 0 : i32
        %dma_wait3A_91 = tpu.memref_slice %arg13[%dma_wait3A_89, %dma_wait3A_90] : memref<10000x144xf32, #tpu.memory_space<vmem_shared>> -> memref<16x144xf32, #tpu.memory_space<vmem_shared>>
        %dma_wait3A_92 = arith.constant 0 : i32
        %dma_wait3A_93 = arith.constant 0 : i32
        %dma_wait3A_94 = tpu.memref_slice %arg6[%dma_wait3A_92, %dma_wait3A_93] : memref<624x144xf32, #tpu.memory_space<hbm>> -> memref<16x144xf32, #tpu.memory_space<hbm>>
        tpu.wait_dma2 semaphore(%run_scoped3A : memref<!tpu.dma_semaphore, #tpu.memory_space<semaphore_mem>>) src(%dma_wait3A_94 : memref<16x144xf32, #tpu.memory_space<hbm>>) dst(%dma_wait3A_91 : memref<16x144xf32, #tpu.memory_space<vmem_shared>>)
        tpu.yield
      }) : () -> ()
    } else {
    }
    %scan3A = arith.constant 0 : i32
    %scan3A_5 = arith.constant 0 : i32
    %scan3A_6 = arith.constant 64 : i32
    %scan3A_7 = arith.addi %scan3A_5, %scan3A_6 : i32
    %scan3A_8 = arith.constant 1 : i32
    %scan3A_9 = scf.for %scan3A_83 = %scan3A_5 to %scan3A_7 step %scan3A_8 iter_args(%scan3A_84 = %scan3A) -> (i32)  : i32 {
      %broadcast_in_dim3A = arith.constant 0.000000e+00 : f32
      %broadcast_in_dim3A_85 = vector.broadcast %broadcast_in_dim3A : f32 to vector<16xf32>
      %swap3A = arith.index_cast %scan3A_83 : i32 to index
      %swap3A_86 = arith.constant 128 : index
      %swap3A_87 = tpu.vector_load %arg12[%swap3A, %swap3A_86] {strides = array<i32>} : memref<64x144xf32, #tpu.memory_space<vmem>>, vector<16xf32>,
      tpu.vector_store %arg12[%swap3A, %swap3A_86], %broadcast_in_dim3A_85 {strides = array<i32>} : memref<64x144xf32, #tpu.memory_space<vmem>>, vector<16xf32>,
      %scan3A_88 = arith.constant 0 : i32
      scf.yield %scan3A_88 : i32
    }
    %scan3A_10 = arith.constant 64 : i32
    %barrier3A = arith.constant 0 : index
    tpu.barrier barrier_id(%barrier3A)
    %iota3A = tpu.iota {dimensions = array<i32: 0>} : vector<16xi32>
    %mul3A_11 = arith.constant 10000 : i32
    %mul3A_12 = arith.muli %add3A, %mul3A_11 : i32
    %min3A = arith.constant 0 : i32
    %min3A_13 = arith.constant 9936 : i32
    %min3A_14 = arith.minsi %min3A, %min3A_13 : i32
    %add3A_15 = arith.addi %mul3A_12, %min3A_14 : i32
    %dma_start3A = arith.constant 0 : i32
    %dma_start3A_16 = arith.constant 0 : i32
    %dma_start3A_17 = arith.constant 0 : i32
    %dma_start3A_18 = tpu.memref_slice %arg8[%dma_start3A, %dma_start3A_16, %dma_start3A_17] : memref<2x2x64xi32, #tpu.memory_space<vmem>> -> memref<1x2x64xi32, #tpu.memory_space<vmem>>
    %dma_start3A_19 = tpu.memref_squeeze %dma_start3A_18 : memref<1x2x64xi32, #tpu.memory_space<vmem>> -> memref<2x64xi32, #tpu.memory_space<vmem>>
    %dma_start3A_20 = arith.constant 0 : i32
    %dma_start3A_21 = tpu.memref_slice %arg5[%dma_start3A_20, %add3A_15] : memref<2x320000xi32, #tpu.memory_space<hbm>> -> memref<2x64xi32, #tpu.memory_space<hbm>>
    %dma_start3A_22 = arith.constant 0 : i32
    %dma_start3A_23 = arith.constant 0 : i32
    %dma_start3A_24 = tpu.memref_slice %arg8[%dma_start3A, %dma_start3A_22, %dma_start3A_23] : memref<2x2x64xi32, #tpu.memory_space<vmem>> -> memref<1x2x64xi32, #tpu.memory_space<vmem>>
    %dma_start3A_25 = tpu.memref_squeeze %dma_start3A_24 : memref<1x2x64xi32, #tpu.memory_space<vmem>> -> memref<2x64xi32, #tpu.memory_space<vmem>>
    %dma_start3A_26 = arith.constant 0 : i32
    %dma_start3A_27 = tpu.memref_slice %arg5[%dma_start3A_26, %add3A_15] : memref<2x320000xi32, #tpu.memory_space<hbm>> -> memref<2x64xi32, #tpu.memory_space<hbm>>
    tpu.enqueue_dma source(%dma_start3A_27 : memref<2x64xi32, #tpu.memory_space<hbm>>) target(%dma_start3A_25 : memref<2x64xi32, #tpu.memory_space<vmem>>) target_semaphore(%arg16 : memref<!tpu.dma_semaphore, #tpu.memory_space<semaphore_mem>>)
    %dma_start3A_28 = arith.constant 0 : i32
    %dma_start3A_29 = arith.constant 0 : i32
    %dma_start3A_30 = arith.constant 0 : i32
    %dma_start3A_31 = tpu.memref_slice %arg9[%dma_start3A_28, %dma_start3A_29, %dma_start3A_30] : memref<2x64x17xf32, #tpu.memory_space<vmem>> -> memref<1x64x16xf32, #tpu.memory_space<vmem>>
    %dma_start3A_32 = tpu.memref_squeeze %dma_start3A_31 : memref<1x64x16xf32, #tpu.memory_space<vmem>> -> memref<64x16xf32, #tpu.memory_space<vmem>>
    %dma_start3A_33 = arith.constant 0 : i32
    %dma_start3A_34 = tpu.memref_slice %arg4[%add3A_15, %dma_start3A_33] : memref<320000x16xf32, #tpu.memory_space<hbm>> -> memref<64x16xf32, #tpu.memory_space<hbm>>
    %dma_start3A_35 = arith.constant 0 : i32
    %dma_start3A_36 = arith.constant 0 : i32
    %dma_start3A_37 = tpu.memref_slice %arg9[%dma_start3A_28, %dma_start3A_35, %dma_start3A_36] : memref<2x64x17xf32, #tpu.memory_space<vmem>> -> memref<1x64x16xf32, #tpu.memory_space<vmem>>
    %dma_start3A_38 = tpu.memref_squeeze %dma_start3A_37 : memref<1x64x16xf32, #tpu.memory_space<vmem>> -> memref<64x16xf32, #tpu.memory_space<vmem>>
    %dma_start3A_39 = arith.constant 0 : i32
    %dma_start3A_40 = tpu.memref_slice %arg4[%add3A_15, %dma_start3A_39] : memref<320000x16xf32, #tpu.memory_space<hbm>> -> memref<64x16xf32, #tpu.memory_space<hbm>>
    tpu.enqueue_dma source(%dma_start3A_40 : memref<64x16xf32, #tpu.memory_space<hbm>>) target(%dma_start3A_38 : memref<64x16xf32, #tpu.memory_space<vmem>>) target_semaphore(%arg17 : memref<!tpu.dma_semaphore, #tpu.memory_space<semaphore_mem>>)
    %scan3A_41 = arith.constant 0 : i32
    %scan3A_42 = arith.constant 0 : i32
    %scan3A_43 = arith.constant 79 : i32
    %scan3A_44 = arith.addi %scan3A_42, %scan3A_43 : i32
    %scan3A_45 = arith.constant 1 : i32
    %scan3A_46 = scf.for %scan3A_83 = %scan3A_42 to %scan3A_44 step %scan3A_45 iter_args(%scan3A_84 = %scan3A_41) -> (i32)  : i32 {
      %mul3A_85 = arith.constant 2 : i32
      %mul3A_86 = arith.muli %mul3A_85, %scan3A_83 : i32
      %dma_wait3A_87 = arith.constant 0 : i32
      %dma_wait3A_88 = arith.constant 0 : i32
      %dma_wait3A_89 = arith.constant 0 : i32
      %dma_wait3A_90 = tpu.memref_slice %arg8[%dma_wait3A_87, %dma_wait3A_88, %dma_wait3A_89] : memref<2x2x64xi32, #tpu.memory_space<vmem>> -> memref<1x2x64xi32, #tpu.memory_space<vmem>>
      %dma_wait3A_91 = tpu.memref_squeeze %dma_wait3A_90 : memref<1x2x64xi32, #tpu.memory_space<vmem>> -> memref<2x64xi32, #tpu.memory_space<vmem>>
      %dma_wait3A_92 = arith.constant 0 : i32
      %dma_wait3A_93 = arith.constant 0 : i32
      %dma_wait3A_94 = tpu.memref_slice %arg5[%dma_wait3A_92, %dma_wait3A_93] : memref<2x320000xi32, #tpu.memory_space<hbm>> -> memref<2x64xi32, #tpu.memory_space<hbm>>
      %dma_wait3A_95 = arith.constant 0 : i32
      %dma_wait3A_96 = arith.constant 0 : i32
      %dma_wait3A_97 = tpu.memref_slice %arg8[%dma_wait3A_87, %dma_wait3A_95, %dma_wait3A_96] : memref<2x2x64xi32, #tpu.memory_space<vmem>> -> memref<1x2x64xi32, #tpu.memory_space<vmem>>
      %dma_wait3A_98 = tpu.memref_squeeze %dma_wait3A_97 : memref<1x2x64xi32, #tpu.memory_space<vmem>> -> memref<2x64xi32, #tpu.memory_space<vmem>>
      %dma_wait3A_99 = arith.constant 0 : i32
      %dma_wait3A_100 = arith.constant 0 : i32
      %dma_wait3A_101 = tpu.memref_slice %arg5[%dma_wait3A_99, %dma_wait3A_100] : memref<2x320000xi32, #tpu.memory_space<hbm>> -> memref<2x64xi32, #tpu.memory_space<hbm>>
      tpu.wait_dma2 semaphore(%arg16 : memref<!tpu.dma_semaphore, #tpu.memory_space<semaphore_mem>>) src(%dma_wait3A_101 : memref<2x64xi32, #tpu.memory_space<hbm>>) dst(%dma_wait3A_98 : memref<2x64xi32, #tpu.memory_space<vmem>>)
      %dma_wait3A_102 = arith.constant 0 : i32
      %dma_wait3A_103 = arith.constant 0 : i32
      %dma_wait3A_104 = arith.constant 0 : i32
      %dma_wait3A_105 = tpu.memref_slice %arg9[%dma_wait3A_102, %dma_wait3A_103, %dma_wait3A_104] : memref<2x64x17xf32, #tpu.memory_space<vmem>> -> memref<1x64x16xf32, #tpu.memory_space<vmem>>
      %dma_wait3A_106 = tpu.memref_squeeze %dma_wait3A_105 : memref<1x64x16xf32, #tpu.memory_space<vmem>> -> memref<64x16xf32, #tpu.memory_space<vmem>>
      %dma_wait3A_107 = arith.constant 0 : i32
      %dma_wait3A_108 = arith.constant 0 : i32
      %dma_wait3A_109 = tpu.memref_slice %arg4[%dma_wait3A_107, %dma_wait3A_108] : memref<320000x16xf32, #tpu.memory_space<hbm>> -> memref<64x16xf32, #tpu.memory_space<hbm>>
      %dma_wait3A_110 = arith.constant 0 : i32
      %dma_wait3A_111 = arith.constant 0 : i32
      %dma_wait3A_112 = tpu.memref_slice %arg9[%dma_wait3A_102, %dma_wait3A_110, %dma_wait3A_111] : memref<2x64x17xf32, #tpu.memory_space<vmem>> -> memref<1x64x16xf32, #tpu.memory_space<vmem>>
      %dma_wait3A_113 = tpu.memref_squeeze %dma_wait3A_112 : memref<1x64x16xf32, #tpu.memory_space<vmem>> -> memref<64x16xf32, #tpu.memory_space<vmem>>
      %dma_wait3A_114 = arith.constant 0 : i32
      %dma_wait3A_115 = arith.constant 0 : i32
      %dma_wait3A_116 = tpu.memref_slice %arg4[%dma_wait3A_114, %dma_wait3A_115] : memref<320000x16xf32, #tpu.memory_space<hbm>> -> memref<64x16xf32, #tpu.memory_space<hbm>>
      tpu.wait_dma2 semaphore(%arg17 : memref<!tpu.dma_semaphore, #tpu.memory_space<semaphore_mem>>) src(%dma_wait3A_116 : memref<64x16xf32, #tpu.memory_space<hbm>>) dst(%dma_wait3A_113 : memref<64x16xf32, #tpu.memory_space<vmem>>)
      %dma_start3A_117 = arith.constant 0 : i32
      %dma_start3A_118 = arith.constant 0 : i32
      %dma_start3A_119 = arith.constant 0 : i32
      %dma_start3A_120 = tpu.memref_slice %arg8[%dma_start3A_117, %dma_start3A_118, %dma_start3A_119] : memref<2x2x64xi32, #tpu.memory_space<vmem>> -> memref<1x1x64xi32, #tpu.memory_space<vmem>>
      %dma_start3A_121 = tpu.memref_squeeze %dma_start3A_120 : memref<1x1x64xi32, #tpu.memory_space<vmem>> -> memref<64xi32, #tpu.memory_space<vmem>>
      %dma_start3A_122 = arith.constant 0 : i32
      %dma_start3A_123 = arith.constant 0 : i32
      %dma_start3A_124 = tpu.memref_slice %arg2[%dma_start3A_122, %dma_start3A_123] : memref<10000x256xf32, #tpu.memory_space<hbm>> -> memref<10000x256xf32, #tpu.memory_space<hbm>>
      tpu.enqueue_indirect_dma source(%dma_start3A_124 : memref<10000x256xf32, #tpu.memory_space<hbm>>) target(%arg10 : memref<64x256xf32, #tpu.memory_space<vmem>>) offsets(%dma_start3A_121 : memref<64xi32, #tpu.memory_space<vmem>>) semaphore(%arg14 : memref<!tpu.dma_semaphore, #tpu.memory_space<semaphore_mem>>)
      %dma_start3A_125 = arith.constant 0 : i32
      %dma_start3A_126 = arith.constant 1 : i32
      %dma_start3A_127 = arith.constant 0 : i32
      %dma_start3A_128 = tpu.memref_slice %arg8[%dma_start3A_125, %dma_start3A_126, %dma_start3A_127] : memref<2x2x64xi32, #tpu.memory_space<vmem>> -> memref<1x1x64xi32, #tpu.memory_space<vmem>>
      %dma_start3A_129 = tpu.memref_squeeze %dma_start3A_128 : memref<1x1x64xi32, #tpu.memory_space<vmem>> -> memref<64xi32, #tpu.memory_space<vmem>>
      %dma_start3A_130 = arith.constant 0 : i32
      %dma_start3A_131 = arith.constant 0 : i32
      %dma_start3A_132 = tpu.memref_slice %arg3[%dma_start3A_130, %dma_start3A_131] : memref<10000x128xf32, #tpu.memory_space<hbm>> -> memref<10000x128xf32, #tpu.memory_space<hbm>>
      tpu.enqueue_indirect_dma source(%dma_start3A_132 : memref<10000x128xf32, #tpu.memory_space<hbm>>) target(%arg11 : memref<64x128xf32, #tpu.memory_space<vmem>>) offsets(%dma_start3A_129 : memref<64xi32, #tpu.memory_space<vmem>>) semaphore(%arg15 : memref<!tpu.dma_semaphore, #tpu.memory_space<semaphore_mem>>)
      %add3A_133 = arith.constant 1 : i32
      %add3A_134 = arith.addi %mul3A_86, %add3A_133 : i32
      %mul3A_135 = arith.constant 64 : i32
      %mul3A_136 = arith.muli %add3A_134, %mul3A_135 : i32
      %min3A_137 = arith.constant 9936 : i32
      %min3A_138 = arith.minsi %mul3A_136, %min3A_137 : i32
      %add3A_139 = arith.addi %mul3A_12, %min3A_138 : i32
      %dma_start3A_140 = arith.constant 1 : i32
      %dma_start3A_141 = arith.constant 0 : i32
      %dma_start3A_142 = arith.constant 0 : i32
      %dma_start3A_143 = tpu.memref_slice %arg8[%dma_start3A_140, %dma_start3A_141, %dma_start3A_142] : memref<2x2x64xi32, #tpu.memory_space<vmem>> -> memref<1x2x64xi32, #tpu.memory_space<vmem>>
      %dma_start3A_144 = tpu.memref_squeeze %dma_start3A_143 : memref<1x2x64xi32, #tpu.memory_space<vmem>> -> memref<2x64xi32, #tpu.memory_space<vmem>>
      %dma_start3A_145 = arith.constant 0 : i32
      %dma_start3A_146 = tpu.memref_slice %arg5[%dma_start3A_145, %add3A_139] : memref<2x320000xi32, #tpu.memory_space<hbm>> -> memref<2x64xi32, #tpu.memory_space<hbm>>
      %dma_start3A_147 = arith.constant 0 : i32
      %dma_start3A_148 = arith.constant 0 : i32
      %dma_start3A_149 = tpu.memref_slice %arg8[%dma_start3A_140, %dma_start3A_147, %dma_start3A_148] : memref<2x2x64xi32, #tpu.memory_space<vmem>> -> memref<1x2x64xi32, #tpu.memory_space<vmem>>
      %dma_start3A_150 = tpu.memref_squeeze %dma_start3A_149 : memref<1x2x64xi32, #tpu.memory_space<vmem>> -> memref<2x64xi32, #tpu.memory_space<vmem>>
      %dma_start3A_151 = arith.constant 0 : i32
      %dma_start3A_152 = tpu.memref_slice %arg5[%dma_start3A_151, %add3A_139] : memref<2x320000xi32, #tpu.memory_space<hbm>> -> memref<2x64xi32, #tpu.memory_space<hbm>>
      tpu.enqueue_dma source(%dma_start3A_152 : memref<2x64xi32, #tpu.memory_space<hbm>>) target(%dma_start3A_150 : memref<2x64xi32, #tpu.memory_space<vmem>>) target_semaphore(%arg16 : memref<!tpu.dma_semaphore, #tpu.memory_space<semaphore_mem>>)
      %dma_start3A_153 = arith.constant 1 : i32
      %dma_start3A_154 = arith.constant 0 : i32
      %dma_start3A_155 = arith.constant 0 : i32
      %dma_start3A_156 = tpu.memref_slice %arg9[%dma_start3A_153, %dma_start3A_154, %dma_start3A_155] : memref<2x64x17xf32, #tpu.memory_space<vmem>> -> memref<1x64x16xf32, #tpu.memory_space<vmem>>
      %dma_start3A_157 = tpu.memref_squeeze %dma_start3A_156 : memref<1x64x16xf32, #tpu.memory_space<vmem>> -> memref<64x16xf32, #tpu.memory_space<vmem>>
      %dma_start3A_158 = arith.constant 0 : i32
      %dma_start3A_159 = tpu.memref_slice %arg4[%add3A_139, %dma_start3A_158] : memref<320000x16xf32, #tpu.memory_space<hbm>> -> memref<64x16xf32, #tpu.memory_space<hbm>>
      %dma_start3A_160 = arith.constant 0 : i32
      %dma_start3A_161 = arith.constant 0 : i32
      %dma_start3A_162 = tpu.memref_slice %arg9[%dma_start3A_153, %dma_start3A_160, %dma_start3A_161] : memref<2x64x17xf32, #tpu.memory_space<vmem>> -> memref<1x64x16xf32, #tpu.memory_space<vmem>>
      %dma_start3A_163 = tpu.memref_squeeze %dma_start3A_162 : memref<1x64x16xf32, #tpu.memory_space<vmem>> -> memref<64x16xf32, #tpu.memory_space<vmem>>
      %dma_start3A_164 = arith.constant 0 : i32
      %dma_start3A_165 = tpu.memref_slice %arg4[%add3A_139, %dma_start3A_164] : memref<320000x16xf32, #tpu.memory_space<hbm>> -> memref<64x16xf32, #tpu.memory_space<hbm>>
      tpu.enqueue_dma source(%dma_start3A_165 : memref<64x16xf32, #tpu.memory_space<hbm>>) target(%dma_start3A_163 : memref<64x16xf32, #tpu.memory_space<vmem>>) target_semaphore(%arg17 : memref<!tpu.dma_semaphore, #tpu.memory_space<semaphore_mem>>)
      %dma_wait3A_166 = arith.constant 0 : i32
      %dma_wait3A_167 = arith.constant 0 : i32
      %dma_wait3A_168 = arith.constant 0 : i32
      %dma_wait3A_169 = tpu.memref_slice %arg8[%dma_wait3A_166, %dma_wait3A_167, %dma_wait3A_168] : memref<2x2x64xi32, #tpu.memory_space<vmem>> -> memref<1x1x64xi32, #tpu.memory_space<vmem>>
      %dma_wait3A_170 = tpu.memref_squeeze %dma_wait3A_169 : memref<1x1x64xi32, #tpu.memory_space<vmem>> -> memref<64xi32, #tpu.memory_space<vmem>>
      %dma_wait3A_171 = arith.constant 0 : i32
      %dma_wait3A_172 = arith.constant 0 : i32
      %dma_wait3A_173 = tpu.memref_slice %arg2[%dma_wait3A_171, %dma_wait3A_172] : memref<10000x256xf32, #tpu.memory_space<hbm>> -> memref<10000x256xf32, #tpu.memory_space<hbm>>
      tpu.wait_indirect_dma semaphore(%arg14 : memref<!tpu.dma_semaphore, #tpu.memory_space<semaphore_mem>>) src(%dma_wait3A_173 : memref<10000x256xf32, #tpu.memory_space<hbm>>) dst(%arg10 : memref<64x256xf32, #tpu.memory_space<vmem>>)
      %dma_wait3A_174 = arith.constant 0 : i32
      %dma_wait3A_175 = arith.constant 1 : i32
      %dma_wait3A_176 = arith.constant 0 : i32
      %dma_wait3A_177 = tpu.memref_slice %arg8[%dma_wait3A_174, %dma_wait3A_175, %dma_wait3A_176] : memref<2x2x64xi32, #tpu.memory_space<vmem>> -> memref<1x1x64xi32, #tpu.memory_space<vmem>>
      %dma_wait3A_178 = tpu.memref_squeeze %dma_wait3A_177 : memref<1x1x64xi32, #tpu.memory_space<vmem>> -> memref<64xi32, #tpu.memory_space<vmem>>
      %dma_wait3A_179 = arith.constant 0 : i32
      %dma_wait3A_180 = arith.constant 0 : i32
      %dma_wait3A_181 = tpu.memref_slice %arg3[%dma_wait3A_179, %dma_wait3A_180] : memref<10000x128xf32, #tpu.memory_space<hbm>> -> memref<10000x128xf32, #tpu.memory_space<hbm>>
      tpu.wait_indirect_dma semaphore(%arg15 : memref<!tpu.dma_semaphore, #tpu.memory_space<semaphore_mem>>) src(%dma_wait3A_181 : memref<10000x128xf32, #tpu.memory_space<hbm>>) dst(%arg11 : memref<64x128xf32, #tpu.memory_space<vmem>>)
      %eq3A_182 = arith.constant 156 : i32
      %eq3A_183 = arith.cmpi eq, %mul3A_86, %eq3A_182 : i32
      %eq3A_184 = arith.constant 157 : i32
      %eq3A_185 = arith.cmpi eq, %mul3A_86, %eq3A_184 : i32
      %jit3A = arith.constant 64 : i32
      %jit3A_186 = arith.constant 0 : i32
      %select_n3A = arith.select %eq3A_185, %jit3A, %jit3A_186 : i32
      %jit3A_187 = arith.constant 48 : i32
      %select_n3A_188 = arith.select %eq3A_183, %jit3A_187, %select_n3A : i32
      %parallel_loop3A = arith.constant 0 : i32
      %parallel_loop3A_189 = arith.constant 4 : i32
      %parallel_loop3A_190 = arith.constant 1 : i32
      scf.for %parallel_loop3A_306 = %parallel_loop3A to %parallel_loop3A_189 step %parallel_loop3A_190  : i32 {
        %parallel_loop3A_307 = arith.constant 16 : i32
        %parallel_loop3A_308 = arith.muli %parallel_loop3A_306, %parallel_loop3A_307 : i32
        %parallel_loop3A_309 = vector.broadcast %parallel_loop3A_308 : i32 to vector<16xi32>
        %parallel_loop3A_310 = arith.addi %parallel_loop3A_309, %iota3A : vector<16xi32>
        %parallel_loop3A_311 = arith.constant 0.000000e+00 : f32
        %parallel_loop3A_312 = vector.broadcast %parallel_loop3A_311 : f32 to vector<16xf32>
        %parallel_loop3A_313 = arith.constant 0.000000e+00 : f32
        %parallel_loop3A_314 = vector.broadcast %parallel_loop3A_313 : f32 to vector<16xf32>
        %parallel_loop3A_315 = arith.constant 0.000000e+00 : f32
        %parallel_loop3A_316 = vector.broadcast %parallel_loop3A_315 : f32 to vector<16xf32>
        %parallel_loop3A_317 = arith.constant 0.000000e+00 : f32
        %parallel_loop3A_318 = vector.broadcast %parallel_loop3A_317 : f32 to vector<16xf32>
        %parallel_loop3A_319 = arith.constant 0.000000e+00 : f32
        %parallel_loop3A_320 = vector.broadcast %parallel_loop3A_319 : f32 to vector<16xf32>
        %parallel_loop3A_321 = arith.constant 0.000000e+00 : f32
        %parallel_loop3A_322 = vector.broadcast %parallel_loop3A_321 : f32 to vector<16xf32>
        %parallel_loop3A_323 = arith.constant 0.000000e+00 : f32
        %parallel_loop3A_324 = vector.broadcast %parallel_loop3A_323 : f32 to vector<16xf32>
        %parallel_loop3A_325 = arith.constant 0.000000e+00 : f32
        %parallel_loop3A_326 = vector.broadcast %parallel_loop3A_325 : f32 to vector<16xf32>
        %parallel_loop3A_327 = arith.constant 0 : i32
        %parallel_loop3A_328 = arith.constant 16 : i32
        %parallel_loop3A_329 = arith.addi %parallel_loop3A_327, %parallel_loop3A_328 : i32
        %parallel_loop3A_330 = arith.constant 1 : i32
        %parallel_loop3A_331:8 = scf.for %scan3A_555 = %parallel_loop3A_327 to %parallel_loop3A_329 step %parallel_loop3A_330 iter_args(%scan3A_556 = %parallel_loop3A_312, %scan3A_557 = %parallel_loop3A_314, %scan3A_558 = %parallel_loop3A_316, %scan3A_559 = %parallel_loop3A_318, %scan3A_560 = %parallel_loop3A_320, %scan3A_561 = %parallel_loop3A_322, %scan3A_562 = %parallel_loop3A_324, %scan3A_563 = %parallel_loop3A_326) -> (vector<16xf32>, vector<16xf32>, vector<16xf32>, vector<16xf32>, vector<16xf32>, vector<16xf32>, vector<16xf32>, vector<16xf32>)  : i32 {
          %parallel_loop3A_564 = vector.broadcast %scan3A_555 : i32 to vector<16xi32>
          %parallel_loop3A_565 = arith.addi %iota3A, %parallel_loop3A_564 : vector<16xi32>
          %parallel_loop3A_566 = arith.constant 15 : i32
          %parallel_loop3A_567 = vector.broadcast %parallel_loop3A_566 : i32 to vector<16xi32>
          %parallel_loop3A_568 = arith.andi %parallel_loop3A_565, %parallel_loop3A_567 : vector<16xi32>
          %parallel_loop3A_569 = arith.constant 0 : i32
          %parallel_loop3A_570 = vector.broadcast %parallel_loop3A_569 : i32 to vector<16xi32>
          %parallel_loop3A_571 = arith.addi %parallel_loop3A_570, %parallel_loop3A_568 : vector<16xi32>
          %parallel_loop3A_572 = tpu.vector_load_idx %arg10[%parallel_loop3A_310, %parallel_loop3A_571] : memref<64x256xf32, #tpu.memory_space<vmem>>[vector<16xi32>, vector<16xi32>], vector<16xf32>,
          %parallel_loop3A_573 = tpu.vector_load_idx %arg11[%parallel_loop3A_310, %parallel_loop3A_571] : memref<64x128xf32, #tpu.memory_space<vmem>>[vector<16xi32>, vector<16xi32>], vector<16xf32>,
          %parallel_loop3A_574 = arith.mulf %parallel_loop3A_572, %parallel_loop3A_573 : vector<16xf32>
          %parallel_loop3A_575 = arith.addf %scan3A_556, %parallel_loop3A_574 : vector<16xf32>
          %parallel_loop3A_576 = arith.constant 16 : i32
          %parallel_loop3A_577 = vector.broadcast %parallel_loop3A_576 : i32 to vector<16xi32>
          %parallel_loop3A_578 = arith.addi %parallel_loop3A_577, %parallel_loop3A_568 : vector<16xi32>
          %parallel_loop3A_579 = tpu.vector_load_idx %arg10[%parallel_loop3A_310, %parallel_loop3A_578] : memref<64x256xf32, #tpu.memory_space<vmem>>[vector<16xi32>, vector<16xi32>], vector<16xf32>,
          %parallel_loop3A_580 = tpu.vector_load_idx %arg11[%parallel_loop3A_310, %parallel_loop3A_578] : memref<64x128xf32, #tpu.memory_space<vmem>>[vector<16xi32>, vector<16xi32>], vector<16xf32>,
          %parallel_loop3A_581 = arith.mulf %parallel_loop3A_579, %parallel_loop3A_580 : vector<16xf32>
          %parallel_loop3A_582 = arith.addf %scan3A_557, %parallel_loop3A_581 : vector<16xf32>
          %parallel_loop3A_583 = arith.constant 32 : i32
          %parallel_loop3A_584 = vector.broadcast %parallel_loop3A_583 : i32 to vector<16xi32>
          %parallel_loop3A_585 = arith.addi %parallel_loop3A_584, %parallel_loop3A_568 : vector<16xi32>
          %parallel_loop3A_586 = tpu.vector_load_idx %arg10[%parallel_loop3A_310, %parallel_loop3A_585] : memref<64x256xf32, #tpu.memory_space<vmem>>[vector<16xi32>, vector<16xi32>], vector<16xf32>,
          %parallel_loop3A_587 = tpu.vector_load_idx %arg11[%parallel_loop3A_310, %parallel_loop3A_585] : memref<64x128xf32, #tpu.memory_space<vmem>>[vector<16xi32>, vector<16xi32>], vector<16xf32>,
          %parallel_loop3A_588 = arith.mulf %parallel_loop3A_586, %parallel_loop3A_587 : vector<16xf32>
          %parallel_loop3A_589 = arith.addf %scan3A_558, %parallel_loop3A_588 : vector<16xf32>
          %parallel_loop3A_590 = arith.constant 48 : i32
          %parallel_loop3A_591 = vector.broadcast %parallel_loop3A_590 : i32 to vector<16xi32>
          %parallel_loop3A_592 = arith.addi %parallel_loop3A_591, %parallel_loop3A_568 : vector<16xi32>
          %parallel_loop3A_593 = tpu.vector_load_idx %arg10[%parallel_loop3A_310, %parallel_loop3A_592] : memref<64x256xf32, #tpu.memory_space<vmem>>[vector<16xi32>, vector<16xi32>], vector<16xf32>,
          %parallel_loop3A_594 = tpu.vector_load_idx %arg11[%parallel_loop3A_310, %parallel_loop3A_592] : memref<64x128xf32, #tpu.memory_space<vmem>>[vector<16xi32>, vector<16xi32>], vector<16xf32>,
          %parallel_loop3A_595 = arith.mulf %parallel_loop3A_593, %parallel_loop3A_594 : vector<16xf32>
          %parallel_loop3A_596 = arith.addf %scan3A_559, %parallel_loop3A_595 : vector<16xf32>
          %parallel_loop3A_597 = arith.constant 64 : i32
          %parallel_loop3A_598 = vector.broadcast %parallel_loop3A_597 : i32 to vector<16xi32>
          %parallel_loop3A_599 = arith.addi %parallel_loop3A_598, %parallel_loop3A_568 : vector<16xi32>
          %parallel_loop3A_600 = tpu.vector_load_idx %arg10[%parallel_loop3A_310, %parallel_loop3A_599] : memref<64x256xf32, #tpu.memory_space<vmem>>[vector<16xi32>, vector<16xi32>], vector<16xf32>,
          %parallel_loop3A_601 = tpu.vector_load_idx %arg11[%parallel_loop3A_310, %parallel_loop3A_599] : memref<64x128xf32, #tpu.memory_space<vmem>>[vector<16xi32>, vector<16xi32>], vector<16xf32>,
          %parallel_loop3A_602 = arith.mulf %parallel_loop3A_600, %parallel_loop3A_601 : vector<16xf32>
          %parallel_loop3A_603 = arith.addf %scan3A_560, %parallel_loop3A_602 : vector<16xf32>
          %parallel_loop3A_604 = arith.constant 80 : i32
          %parallel_loop3A_605 = vector.broadcast %parallel_loop3A_604 : i32 to vector<16xi32>
          %parallel_loop3A_606 = arith.addi %parallel_loop3A_605, %parallel_loop3A_568 : vector<16xi32>
          %parallel_loop3A_607 = tpu.vector_load_idx %arg10[%parallel_loop3A_310, %parallel_loop3A_606] : memref<64x256xf32, #tpu.memory_space<vmem>>[vector<16xi32>, vector<16xi32>], vector<16xf32>,
          %parallel_loop3A_608 = tpu.vector_load_idx %arg11[%parallel_loop3A_310, %parallel_loop3A_606] : memref<64x128xf32, #tpu.memory_space<vmem>>[vector<16xi32>, vector<16xi32>], vector<16xf32>,
          %parallel_loop3A_609 = arith.mulf %parallel_loop3A_607, %parallel_loop3A_608 : vector<16xf32>
          %parallel_loop3A_610 = arith.addf %scan3A_561, %parallel_loop3A_609 : vector<16xf32>
          %parallel_loop3A_611 = arith.constant 96 : i32
          %parallel_loop3A_612 = vector.broadcast %parallel_loop3A_611 : i32 to vector<16xi32>
          %parallel_loop3A_613 = arith.addi %parallel_loop3A_612, %parallel_loop3A_568 : vector<16xi32>
          %parallel_loop3A_614 = tpu.vector_load_idx %arg10[%parallel_loop3A_310, %parallel_loop3A_613] : memref<64x256xf32, #tpu.memory_space<vmem>>[vector<16xi32>, vector<16xi32>], vector<16xf32>,
          %parallel_loop3A_615 = tpu.vector_load_idx %arg11[%parallel_loop3A_310, %parallel_loop3A_613] : memref<64x128xf32, #tpu.memory_space<vmem>>[vector<16xi32>, vector<16xi32>], vector<16xf32>,
          %parallel_loop3A_616 = arith.mulf %parallel_loop3A_614, %parallel_loop3A_615 : vector<16xf32>
          %parallel_loop3A_617 = arith.addf %scan3A_562, %parallel_loop3A_616 : vector<16xf32>
          %parallel_loop3A_618 = arith.constant 112 : i32
          %parallel_loop3A_619 = vector.broadcast %parallel_loop3A_618 : i32 to vector<16xi32>
          %parallel_loop3A_620 = arith.addi %parallel_loop3A_619, %parallel_loop3A_568 : vector<16xi32>
          %parallel_loop3A_621 = tpu.vector_load_idx %arg10[%parallel_loop3A_310, %parallel_loop3A_620] : memref<64x256xf32, #tpu.memory_space<vmem>>[vector<16xi32>, vector<16xi32>], vector<16xf32>,
          %parallel_loop3A_622 = tpu.vector_load_idx %arg11[%parallel_loop3A_310, %parallel_loop3A_620] : memref<64x128xf32, #tpu.memory_space<vmem>>[vector<16xi32>, vector<16xi32>], vector<16xf32>,
          %parallel_loop3A_623 = arith.mulf %parallel_loop3A_621, %parallel_loop3A_622 : vector<16xf32>
          %parallel_loop3A_624 = arith.addf %scan3A_563, %parallel_loop3A_623 : vector<16xf32>
          scf.yield %parallel_loop3A_575, %parallel_loop3A_582, %parallel_loop3A_589, %parallel_loop3A_596, %parallel_loop3A_603, %parallel_loop3A_610, %parallel_loop3A_617, %parallel_loop3A_624 : vector<16xf32>, vector<16xf32>, vector<16xf32>, vector<16xf32>, vector<16xf32>, vector<16xf32>, vector<16xf32>, vector<16xf32>
        }
        %parallel_loop3A_332 = arith.constant 16 : i32
        %parallel_loop3A_333 = arith.constant 2.500000e-01 : f32
        %parallel_loop3A_334 = vector.broadcast %parallel_loop3A_333 : f32 to vector<16xf32>
        %parallel_loop3A_335 = arith.mulf %parallel_loop3A_331#0, %parallel_loop3A_334 : vector<16xf32>
        %parallel_loop3A_336 = arith.constant 0 : i32
        %parallel_loop3A_337 = vector.broadcast %parallel_loop3A_336 : i32 to vector<16xi32>
        %parallel_loop3A_338 = arith.constant 0 : i32
        %parallel_loop3A_339 = arith.constant 0 : i32
        %parallel_loop3A_340 = arith.constant 0 : i32
        %parallel_loop3A_341 = tpu.memref_slice %arg9[%parallel_loop3A_338, %parallel_loop3A_339, %parallel_loop3A_340] : memref<2x64x17xf32, #tpu.memory_space<vmem>> -> memref<1x64x17xf32, #tpu.memory_space<vmem>>
        %parallel_loop3A_342 = tpu.memref_squeeze %parallel_loop3A_341 : memref<1x64x17xf32, #tpu.memory_space<vmem>> -> memref<64x17xf32, #tpu.memory_space<vmem>>
        %parallel_loop3A_343 = tpu.vector_load_idx %parallel_loop3A_342[%parallel_loop3A_310, %parallel_loop3A_337] : memref<64x17xf32, #tpu.memory_space<vmem>>[vector<16xi32>, vector<16xi32>], vector<16xf32>,
        %parallel_loop3A_344 = arith.addf %parallel_loop3A_335, %parallel_loop3A_343 : vector<16xf32>
        %parallel_loop3A_345 = arith.constant 0.000000e+00 : f32
        %parallel_loop3A_346 = vector.broadcast %parallel_loop3A_345 : f32 to vector<16xf32>
        %parallel_loop3A_347 = arith.cmpf ogt, %parallel_loop3A_344, %parallel_loop3A_346 : vector<16xf32>
        %parallel_loop3A_348 = arith.constant 2.000000e-01 : f32
        %parallel_loop3A_349 = vector.broadcast %parallel_loop3A_348 : f32 to vector<16xf32>
        %parallel_loop3A_350 = arith.mulf %parallel_loop3A_344, %parallel_loop3A_349 : vector<16xf32>
        %parallel_loop3A_351 = arith.select %parallel_loop3A_347, %parallel_loop3A_344, %parallel_loop3A_350 : vector<16xi1>, vector<16xf32>
        %parallel_loop3A_352 = math.exp %parallel_loop3A_351 : vector<16xf32>
        %parallel_loop3A_353 = vector.broadcast %select_n3A_188 : i32 to vector<16xi32>
        %parallel_loop3A_354 = arith.cmpi sge, %parallel_loop3A_310, %parallel_loop3A_353 : vector<16xi32>
        %parallel_loop3A_355 = arith.constant 0.000000e+00 : f32
        %parallel_loop3A_356 = vector.broadcast %parallel_loop3A_355 : f32 to vector<16xf32>
        %parallel_loop3A_357 = arith.select %parallel_loop3A_354, %parallel_loop3A_352, %parallel_loop3A_356 : vector<16xi1>, vector<16xf32>
        %parallel_loop3A_358 = arith.constant 128 : i32
        %parallel_loop3A_359 = vector.broadcast %parallel_loop3A_358 : i32 to vector<16xi32>
        tpu.vector_store_idx %arg12[%parallel_loop3A_310, %parallel_loop3A_359], %parallel_loop3A_357 : memref<64x144xf32, #tpu.memory_space<vmem>>[vector<16xi32>, vector<16xi32>], vector<16xf32>,
        %parallel_loop3A_360 = arith.constant 2.500000e-01 : f32
        %parallel_loop3A_361 = vector.broadcast %parallel_loop3A_360 : f32 to vector<16xf32>
        %parallel_loop3A_362 = arith.mulf %parallel_loop3A_331#1, %parallel_loop3A_361 : vector<16xf32>
        %parallel_loop3A_363 = arith.constant 1 : i32
        %parallel_loop3A_364 = vector.broadcast %parallel_loop3A_363 : i32 to vector<16xi32>
        %parallel_loop3A_365 = arith.constant 0 : i32
        %parallel_loop3A_366 = arith.constant 0 : i32
        %parallel_loop3A_367 = arith.constant 0 : i32
        %parallel_loop3A_368 = tpu.memref_slice %arg9[%parallel_loop3A_365, %parallel_loop3A_366, %parallel_loop3A_367] : memref<2x64x17xf32, #tpu.memory_space<vmem>> -> memref<1x64x17xf32, #tpu.memory_space<vmem>>
        %parallel_loop3A_369 = tpu.memref_squeeze %parallel_loop3A_368 : memref<1x64x17xf32, #tpu.memory_space<vmem>> -> memref<64x17xf32, #tpu.memory_space<vmem>>
        %parallel_loop3A_370 = tpu.vector_load_idx %parallel_loop3A_369[%parallel_loop3A_310, %parallel_loop3A_364] : memref<64x17xf32, #tpu.memory_space<vmem>>[vector<16xi32>, vector<16xi32>], vector<16xf32>,
        %parallel_loop3A_371 = arith.addf %parallel_loop3A_362, %parallel_loop3A_370 : vector<16xf32>
        %parallel_loop3A_372 = arith.constant 0.000000e+00 : f32
        %parallel_loop3A_373 = vector.broadcast %parallel_loop3A_372 : f32 to vector<16xf32>
        %parallel_loop3A_374 = arith.cmpf ogt, %parallel_loop3A_371, %parallel_loop3A_373 : vector<16xf32>
        %parallel_loop3A_375 = arith.constant 2.000000e-01 : f32
        %parallel_loop3A_376 = vector.broadcast %parallel_loop3A_375 : f32 to vector<16xf32>
        %parallel_loop3A_377 = arith.mulf %parallel_loop3A_371, %parallel_loop3A_376 : vector<16xf32>
        %parallel_loop3A_378 = arith.select %parallel_loop3A_374, %parallel_loop3A_371, %parallel_loop3A_377 : vector<16xi1>, vector<16xf32>
        %parallel_loop3A_379 = math.exp %parallel_loop3A_378 : vector<16xf32>
        %parallel_loop3A_380 = vector.broadcast %select_n3A_188 : i32 to vector<16xi32>
        %parallel_loop3A_381 = arith.cmpi sge, %parallel_loop3A_310, %parallel_loop3A_380 : vector<16xi32>
        %parallel_loop3A_382 = arith.constant 0.000000e+00 : f32
        %parallel_loop3A_383 = vector.broadcast %parallel_loop3A_382 : f32 to vector<16xf32>
        %parallel_loop3A_384 = arith.select %parallel_loop3A_381, %parallel_loop3A_379, %parallel_loop3A_383 : vector<16xi1>, vector<16xf32>
        %parallel_loop3A_385 = arith.constant 129 : i32
        %parallel_loop3A_386 = vector.broadcast %parallel_loop3A_385 : i32 to vector<16xi32>
        tpu.vector_store_idx %arg12[%parallel_loop3A_310, %parallel_loop3A_386], %parallel_loop3A_384 : memref<64x144xf32, #tpu.memory_space<vmem>>[vector<16xi32>, vector<16xi32>], vector<16xf32>,
        %parallel_loop3A_387 = arith.constant 2.500000e-01 : f32
        %parallel_loop3A_388 = vector.broadcast %parallel_loop3A_387 : f32 to vector<16xf32>
        %parallel_loop3A_389 = arith.mulf %parallel_loop3A_331#2, %parallel_loop3A_388 : vector<16xf32>
        %parallel_loop3A_390 = arith.constant 2 : i32
        %parallel_loop3A_391 = vector.broadcast %parallel_loop3A_390 : i32 to vector<16xi32>
        %parallel_loop3A_392 = arith.constant 0 : i32
        %parallel_loop3A_393 = arith.constant 0 : i32
        %parallel_loop3A_394 = arith.constant 0 : i32
        %parallel_loop3A_395 = tpu.memref_slice %arg9[%parallel_loop3A_392, %parallel_loop3A_393, %parallel_loop3A_394] : memref<2x64x17xf32, #tpu.memory_space<vmem>> -> memref<1x64x17xf32, #tpu.memory_space<vmem>>
        %parallel_loop3A_396 = tpu.memref_squeeze %parallel_loop3A_395 : memref<1x64x17xf32, #tpu.memory_space<vmem>> -> memref<64x17xf32, #tpu.memory_space<vmem>>
        %parallel_loop3A_397 = tpu.vector_load_idx %parallel_loop3A_396[%parallel_loop3A_310, %parallel_loop3A_391] : memref<64x17xf32, #tpu.memory_space<vmem>>[vector<16xi32>, vector<16xi32>], vector<16xf32>,
        %parallel_loop3A_398 = arith.addf %parallel_loop3A_389, %parallel_loop3A_397 : vector<16xf32>
        %parallel_loop3A_399 = arith.constant 0.000000e+00 : f32
        %parallel_loop3A_400 = vector.broadcast %parallel_loop3A_399 : f32 to vector<16xf32>
        %parallel_loop3A_401 = arith.cmpf ogt, %parallel_loop3A_398, %parallel_loop3A_400 : vector<16xf32>
        %parallel_loop3A_402 = arith.constant 2.000000e-01 : f32
        %parallel_loop3A_403 = vector.broadcast %parallel_loop3A_402 : f32 to vector<16xf32>
        %parallel_loop3A_404 = arith.mulf %parallel_loop3A_398, %parallel_loop3A_403 : vector<16xf32>
        %parallel_loop3A_405 = arith.select %parallel_loop3A_401, %parallel_loop3A_398, %parallel_loop3A_404 : vector<16xi1>, vector<16xf32>
        %parallel_loop3A_406 = math.exp %parallel_loop3A_405 : vector<16xf32>
        %parallel_loop3A_407 = vector.broadcast %select_n3A_188 : i32 to vector<16xi32>
        %parallel_loop3A_408 = arith.cmpi sge, %parallel_loop3A_310, %parallel_loop3A_407 : vector<16xi32>
        %parallel_loop3A_409 = arith.constant 0.000000e+00 : f32
        %parallel_loop3A_410 = vector.broadcast %parallel_loop3A_409 : f32 to vector<16xf32>
        %parallel_loop3A_411 = arith.select %parallel_loop3A_408, %parallel_loop3A_406, %parallel_loop3A_410 : vector<16xi1>, vector<16xf32>
        %parallel_loop3A_412 = arith.constant 130 : i32
        %parallel_loop3A_413 = vector.broadcast %parallel_loop3A_412 : i32 to vector<16xi32>
        tpu.vector_store_idx %arg12[%parallel_loop3A_310, %parallel_loop3A_413], %parallel_loop3A_411 : memref<64x144xf32, #tpu.memory_space<vmem>>[vector<16xi32>, vector<16xi32>], vector<16xf32>,
        %parallel_loop3A_414 = arith.constant 2.500000e-01 : f32
        %parallel_loop3A_415 = vector.broadcast %parallel_loop3A_414 : f32 to vector<16xf32>
        %parallel_loop3A_416 = arith.mulf %parallel_loop3A_331#3, %parallel_loop3A_415 : vector<16xf32>
        %parallel_loop3A_417 = arith.constant 3 : i32
        %parallel_loop3A_418 = vector.broadcast %parallel_loop3A_417 : i32 to vector<16xi32>
        %parallel_loop3A_419 = arith.constant 0 : i32
        %parallel_loop3A_420 = arith.constant 0 : i32
        %parallel_loop3A_421 = arith.constant 0 : i32
        %parallel_loop3A_422 = tpu.memref_slice %arg9[%parallel_loop3A_419, %parallel_loop3A_420, %parallel_loop3A_421] : memref<2x64x17xf32, #tpu.memory_space<vmem>> -> memref<1x64x17xf32, #tpu.memory_space<vmem>>
        %parallel_loop3A_423 = tpu.memref_squeeze %parallel_loop3A_422 : memref<1x64x17xf32, #tpu.memory_space<vmem>> -> memref<64x17xf32, #tpu.memory_space<vmem>>
        %parallel_loop3A_424 = tpu.vector_load_idx %parallel_loop3A_423[%parallel_loop3A_310, %parallel_loop3A_418] : memref<64x17xf32, #tpu.memory_space<vmem>>[vector<16xi32>, vector<16xi32>], vector<16xf32>,
        %parallel_loop3A_425 = arith.addf %parallel_loop3A_416, %parallel_loop3A_424 : vector<16xf32>
        %parallel_loop3A_426 = arith.constant 0.000000e+00 : f32
        %parallel_loop3A_427 = vector.broadcast %parallel_loop3A_426 : f32 to vector<16xf32>
        %parallel_loop3A_428 = arith.cmpf ogt, %parallel_loop3A_425, %parallel_loop3A_427 : vector<16xf32>
        %parallel_loop3A_429 = arith.constant 2.000000e-01 : f32
        %parallel_loop3A_430 = vector.broadcast %parallel_loop3A_429 : f32 to vector<16xf32>
        %parallel_loop3A_431 = arith.mulf %parallel_loop3A_425, %parallel_loop3A_430 : vector<16xf32>
        %parallel_loop3A_432 = arith.select %parallel_loop3A_428, %parallel_loop3A_425, %parallel_loop3A_431 : vector<16xi1>, vector<16xf32>
        %parallel_loop3A_433 = math.exp %parallel_loop3A_432 : vector<16xf32>
        %parallel_loop3A_434 = vector.broadcast %select_n3A_188 : i32 to vector<16xi32>
        %parallel_loop3A_435 = arith.cmpi sge, %parallel_loop3A_310, %parallel_loop3A_434 : vector<16xi32>
        %parallel_loop3A_436 = arith.constant 0.000000e+00 : f32
        %parallel_loop3A_437 = vector.broadcast %parallel_loop3A_436 : f32 to vector<16xf32>
        %parallel_loop3A_438 = arith.select %parallel_loop3A_435, %parallel_loop3A_433, %parallel_loop3A_437 : vector<16xi1>, vector<16xf32>
        %parallel_loop3A_439 = arith.constant 131 : i32
        %parallel_loop3A_440 = vector.broadcast %parallel_loop3A_439 : i32 to vector<16xi32>
        tpu.vector_store_idx %arg12[%parallel_loop3A_310, %parallel_loop3A_440], %parallel_loop3A_438 : memref<64x144xf32, #tpu.memory_space<vmem>>[vector<16xi32>, vector<16xi32>], vector<16xf32>,
        %parallel_loop3A_441 = arith.constant 2.500000e-01 : f32
        %parallel_loop3A_442 = vector.broadcast %parallel_loop3A_441 : f32 to vector<16xf32>
        %parallel_loop3A_443 = arith.mulf %parallel_loop3A_331#4, %parallel_loop3A_442 : vector<16xf32>
        %parallel_loop3A_444 = arith.constant 4 : i32
        %parallel_loop3A_445 = vector.broadcast %parallel_loop3A_444 : i32 to vector<16xi32>
        %parallel_loop3A_446 = arith.constant 0 : i32
        %parallel_loop3A_447 = arith.constant 0 : i32
        %parallel_loop3A_448 = arith.constant 0 : i32
        %parallel_loop3A_449 = tpu.memref_slice %arg9[%parallel_loop3A_446, %parallel_loop3A_447, %parallel_loop3A_448] : memref<2x64x17xf32, #tpu.memory_space<vmem>> -> memref<1x64x17xf32, #tpu.memory_space<vmem>>
        %parallel_loop3A_450 = tpu.memref_squeeze %parallel_loop3A_449 : memref<1x64x17xf32, #tpu.memory_space<vmem>> -> memref<64x17xf32, #tpu.memory_space<vmem>>
        %parallel_loop3A_451 = tpu.vector_load_idx %parallel_loop3A_450[%parallel_loop3A_310, %parallel_loop3A_445] : memref<64x17xf32, #tpu.memory_space<vmem>>[vector<16xi32>, vector<16xi32>], vector<16xf32>,
        %parallel_loop3A_452 = arith.addf %parallel_loop3A_443, %parallel_loop3A_451 : vector<16xf32>
        %parallel_loop3A_453 = arith.constant 0.000000e+00 : f32
        %parallel_loop3A_454 = vector.broadcast %parallel_loop3A_453 : f32 to vector<16xf32>
        %parallel_loop3A_455 = arith.cmpf ogt, %parallel_loop3A_452, %parallel_loop3A_454 : vector<16xf32>
        %parallel_loop3A_456 = arith.constant 2.000000e-01 : f32
        %parallel_loop3A_457 = vector.broadcast %parallel_loop3A_456 : f32 to vector<16xf32>
        %parallel_loop3A_458 = arith.mulf %parallel_loop3A_452, %parallel_loop3A_457 : vector<16xf32>
        %parallel_loop3A_459 = arith.select %parallel_loop3A_455, %parallel_loop3A_452, %parallel_loop3A_458 : vector<16xi1>, vector<16xf32>
        %parallel_loop3A_460 = math.exp %parallel_loop3A_459 : vector<16xf32>
        %parallel_loop3A_461 = vector.broadcast %select_n3A_188 : i32 to vector<16xi32>
        %parallel_loop3A_462 = arith.cmpi sge, %parallel_loop3A_310, %parallel_loop3A_461 : vector<16xi32>
        %parallel_loop3A_463 = arith.constant 0.000000e+00 : f32
        %parallel_loop3A_464 = vector.broadcast %parallel_loop3A_463 : f32 to vector<16xf32>
        %parallel_loop3A_465 = arith.select %parallel_loop3A_462, %parallel_loop3A_460, %parallel_loop3A_464 : vector<16xi1>, vector<16xf32>
        %parallel_loop3A_466 = arith.constant 132 : i32
        %parallel_loop3A_467 = vector.broadcast %parallel_loop3A_466 : i32 to vector<16xi32>
        tpu.vector_store_idx %arg12[%parallel_loop3A_310, %parallel_loop3A_467], %parallel_loop3A_465 : memref<64x144xf32, #tpu.memory_space<vmem>>[vector<16xi32>, vector<16xi32>], vector<16xf32>,
        %parallel_loop3A_468 = arith.constant 2.500000e-01 : f32
        %parallel_loop3A_469 = vector.broadcast %parallel_loop3A_468 : f32 to vector<16xf32>
        %parallel_loop3A_470 = arith.mulf %parallel_loop3A_331#5, %parallel_loop3A_469 : vector<16xf32>
        %parallel_loop3A_471 = arith.constant 5 : i32
        %parallel_loop3A_472 = vector.broadcast %parallel_loop3A_471 : i32 to vector<16xi32>
        %parallel_loop3A_473 = arith.constant 0 : i32
        %parallel_loop3A_474 = arith.constant 0 : i32
        %parallel_loop3A_475 = arith.constant 0 : i32
        %parallel_loop3A_476 = tpu.memref_slice %arg9[%parallel_loop3A_473, %parallel_loop3A_474, %parallel_loop3A_475] : memref<2x64x17xf32, #tpu.memory_space<vmem>> -> memref<1x64x17xf32, #tpu.memory_space<vmem>>
        %parallel_loop3A_477 = tpu.memref_squeeze %parallel_loop3A_476 : memref<1x64x17xf32, #tpu.memory_space<vmem>> -> memref<64x17xf32, #tpu.memory_space<vmem>>
        %parallel_loop3A_478 = tpu.vector_load_idx %parallel_loop3A_477[%parallel_loop3A_310, %parallel_loop3A_472] : memref<64x17xf32, #tpu.memory_space<vmem>>[vector<16xi32>, vector<16xi32>], vector<16xf32>,
        %parallel_loop3A_479 = arith.addf %parallel_loop3A_470, %parallel_loop3A_478 : vector<16xf32>
        %parallel_loop3A_480 = arith.constant 0.000000e+00 : f32
        %parallel_loop3A_481 = vector.broadcast %parallel_loop3A_480 : f32 to vector<16xf32>
        %parallel_loop3A_482 = arith.cmpf ogt, %parallel_loop3A_479, %parallel_loop3A_481 : vector<16xf32>
        %parallel_loop3A_483 = arith.constant 2.000000e-01 : f32
        %parallel_loop3A_484 = vector.broadcast %parallel_loop3A_483 : f32 to vector<16xf32>
        %parallel_loop3A_485 = arith.mulf %parallel_loop3A_479, %parallel_loop3A_484 : vector<16xf32>
        %parallel_loop3A_486 = arith.select %parallel_loop3A_482, %parallel_loop3A_479, %parallel_loop3A_485 : vector<16xi1>, vector<16xf32>
        %parallel_loop3A_487 = math.exp %parallel_loop3A_486 : vector<16xf32>
        %parallel_loop3A_488 = vector.broadcast %select_n3A_188 : i32 to vector<16xi32>
        %parallel_loop3A_489 = arith.cmpi sge, %parallel_loop3A_310, %parallel_loop3A_488 : vector<16xi32>
        %parallel_loop3A_490 = arith.constant 0.000000e+00 : f32
        %parallel_loop3A_491 = vector.broadcast %parallel_loop3A_490 : f32 to vector<16xf32>
        %parallel_loop3A_492 = arith.select %parallel_loop3A_489, %parallel_loop3A_487, %parallel_loop3A_491 : vector<16xi1>, vector<16xf32>
        %parallel_loop3A_493 = arith.constant 133 : i32
        %parallel_loop3A_494 = vector.broadcast %parallel_loop3A_493 : i32 to vector<16xi32>
        tpu.vector_store_idx %arg12[%parallel_loop3A_310, %parallel_loop3A_494], %parallel_loop3A_492 : memref<64x144xf32, #tpu.memory_space<vmem>>[vector<16xi32>, vector<16xi32>], vector<16xf32>,
        %parallel_loop3A_495 = arith.constant 2.500000e-01 : f32
        %parallel_loop3A_496 = vector.broadcast %parallel_loop3A_495 : f32 to vector<16xf32>
        %parallel_loop3A_497 = arith.mulf %parallel_loop3A_331#6, %parallel_loop3A_496 : vector<16xf32>
        %parallel_loop3A_498 = arith.constant 6 : i32
        %parallel_loop3A_499 = vector.broadcast %parallel_loop3A_498 : i32 to vector<16xi32>
        %parallel_loop3A_500 = arith.constant 0 : i32
        %parallel_loop3A_501 = arith.constant 0 : i32
        %parallel_loop3A_502 = arith.constant 0 : i32
        %parallel_loop3A_503 = tpu.memref_slice %arg9[%parallel_loop3A_500, %parallel_loop3A_501, %parallel_loop3A_502] : memref<2x64x17xf32, #tpu.memory_space<vmem>> -> memref<1x64x17xf32, #tpu.memory_space<vmem>>
        %parallel_loop3A_504 = tpu.memref_squeeze %parallel_loop3A_503 : memref<1x64x17xf32, #tpu.memory_space<vmem>> -> memref<64x17xf32, #tpu.memory_space<vmem>>
        %parallel_loop3A_505 = tpu.vector_load_idx %parallel_loop3A_504[%parallel_loop3A_310, %parallel_loop3A_499] : memref<64x17xf32, #tpu.memory_space<vmem>>[vector<16xi32>, vector<16xi32>], vector<16xf32>,
        %parallel_loop3A_506 = arith.addf %parallel_loop3A_497, %parallel_loop3A_505 : vector<16xf32>
        %parallel_loop3A_507 = arith.constant 0.000000e+00 : f32
        %parallel_loop3A_508 = vector.broadcast %parallel_loop3A_507 : f32 to vector<16xf32>
        %parallel_loop3A_509 = arith.cmpf ogt, %parallel_loop3A_506, %parallel_loop3A_508 : vector<16xf32>
        %parallel_loop3A_510 = arith.constant 2.000000e-01 : f32
        %parallel_loop3A_511 = vector.broadcast %parallel_loop3A_510 : f32 to vector<16xf32>
        %parallel_loop3A_512 = arith.mulf %parallel_loop3A_506, %parallel_loop3A_511 : vector<16xf32>
        %parallel_loop3A_513 = arith.select %parallel_loop3A_509, %parallel_loop3A_506, %parallel_loop3A_512 : vector<16xi1>, vector<16xf32>
        %parallel_loop3A_514 = math.exp %parallel_loop3A_513 : vector<16xf32>
        %parallel_loop3A_515 = vector.broadcast %select_n3A_188 : i32 to vector<16xi32>
        %parallel_loop3A_516 = arith.cmpi sge, %parallel_loop3A_310, %parallel_loop3A_515 : vector<16xi32>
        %parallel_loop3A_517 = arith.constant 0.000000e+00 : f32
        %parallel_loop3A_518 = vector.broadcast %parallel_loop3A_517 : f32 to vector<16xf32>
        %parallel_loop3A_519 = arith.select %parallel_loop3A_516, %parallel_loop3A_514, %parallel_loop3A_518 : vector<16xi1>, vector<16xf32>
        %parallel_loop3A_520 = arith.constant 134 : i32
        %parallel_loop3A_521 = vector.broadcast %parallel_loop3A_520 : i32 to vector<16xi32>
        tpu.vector_store_idx %arg12[%parallel_loop3A_310, %parallel_loop3A_521], %parallel_loop3A_519 : memref<64x144xf32, #tpu.memory_space<vmem>>[vector<16xi32>, vector<16xi32>], vector<16xf32>,
        %parallel_loop3A_522 = arith.constant 2.500000e-01 : f32
        %parallel_loop3A_523 = vector.broadcast %parallel_loop3A_522 : f32 to vector<16xf32>
        %parallel_loop3A_524 = arith.mulf %parallel_loop3A_331#7, %parallel_loop3A_523 : vector<16xf32>
        %parallel_loop3A_525 = arith.constant 7 : i32
        %parallel_loop3A_526 = vector.broadcast %parallel_loop3A_525 : i32 to vector<16xi32>
        %parallel_loop3A_527 = arith.constant 0 : i32
        %parallel_loop3A_528 = arith.constant 0 : i32
        %parallel_loop3A_529 = arith.constant 0 : i32
        %parallel_loop3A_530 = tpu.memref_slice %arg9[%parallel_loop3A_527, %parallel_loop3A_528, %parallel_loop3A_529] : memref<2x64x17xf32, #tpu.memory_space<vmem>> -> memref<1x64x17xf32, #tpu.memory_space<vmem>>
        %parallel_loop3A_531 = tpu.memref_squeeze %parallel_loop3A_530 : memref<1x64x17xf32, #tpu.memory_space<vmem>> -> memref<64x17xf32, #tpu.memory_space<vmem>>
        %parallel_loop3A_532 = tpu.vector_load_idx %parallel_loop3A_531[%parallel_loop3A_310, %parallel_loop3A_526] : memref<64x17xf32, #tpu.memory_space<vmem>>[vector<16xi32>, vector<16xi32>], vector<16xf32>,
        %parallel_loop3A_533 = arith.addf %parallel_loop3A_524, %parallel_loop3A_532 : vector<16xf32>
        %parallel_loop3A_534 = arith.constant 0.000000e+00 : f32
        %parallel_loop3A_535 = vector.broadcast %parallel_loop3A_534 : f32 to vector<16xf32>
        %parallel_loop3A_536 = arith.cmpf ogt, %parallel_loop3A_533, %parallel_loop3A_535 : vector<16xf32>
        %parallel_loop3A_537 = arith.constant 2.000000e-01 : f32
        %parallel_loop3A_538 = vector.broadcast %parallel_loop3A_537 : f32 to vector<16xf32>
        %parallel_loop3A_539 = arith.mulf %parallel_loop3A_533, %parallel_loop3A_538 : vector<16xf32>
        %parallel_loop3A_540 = arith.select %parallel_loop3A_536, %parallel_loop3A_533, %parallel_loop3A_539 : vector<16xi1>, vector<16xf32>
        %parallel_loop3A_541 = math.exp %parallel_loop3A_540 : vector<16xf32>
        %parallel_loop3A_542 = vector.broadcast %select_n3A_188 : i32 to vector<16xi32>
        %parallel_loop3A_543 = arith.cmpi sge, %parallel_loop3A_310, %parallel_loop3A_542 : vector<16xi32>
        %parallel_loop3A_544 = arith.constant 0.000000e+00 : f32
        %parallel_loop3A_545 = vector.broadcast %parallel_loop3A_544 : f32 to vector<16xf32>
        %parallel_loop3A_546 = arith.select %parallel_loop3A_543, %parallel_loop3A_541, %parallel_loop3A_545 : vector<16xi1>, vector<16xf32>
        %parallel_loop3A_547 = arith.constant 135 : i32
        %parallel_loop3A_548 = vector.broadcast %parallel_loop3A_547 : i32 to vector<16xi32>
        tpu.vector_store_idx %arg12[%parallel_loop3A_310, %parallel_loop3A_548], %parallel_loop3A_546 : memref<64x144xf32, #tpu.memory_space<vmem>>[vector<16xi32>, vector<16xi32>], vector<16xf32>,
        %parallel_loop3A_549 = arith.constant 0 : i32
        %parallel_loop3A_550 = arith.constant 0 : i32
        %parallel_loop3A_551 = arith.constant 16 : i32
        %parallel_loop3A_552 = arith.addi %parallel_loop3A_550, %parallel_loop3A_551 : i32
        %parallel_loop3A_553 = arith.constant 1 : i32
        scf.for %scan3A_555 = %parallel_loop3A_550 to %parallel_loop3A_552 step %parallel_loop3A_553  : i32 {
          %parallel_loop3A_556 = vector.broadcast %scan3A_555 : i32 to vector<16xi32>
          %parallel_loop3A_557 = arith.addi %iota3A, %parallel_loop3A_556 : vector<16xi32>
          %parallel_loop3A_558 = arith.constant 15 : i32
          %parallel_loop3A_559 = vector.broadcast %parallel_loop3A_558 : i32 to vector<16xi32>
          %parallel_loop3A_560 = arith.andi %parallel_loop3A_557, %parallel_loop3A_559 : vector<16xi32>
          %parallel_loop3A_561 = arith.constant 0 : i32
          %parallel_loop3A_562 = vector.broadcast %parallel_loop3A_561 : i32 to vector<16xi32>
          %parallel_loop3A_563 = arith.addi %parallel_loop3A_562, %parallel_loop3A_560 : vector<16xi32>
          %parallel_loop3A_564 = arith.constant 128 : i32
          %parallel_loop3A_565 = vector.broadcast %parallel_loop3A_564 : i32 to vector<16xi32>
          %parallel_loop3A_566 = arith.addi %parallel_loop3A_565, %parallel_loop3A_563 : vector<16xi32>
          %parallel_loop3A_567 = tpu.vector_load_idx %arg10[%parallel_loop3A_310, %parallel_loop3A_566] : memref<64x256xf32, #tpu.memory_space<vmem>>[vector<16xi32>, vector<16xi32>], vector<16xf32>,
          %parallel_loop3A_568 = arith.mulf %parallel_loop3A_357, %parallel_loop3A_567 : vector<16xf32>
          tpu.vector_store_idx %arg12[%parallel_loop3A_310, %parallel_loop3A_563], %parallel_loop3A_568 : memref<64x144xf32, #tpu.memory_space<vmem>>[vector<16xi32>, vector<16xi32>], vector<16xf32>,
          %parallel_loop3A_569 = arith.constant 16 : i32
          %parallel_loop3A_570 = vector.broadcast %parallel_loop3A_569 : i32 to vector<16xi32>
          %parallel_loop3A_571 = arith.addi %parallel_loop3A_570, %parallel_loop3A_560 : vector<16xi32>
          %parallel_loop3A_572 = arith.constant 128 : i32
          %parallel_loop3A_573 = vector.broadcast %parallel_loop3A_572 : i32 to vector<16xi32>
          %parallel_loop3A_574 = arith.addi %parallel_loop3A_573, %parallel_loop3A_571 : vector<16xi32>
          %parallel_loop3A_575 = tpu.vector_load_idx %arg10[%parallel_loop3A_310, %parallel_loop3A_574] : memref<64x256xf32, #tpu.memory_space<vmem>>[vector<16xi32>, vector<16xi32>], vector<16xf32>,
          %parallel_loop3A_576 = arith.mulf %parallel_loop3A_384, %parallel_loop3A_575 : vector<16xf32>
          tpu.vector_store_idx %arg12[%parallel_loop3A_310, %parallel_loop3A_571], %parallel_loop3A_576 : memref<64x144xf32, #tpu.memory_space<vmem>>[vector<16xi32>, vector<16xi32>], vector<16xf32>,
          %parallel_loop3A_577 = arith.constant 32 : i32
          %parallel_loop3A_578 = vector.broadcast %parallel_loop3A_577 : i32 to vector<16xi32>
          %parallel_loop3A_579 = arith.addi %parallel_loop3A_578, %parallel_loop3A_560 : vector<16xi32>
          %parallel_loop3A_580 = arith.constant 128 : i32
          %parallel_loop3A_581 = vector.broadcast %parallel_loop3A_580 : i32 to vector<16xi32>
          %parallel_loop3A_582 = arith.addi %parallel_loop3A_581, %parallel_loop3A_579 : vector<16xi32>
          %parallel_loop3A_583 = tpu.vector_load_idx %arg10[%parallel_loop3A_310, %parallel_loop3A_582] : memref<64x256xf32, #tpu.memory_space<vmem>>[vector<16xi32>, vector<16xi32>], vector<16xf32>,
          %parallel_loop3A_584 = arith.mulf %parallel_loop3A_411, %parallel_loop3A_583 : vector<16xf32>
          tpu.vector_store_idx %arg12[%parallel_loop3A_310, %parallel_loop3A_579], %parallel_loop3A_584 : memref<64x144xf32, #tpu.memory_space<vmem>>[vector<16xi32>, vector<16xi32>], vector<16xf32>,
          %parallel_loop3A_585 = arith.constant 48 : i32
          %parallel_loop3A_586 = vector.broadcast %parallel_loop3A_585 : i32 to vector<16xi32>
          %parallel_loop3A_587 = arith.addi %parallel_loop3A_586, %parallel_loop3A_560 : vector<16xi32>
          %parallel_loop3A_588 = arith.constant 128 : i32
          %parallel_loop3A_589 = vector.broadcast %parallel_loop3A_588 : i32 to vector<16xi32>
          %parallel_loop3A_590 = arith.addi %parallel_loop3A_589, %parallel_loop3A_587 : vector<16xi32>
          %parallel_loop3A_591 = tpu.vector_load_idx %arg10[%parallel_loop3A_310, %parallel_loop3A_590] : memref<64x256xf32, #tpu.memory_space<vmem>>[vector<16xi32>, vector<16xi32>], vector<16xf32>,
          %parallel_loop3A_592 = arith.mulf %parallel_loop3A_438, %parallel_loop3A_591 : vector<16xf32>
          tpu.vector_store_idx %arg12[%parallel_loop3A_310, %parallel_loop3A_587], %parallel_loop3A_592 : memref<64x144xf32, #tpu.memory_space<vmem>>[vector<16xi32>, vector<16xi32>], vector<16xf32>,
          %parallel_loop3A_593 = arith.constant 64 : i32
          %parallel_loop3A_594 = vector.broadcast %parallel_loop3A_593 : i32 to vector<16xi32>
          %parallel_loop3A_595 = arith.addi %parallel_loop3A_594, %parallel_loop3A_560 : vector<16xi32>
          %parallel_loop3A_596 = arith.constant 128 : i32
          %parallel_loop3A_597 = vector.broadcast %parallel_loop3A_596 : i32 to vector<16xi32>
          %parallel_loop3A_598 = arith.addi %parallel_loop3A_597, %parallel_loop3A_595 : vector<16xi32>
          %parallel_loop3A_599 = tpu.vector_load_idx %arg10[%parallel_loop3A_310, %parallel_loop3A_598] : memref<64x256xf32, #tpu.memory_space<vmem>>[vector<16xi32>, vector<16xi32>], vector<16xf32>,
          %parallel_loop3A_600 = arith.mulf %parallel_loop3A_465, %parallel_loop3A_599 : vector<16xf32>
          tpu.vector_store_idx %arg12[%parallel_loop3A_310, %parallel_loop3A_595], %parallel_loop3A_600 : memref<64x144xf32, #tpu.memory_space<vmem>>[vector<16xi32>, vector<16xi32>], vector<16xf32>,
          %parallel_loop3A_601 = arith.constant 80 : i32
          %parallel_loop3A_602 = vector.broadcast %parallel_loop3A_601 : i32 to vector<16xi32>
          %parallel_loop3A_603 = arith.addi %parallel_loop3A_602, %parallel_loop3A_560 : vector<16xi32>
          %parallel_loop3A_604 = arith.constant 128 : i32
          %parallel_loop3A_605 = vector.broadcast %parallel_loop3A_604 : i32 to vector<16xi32>
          %parallel_loop3A_606 = arith.addi %parallel_loop3A_605, %parallel_loop3A_603 : vector<16xi32>
          %parallel_loop3A_607 = tpu.vector_load_idx %arg10[%parallel_loop3A_310, %parallel_loop3A_606] : memref<64x256xf32, #tpu.memory_space<vmem>>[vector<16xi32>, vector<16xi32>], vector<16xf32>,
          %parallel_loop3A_608 = arith.mulf %parallel_loop3A_492, %parallel_loop3A_607 : vector<16xf32>
          tpu.vector_store_idx %arg12[%parallel_loop3A_310, %parallel_loop3A_603], %parallel_loop3A_608 : memref<64x144xf32, #tpu.memory_space<vmem>>[vector<16xi32>, vector<16xi32>], vector<16xf32>,
          %parallel_loop3A_609 = arith.constant 96 : i32
          %parallel_loop3A_610 = vector.broadcast %parallel_loop3A_609 : i32 to vector<16xi32>
          %parallel_loop3A_611 = arith.addi %parallel_loop3A_610, %parallel_loop3A_560 : vector<16xi32>
          %parallel_loop3A_612 = arith.constant 128 : i32
          %parallel_loop3A_613 = vector.broadcast %parallel_loop3A_612 : i32 to vector<16xi32>
          %parallel_loop3A_614 = arith.addi %parallel_loop3A_613, %parallel_loop3A_611 : vector<16xi32>
          %parallel_loop3A_615 = tpu.vector_load_idx %arg10[%parallel_loop3A_310, %parallel_loop3A_614] : memref<64x256xf32, #tpu.memory_space<vmem>>[vector<16xi32>, vector<16xi32>], vector<16xf32>,
          %parallel_loop3A_616 = arith.mulf %parallel_loop3A_519, %parallel_loop3A_615 : vector<16xf32>
          tpu.vector_store_idx %arg12[%parallel_loop3A_310, %parallel_loop3A_611], %parallel_loop3A_616 : memref<64x144xf32, #tpu.memory_space<vmem>>[vector<16xi32>, vector<16xi32>], vector<16xf32>,
          %parallel_loop3A_617 = arith.constant 112 : i32
          %parallel_loop3A_618 = vector.broadcast %parallel_loop3A_617 : i32 to vector<16xi32>
          %parallel_loop3A_619 = arith.addi %parallel_loop3A_618, %parallel_loop3A_560 : vector<16xi32>
          %parallel_loop3A_620 = arith.constant 128 : i32
          %parallel_loop3A_621 = vector.broadcast %parallel_loop3A_620 : i32 to vector<16xi32>
          %parallel_loop3A_622 = arith.addi %parallel_loop3A_621, %parallel_loop3A_619 : vector<16xi32>
          %parallel_loop3A_623 = tpu.vector_load_idx %arg10[%parallel_loop3A_310, %parallel_loop3A_622] : memref<64x256xf32, #tpu.memory_space<vmem>>[vector<16xi32>, vector<16xi32>], vector<16xf32>,
          %parallel_loop3A_624 = arith.mulf %parallel_loop3A_546, %parallel_loop3A_623 : vector<16xf32>
          tpu.vector_store_idx %arg12[%parallel_loop3A_310, %parallel_loop3A_619], %parallel_loop3A_624 : memref<64x144xf32, #tpu.memory_space<vmem>>[vector<16xi32>, vector<16xi32>], vector<16xf32>,
        }
        %parallel_loop3A_554 = arith.constant 16 : i32
      } {sc.loop_unroll_factor = 1 : i64, sc.parallel_access}
      %run_scoped3A = arith.constant 0 : i32
      %run_scoped3A_191 = arith.constant 1 : i32
      "tpu.region"() ({
        %run_scoped3A_306 = tpu.sem_alloc : memref<!tpu.dma_semaphore, #tpu.memory_space<semaphore_mem>>
        %dma_start3A_307 = arith.constant 0 : i32
        %dma_start3A_308 = tpu.memref_slice %arg8[%run_scoped3A, %run_scoped3A_191, %dma_start3A_307] : memref<2x2x64xi32, #tpu.memory_space<vmem>> -> memref<1x1x64xi32, #tpu.memory_space<vmem>>
        %dma_start3A_309 = tpu.memref_squeeze %dma_start3A_308 : memref<1x1x64xi32, #tpu.memory_space<vmem>> -> memref<64xi32, #tpu.memory_space<vmem>>
        %dma_start3A_310 = arith.constant 0 : i32
        %dma_start3A_311 = arith.constant 0 : i32
        %dma_start3A_312 = tpu.memref_slice %arg13[%dma_start3A_310, %dma_start3A_311] : memref<10000x144xf32, #tpu.memory_space<vmem_shared>> -> memref<10000x144xf32, #tpu.memory_space<vmem_shared>>
        tpu.enqueue_indirect_dma source(%arg12 : memref<64x144xf32, #tpu.memory_space<vmem>>) target(%dma_start3A_312 : memref<10000x144xf32, #tpu.memory_space<vmem_shared>>) offsets(%dma_start3A_309 : memref<64xi32, #tpu.memory_space<vmem>>) semaphore(%run_scoped3A_306 : memref<!tpu.dma_semaphore, #tpu.memory_space<semaphore_mem>>) {add = true}
        %dma_wait3A_313 = arith.constant 0 : i32
        %dma_wait3A_314 = tpu.memref_slice %arg8[%run_scoped3A, %run_scoped3A_191, %dma_wait3A_313] : memref<2x2x64xi32, #tpu.memory_space<vmem>> -> memref<1x1x64xi32, #tpu.memory_space<vmem>>
        %dma_wait3A_315 = tpu.memref_squeeze %dma_wait3A_314 : memref<1x1x64xi32, #tpu.memory_space<vmem>> -> memref<64xi32, #tpu.memory_space<vmem>>
        %dma_wait3A_316 = arith.constant 0 : i32
        %dma_wait3A_317 = arith.constant 0 : i32
        %dma_wait3A_318 = tpu.memref_slice %arg13[%dma_wait3A_316, %dma_wait3A_317] : memref<10000x144xf32, #tpu.memory_space<vmem_shared>> -> memref<10000x144xf32, #tpu.memory_space<vmem_shared>>
        tpu.wait_indirect_dma semaphore(%run_scoped3A_306 : memref<!tpu.dma_semaphore, #tpu.memory_space<semaphore_mem>>) src(%arg12 : memref<64x144xf32, #tpu.memory_space<vmem>>) dst(%dma_wait3A_318 : memref<10000x144xf32, #tpu.memory_space<vmem_shared>>)
        tpu.yield
      }) : () -> ()
      %mul3A_192 = arith.constant 2 : i32
      %mul3A_193 = arith.muli %mul3A_192, %scan3A_83 : i32
      %add3A_194 = arith.constant 1 : i32
      %add3A_195 = arith.addi %mul3A_193, %add3A_194 : i32
      %dma_wait3A_196 = arith.constant 1 : i32
      %dma_wait3A_197 = arith.constant 0 : i32
      %dma_wait3A_198 = arith.constant 0 : i32
      %dma_wait3A_199 = tpu.memref_slice %arg8[%dma_wait3A_196, %dma_wait3A_197, %dma_wait3A_198] : memref<2x2x64xi32, #tpu.memory_space<vmem>> -> memref<1x2x64xi32, #tpu.memory_space<vmem>>
      %dma_wait3A_200 = tpu.memref_squeeze %dma_wait3A_199 : memref<1x2x64xi32, #tpu.memory_space<vmem>> -> memref<2x64xi32, #tpu.memory_space<vmem>>
      %dma_wait3A_201 = arith.constant 0 : i32
      %dma_wait3A_202 = arith.constant 0 : i32
      %dma_wait3A_203 = tpu.memref_slice %arg5[%dma_wait3A_201, %dma_wait3A_202] : memref<2x320000xi32, #tpu.memory_space<hbm>> -> memref<2x64xi32, #tpu.memory_space<hbm>>
      %dma_wait3A_204 = arith.constant 0 : i32
      %dma_wait3A_205 = arith.constant 0 : i32
      %dma_wait3A_206 = tpu.memref_slice %arg8[%dma_wait3A_196, %dma_wait3A_204, %dma_wait3A_205] : memref<2x2x64xi32, #tpu.memory_space<vmem>> -> memref<1x2x64xi32, #tpu.memory_space<vmem>>
      %dma_wait3A_207 = tpu.memref_squeeze %dma_wait3A_206 : memref<1x2x64xi32, #tpu.memory_space<vmem>> -> memref<2x64xi32, #tpu.memory_space<vmem>>
      %dma_wait3A_208 = arith.constant 0 : i32
      %dma_wait3A_209 = arith.constant 0 : i32
      %dma_wait3A_210 = tpu.memref_slice %arg5[%dma_wait3A_208, %dma_wait3A_209] : memref<2x320000xi32, #tpu.memory_space<hbm>> -> memref<2x64xi32, #tpu.memory_space<hbm>>
      tpu.wait_dma2 semaphore(%arg16 : memref<!tpu.dma_semaphore, #tpu.memory_space<semaphore_mem>>) src(%dma_wait3A_210 : memref<2x64xi32, #tpu.memory_space<hbm>>) dst(%dma_wait3A_207 : memref<2x64xi32, #tpu.memory_space<vmem>>)
      %dma_wait3A_211 = arith.constant 1 : i32
      %dma_wait3A_212 = arith.constant 0 : i32
      %dma_wait3A_213 = arith.constant 0 : i32
      %dma_wait3A_214 = tpu.memref_slice %arg9[%dma_wait3A_211, %dma_wait3A_212, %dma_wait3A_213] : memref<2x64x17xf32, #tpu.memory_space<vmem>> -> memref<1x64x16xf32, #tpu.memory_space<vmem>>
      %dma_wait3A_215 = tpu.memref_squeeze %dma_wait3A_214 : memref<1x64x16xf32, #tpu.memory_space<vmem>> -> memref<64x16xf32, #tpu.memory_space<vmem>>
      %dma_wait3A_216 = arith.constant 0 : i32
      %dma_wait3A_217 = arith.constant 0 : i32
      %dma_wait3A_218 = tpu.memref_slice %arg4[%dma_wait3A_216, %dma_wait3A_217] : memref<320000x16xf32, #tpu.memory_space<hbm>> -> memref<64x16xf32, #tpu.memory_space<hbm>>
      %dma_wait3A_219 = arith.constant 0 : i32
      %dma_wait3A_220 = arith.constant 0 : i32
      %dma_wait3A_221 = tpu.memref_slice %arg9[%dma_wait3A_211, %dma_wait3A_219, %dma_wait3A_220] : memref<2x64x17xf32, #tpu.memory_space<vmem>> -> memref<1x64x16xf32, #tpu.memory_space<vmem>>
      %dma_wait3A_222 = tpu.memref_squeeze %dma_wait3A_221 : memref<1x64x16xf32, #tpu.memory_space<vmem>> -> memref<64x16xf32, #tpu.memory_space<vmem>>
      %dma_wait3A_223 = arith.constant 0 : i32
      %dma_wait3A_224 = arith.constant 0 : i32
      %dma_wait3A_225 = tpu.memref_slice %arg4[%dma_wait3A_223, %dma_wait3A_224] : memref<320000x16xf32, #tpu.memory_space<hbm>> -> memref<64x16xf32, #tpu.memory_space<hbm>>
      tpu.wait_dma2 semaphore(%arg17 : memref<!tpu.dma_semaphore, #tpu.memory_space<semaphore_mem>>) src(%dma_wait3A_225 : memref<64x16xf32, #tpu.memory_space<hbm>>) dst(%dma_wait3A_222 : memref<64x16xf32, #tpu.memory_space<vmem>>)
      %dma_start3A_226 = arith.constant 1 : i32
      %dma_start3A_227 = arith.constant 0 : i32
      %dma_start3A_228 = arith.constant 0 : i32
      %dma_start3A_229 = tpu.memref_slice %arg8[%dma_start3A_226, %dma_start3A_227, %dma_start3A_228] : memref<2x2x64xi32, #tpu.memory_space<vmem>> -> memref<1x1x64xi32, #tpu.memory_space<vmem>>
      %dma_start3A_230 = tpu.memref_squeeze %dma_start3A_229 : memref<1x1x64xi32, #tpu.memory_space<vmem>> -> memref<64xi32, #tpu.memory_space<vmem>>
      %dma_start3A_231 = arith.constant 0 : i32
      %dma_start3A_232 = arith.constant 0 : i32
      %dma_start3A_233 = tpu.memref_slice %arg2[%dma_start3A_231, %dma_start3A_232] : memref<10000x256xf32, #tpu.memory_space<hbm>> -> memref<10000x256xf32, #tpu.memory_space<hbm>>
      tpu.enqueue_indirect_dma source(%dma_start3A_233 : memref<10000x256xf32, #tpu.memory_space<hbm>>) target(%arg10 : memref<64x256xf32, #tpu.memory_space<vmem>>) offsets(%dma_start3A_230 : memref<64xi32, #tpu.memory_space<vmem>>) semaphore(%arg14 : memref<!tpu.dma_semaphore, #tpu.memory_space<semaphore_mem>>)
      %dma_start3A_234 = arith.constant 1 : i32
      %dma_start3A_235 = arith.constant 1 : i32
      %dma_start3A_236 = arith.constant 0 : i32
      %dma_start3A_237 = tpu.memref_slice %arg8[%dma_start3A_234, %dma_start3A_235, %dma_start3A_236] : memref<2x2x64xi32, #tpu.memory_space<vmem>> -> memref<1x1x64xi32, #tpu.memory_space<vmem>>
      %dma_start3A_238 = tpu.memref_squeeze %dma_start3A_237 : memref<1x1x64xi32, #tpu.memory_space<vmem>> -> memref<64xi32, #tpu.memory_space<vmem>>
      %dma_start3A_239 = arith.constant 0 : i32
      %dma_start3A_240 = arith.constant 0 : i32
      %dma_start3A_241 = tpu.memref_slice %arg3[%dma_start3A_239, %dma_start3A_240] : memref<10000x128xf32, #tpu.memory_space<hbm>> -> memref<10000x128xf32, #tpu.memory_space<hbm>>
      tpu.enqueue_indirect_dma source(%dma_start3A_241 : memref<10000x128xf32, #tpu.memory_space<hbm>>) target(%arg11 : memref<64x128xf32, #tpu.memory_space<vmem>>) offsets(%dma_start3A_238 : memref<64xi32, #tpu.memory_space<vmem>>) semaphore(%arg15 : memref<!tpu.dma_semaphore, #tpu.memory_space<semaphore_mem>>)
      %add3A_242 = arith.constant 1 : i32
      %add3A_243 = arith.addi %add3A_195, %add3A_242 : i32
      %mul3A_244 = arith.constant 64 : i32
      %mul3A_245 = arith.muli %add3A_243, %mul3A_244 : i32
      %min3A_246 = arith.constant 9936 : i32
      %min3A_247 = arith.minsi %mul3A_245, %min3A_246 : i32
      %add3A_248 = arith.addi %mul3A_12, %min3A_247 : i32
      %dma_start3A_249 = arith.constant 0 : i32
      %dma_start3A_250 = arith.constant 0 : i32
      %dma_start3A_251 = arith.constant 0 : i32
      %dma_start3A_252 = tpu.memref_slice %arg8[%dma_start3A_249, %dma_start3A_250, %dma_start3A_251] : memref<2x2x64xi32, #tpu.memory_space<vmem>> -> memref<1x2x64xi32, #tpu.memory_space<vmem>>
      %dma_start3A_253 = tpu.memref_squeeze %dma_start3A_252 : memref<1x2x64xi32, #tpu.memory_space<vmem>> -> memref<2x64xi32, #tpu.memory_space<vmem>>
      %dma_start3A_254 = arith.constant 0 : i32
      %dma_start3A_255 = tpu.memref_slice %arg5[%dma_start3A_254, %add3A_248] : memref<2x320000xi32, #tpu.memory_space<hbm>> -> memref<2x64xi32, #tpu.memory_space<hbm>>
      %dma_start3A_256 = arith.constant 0 : i32
      %dma_start3A_257 = arith.constant 0 : i32
      %dma_start3A_258 = tpu.memref_slice %arg8[%dma_start3A_249, %dma_start3A_256, %dma_start3A_257] : memref<2x2x64xi32, #tpu.memory_space<vmem>> -> memref<1x2x64xi32, #tpu.memory_space<vmem>>
      %dma_start3A_259 = tpu.memref_squeeze %dma_start3A_258 : memref<1x2x64xi32, #tpu.memory_space<vmem>> -> memref<2x64xi32, #tpu.memory_space<vmem>>
      %dma_start3A_260 = arith.constant 0 : i32
      %dma_start3A_261 = tpu.memref_slice %arg5[%dma_start3A_260, %add3A_248] : memref<2x320000xi32, #tpu.memory_space<hbm>> -> memref<2x64xi32, #tpu.memory_space<hbm>>
      tpu.enqueue_dma source(%dma_start3A_261 : memref<2x64xi32, #tpu.memory_space<hbm>>) target(%dma_start3A_259 : memref<2x64xi32, #tpu.memory_space<vmem>>) target_semaphore(%arg16 : memref<!tpu.dma_semaphore, #tpu.memory_space<semaphore_mem>>)
      %dma_start3A_262 = arith.constant 0 : i32
      %dma_start3A_263 = arith.constant 0 : i32
      %dma_start3A_264 = arith.constant 0 : i32
      %dma_start3A_265 = tpu.memref_slice %arg9[%dma_start3A_262, %dma_start3A_263, %dma_start3A_264] : memref<2x64x17xf32, #tpu.memory_space<vmem>> -> memref<1x64x16xf32, #tpu.memory_space<vmem>>
      %dma_start3A_266 = tpu.memref_squeeze %dma_start3A_265 : memref<1x64x16xf32, #tpu.memory_space<vmem>> -> memref<64x16xf32, #tpu.memory_space<vmem>>
      %dma_start3A_267 = arith.constant 0 : i32
      %dma_start3A_268 = tpu.memref_slice %arg4[%add3A_248, %dma_start3A_267] : memref<320000x16xf32, #tpu.memory_space<hbm>> -> memref<64x16xf32, #tpu.memory_space<hbm>>
      %dma_start3A_269 = arith.constant 0 : i32
      %dma_start3A_270 = arith.constant 0 : i32
      %dma_start3A_271 = tpu.memref_slice %arg9[%dma_start3A_262, %dma_start3A_269, %dma_start3A_270] : memref<2x64x17xf32, #tpu.memory_space<vmem>> -> memref<1x64x16xf32, #tpu.memory_space<vmem>>
      %dma_start3A_272 = tpu.memref_squeeze %dma_start3A_271 : memref<1x64x16xf32, #tpu.memory_space<vmem>> -> memref<64x16xf32, #tpu.memory_space<vmem>>
      %dma_start3A_273 = arith.constant 0 : i32
      %dma_start3A_274 = tpu.memref_slice %arg4[%add3A_248, %dma_start3A_273] : memref<320000x16xf32, #tpu.memory_space<hbm>> -> memref<64x16xf32, #tpu.memory_space<hbm>>
      tpu.enqueue_dma source(%dma_start3A_274 : memref<64x16xf32, #tpu.memory_space<hbm>>) target(%dma_start3A_272 : memref<64x16xf32, #tpu.memory_space<vmem>>) target_semaphore(%arg17 : memref<!tpu.dma_semaphore, #tpu.memory_space<semaphore_mem>>)
      %dma_wait3A_275 = arith.constant 1 : i32
      %dma_wait3A_276 = arith.constant 0 : i32
      %dma_wait3A_277 = arith.constant 0 : i32
      %dma_wait3A_278 = tpu.memref_slice %arg8[%dma_wait3A_275, %dma_wait3A_276, %dma_wait3A_277] : memref<2x2x64xi32, #tpu.memory_space<vmem>> -> memref<1x1x64xi32, #tpu.memory_space<vmem>>
      %dma_wait3A_279 = tpu.memref_squeeze %dma_wait3A_278 : memref<1x1x64xi32, #tpu.memory_space<vmem>> -> memref<64xi32, #tpu.memory_space<vmem>>
      %dma_wait3A_280 = arith.constant 0 : i32
      %dma_wait3A_281 = arith.constant 0 : i32
      %dma_wait3A_282 = tpu.memref_slice %arg2[%dma_wait3A_280, %dma_wait3A_281] : memref<10000x256xf32, #tpu.memory_space<hbm>> -> memref<10000x256xf32, #tpu.memory_space<hbm>>
      tpu.wait_indirect_dma semaphore(%arg14 : memref<!tpu.dma_semaphore, #tpu.memory_space<semaphore_mem>>) src(%dma_wait3A_282 : memref<10000x256xf32, #tpu.memory_space<hbm>>) dst(%arg10 : memref<64x256xf32, #tpu.memory_space<vmem>>)
      %dma_wait3A_283 = arith.constant 1 : i32
      %dma_wait3A_284 = arith.constant 1 : i32
      %dma_wait3A_285 = arith.constant 0 : i32
      %dma_wait3A_286 = tpu.memref_slice %arg8[%dma_wait3A_283, %dma_wait3A_284, %dma_wait3A_285] : memref<2x2x64xi32, #tpu.memory_space<vmem>> -> memref<1x1x64xi32, #tpu.memory_space<vmem>>
      %dma_wait3A_287 = tpu.memref_squeeze %dma_wait3A_286 : memref<1x1x64xi32, #tpu.memory_space<vmem>> -> memref<64xi32, #tpu.memory_space<vmem>>
      %dma_wait3A_288 = arith.constant 0 : i32
      %dma_wait3A_289 = arith.constant 0 : i32
      %dma_wait3A_290 = tpu.memref_slice %arg3[%dma_wait3A_288, %dma_wait3A_289] : memref<10000x128xf32, #tpu.memory_space<hbm>> -> memref<10000x128xf32, #tpu.memory_space<hbm>>
      tpu.wait_indirect_dma semaphore(%arg15 : memref<!tpu.dma_semaphore, #tpu.memory_space<semaphore_mem>>) src(%dma_wait3A_290 : memref<10000x128xf32, #tpu.memory_space<hbm>>) dst(%arg11 : memref<64x128xf32, #tpu.memory_space<vmem>>)
      %eq3A_291 = arith.constant 156 : i32
      %eq3A_292 = arith.cmpi eq, %add3A_195, %eq3A_291 : i32
      %eq3A_293 = arith.constant 157 : i32
      %eq3A_294 = arith.cmpi eq, %add3A_195, %eq3A_293 : i32
      %jit3A_295 = arith.constant 64 : i32
      %jit3A_296 = arith.constant 0 : i32
      %select_n3A_297 = arith.select %eq3A_294, %jit3A_295, %jit3A_296 : i32
      %jit3A_298 = arith.constant 48 : i32
      %select_n3A_299 = arith.select %eq3A_292, %jit3A_298, %select_n3A_297 : i32
      %parallel_loop3A_300 = arith.constant 0 : i32
      %parallel_loop3A_301 = arith.constant 4 : i32
      %parallel_loop3A_302 = arith.constant 1 : i32
      scf.for %parallel_loop3A_306 = %parallel_loop3A_300 to %parallel_loop3A_301 step %parallel_loop3A_302  : i32 {
        %parallel_loop3A_307 = arith.constant 16 : i32
        %parallel_loop3A_308 = arith.muli %parallel_loop3A_306, %parallel_loop3A_307 : i32
        %parallel_loop3A_309 = vector.broadcast %parallel_loop3A_308 : i32 to vector<16xi32>
        %parallel_loop3A_310 = arith.addi %parallel_loop3A_309, %iota3A : vector<16xi32>
        %parallel_loop3A_311 = arith.constant 0.000000e+00 : f32
        %parallel_loop3A_312 = vector.broadcast %parallel_loop3A_311 : f32 to vector<16xf32>
        %parallel_loop3A_313 = arith.constant 0.000000e+00 : f32
        %parallel_loop3A_314 = vector.broadcast %parallel_loop3A_313 : f32 to vector<16xf32>
        %parallel_loop3A_315 = arith.constant 0.000000e+00 : f32
        %parallel_loop3A_316 = vector.broadcast %parallel_loop3A_315 : f32 to vector<16xf32>
        %parallel_loop3A_317 = arith.constant 0.000000e+00 : f32
        %parallel_loop3A_318 = vector.broadcast %parallel_loop3A_317 : f32 to vector<16xf32>
        %parallel_loop3A_319 = arith.constant 0.000000e+00 : f32
        %parallel_loop3A_320 = vector.broadcast %parallel_loop3A_319 : f32 to vector<16xf32>
        %parallel_loop3A_321 = arith.constant 0.000000e+00 : f32
        %parallel_loop3A_322 = vector.broadcast %parallel_loop3A_321 : f32 to vector<16xf32>
        %parallel_loop3A_323 = arith.constant 0.000000e+00 : f32
        %parallel_loop3A_324 = vector.broadcast %parallel_loop3A_323 : f32 to vector<16xf32>
        %parallel_loop3A_325 = arith.constant 0.000000e+00 : f32
        %parallel_loop3A_326 = vector.broadcast %parallel_loop3A_325 : f32 to vector<16xf32>
        %parallel_loop3A_327 = arith.constant 0 : i32
        %parallel_loop3A_328 = arith.constant 16 : i32
        %parallel_loop3A_329 = arith.addi %parallel_loop3A_327, %parallel_loop3A_328 : i32
        %parallel_loop3A_330 = arith.constant 1 : i32
        %parallel_loop3A_331:8 = scf.for %scan3A_555 = %parallel_loop3A_327 to %parallel_loop3A_329 step %parallel_loop3A_330 iter_args(%scan3A_556 = %parallel_loop3A_312, %scan3A_557 = %parallel_loop3A_314, %scan3A_558 = %parallel_loop3A_316, %scan3A_559 = %parallel_loop3A_318, %scan3A_560 = %parallel_loop3A_320, %scan3A_561 = %parallel_loop3A_322, %scan3A_562 = %parallel_loop3A_324, %scan3A_563 = %parallel_loop3A_326) -> (vector<16xf32>, vector<16xf32>, vector<16xf32>, vector<16xf32>, vector<16xf32>, vector<16xf32>, vector<16xf32>, vector<16xf32>)  : i32 {
          %parallel_loop3A_564 = vector.broadcast %scan3A_555 : i32 to vector<16xi32>
          %parallel_loop3A_565 = arith.addi %iota3A, %parallel_loop3A_564 : vector<16xi32>
          %parallel_loop3A_566 = arith.constant 15 : i32
          %parallel_loop3A_567 = vector.broadcast %parallel_loop3A_566 : i32 to vector<16xi32>
          %parallel_loop3A_568 = arith.andi %parallel_loop3A_565, %parallel_loop3A_567 : vector<16xi32>
          %parallel_loop3A_569 = arith.constant 0 : i32
          %parallel_loop3A_570 = vector.broadcast %parallel_loop3A_569 : i32 to vector<16xi32>
          %parallel_loop3A_571 = arith.addi %parallel_loop3A_570, %parallel_loop3A_568 : vector<16xi32>
          %parallel_loop3A_572 = tpu.vector_load_idx %arg10[%parallel_loop3A_310, %parallel_loop3A_571] : memref<64x256xf32, #tpu.memory_space<vmem>>[vector<16xi32>, vector<16xi32>], vector<16xf32>,
          %parallel_loop3A_573 = tpu.vector_load_idx %arg11[%parallel_loop3A_310, %parallel_loop3A_571] : memref<64x128xf32, #tpu.memory_space<vmem>>[vector<16xi32>, vector<16xi32>], vector<16xf32>,
          %parallel_loop3A_574 = arith.mulf %parallel_loop3A_572, %parallel_loop3A_573 : vector<16xf32>
          %parallel_loop3A_575 = arith.addf %scan3A_556, %parallel_loop3A_574 : vector<16xf32>
          %parallel_loop3A_576 = arith.constant 16 : i32
          %parallel_loop3A_577 = vector.broadcast %parallel_loop3A_576 : i32 to vector<16xi32>
          %parallel_loop3A_578 = arith.addi %parallel_loop3A_577, %parallel_loop3A_568 : vector<16xi32>
          %parallel_loop3A_579 = tpu.vector_load_idx %arg10[%parallel_loop3A_310, %parallel_loop3A_578] : memref<64x256xf32, #tpu.memory_space<vmem>>[vector<16xi32>, vector<16xi32>], vector<16xf32>,
          %parallel_loop3A_580 = tpu.vector_load_idx %arg11[%parallel_loop3A_310, %parallel_loop3A_578] : memref<64x128xf32, #tpu.memory_space<vmem>>[vector<16xi32>, vector<16xi32>], vector<16xf32>,
          %parallel_loop3A_581 = arith.mulf %parallel_loop3A_579, %parallel_loop3A_580 : vector<16xf32>
          %parallel_loop3A_582 = arith.addf %scan3A_557, %parallel_loop3A_581 : vector<16xf32>
          %parallel_loop3A_583 = arith.constant 32 : i32
          %parallel_loop3A_584 = vector.broadcast %parallel_loop3A_583 : i32 to vector<16xi32>
          %parallel_loop3A_585 = arith.addi %parallel_loop3A_584, %parallel_loop3A_568 : vector<16xi32>
          %parallel_loop3A_586 = tpu.vector_load_idx %arg10[%parallel_loop3A_310, %parallel_loop3A_585] : memref<64x256xf32, #tpu.memory_space<vmem>>[vector<16xi32>, vector<16xi32>], vector<16xf32>,
          %parallel_loop3A_587 = tpu.vector_load_idx %arg11[%parallel_loop3A_310, %parallel_loop3A_585] : memref<64x128xf32, #tpu.memory_space<vmem>>[vector<16xi32>, vector<16xi32>], vector<16xf32>,
          %parallel_loop3A_588 = arith.mulf %parallel_loop3A_586, %parallel_loop3A_587 : vector<16xf32>
          %parallel_loop3A_589 = arith.addf %scan3A_558, %parallel_loop3A_588 : vector<16xf32>
          %parallel_loop3A_590 = arith.constant 48 : i32
          %parallel_loop3A_591 = vector.broadcast %parallel_loop3A_590 : i32 to vector<16xi32>
          %parallel_loop3A_592 = arith.addi %parallel_loop3A_591, %parallel_loop3A_568 : vector<16xi32>
          %parallel_loop3A_593 = tpu.vector_load_idx %arg10[%parallel_loop3A_310, %parallel_loop3A_592] : memref<64x256xf32, #tpu.memory_space<vmem>>[vector<16xi32>, vector<16xi32>], vector<16xf32>,
          %parallel_loop3A_594 = tpu.vector_load_idx %arg11[%parallel_loop3A_310, %parallel_loop3A_592] : memref<64x128xf32, #tpu.memory_space<vmem>>[vector<16xi32>, vector<16xi32>], vector<16xf32>,
          %parallel_loop3A_595 = arith.mulf %parallel_loop3A_593, %parallel_loop3A_594 : vector<16xf32>
          %parallel_loop3A_596 = arith.addf %scan3A_559, %parallel_loop3A_595 : vector<16xf32>
          %parallel_loop3A_597 = arith.constant 64 : i32
          %parallel_loop3A_598 = vector.broadcast %parallel_loop3A_597 : i32 to vector<16xi32>
          %parallel_loop3A_599 = arith.addi %parallel_loop3A_598, %parallel_loop3A_568 : vector<16xi32>
          %parallel_loop3A_600 = tpu.vector_load_idx %arg10[%parallel_loop3A_310, %parallel_loop3A_599] : memref<64x256xf32, #tpu.memory_space<vmem>>[vector<16xi32>, vector<16xi32>], vector<16xf32>,
          %parallel_loop3A_601 = tpu.vector_load_idx %arg11[%parallel_loop3A_310, %parallel_loop3A_599] : memref<64x128xf32, #tpu.memory_space<vmem>>[vector<16xi32>, vector<16xi32>], vector<16xf32>,
          %parallel_loop3A_602 = arith.mulf %parallel_loop3A_600, %parallel_loop3A_601 : vector<16xf32>
          %parallel_loop3A_603 = arith.addf %scan3A_560, %parallel_loop3A_602 : vector<16xf32>
          %parallel_loop3A_604 = arith.constant 80 : i32
          %parallel_loop3A_605 = vector.broadcast %parallel_loop3A_604 : i32 to vector<16xi32>
          %parallel_loop3A_606 = arith.addi %parallel_loop3A_605, %parallel_loop3A_568 : vector<16xi32>
          %parallel_loop3A_607 = tpu.vector_load_idx %arg10[%parallel_loop3A_310, %parallel_loop3A_606] : memref<64x256xf32, #tpu.memory_space<vmem>>[vector<16xi32>, vector<16xi32>], vector<16xf32>,
          %parallel_loop3A_608 = tpu.vector_load_idx %arg11[%parallel_loop3A_310, %parallel_loop3A_606] : memref<64x128xf32, #tpu.memory_space<vmem>>[vector<16xi32>, vector<16xi32>], vector<16xf32>,
          %parallel_loop3A_609 = arith.mulf %parallel_loop3A_607, %parallel_loop3A_608 : vector<16xf32>
          %parallel_loop3A_610 = arith.addf %scan3A_561, %parallel_loop3A_609 : vector<16xf32>
          %parallel_loop3A_611 = arith.constant 96 : i32
          %parallel_loop3A_612 = vector.broadcast %parallel_loop3A_611 : i32 to vector<16xi32>
          %parallel_loop3A_613 = arith.addi %parallel_loop3A_612, %parallel_loop3A_568 : vector<16xi32>
          %parallel_loop3A_614 = tpu.vector_load_idx %arg10[%parallel_loop3A_310, %parallel_loop3A_613] : memref<64x256xf32, #tpu.memory_space<vmem>>[vector<16xi32>, vector<16xi32>], vector<16xf32>,
          %parallel_loop3A_615 = tpu.vector_load_idx %arg11[%parallel_loop3A_310, %parallel_loop3A_613] : memref<64x128xf32, #tpu.memory_space<vmem>>[vector<16xi32>, vector<16xi32>], vector<16xf32>,
          %parallel_loop3A_616 = arith.mulf %parallel_loop3A_614, %parallel_loop3A_615 : vector<16xf32>
          %parallel_loop3A_617 = arith.addf %scan3A_562, %parallel_loop3A_616 : vector<16xf32>
          %parallel_loop3A_618 = arith.constant 112 : i32
          %parallel_loop3A_619 = vector.broadcast %parallel_loop3A_618 : i32 to vector<16xi32>
          %parallel_loop3A_620 = arith.addi %parallel_loop3A_619, %parallel_loop3A_568 : vector<16xi32>
          %parallel_loop3A_621 = tpu.vector_load_idx %arg10[%parallel_loop3A_310, %parallel_loop3A_620] : memref<64x256xf32, #tpu.memory_space<vmem>>[vector<16xi32>, vector<16xi32>], vector<16xf32>,
          %parallel_loop3A_622 = tpu.vector_load_idx %arg11[%parallel_loop3A_310, %parallel_loop3A_620] : memref<64x128xf32, #tpu.memory_space<vmem>>[vector<16xi32>, vector<16xi32>], vector<16xf32>,
          %parallel_loop3A_623 = arith.mulf %parallel_loop3A_621, %parallel_loop3A_622 : vector<16xf32>
          %parallel_loop3A_624 = arith.addf %scan3A_563, %parallel_loop3A_623 : vector<16xf32>
          scf.yield %parallel_loop3A_575, %parallel_loop3A_582, %parallel_loop3A_589, %parallel_loop3A_596, %parallel_loop3A_603, %parallel_loop3A_610, %parallel_loop3A_617, %parallel_loop3A_624 : vector<16xf32>, vector<16xf32>, vector<16xf32>, vector<16xf32>, vector<16xf32>, vector<16xf32>, vector<16xf32>, vector<16xf32>
        }
        %parallel_loop3A_332 = arith.constant 16 : i32
        %parallel_loop3A_333 = arith.constant 2.500000e-01 : f32
        %parallel_loop3A_334 = vector.broadcast %parallel_loop3A_333 : f32 to vector<16xf32>
        %parallel_loop3A_335 = arith.mulf %parallel_loop3A_331#0, %parallel_loop3A_334 : vector<16xf32>
        %parallel_loop3A_336 = arith.constant 0 : i32
        %parallel_loop3A_337 = vector.broadcast %parallel_loop3A_336 : i32 to vector<16xi32>
        %parallel_loop3A_338 = arith.constant 1 : i32
        %parallel_loop3A_339 = arith.constant 0 : i32
        %parallel_loop3A_340 = arith.constant 0 : i32
        %parallel_loop3A_341 = tpu.memref_slice %arg9[%parallel_loop3A_338, %parallel_loop3A_339, %parallel_loop3A_340] : memref<2x64x17xf32, #tpu.memory_space<vmem>> -> memref<1x64x17xf32, #tpu.memory_space<vmem>>
        %parallel_loop3A_342 = tpu.memref_squeeze %parallel_loop3A_341 : memref<1x64x17xf32, #tpu.memory_space<vmem>> -> memref<64x17xf32, #tpu.memory_space<vmem>>
        %parallel_loop3A_343 = tpu.vector_load_idx %parallel_loop3A_342[%parallel_loop3A_310, %parallel_loop3A_337] : memref<64x17xf32, #tpu.memory_space<vmem>>[vector<16xi32>, vector<16xi32>], vector<16xf32>,
        %parallel_loop3A_344 = arith.addf %parallel_loop3A_335, %parallel_loop3A_343 : vector<16xf32>
        %parallel_loop3A_345 = arith.constant 0.000000e+00 : f32
        %parallel_loop3A_346 = vector.broadcast %parallel_loop3A_345 : f32 to vector<16xf32>
        %parallel_loop3A_347 = arith.cmpf ogt, %parallel_loop3A_344, %parallel_loop3A_346 : vector<16xf32>
        %parallel_loop3A_348 = arith.constant 2.000000e-01 : f32
        %parallel_loop3A_349 = vector.broadcast %parallel_loop3A_348 : f32 to vector<16xf32>
        %parallel_loop3A_350 = arith.mulf %parallel_loop3A_344, %parallel_loop3A_349 : vector<16xf32>
        %parallel_loop3A_351 = arith.select %parallel_loop3A_347, %parallel_loop3A_344, %parallel_loop3A_350 : vector<16xi1>, vector<16xf32>
        %parallel_loop3A_352 = math.exp %parallel_loop3A_351 : vector<16xf32>
        %parallel_loop3A_353 = vector.broadcast %select_n3A_299 : i32 to vector<16xi32>
        %parallel_loop3A_354 = arith.cmpi sge, %parallel_loop3A_310, %parallel_loop3A_353 : vector<16xi32>
        %parallel_loop3A_355 = arith.constant 0.000000e+00 : f32
        %parallel_loop3A_356 = vector.broadcast %parallel_loop3A_355 : f32 to vector<16xf32>
        %parallel_loop3A_357 = arith.select %parallel_loop3A_354, %parallel_loop3A_352, %parallel_loop3A_356 : vector<16xi1>, vector<16xf32>
        %parallel_loop3A_358 = arith.constant 128 : i32
        %parallel_loop3A_359 = vector.broadcast %parallel_loop3A_358 : i32 to vector<16xi32>
        tpu.vector_store_idx %arg12[%parallel_loop3A_310, %parallel_loop3A_359], %parallel_loop3A_357 : memref<64x144xf32, #tpu.memory_space<vmem>>[vector<16xi32>, vector<16xi32>], vector<16xf32>,
        %parallel_loop3A_360 = arith.constant 2.500000e-01 : f32
        %parallel_loop3A_361 = vector.broadcast %parallel_loop3A_360 : f32 to vector<16xf32>
        %parallel_loop3A_362 = arith.mulf %parallel_loop3A_331#1, %parallel_loop3A_361 : vector<16xf32>
        %parallel_loop3A_363 = arith.constant 1 : i32
        %parallel_loop3A_364 = vector.broadcast %parallel_loop3A_363 : i32 to vector<16xi32>
        %parallel_loop3A_365 = arith.constant 1 : i32
        %parallel_loop3A_366 = arith.constant 0 : i32
        %parallel_loop3A_367 = arith.constant 0 : i32
        %parallel_loop3A_368 = tpu.memref_slice %arg9[%parallel_loop3A_365, %parallel_loop3A_366, %parallel_loop3A_367] : memref<2x64x17xf32, #tpu.memory_space<vmem>> -> memref<1x64x17xf32, #tpu.memory_space<vmem>>
        %parallel_loop3A_369 = tpu.memref_squeeze %parallel_loop3A_368 : memref<1x64x17xf32, #tpu.memory_space<vmem>> -> memref<64x17xf32, #tpu.memory_space<vmem>>
        %parallel_loop3A_370 = tpu.vector_load_idx %parallel_loop3A_369[%parallel_loop3A_310, %parallel_loop3A_364] : memref<64x17xf32, #tpu.memory_space<vmem>>[vector<16xi32>, vector<16xi32>], vector<16xf32>,
        %parallel_loop3A_371 = arith.addf %parallel_loop3A_362, %parallel_loop3A_370 : vector<16xf32>
        %parallel_loop3A_372 = arith.constant 0.000000e+00 : f32
        %parallel_loop3A_373 = vector.broadcast %parallel_loop3A_372 : f32 to vector<16xf32>
        %parallel_loop3A_374 = arith.cmpf ogt, %parallel_loop3A_371, %parallel_loop3A_373 : vector<16xf32>
        %parallel_loop3A_375 = arith.constant 2.000000e-01 : f32
        %parallel_loop3A_376 = vector.broadcast %parallel_loop3A_375 : f32 to vector<16xf32>
        %parallel_loop3A_377 = arith.mulf %parallel_loop3A_371, %parallel_loop3A_376 : vector<16xf32>
        %parallel_loop3A_378 = arith.select %parallel_loop3A_374, %parallel_loop3A_371, %parallel_loop3A_377 : vector<16xi1>, vector<16xf32>
        %parallel_loop3A_379 = math.exp %parallel_loop3A_378 : vector<16xf32>
        %parallel_loop3A_380 = vector.broadcast %select_n3A_299 : i32 to vector<16xi32>
        %parallel_loop3A_381 = arith.cmpi sge, %parallel_loop3A_310, %parallel_loop3A_380 : vector<16xi32>
        %parallel_loop3A_382 = arith.constant 0.000000e+00 : f32
        %parallel_loop3A_383 = vector.broadcast %parallel_loop3A_382 : f32 to vector<16xf32>
        %parallel_loop3A_384 = arith.select %parallel_loop3A_381, %parallel_loop3A_379, %parallel_loop3A_383 : vector<16xi1>, vector<16xf32>
        %parallel_loop3A_385 = arith.constant 129 : i32
        %parallel_loop3A_386 = vector.broadcast %parallel_loop3A_385 : i32 to vector<16xi32>
        tpu.vector_store_idx %arg12[%parallel_loop3A_310, %parallel_loop3A_386], %parallel_loop3A_384 : memref<64x144xf32, #tpu.memory_space<vmem>>[vector<16xi32>, vector<16xi32>], vector<16xf32>,
        %parallel_loop3A_387 = arith.constant 2.500000e-01 : f32
        %parallel_loop3A_388 = vector.broadcast %parallel_loop3A_387 : f32 to vector<16xf32>
        %parallel_loop3A_389 = arith.mulf %parallel_loop3A_331#2, %parallel_loop3A_388 : vector<16xf32>
        %parallel_loop3A_390 = arith.constant 2 : i32
        %parallel_loop3A_391 = vector.broadcast %parallel_loop3A_390 : i32 to vector<16xi32>
        %parallel_loop3A_392 = arith.constant 1 : i32
        %parallel_loop3A_393 = arith.constant 0 : i32
        %parallel_loop3A_394 = arith.constant 0 : i32
        %parallel_loop3A_395 = tpu.memref_slice %arg9[%parallel_loop3A_392, %parallel_loop3A_393, %parallel_loop3A_394] : memref<2x64x17xf32, #tpu.memory_space<vmem>> -> memref<1x64x17xf32, #tpu.memory_space<vmem>>
        %parallel_loop3A_396 = tpu.memref_squeeze %parallel_loop3A_395 : memref<1x64x17xf32, #tpu.memory_space<vmem>> -> memref<64x17xf32, #tpu.memory_space<vmem>>
        %parallel_loop3A_397 = tpu.vector_load_idx %parallel_loop3A_396[%parallel_loop3A_310, %parallel_loop3A_391] : memref<64x17xf32, #tpu.memory_space<vmem>>[vector<16xi32>, vector<16xi32>], vector<16xf32>,
        %parallel_loop3A_398 = arith.addf %parallel_loop3A_389, %parallel_loop3A_397 : vector<16xf32>
        %parallel_loop3A_399 = arith.constant 0.000000e+00 : f32
        %parallel_loop3A_400 = vector.broadcast %parallel_loop3A_399 : f32 to vector<16xf32>
        %parallel_loop3A_401 = arith.cmpf ogt, %parallel_loop3A_398, %parallel_loop3A_400 : vector<16xf32>
        %parallel_loop3A_402 = arith.constant 2.000000e-01 : f32
        %parallel_loop3A_403 = vector.broadcast %parallel_loop3A_402 : f32 to vector<16xf32>
        %parallel_loop3A_404 = arith.mulf %parallel_loop3A_398, %parallel_loop3A_403 : vector<16xf32>
        %parallel_loop3A_405 = arith.select %parallel_loop3A_401, %parallel_loop3A_398, %parallel_loop3A_404 : vector<16xi1>, vector<16xf32>
        %parallel_loop3A_406 = math.exp %parallel_loop3A_405 : vector<16xf32>
        %parallel_loop3A_407 = vector.broadcast %select_n3A_299 : i32 to vector<16xi32>
        %parallel_loop3A_408 = arith.cmpi sge, %parallel_loop3A_310, %parallel_loop3A_407 : vector<16xi32>
        %parallel_loop3A_409 = arith.constant 0.000000e+00 : f32
        %parallel_loop3A_410 = vector.broadcast %parallel_loop3A_409 : f32 to vector<16xf32>
        %parallel_loop3A_411 = arith.select %parallel_loop3A_408, %parallel_loop3A_406, %parallel_loop3A_410 : vector<16xi1>, vector<16xf32>
        %parallel_loop3A_412 = arith.constant 130 : i32
        %parallel_loop3A_413 = vector.broadcast %parallel_loop3A_412 : i32 to vector<16xi32>
        tpu.vector_store_idx %arg12[%parallel_loop3A_310, %parallel_loop3A_413], %parallel_loop3A_411 : memref<64x144xf32, #tpu.memory_space<vmem>>[vector<16xi32>, vector<16xi32>], vector<16xf32>,
        %parallel_loop3A_414 = arith.constant 2.500000e-01 : f32
        %parallel_loop3A_415 = vector.broadcast %parallel_loop3A_414 : f32 to vector<16xf32>
        %parallel_loop3A_416 = arith.mulf %parallel_loop3A_331#3, %parallel_loop3A_415 : vector<16xf32>
        %parallel_loop3A_417 = arith.constant 3 : i32
        %parallel_loop3A_418 = vector.broadcast %parallel_loop3A_417 : i32 to vector<16xi32>
        %parallel_loop3A_419 = arith.constant 1 : i32
        %parallel_loop3A_420 = arith.constant 0 : i32
        %parallel_loop3A_421 = arith.constant 0 : i32
        %parallel_loop3A_422 = tpu.memref_slice %arg9[%parallel_loop3A_419, %parallel_loop3A_420, %parallel_loop3A_421] : memref<2x64x17xf32, #tpu.memory_space<vmem>> -> memref<1x64x17xf32, #tpu.memory_space<vmem>>
        %parallel_loop3A_423 = tpu.memref_squeeze %parallel_loop3A_422 : memref<1x64x17xf32, #tpu.memory_space<vmem>> -> memref<64x17xf32, #tpu.memory_space<vmem>>
        %parallel_loop3A_424 = tpu.vector_load_idx %parallel_loop3A_423[%parallel_loop3A_310, %parallel_loop3A_418] : memref<64x17xf32, #tpu.memory_space<vmem>>[vector<16xi32>, vector<16xi32>], vector<16xf32>,
        %parallel_loop3A_425 = arith.addf %parallel_loop3A_416, %parallel_loop3A_424 : vector<16xf32>
        %parallel_loop3A_426 = arith.constant 0.000000e+00 : f32
        %parallel_loop3A_427 = vector.broadcast %parallel_loop3A_426 : f32 to vector<16xf32>
        %parallel_loop3A_428 = arith.cmpf ogt, %parallel_loop3A_425, %parallel_loop3A_427 : vector<16xf32>
        %parallel_loop3A_429 = arith.constant 2.000000e-01 : f32
        %parallel_loop3A_430 = vector.broadcast %parallel_loop3A_429 : f32 to vector<16xf32>
        %parallel_loop3A_431 = arith.mulf %parallel_loop3A_425, %parallel_loop3A_430 : vector<16xf32>
        %parallel_loop3A_432 = arith.select %parallel_loop3A_428, %parallel_loop3A_425, %parallel_loop3A_431 : vector<16xi1>, vector<16xf32>
        %parallel_loop3A_433 = math.exp %parallel_loop3A_432 : vector<16xf32>
        %parallel_loop3A_434 = vector.broadcast %select_n3A_299 : i32 to vector<16xi32>
        %parallel_loop3A_435 = arith.cmpi sge, %parallel_loop3A_310, %parallel_loop3A_434 : vector<16xi32>
        %parallel_loop3A_436 = arith.constant 0.000000e+00 : f32
        %parallel_loop3A_437 = vector.broadcast %parallel_loop3A_436 : f32 to vector<16xf32>
        %parallel_loop3A_438 = arith.select %parallel_loop3A_435, %parallel_loop3A_433, %parallel_loop3A_437 : vector<16xi1>, vector<16xf32>
        %parallel_loop3A_439 = arith.constant 131 : i32
        %parallel_loop3A_440 = vector.broadcast %parallel_loop3A_439 : i32 to vector<16xi32>
        tpu.vector_store_idx %arg12[%parallel_loop3A_310, %parallel_loop3A_440], %parallel_loop3A_438 : memref<64x144xf32, #tpu.memory_space<vmem>>[vector<16xi32>, vector<16xi32>], vector<16xf32>,
        %parallel_loop3A_441 = arith.constant 2.500000e-01 : f32
        %parallel_loop3A_442 = vector.broadcast %parallel_loop3A_441 : f32 to vector<16xf32>
        %parallel_loop3A_443 = arith.mulf %parallel_loop3A_331#4, %parallel_loop3A_442 : vector<16xf32>
        %parallel_loop3A_444 = arith.constant 4 : i32
        %parallel_loop3A_445 = vector.broadcast %parallel_loop3A_444 : i32 to vector<16xi32>
        %parallel_loop3A_446 = arith.constant 1 : i32
        %parallel_loop3A_447 = arith.constant 0 : i32
        %parallel_loop3A_448 = arith.constant 0 : i32
        %parallel_loop3A_449 = tpu.memref_slice %arg9[%parallel_loop3A_446, %parallel_loop3A_447, %parallel_loop3A_448] : memref<2x64x17xf32, #tpu.memory_space<vmem>> -> memref<1x64x17xf32, #tpu.memory_space<vmem>>
        %parallel_loop3A_450 = tpu.memref_squeeze %parallel_loop3A_449 : memref<1x64x17xf32, #tpu.memory_space<vmem>> -> memref<64x17xf32, #tpu.memory_space<vmem>>
        %parallel_loop3A_451 = tpu.vector_load_idx %parallel_loop3A_450[%parallel_loop3A_310, %parallel_loop3A_445] : memref<64x17xf32, #tpu.memory_space<vmem>>[vector<16xi32>, vector<16xi32>], vector<16xf32>,
        %parallel_loop3A_452 = arith.addf %parallel_loop3A_443, %parallel_loop3A_451 : vector<16xf32>
        %parallel_loop3A_453 = arith.constant 0.000000e+00 : f32
        %parallel_loop3A_454 = vector.broadcast %parallel_loop3A_453 : f32 to vector<16xf32>
        %parallel_loop3A_455 = arith.cmpf ogt, %parallel_loop3A_452, %parallel_loop3A_454 : vector<16xf32>
        %parallel_loop3A_456 = arith.constant 2.000000e-01 : f32
        %parallel_loop3A_457 = vector.broadcast %parallel_loop3A_456 : f32 to vector<16xf32>
        %parallel_loop3A_458 = arith.mulf %parallel_loop3A_452, %parallel_loop3A_457 : vector<16xf32>
        %parallel_loop3A_459 = arith.select %parallel_loop3A_455, %parallel_loop3A_452, %parallel_loop3A_458 : vector<16xi1>, vector<16xf32>
        %parallel_loop3A_460 = math.exp %parallel_loop3A_459 : vector<16xf32>
        %parallel_loop3A_461 = vector.broadcast %select_n3A_299 : i32 to vector<16xi32>
        %parallel_loop3A_462 = arith.cmpi sge, %parallel_loop3A_310, %parallel_loop3A_461 : vector<16xi32>
        %parallel_loop3A_463 = arith.constant 0.000000e+00 : f32
        %parallel_loop3A_464 = vector.broadcast %parallel_loop3A_463 : f32 to vector<16xf32>
        %parallel_loop3A_465 = arith.select %parallel_loop3A_462, %parallel_loop3A_460, %parallel_loop3A_464 : vector<16xi1>, vector<16xf32>
        %parallel_loop3A_466 = arith.constant 132 : i32
        %parallel_loop3A_467 = vector.broadcast %parallel_loop3A_466 : i32 to vector<16xi32>
        tpu.vector_store_idx %arg12[%parallel_loop3A_310, %parallel_loop3A_467], %parallel_loop3A_465 : memref<64x144xf32, #tpu.memory_space<vmem>>[vector<16xi32>, vector<16xi32>], vector<16xf32>,
        %parallel_loop3A_468 = arith.constant 2.500000e-01 : f32
        %parallel_loop3A_469 = vector.broadcast %parallel_loop3A_468 : f32 to vector<16xf32>
        %parallel_loop3A_470 = arith.mulf %parallel_loop3A_331#5, %parallel_loop3A_469 : vector<16xf32>
        %parallel_loop3A_471 = arith.constant 5 : i32
        %parallel_loop3A_472 = vector.broadcast %parallel_loop3A_471 : i32 to vector<16xi32>
        %parallel_loop3A_473 = arith.constant 1 : i32
        %parallel_loop3A_474 = arith.constant 0 : i32
        %parallel_loop3A_475 = arith.constant 0 : i32
        %parallel_loop3A_476 = tpu.memref_slice %arg9[%parallel_loop3A_473, %parallel_loop3A_474, %parallel_loop3A_475] : memref<2x64x17xf32, #tpu.memory_space<vmem>> -> memref<1x64x17xf32, #tpu.memory_space<vmem>>
        %parallel_loop3A_477 = tpu.memref_squeeze %parallel_loop3A_476 : memref<1x64x17xf32, #tpu.memory_space<vmem>> -> memref<64x17xf32, #tpu.memory_space<vmem>>
        %parallel_loop3A_478 = tpu.vector_load_idx %parallel_loop3A_477[%parallel_loop3A_310, %parallel_loop3A_472] : memref<64x17xf32, #tpu.memory_space<vmem>>[vector<16xi32>, vector<16xi32>], vector<16xf32>,
        %parallel_loop3A_479 = arith.addf %parallel_loop3A_470, %parallel_loop3A_478 : vector<16xf32>
        %parallel_loop3A_480 = arith.constant 0.000000e+00 : f32
        %parallel_loop3A_481 = vector.broadcast %parallel_loop3A_480 : f32 to vector<16xf32>
        %parallel_loop3A_482 = arith.cmpf ogt, %parallel_loop3A_479, %parallel_loop3A_481 : vector<16xf32>
        %parallel_loop3A_483 = arith.constant 2.000000e-01 : f32
        %parallel_loop3A_484 = vector.broadcast %parallel_loop3A_483 : f32 to vector<16xf32>
        %parallel_loop3A_485 = arith.mulf %parallel_loop3A_479, %parallel_loop3A_484 : vector<16xf32>
        %parallel_loop3A_486 = arith.select %parallel_loop3A_482, %parallel_loop3A_479, %parallel_loop3A_485 : vector<16xi1>, vector<16xf32>
        %parallel_loop3A_487 = math.exp %parallel_loop3A_486 : vector<16xf32>
        %parallel_loop3A_488 = vector.broadcast %select_n3A_299 : i32 to vector<16xi32>
        %parallel_loop3A_489 = arith.cmpi sge, %parallel_loop3A_310, %parallel_loop3A_488 : vector<16xi32>
        %parallel_loop3A_490 = arith.constant 0.000000e+00 : f32
        %parallel_loop3A_491 = vector.broadcast %parallel_loop3A_490 : f32 to vector<16xf32>
        %parallel_loop3A_492 = arith.select %parallel_loop3A_489, %parallel_loop3A_487, %parallel_loop3A_491 : vector<16xi1>, vector<16xf32>
        %parallel_loop3A_493 = arith.constant 133 : i32
        %parallel_loop3A_494 = vector.broadcast %parallel_loop3A_493 : i32 to vector<16xi32>
        tpu.vector_store_idx %arg12[%parallel_loop3A_310, %parallel_loop3A_494], %parallel_loop3A_492 : memref<64x144xf32, #tpu.memory_space<vmem>>[vector<16xi32>, vector<16xi32>], vector<16xf32>,
        %parallel_loop3A_495 = arith.constant 2.500000e-01 : f32
        %parallel_loop3A_496 = vector.broadcast %parallel_loop3A_495 : f32 to vector<16xf32>
        %parallel_loop3A_497 = arith.mulf %parallel_loop3A_331#6, %parallel_loop3A_496 : vector<16xf32>
        %parallel_loop3A_498 = arith.constant 6 : i32
        %parallel_loop3A_499 = vector.broadcast %parallel_loop3A_498 : i32 to vector<16xi32>
        %parallel_loop3A_500 = arith.constant 1 : i32
        %parallel_loop3A_501 = arith.constant 0 : i32
        %parallel_loop3A_502 = arith.constant 0 : i32
        %parallel_loop3A_503 = tpu.memref_slice %arg9[%parallel_loop3A_500, %parallel_loop3A_501, %parallel_loop3A_502] : memref<2x64x17xf32, #tpu.memory_space<vmem>> -> memref<1x64x17xf32, #tpu.memory_space<vmem>>
        %parallel_loop3A_504 = tpu.memref_squeeze %parallel_loop3A_503 : memref<1x64x17xf32, #tpu.memory_space<vmem>> -> memref<64x17xf32, #tpu.memory_space<vmem>>
        %parallel_loop3A_505 = tpu.vector_load_idx %parallel_loop3A_504[%parallel_loop3A_310, %parallel_loop3A_499] : memref<64x17xf32, #tpu.memory_space<vmem>>[vector<16xi32>, vector<16xi32>], vector<16xf32>,
        %parallel_loop3A_506 = arith.addf %parallel_loop3A_497, %parallel_loop3A_505 : vector<16xf32>
        %parallel_loop3A_507 = arith.constant 0.000000e+00 : f32
        %parallel_loop3A_508 = vector.broadcast %parallel_loop3A_507 : f32 to vector<16xf32>
        %parallel_loop3A_509 = arith.cmpf ogt, %parallel_loop3A_506, %parallel_loop3A_508 : vector<16xf32>
        %parallel_loop3A_510 = arith.constant 2.000000e-01 : f32
        %parallel_loop3A_511 = vector.broadcast %parallel_loop3A_510 : f32 to vector<16xf32>
        %parallel_loop3A_512 = arith.mulf %parallel_loop3A_506, %parallel_loop3A_511 : vector<16xf32>
        %parallel_loop3A_513 = arith.select %parallel_loop3A_509, %parallel_loop3A_506, %parallel_loop3A_512 : vector<16xi1>, vector<16xf32>
        %parallel_loop3A_514 = math.exp %parallel_loop3A_513 : vector<16xf32>
        %parallel_loop3A_515 = vector.broadcast %select_n3A_299 : i32 to vector<16xi32>
        %parallel_loop3A_516 = arith.cmpi sge, %parallel_loop3A_310, %parallel_loop3A_515 : vector<16xi32>
        %parallel_loop3A_517 = arith.constant 0.000000e+00 : f32
        %parallel_loop3A_518 = vector.broadcast %parallel_loop3A_517 : f32 to vector<16xf32>
        %parallel_loop3A_519 = arith.select %parallel_loop3A_516, %parallel_loop3A_514, %parallel_loop3A_518 : vector<16xi1>, vector<16xf32>
        %parallel_loop3A_520 = arith.constant 134 : i32
        %parallel_loop3A_521 = vector.broadcast %parallel_loop3A_520 : i32 to vector<16xi32>
        tpu.vector_store_idx %arg12[%parallel_loop3A_310, %parallel_loop3A_521], %parallel_loop3A_519 : memref<64x144xf32, #tpu.memory_space<vmem>>[vector<16xi32>, vector<16xi32>], vector<16xf32>,
        %parallel_loop3A_522 = arith.constant 2.500000e-01 : f32
        %parallel_loop3A_523 = vector.broadcast %parallel_loop3A_522 : f32 to vector<16xf32>
        %parallel_loop3A_524 = arith.mulf %parallel_loop3A_331#7, %parallel_loop3A_523 : vector<16xf32>
        %parallel_loop3A_525 = arith.constant 7 : i32
        %parallel_loop3A_526 = vector.broadcast %parallel_loop3A_525 : i32 to vector<16xi32>
        %parallel_loop3A_527 = arith.constant 1 : i32
        %parallel_loop3A_528 = arith.constant 0 : i32
        %parallel_loop3A_529 = arith.constant 0 : i32
        %parallel_loop3A_530 = tpu.memref_slice %arg9[%parallel_loop3A_527, %parallel_loop3A_528, %parallel_loop3A_529] : memref<2x64x17xf32, #tpu.memory_space<vmem>> -> memref<1x64x17xf32, #tpu.memory_space<vmem>>
        %parallel_loop3A_531 = tpu.memref_squeeze %parallel_loop3A_530 : memref<1x64x17xf32, #tpu.memory_space<vmem>> -> memref<64x17xf32, #tpu.memory_space<vmem>>
        %parallel_loop3A_532 = tpu.vector_load_idx %parallel_loop3A_531[%parallel_loop3A_310, %parallel_loop3A_526] : memref<64x17xf32, #tpu.memory_space<vmem>>[vector<16xi32>, vector<16xi32>], vector<16xf32>,
        %parallel_loop3A_533 = arith.addf %parallel_loop3A_524, %parallel_loop3A_532 : vector<16xf32>
        %parallel_loop3A_534 = arith.constant 0.000000e+00 : f32
        %parallel_loop3A_535 = vector.broadcast %parallel_loop3A_534 : f32 to vector<16xf32>
        %parallel_loop3A_536 = arith.cmpf ogt, %parallel_loop3A_533, %parallel_loop3A_535 : vector<16xf32>
        %parallel_loop3A_537 = arith.constant 2.000000e-01 : f32
        %parallel_loop3A_538 = vector.broadcast %parallel_loop3A_537 : f32 to vector<16xf32>
        %parallel_loop3A_539 = arith.mulf %parallel_loop3A_533, %parallel_loop3A_538 : vector<16xf32>
        %parallel_loop3A_540 = arith.select %parallel_loop3A_536, %parallel_loop3A_533, %parallel_loop3A_539 : vector<16xi1>, vector<16xf32>
        %parallel_loop3A_541 = math.exp %parallel_loop3A_540 : vector<16xf32>
        %parallel_loop3A_542 = vector.broadcast %select_n3A_299 : i32 to vector<16xi32>
        %parallel_loop3A_543 = arith.cmpi sge, %parallel_loop3A_310, %parallel_loop3A_542 : vector<16xi32>
        %parallel_loop3A_544 = arith.constant 0.000000e+00 : f32
        %parallel_loop3A_545 = vector.broadcast %parallel_loop3A_544 : f32 to vector<16xf32>
        %parallel_loop3A_546 = arith.select %parallel_loop3A_543, %parallel_loop3A_541, %parallel_loop3A_545 : vector<16xi1>, vector<16xf32>
        %parallel_loop3A_547 = arith.constant 135 : i32
        %parallel_loop3A_548 = vector.broadcast %parallel_loop3A_547 : i32 to vector<16xi32>
        tpu.vector_store_idx %arg12[%parallel_loop3A_310, %parallel_loop3A_548], %parallel_loop3A_546 : memref<64x144xf32, #tpu.memory_space<vmem>>[vector<16xi32>, vector<16xi32>], vector<16xf32>,
        %parallel_loop3A_549 = arith.constant 0 : i32
        %parallel_loop3A_550 = arith.constant 0 : i32
        %parallel_loop3A_551 = arith.constant 16 : i32
        %parallel_loop3A_552 = arith.addi %parallel_loop3A_550, %parallel_loop3A_551 : i32
        %parallel_loop3A_553 = arith.constant 1 : i32
        scf.for %scan3A_555 = %parallel_loop3A_550 to %parallel_loop3A_552 step %parallel_loop3A_553  : i32 {
          %parallel_loop3A_556 = vector.broadcast %scan3A_555 : i32 to vector<16xi32>
          %parallel_loop3A_557 = arith.addi %iota3A, %parallel_loop3A_556 : vector<16xi32>
          %parallel_loop3A_558 = arith.constant 15 : i32
          %parallel_loop3A_559 = vector.broadcast %parallel_loop3A_558 : i32 to vector<16xi32>
          %parallel_loop3A_560 = arith.andi %parallel_loop3A_557, %parallel_loop3A_559 : vector<16xi32>
          %parallel_loop3A_561 = arith.constant 0 : i32
          %parallel_loop3A_562 = vector.broadcast %parallel_loop3A_561 : i32 to vector<16xi32>
          %parallel_loop3A_563 = arith.addi %parallel_loop3A_562, %parallel_loop3A_560 : vector<16xi32>
          %parallel_loop3A_564 = arith.constant 128 : i32
          %parallel_loop3A_565 = vector.broadcast %parallel_loop3A_564 : i32 to vector<16xi32>
          %parallel_loop3A_566 = arith.addi %parallel_loop3A_565, %parallel_loop3A_563 : vector<16xi32>
          %parallel_loop3A_567 = tpu.vector_load_idx %arg10[%parallel_loop3A_310, %parallel_loop3A_566] : memref<64x256xf32, #tpu.memory_space<vmem>>[vector<16xi32>, vector<16xi32>], vector<16xf32>,
          %parallel_loop3A_568 = arith.mulf %parallel_loop3A_357, %parallel_loop3A_567 : vector<16xf32>
          tpu.vector_store_idx %arg12[%parallel_loop3A_310, %parallel_loop3A_563], %parallel_loop3A_568 : memref<64x144xf32, #tpu.memory_space<vmem>>[vector<16xi32>, vector<16xi32>], vector<16xf32>,
          %parallel_loop3A_569 = arith.constant 16 : i32
          %parallel_loop3A_570 = vector.broadcast %parallel_loop3A_569 : i32 to vector<16xi32>
          %parallel_loop3A_571 = arith.addi %parallel_loop3A_570, %parallel_loop3A_560 : vector<16xi32>
          %parallel_loop3A_572 = arith.constant 128 : i32
          %parallel_loop3A_573 = vector.broadcast %parallel_loop3A_572 : i32 to vector<16xi32>
          %parallel_loop3A_574 = arith.addi %parallel_loop3A_573, %parallel_loop3A_571 : vector<16xi32>
          %parallel_loop3A_575 = tpu.vector_load_idx %arg10[%parallel_loop3A_310, %parallel_loop3A_574] : memref<64x256xf32, #tpu.memory_space<vmem>>[vector<16xi32>, vector<16xi32>], vector<16xf32>,
          %parallel_loop3A_576 = arith.mulf %parallel_loop3A_384, %parallel_loop3A_575 : vector<16xf32>
          tpu.vector_store_idx %arg12[%parallel_loop3A_310, %parallel_loop3A_571], %parallel_loop3A_576 : memref<64x144xf32, #tpu.memory_space<vmem>>[vector<16xi32>, vector<16xi32>], vector<16xf32>,
          %parallel_loop3A_577 = arith.constant 32 : i32
          %parallel_loop3A_578 = vector.broadcast %parallel_loop3A_577 : i32 to vector<16xi32>
          %parallel_loop3A_579 = arith.addi %parallel_loop3A_578, %parallel_loop3A_560 : vector<16xi32>
          %parallel_loop3A_580 = arith.constant 128 : i32
          %parallel_loop3A_581 = vector.broadcast %parallel_loop3A_580 : i32 to vector<16xi32>
          %parallel_loop3A_582 = arith.addi %parallel_loop3A_581, %parallel_loop3A_579 : vector<16xi32>
          %parallel_loop3A_583 = tpu.vector_load_idx %arg10[%parallel_loop3A_310, %parallel_loop3A_582] : memref<64x256xf32, #tpu.memory_space<vmem>>[vector<16xi32>, vector<16xi32>], vector<16xf32>,
          %parallel_loop3A_584 = arith.mulf %parallel_loop3A_411, %parallel_loop3A_583 : vector<16xf32>
          tpu.vector_store_idx %arg12[%parallel_loop3A_310, %parallel_loop3A_579], %parallel_loop3A_584 : memref<64x144xf32, #tpu.memory_space<vmem>>[vector<16xi32>, vector<16xi32>], vector<16xf32>,
          %parallel_loop3A_585 = arith.constant 48 : i32
          %parallel_loop3A_586 = vector.broadcast %parallel_loop3A_585 : i32 to vector<16xi32>
          %parallel_loop3A_587 = arith.addi %parallel_loop3A_586, %parallel_loop3A_560 : vector<16xi32>
          %parallel_loop3A_588 = arith.constant 128 : i32
          %parallel_loop3A_589 = vector.broadcast %parallel_loop3A_588 : i32 to vector<16xi32>
          %parallel_loop3A_590 = arith.addi %parallel_loop3A_589, %parallel_loop3A_587 : vector<16xi32>
          %parallel_loop3A_591 = tpu.vector_load_idx %arg10[%parallel_loop3A_310, %parallel_loop3A_590] : memref<64x256xf32, #tpu.memory_space<vmem>>[vector<16xi32>, vector<16xi32>], vector<16xf32>,
          %parallel_loop3A_592 = arith.mulf %parallel_loop3A_438, %parallel_loop3A_591 : vector<16xf32>
          tpu.vector_store_idx %arg12[%parallel_loop3A_310, %parallel_loop3A_587], %parallel_loop3A_592 : memref<64x144xf32, #tpu.memory_space<vmem>>[vector<16xi32>, vector<16xi32>], vector<16xf32>,
          %parallel_loop3A_593 = arith.constant 64 : i32
          %parallel_loop3A_594 = vector.broadcast %parallel_loop3A_593 : i32 to vector<16xi32>
          %parallel_loop3A_595 = arith.addi %parallel_loop3A_594, %parallel_loop3A_560 : vector<16xi32>
          %parallel_loop3A_596 = arith.constant 128 : i32
          %parallel_loop3A_597 = vector.broadcast %parallel_loop3A_596 : i32 to vector<16xi32>
          %parallel_loop3A_598 = arith.addi %parallel_loop3A_597, %parallel_loop3A_595 : vector<16xi32>
          %parallel_loop3A_599 = tpu.vector_load_idx %arg10[%parallel_loop3A_310, %parallel_loop3A_598] : memref<64x256xf32, #tpu.memory_space<vmem>>[vector<16xi32>, vector<16xi32>], vector<16xf32>,
          %parallel_loop3A_600 = arith.mulf %parallel_loop3A_465, %parallel_loop3A_599 : vector<16xf32>
          tpu.vector_store_idx %arg12[%parallel_loop3A_310, %parallel_loop3A_595], %parallel_loop3A_600 : memref<64x144xf32, #tpu.memory_space<vmem>>[vector<16xi32>, vector<16xi32>], vector<16xf32>,
          %parallel_loop3A_601 = arith.constant 80 : i32
          %parallel_loop3A_602 = vector.broadcast %parallel_loop3A_601 : i32 to vector<16xi32>
          %parallel_loop3A_603 = arith.addi %parallel_loop3A_602, %parallel_loop3A_560 : vector<16xi32>
          %parallel_loop3A_604 = arith.constant 128 : i32
          %parallel_loop3A_605 = vector.broadcast %parallel_loop3A_604 : i32 to vector<16xi32>
          %parallel_loop3A_606 = arith.addi %parallel_loop3A_605, %parallel_loop3A_603 : vector<16xi32>
          %parallel_loop3A_607 = tpu.vector_load_idx %arg10[%parallel_loop3A_310, %parallel_loop3A_606] : memref<64x256xf32, #tpu.memory_space<vmem>>[vector<16xi32>, vector<16xi32>], vector<16xf32>,
          %parallel_loop3A_608 = arith.mulf %parallel_loop3A_492, %parallel_loop3A_607 : vector<16xf32>
          tpu.vector_store_idx %arg12[%parallel_loop3A_310, %parallel_loop3A_603], %parallel_loop3A_608 : memref<64x144xf32, #tpu.memory_space<vmem>>[vector<16xi32>, vector<16xi32>], vector<16xf32>,
          %parallel_loop3A_609 = arith.constant 96 : i32
          %parallel_loop3A_610 = vector.broadcast %parallel_loop3A_609 : i32 to vector<16xi32>
          %parallel_loop3A_611 = arith.addi %parallel_loop3A_610, %parallel_loop3A_560 : vector<16xi32>
          %parallel_loop3A_612 = arith.constant 128 : i32
          %parallel_loop3A_613 = vector.broadcast %parallel_loop3A_612 : i32 to vector<16xi32>
          %parallel_loop3A_614 = arith.addi %parallel_loop3A_613, %parallel_loop3A_611 : vector<16xi32>
          %parallel_loop3A_615 = tpu.vector_load_idx %arg10[%parallel_loop3A_310, %parallel_loop3A_614] : memref<64x256xf32, #tpu.memory_space<vmem>>[vector<16xi32>, vector<16xi32>], vector<16xf32>,
          %parallel_loop3A_616 = arith.mulf %parallel_loop3A_519, %parallel_loop3A_615 : vector<16xf32>
          tpu.vector_store_idx %arg12[%parallel_loop3A_310, %parallel_loop3A_611], %parallel_loop3A_616 : memref<64x144xf32, #tpu.memory_space<vmem>>[vector<16xi32>, vector<16xi32>], vector<16xf32>,
          %parallel_loop3A_617 = arith.constant 112 : i32
          %parallel_loop3A_618 = vector.broadcast %parallel_loop3A_617 : i32 to vector<16xi32>
          %parallel_loop3A_619 = arith.addi %parallel_loop3A_618, %parallel_loop3A_560 : vector<16xi32>
          %parallel_loop3A_620 = arith.constant 128 : i32
          %parallel_loop3A_621 = vector.broadcast %parallel_loop3A_620 : i32 to vector<16xi32>
          %parallel_loop3A_622 = arith.addi %parallel_loop3A_621, %parallel_loop3A_619 : vector<16xi32>
          %parallel_loop3A_623 = tpu.vector_load_idx %arg10[%parallel_loop3A_310, %parallel_loop3A_622] : memref<64x256xf32, #tpu.memory_space<vmem>>[vector<16xi32>, vector<16xi32>], vector<16xf32>,
          %parallel_loop3A_624 = arith.mulf %parallel_loop3A_546, %parallel_loop3A_623 : vector<16xf32>
          tpu.vector_store_idx %arg12[%parallel_loop3A_310, %parallel_loop3A_619], %parallel_loop3A_624 : memref<64x144xf32, #tpu.memory_space<vmem>>[vector<16xi32>, vector<16xi32>], vector<16xf32>,
        }
        %parallel_loop3A_554 = arith.constant 16 : i32
      } {sc.loop_unroll_factor = 1 : i64, sc.parallel_access}
      %run_scoped3A_303 = arith.constant 1 : i32
      %run_scoped3A_304 = arith.constant 1 : i32
      "tpu.region"() ({
        %run_scoped3A_306 = tpu.sem_alloc : memref<!tpu.dma_semaphore, #tpu.memory_space<semaphore_mem>>
        %dma_start3A_307 = arith.constant 0 : i32
        %dma_start3A_308 = tpu.memref_slice %arg8[%run_scoped3A_303, %run_scoped3A_304, %dma_start3A_307] : memref<2x2x64xi32, #tpu.memory_space<vmem>> -> memref<1x1x64xi32, #tpu.memory_space<vmem>>
        %dma_start3A_309 = tpu.memref_squeeze %dma_start3A_308 : memref<1x1x64xi32, #tpu.memory_space<vmem>> -> memref<64xi32, #tpu.memory_space<vmem>>
        %dma_start3A_310 = arith.constant 0 : i32
        %dma_start3A_311 = arith.constant 0 : i32
        %dma_start3A_312 = tpu.memref_slice %arg13[%dma_start3A_310, %dma_start3A_311] : memref<10000x144xf32, #tpu.memory_space<vmem_shared>> -> memref<10000x144xf32, #tpu.memory_space<vmem_shared>>
        tpu.enqueue_indirect_dma source(%arg12 : memref<64x144xf32, #tpu.memory_space<vmem>>) target(%dma_start3A_312 : memref<10000x144xf32, #tpu.memory_space<vmem_shared>>) offsets(%dma_start3A_309 : memref<64xi32, #tpu.memory_space<vmem>>) semaphore(%run_scoped3A_306 : memref<!tpu.dma_semaphore, #tpu.memory_space<semaphore_mem>>) {add = true}
        %dma_wait3A_313 = arith.constant 0 : i32
        %dma_wait3A_314 = tpu.memref_slice %arg8[%run_scoped3A_303, %run_scoped3A_304, %dma_wait3A_313] : memref<2x2x64xi32, #tpu.memory_space<vmem>> -> memref<1x1x64xi32, #tpu.memory_space<vmem>>
        %dma_wait3A_315 = tpu.memref_squeeze %dma_wait3A_314 : memref<1x1x64xi32, #tpu.memory_space<vmem>> -> memref<64xi32, #tpu.memory_space<vmem>>
        %dma_wait3A_316 = arith.constant 0 : i32
        %dma_wait3A_317 = arith.constant 0 : i32
        %dma_wait3A_318 = tpu.memref_slice %arg13[%dma_wait3A_316, %dma_wait3A_317] : memref<10000x144xf32, #tpu.memory_space<vmem_shared>> -> memref<10000x144xf32, #tpu.memory_space<vmem_shared>>
        tpu.wait_indirect_dma semaphore(%run_scoped3A_306 : memref<!tpu.dma_semaphore, #tpu.memory_space<semaphore_mem>>) src(%arg12 : memref<64x144xf32, #tpu.memory_space<vmem>>) dst(%dma_wait3A_318 : memref<10000x144xf32, #tpu.memory_space<vmem_shared>>)
        tpu.yield
      }) : () -> ()
      %scan3A_305 = arith.constant 0 : i32
      scf.yield %scan3A_305 : i32
    }
    %scan3A_47 = arith.constant 79 : i32
    %dma_wait3A = arith.constant 0 : i32
    %dma_wait3A_48 = arith.constant 0 : i32
    %dma_wait3A_49 = arith.constant 0 : i32
    %dma_wait3A_50 = tpu.memref_slice %arg8[%dma_wait3A, %dma_wait3A_48, %dma_wait3A_49] : memref<2x2x64xi32, #tpu.memory_space<vmem>> -> memref<1x2x64xi32, #tpu.memory_space<vmem>>
    %dma_wait3A_51 = tpu.memref_squeeze %dma_wait3A_50 : memref<1x2x64xi32, #tpu.memory_space<vmem>> -> memref<2x64xi32, #tpu.memory_space<vmem>>
    %dma_wait3A_52 = arith.constant 0 : i32
    %dma_wait3A_53 = arith.constant 0 : i32
    %dma_wait3A_54 = tpu.memref_slice %arg5[%dma_wait3A_52, %dma_wait3A_53] : memref<2x320000xi32, #tpu.memory_space<hbm>> -> memref<2x64xi32, #tpu.memory_space<hbm>>
    %dma_wait3A_55 = arith.constant 0 : i32
    %dma_wait3A_56 = arith.constant 0 : i32
    %dma_wait3A_57 = tpu.memref_slice %arg8[%dma_wait3A, %dma_wait3A_55, %dma_wait3A_56] : memref<2x2x64xi32, #tpu.memory_space<vmem>> -> memref<1x2x64xi32, #tpu.memory_space<vmem>>
    %dma_wait3A_58 = tpu.memref_squeeze %dma_wait3A_57 : memref<1x2x64xi32, #tpu.memory_space<vmem>> -> memref<2x64xi32, #tpu.memory_space<vmem>>
    %dma_wait3A_59 = arith.constant 0 : i32
    %dma_wait3A_60 = arith.constant 0 : i32
    %dma_wait3A_61 = tpu.memref_slice %arg5[%dma_wait3A_59, %dma_wait3A_60] : memref<2x320000xi32, #tpu.memory_space<hbm>> -> memref<2x64xi32, #tpu.memory_space<hbm>>
    tpu.wait_dma2 semaphore(%arg16 : memref<!tpu.dma_semaphore, #tpu.memory_space<semaphore_mem>>) src(%dma_wait3A_61 : memref<2x64xi32, #tpu.memory_space<hbm>>) dst(%dma_wait3A_58 : memref<2x64xi32, #tpu.memory_space<vmem>>)
    %dma_wait3A_62 = arith.constant 0 : i32
    %dma_wait3A_63 = arith.constant 0 : i32
    %dma_wait3A_64 = arith.constant 0 : i32
    %dma_wait3A_65 = tpu.memref_slice %arg9[%dma_wait3A_62, %dma_wait3A_63, %dma_wait3A_64] : memref<2x64x17xf32, #tpu.memory_space<vmem>> -> memref<1x64x16xf32, #tpu.memory_space<vmem>>
    %dma_wait3A_66 = tpu.memref_squeeze %dma_wait3A_65 : memref<1x64x16xf32, #tpu.memory_space<vmem>> -> memref<64x16xf32, #tpu.memory_space<vmem>>
    %dma_wait3A_67 = arith.constant 0 : i32
    %dma_wait3A_68 = arith.constant 0 : i32
    %dma_wait3A_69 = tpu.memref_slice %arg4[%dma_wait3A_67, %dma_wait3A_68] : memref<320000x16xf32, #tpu.memory_space<hbm>> -> memref<64x16xf32, #tpu.memory_space<hbm>>
    %dma_wait3A_70 = arith.constant 0 : i32
    %dma_wait3A_71 = arith.constant 0 : i32
    %dma_wait3A_72 = tpu.memref_slice %arg9[%dma_wait3A_62, %dma_wait3A_70, %dma_wait3A_71] : memref<2x64x17xf32, #tpu.memory_space<vmem>> -> memref<1x64x16xf32, #tpu.memory_space<vmem>>
    %dma_wait3A_73 = tpu.memref_squeeze %dma_wait3A_72 : memref<1x64x16xf32, #tpu.memory_space<vmem>> -> memref<64x16xf32, #tpu.memory_space<vmem>>
    %dma_wait3A_74 = arith.constant 0 : i32
    %dma_wait3A_75 = arith.constant 0 : i32
    %dma_wait3A_76 = tpu.memref_slice %arg4[%dma_wait3A_74, %dma_wait3A_75] : memref<320000x16xf32, #tpu.memory_space<hbm>> -> memref<64x16xf32, #tpu.memory_space<hbm>>
    tpu.wait_dma2 semaphore(%arg17 : memref<!tpu.dma_semaphore, #tpu.memory_space<semaphore_mem>>) src(%dma_wait3A_76 : memref<64x16xf32, #tpu.memory_space<hbm>>) dst(%dma_wait3A_73 : memref<64x16xf32, #tpu.memory_space<vmem>>)
    %barrier3A_77 = arith.constant 0 : index
    tpu.barrier barrier_id(%barrier3A_77)
    "tpu.region"() ({
      %run_scoped3A = tpu.sem_alloc : memref<!tpu.dma_semaphore, #tpu.memory_space<semaphore_mem>>
      %dma_start3A_83 = arith.constant 0 : i32
      %dma_start3A_84 = tpu.memref_slice %arg7[%arg0, %mul3A_2, %dma_start3A_83] : memref<2x10000x144xf32, #tpu.memory_space<hbm>> -> memref<1x624x144xf32, #tpu.memory_space<hbm>>
      %dma_start3A_85 = tpu.memref_squeeze %dma_start3A_84 : memref<1x624x144xf32, #tpu.memory_space<hbm>> -> memref<624x144xf32, #tpu.memory_space<hbm>>
      %dma_start3A_86 = arith.constant 0 : i32
      %dma_start3A_87 = tpu.memref_slice %arg13[%mul3A_2, %dma_start3A_86] : memref<10000x144xf32, #tpu.memory_space<vmem_shared>> -> memref<624x144xf32, #tpu.memory_space<vmem_shared>>
      tpu.enqueue_dma source(%dma_start3A_87 : memref<624x144xf32, #tpu.memory_space<vmem_shared>>) target(%dma_start3A_85 : memref<624x144xf32, #tpu.memory_space<hbm>>) target_semaphore(%run_scoped3A : memref<!tpu.dma_semaphore, #tpu.memory_space<semaphore_mem>>)
      %dma_wait3A_88 = arith.constant 0 : i32
      %dma_wait3A_89 = tpu.memref_slice %arg7[%arg0, %mul3A_2, %dma_wait3A_88] : memref<2x10000x144xf32, #tpu.memory_space<hbm>> -> memref<1x624x144xf32, #tpu.memory_space<hbm>>
      %dma_wait3A_90 = tpu.memref_squeeze %dma_wait3A_89 : memref<1x624x144xf32, #tpu.memory_space<hbm>> -> memref<624x144xf32, #tpu.memory_space<hbm>>
      %dma_wait3A_91 = arith.constant 0 : i32
      %dma_wait3A_92 = tpu.memref_slice %arg13[%mul3A_2, %dma_wait3A_91] : memref<10000x144xf32, #tpu.memory_space<vmem_shared>> -> memref<624x144xf32, #tpu.memory_space<vmem_shared>>
      tpu.wait_dma2 semaphore(%run_scoped3A : memref<!tpu.dma_semaphore, #tpu.memory_space<semaphore_mem>>) src(%dma_wait3A_92 : memref<624x144xf32, #tpu.memory_space<vmem_shared>>) dst(%dma_wait3A_90 : memref<624x144xf32, #tpu.memory_space<hbm>>)
      tpu.yield
    }) : () -> ()
    %eq3A_78 = arith.constant 15 : i32
    %eq3A_79 = arith.cmpi eq, %arg1, %eq3A_78 : i32
    %convert_element_type3A_80 = arith.extui %eq3A_79 : i1 to i32
    %cond3A_81 = arith.constant 0 : i32
    %cond3A_82 = arith.cmpi ne, %convert_element_type3A_80, %cond3A_81 : i32
    scf.if %cond3A_82 {
      "tpu.region"() ({
        %run_scoped3A = tpu.sem_alloc : memref<!tpu.dma_semaphore, #tpu.memory_space<semaphore_mem>>
        %dma_start3A_83 = arith.constant 9984 : i32
        %dma_start3A_84 = arith.constant 0 : i32
        %dma_start3A_85 = tpu.memref_slice %arg7[%arg0, %dma_start3A_83, %dma_start3A_84] : memref<2x10000x144xf32, #tpu.memory_space<hbm>> -> memref<1x16x144xf32, #tpu.memory_space<hbm>>
        %dma_start3A_86 = tpu.memref_squeeze %dma_start3A_85 : memref<1x16x144xf32, #tpu.memory_space<hbm>> -> memref<16x144xf32, #tpu.memory_space<hbm>>
        %dma_start3A_87 = arith.constant 9984 : i32
        %dma_start3A_88 = arith.constant 0 : i32
        %dma_start3A_89 = tpu.memref_slice %arg13[%dma_start3A_87, %dma_start3A_88] : memref<10000x144xf32, #tpu.memory_space<vmem_shared>> -> memref<16x144xf32, #tpu.memory_space<vmem_shared>>
        tpu.enqueue_dma source(%dma_start3A_89 : memref<16x144xf32, #tpu.memory_space<vmem_shared>>) target(%dma_start3A_86 : memref<16x144xf32, #tpu.memory_space<hbm>>) target_semaphore(%run_scoped3A : memref<!tpu.dma_semaphore, #tpu.memory_space<semaphore_mem>>)
        %dma_wait3A_90 = arith.constant 9984 : i32
        %dma_wait3A_91 = arith.constant 0 : i32
        %dma_wait3A_92 = tpu.memref_slice %arg7[%arg0, %dma_wait3A_90, %dma_wait3A_91] : memref<2x10000x144xf32, #tpu.memory_space<hbm>> -> memref<1x16x144xf32, #tpu.memory_space<hbm>>
        %dma_wait3A_93 = tpu.memref_squeeze %dma_wait3A_92 : memref<1x16x144xf32, #tpu.memory_space<hbm>> -> memref<16x144xf32, #tpu.memory_space<hbm>>
        %dma_wait3A_94 = arith.constant 9984 : i32
        %dma_wait3A_95 = arith.constant 0 : i32
        %dma_wait3A_96 = tpu.memref_slice %arg13[%dma_wait3A_94, %dma_wait3A_95] : memref<10000x144xf32, #tpu.memory_space<vmem_shared>> -> memref<16x144xf32, #tpu.memory_space<vmem_shared>>
        tpu.wait_dma2 semaphore(%run_scoped3A : memref<!tpu.dma_semaphore, #tpu.memory_space<semaphore_mem>>) src(%dma_wait3A_96 : memref<16x144xf32, #tpu.memory_space<vmem_shared>>) dst(%dma_wait3A_93 : memref<16x144xf32, #tpu.memory_space<hbm>>)
        tpu.yield
      }) : () -> ()
    } else {
    }
    return
  }
}

module attributes {stable_mosaic.version = 14 : i64} {
  func.func @_prep_body(%arg0: memref<2500x128xf32, #tpu.memory_space<vmem>>, %arg1: memref<2500x128xf32, #tpu.memory_space<vmem>>, %arg2: memref<2500x128xf32, #tpu.memory_space<vmem>>) attributes {dimension_semantics = [], scalar_prefetch = 0 : i64, scratch_operands = 0 : i64, tpu.core_type = #tpu.core_type<tc>} {
    %get3A = arith.constant 0 : index
    %get3A_0 = arith.constant 0 : index
    %get3A_1 = vector.load %arg0[%get3A, %get3A_0] : memref<2500x128xf32, #tpu.memory_space<vmem>>, vector<2500x128xf32>
    %reduce_min3A = vector.shape_cast %get3A_1 : vector<2500x128xf32> to vector<1x2500x128xf32>
    %reduce_min3A_2 = arith.constant dense<0x7F800000> : vector<1xf32>
    %reduce_min3A_3 = vector.multi_reduction <minimumf>, %reduce_min3A, %reduce_min3A_2 [1, 2] : vector<1x2500x128xf32> to vector<1xf32>
    %reduce_min3A_4 = vector.shape_cast %reduce_min3A_3 : vector<1xf32> to vector<1x1x1xf32>
    %reduce_min3A_5 = vector.extract %reduce_min3A_4[0, 0, 0] : f32 from vector<1x1x1xf32>
    %reduce_max3A = vector.shape_cast %get3A_1 : vector<2500x128xf32> to vector<1x2500x128xf32>
    %reduce_max3A_6 = arith.constant dense<0xFF800000> : vector<1xf32>
    %reduce_max3A_7 = vector.multi_reduction <maximumf>, %reduce_max3A, %reduce_max3A_6 [1, 2] : vector<1x2500x128xf32> to vector<1xf32>
    %reduce_max3A_8 = vector.shape_cast %reduce_max3A_7 : vector<1xf32> to vector<1x1x1xf32>
    %reduce_max3A_9 = vector.extract %reduce_max3A_8[0, 0, 0] : f32 from vector<1x1x1xf32>
    %add3A = arith.constant 9.99999997E-7 : f32
    %add3A_10 = vector.broadcast %add3A : f32 to vector<2500x128xf32>
    %add3A_11 = arith.addf %get3A_1, %add3A_10 : vector<2500x128xf32>
    %log1p3A = math.log1p %add3A_11 : vector<2500x128xf32>
    %swap3A = arith.constant 0 : index
    %swap3A_12 = arith.constant 0 : index
    %swap3A_13 = vector.load %arg1[%swap3A, %swap3A_12] : memref<2500x128xf32, #tpu.memory_space<vmem>>, vector<2500x128xf32>
    tpu.vector_store %arg1[%swap3A, %swap3A_12], %log1p3A {strides = array<i32>} : memref<2500x128xf32, #tpu.memory_space<vmem>>, vector<2500x128xf32>,
    %gt3A = arith.cmpf ogt, %reduce_max3A_9, %reduce_min3A_5 : f32
    %sub3A = vector.broadcast %reduce_min3A_5 : f32 to vector<2500x128xf32>
    %sub3A_14 = arith.subf %get3A_1, %sub3A : vector<2500x128xf32>
    %sub3A_15 = arith.subf %reduce_max3A_9, %reduce_min3A_5 : f32
    %add3A_16 = arith.constant 9.99999997E-7 : f32
    %add3A_17 = arith.addf %sub3A_15, %add3A_16 : f32
    %div3A = vector.broadcast %add3A_17 : f32 to vector<2500x128xf32>
    %div3A_18 = arith.divf %sub3A_14, %div3A : vector<2500x128xf32>
    %broadcast_in_dim3A = arith.constant 1.000000e+00 : f32
    %broadcast_in_dim3A_19 = vector.broadcast %broadcast_in_dim3A : f32 to vector<2500x128xf32>
    %select_n3A = arith.select %gt3A, %div3A_18, %broadcast_in_dim3A_19 : vector<2500x128xf32>
    %swap3A_20 = arith.constant 0 : index
    %swap3A_21 = arith.constant 0 : index
    %swap3A_22 = vector.load %arg2[%swap3A_20, %swap3A_21] : memref<2500x128xf32, #tpu.memory_space<vmem>>, vector<2500x128xf32>
    tpu.vector_store %arg2[%swap3A_20, %swap3A_21], %select_n3A {strides = array<i32>} : memref<2500x128xf32, #tpu.memory_space<vmem>>, vector<2500x128xf32>,
    return
  }
}

module attributes {stable_mosaic.version = 14 : i64} {
  func.func @_base_body(%arg0: i32, %arg1: memref<4000x1xf32, #tpu.memory_space<vmem>>, %arg2: memref<4000x1xf32, #tpu.memory_space<vmem>>, %arg3: memref<4000x16xf32, #tpu.memory_space<vmem>>, %arg4: memref<1x128xf32, #tpu.memory_space<vmem>>, %arg5: memref<1x128xf32, #tpu.memory_space<vmem>>, %arg6: memref<1x16xf32, #tpu.memory_space<vmem>>, %arg7: memref<1x16xf32, #tpu.memory_space<vmem>>, %arg8: memref<16x16xf32, #tpu.memory_space<vmem>>, %arg9: memref<128x16xf32, #tpu.memory_space<vmem>>, %arg10: memref<4000x16xf32, #tpu.memory_space<vmem>>) attributes {dimension_semantics = [#tpu.dimension_semantics<arbitrary>], iteration_bounds = array<i64: 80>, scalar_prefetch = 0 : i64, scratch_operands = 0 : i64, tpu.core_type = #tpu.core_type<tc>, window_params = [{transform_indices = @transform_0, window_bounds = array<i64: 4000, 1>}, {transform_indices = @transform_1, window_bounds = array<i64: 4000, 1>}, {transform_indices = @transform_2, window_bounds = array<i64: 4000, 16>}, {pipeline_mode = #tpu.pipeline_mode<synchronous>, transform_indices = @transform_3, window_bounds = array<i64: 1, 128>}, {pipeline_mode = #tpu.pipeline_mode<synchronous>, transform_indices = @transform_4, window_bounds = array<i64: 1, 128>}, {pipeline_mode = #tpu.pipeline_mode<synchronous>, transform_indices = @transform_5, window_bounds = array<i64: 1, 16>}, {pipeline_mode = #tpu.pipeline_mode<synchronous>, transform_indices = @transform_6, window_bounds = array<i64: 1, 16>}, {pipeline_mode = #tpu.pipeline_mode<synchronous>, transform_indices = @transform_7, window_bounds = array<i64: 16, 16>}, {pipeline_mode = #tpu.pipeline_mode<synchronous>, transform_indices = @transform_8, window_bounds = array<i64: 128, 16>}, {transform_indices = @transform_9, window_bounds = array<i64: 4000, 16>}]} {
    %get3A = arith.constant 0 : index
    %get3A_0 = arith.constant 0 : index
    %get3A_1 = vector.load %arg1[%get3A, %get3A_0] : memref<4000x1xf32, #tpu.memory_space<vmem>>, vector<4000x1xf32>
    %get3A_2 = arith.constant 0 : index
    %get3A_3 = arith.constant 0 : index
    %get3A_4 = vector.load %arg4[%get3A_2, %get3A_3] : memref<1x128xf32, #tpu.memory_space<vmem>>, vector<1x128xf32>
    %mul3A = vector.broadcast %get3A_1 : vector<4000x1xf32> to vector<4000x128xf32>
    %mul3A_5 = vector.broadcast %get3A_4 : vector<1x128xf32> to vector<4000x128xf32>
    %mul3A_6 = arith.mulf %mul3A, %mul3A_5 : vector<4000x128xf32>
    %get3A_7 = arith.constant 0 : index
    %get3A_8 = arith.constant 0 : index
    %get3A_9 = vector.load %arg5[%get3A_7, %get3A_8] : memref<1x128xf32, #tpu.memory_space<vmem>>, vector<1x128xf32>
    %add3A = vector.broadcast %get3A_9 : vector<1x128xf32> to vector<4000x128xf32>
    %add3A_10 = arith.addf %mul3A_6, %add3A : vector<4000x128xf32>
    %sin3A = math.sin %add3A_10 : vector<4000x128xf32>
    %get3A_11 = arith.constant 0 : index
    %get3A_12 = arith.constant 0 : index
    %get3A_13 = vector.load %arg9[%get3A_11, %get3A_12] : memref<128x16xf32, #tpu.memory_space<vmem>>, vector<128x16xf32>
    %dot_general3A = arith.constant dense<0.000000e+00> : vector<4000x16xf32>
    %dot_general3A_14 = tpu.matmul %sin3A, %get3A_13, %dot_general3A {dimension_numbers = #tpu.dot_dimension_numbers<[1], [0], [0], [1], [0, 0, 1, 1], [], []>, precision = #tpu.contract_precision<fp32>, transpose_lhs_hint = false} : vector<4000x128xf32>, vector<128x16xf32>, vector<4000x16xf32> -> vector<4000x16xf32>
    %get3A_15 = arith.constant 0 : index
    %get3A_16 = arith.constant 0 : index
    %get3A_17 = vector.load %arg3[%get3A_15, %get3A_16] : memref<4000x16xf32, #tpu.memory_space<vmem>>, vector<4000x16xf32>
    %get3A_18 = arith.constant 0 : index
    %get3A_19 = arith.constant 0 : index
    %get3A_20 = vector.load %arg8[%get3A_18, %get3A_19] : memref<16x16xf32, #tpu.memory_space<vmem>>, vector<16x16xf32>
    %dot_general3A_21 = arith.constant dense<0.000000e+00> : vector<4000x16xf32>
    %dot_general3A_22 = tpu.matmul %get3A_17, %get3A_20, %dot_general3A_21 {dimension_numbers = #tpu.dot_dimension_numbers<[1], [0], [0], [1], [0, 0, 1, 1], [], []>, precision = #tpu.contract_precision<fp32>, transpose_lhs_hint = false} : vector<4000x16xf32>, vector<16x16xf32>, vector<4000x16xf32> -> vector<4000x16xf32>
    %add3A_23 = arith.addf %dot_general3A_14, %dot_general3A_22 : vector<4000x16xf32>
    %get3A_24 = arith.constant 0 : index
    %get3A_25 = arith.constant 0 : index
    %get3A_26 = vector.load %arg2[%get3A_24, %get3A_25] : memref<4000x1xf32, #tpu.memory_space<vmem>>, vector<4000x1xf32>
    %get3A_27 = arith.constant 0 : index
    %get3A_28 = arith.constant 0 : index
    %get3A_29 = vector.load %arg6[%get3A_27, %get3A_28] : memref<1x16xf32, #tpu.memory_space<vmem>>, vector<1x16xf32>
    %mul3A_30 = vector.broadcast %get3A_26 : vector<4000x1xf32> to vector<4000x16xf32>
    %mul3A_31 = vector.broadcast %get3A_29 : vector<1x16xf32> to vector<4000x16xf32>
    %mul3A_32 = arith.mulf %mul3A_30, %mul3A_31 : vector<4000x16xf32>
    %add3A_33 = arith.addf %add3A_23, %mul3A_32 : vector<4000x16xf32>
    %get3A_34 = arith.constant 0 : index
    %get3A_35 = arith.constant 0 : index
    %get3A_36 = vector.load %arg7[%get3A_34, %get3A_35] : memref<1x16xf32, #tpu.memory_space<vmem>>, vector<1x16xf32>
    %add3A_37 = vector.broadcast %get3A_36 : vector<1x16xf32> to vector<4000x16xf32>
    %add3A_38 = arith.addf %add3A_33, %add3A_37 : vector<4000x16xf32>
    %swap3A = arith.constant 0 : index
    %swap3A_39 = arith.constant 0 : index
    %swap3A_40 = vector.load %arg10[%swap3A, %swap3A_39] : memref<4000x16xf32, #tpu.memory_space<vmem>>, vector<4000x16xf32>
    tpu.vector_store %arg10[%swap3A, %swap3A_39], %add3A_38 {strides = array<i32>} : memref<4000x16xf32, #tpu.memory_space<vmem>>, vector<4000x16xf32>,
    return
  }
  func.func @transform_0(%arg0: i32) -> (i32, i32) {
    %c0_i32 = arith.constant 0 : i32
    %c0_i32_0 = arith.constant 0 : i32
    return %arg0, %c0_i32 : i32, i32
  }
  func.func @transform_1(%arg0: i32) -> (i32, i32) {
    %c0_i32 = arith.constant 0 : i32
    %c0_i32_0 = arith.constant 0 : i32
    return %arg0, %c0_i32 : i32, i32
  }
  func.func @transform_2(%arg0: i32) -> (i32, i32) {
    %c0_i32 = arith.constant 0 : i32
    %c0_i32_0 = arith.constant 0 : i32
    return %arg0, %c0_i32 : i32, i32
  }
  func.func @transform_3(%arg0: i32) -> (i32, i32) {
    %c0_i32 = arith.constant 0 : i32
    %c0_i32_0 = arith.constant 0 : i32
    %c0_i32_1 = arith.constant 0 : i32
    return %c0_i32, %c0_i32_0 : i32, i32
  }
  func.func @transform_4(%arg0: i32) -> (i32, i32) {
    %c0_i32 = arith.constant 0 : i32
    %c0_i32_0 = arith.constant 0 : i32
    %c0_i32_1 = arith.constant 0 : i32
    return %c0_i32, %c0_i32_0 : i32, i32
  }
  func.func @transform_5(%arg0: i32) -> (i32, i32) {
    %c0_i32 = arith.constant 0 : i32
    %c0_i32_0 = arith.constant 0 : i32
    %c0_i32_1 = arith.constant 0 : i32
    return %c0_i32, %c0_i32_0 : i32, i32
  }
  func.func @transform_6(%arg0: i32) -> (i32, i32) {
    %c0_i32 = arith.constant 0 : i32
    %c0_i32_0 = arith.constant 0 : i32
    %c0_i32_1 = arith.constant 0 : i32
    return %c0_i32, %c0_i32_0 : i32, i32
  }
  func.func @transform_7(%arg0: i32) -> (i32, i32) {
    %c0_i32 = arith.constant 0 : i32
    %c0_i32_0 = arith.constant 0 : i32
    %c0_i32_1 = arith.constant 0 : i32
    return %c0_i32, %c0_i32_0 : i32, i32
  }
  func.func @transform_8(%arg0: i32) -> (i32, i32) {
    %c0_i32 = arith.constant 0 : i32
    %c0_i32_0 = arith.constant 0 : i32
    %c0_i32_1 = arith.constant 0 : i32
    return %c0_i32, %c0_i32_0 : i32, i32
  }
  func.func @transform_9(%arg0: i32) -> (i32, i32) {
    %c0_i32 = arith.constant 0 : i32
    %c0_i32_0 = arith.constant 0 : i32
    return %arg0, %c0_i32 : i32, i32
  }
}

module attributes {stable_mosaic.version = 14 : i64} {
  func.func @_qkv_body(%arg0: i32, %arg1: memref<2000x128xf32, #tpu.memory_space<vmem>>, %arg2: memref<128x384xf32, #tpu.memory_space<vmem>>, %arg3: memref<2000x256xf32, #tpu.memory_space<vmem>>, %arg4: memref<2000x128xf32, #tpu.memory_space<vmem>>) attributes {dimension_semantics = [#tpu.dimension_semantics<arbitrary>], iteration_bounds = array<i64: 5>, scalar_prefetch = 0 : i64, scratch_operands = 0 : i64, tpu.core_type = #tpu.core_type<tc>, window_params = [{transform_indices = @transform_0, window_bounds = array<i64: 2000, 128>}, {pipeline_mode = #tpu.pipeline_mode<synchronous>, transform_indices = @transform_1, window_bounds = array<i64: 128, 384>}, {transform_indices = @transform_2, window_bounds = array<i64: 2000, 256>}, {transform_indices = @transform_3, window_bounds = array<i64: 2000, 128>}]} {
    %get3A = arith.constant 0 : index
    %get3A_0 = arith.constant 0 : index
    %get3A_1 = vector.load %arg1[%get3A, %get3A_0] : memref<2000x128xf32, #tpu.memory_space<vmem>>, vector<2000x128xf32>
    %get3A_2 = arith.constant 0 : index
    %get3A_3 = arith.constant 0 : index
    %get3A_4 = vector.load %arg2[%get3A_2, %get3A_3] : memref<128x384xf32, #tpu.memory_space<vmem>>, vector<128x384xf32>
    %dot_general3A = arith.constant dense<0.000000e+00> : vector<2000x384xf32>
    %dot_general3A_5 = tpu.matmul %get3A_1, %get3A_4, %dot_general3A {dimension_numbers = #tpu.dot_dimension_numbers<[1], [0], [0], [1], [0, 0, 1, 1], [], []>, precision = #tpu.contract_precision<fp32>, transpose_lhs_hint = false} : vector<2000x128xf32>, vector<128x384xf32>, vector<2000x384xf32> -> vector<2000x384xf32>
    %slice3A = vector.extract_strided_slice %dot_general3A_5 {offsets = [0, 0], sizes = [2000, 256], strides = [1, 1]} : vector<2000x384xf32> to vector<2000x256xf32>
    %swap3A = arith.constant 0 : index
    %swap3A_6 = arith.constant 0 : index
    %swap3A_7 = vector.load %arg3[%swap3A, %swap3A_6] : memref<2000x256xf32, #tpu.memory_space<vmem>>, vector<2000x256xf32>
    tpu.vector_store %arg3[%swap3A, %swap3A_6], %slice3A {strides = array<i32>} : memref<2000x256xf32, #tpu.memory_space<vmem>>, vector<2000x256xf32>,
    %slice3A_8 = vector.extract_strided_slice %dot_general3A_5 {offsets = [0, 256], sizes = [2000, 128], strides = [1, 1]} : vector<2000x384xf32> to vector<2000x128xf32>
    %swap3A_9 = arith.constant 0 : index
    %swap3A_10 = arith.constant 0 : index
    %swap3A_11 = vector.load %arg4[%swap3A_9, %swap3A_10] : memref<2000x128xf32, #tpu.memory_space<vmem>>, vector<2000x128xf32>
    tpu.vector_store %arg4[%swap3A_9, %swap3A_10], %slice3A_8 {strides = array<i32>} : memref<2000x128xf32, #tpu.memory_space<vmem>>, vector<2000x128xf32>,
    return
  }
  func.func @transform_0(%arg0: i32) -> (i32, i32) {
    %c0_i32 = arith.constant 0 : i32
    %c0_i32_0 = arith.constant 0 : i32
    return %arg0, %c0_i32 : i32, i32
  }
  func.func @transform_1(%arg0: i32) -> (i32, i32) {
    %c0_i32 = arith.constant 0 : i32
    %c0_i32_0 = arith.constant 0 : i32
    %c0_i32_1 = arith.constant 0 : i32
    return %c0_i32, %c0_i32_0 : i32, i32
  }
  func.func @transform_2(%arg0: i32) -> (i32, i32) {
    %c0_i32 = arith.constant 0 : i32
    %c0_i32_0 = arith.constant 0 : i32
    return %arg0, %c0_i32 : i32, i32
  }
  func.func @transform_3(%arg0: i32) -> (i32, i32) {
    %c0_i32 = arith.constant 0 : i32
    %c0_i32_0 = arith.constant 0 : i32
    return %arg0, %c0_i32 : i32, i32
  }
}

module attributes {stable_mosaic.version = 14 : i64} {
  func.func @_mid_body(%arg0: i32, %arg1: memref<2x2000x144xf32, #tpu.memory_space<vmem>>, %arg2: memref<128x384xf32, #tpu.memory_space<vmem>>, %arg3: memref<2000x256xf32, #tpu.memory_space<vmem>>, %arg4: memref<2000x128xf32, #tpu.memory_space<vmem>>) attributes {dimension_semantics = [#tpu.dimension_semantics<arbitrary>], iteration_bounds = array<i64: 5>, scalar_prefetch = 0 : i64, scratch_operands = 0 : i64, tpu.core_type = #tpu.core_type<tc>, window_params = [{transform_indices = @transform_0, window_bounds = array<i64: 2, 2000, 144>}, {pipeline_mode = #tpu.pipeline_mode<synchronous>, transform_indices = @transform_1, window_bounds = array<i64: 128, 384>}, {transform_indices = @transform_2, window_bounds = array<i64: 2000, 256>}, {transform_indices = @transform_3, window_bounds = array<i64: 2000, 128>}]} {
    %get3A = arith.constant 0 : index
    %get3A_0 = arith.constant 0 : index
    %get3A_1 = arith.constant 0 : index
    %get3A_2 = vector.load %arg1[%get3A, %get3A_0, %get3A_1] : memref<2x2000x144xf32, #tpu.memory_space<vmem>>, vector<1x2000x144xf32>
    %get3A_3 = vector.shape_cast %get3A_2 : vector<1x2000x144xf32> to vector<2000x144xf32>
    %get3A_4 = arith.constant 1 : index
    %get3A_5 = arith.constant 0 : index
    %get3A_6 = arith.constant 0 : index
    %get3A_7 = vector.load %arg1[%get3A_4, %get3A_5, %get3A_6] : memref<2x2000x144xf32, #tpu.memory_space<vmem>>, vector<1x2000x144xf32>
    %get3A_8 = vector.shape_cast %get3A_7 : vector<1x2000x144xf32> to vector<2000x144xf32>
    %add3A = arith.addf %get3A_3, %get3A_8 : vector<2000x144xf32>
    %slice3A = vector.extract_strided_slice %add3A {offsets = [0, 128], sizes = [2000, 16], strides = [1, 1]} : vector<2000x144xf32> to vector<2000x16xf32>
    %add3A_9 = arith.constant 9.99999993E-9 : f32
    %add3A_10 = vector.broadcast %add3A_9 : f32 to vector<2000x16xf32>
    %add3A_11 = arith.addf %slice3A, %add3A_10 : vector<2000x16xf32>
    %div3A = arith.constant 1.000000e+00 : f32
    %div3A_12 = vector.broadcast %div3A : f32 to vector<2000x16xf32>
    %div3A_13 = arith.divf %div3A_12, %add3A_11 : vector<2000x16xf32>
    %iota3A = tpu.iota {dimensions = array<i32: 0>} : vector<16x128xi32>
    %iota3A_14 = tpu.iota {dimensions = array<i32: 1>} : vector<16x128xi32>
    %jit3A = arith.constant 16 : i32
    %div3A_15 = vector.broadcast %jit3A : i32 to vector<16x128xi32>
    %div3A_16 = arith.divsi %iota3A_14, %div3A_15 : vector<16x128xi32>
    %sign3A = arith.constant 0 : i32
    %sign3A_17 = vector.broadcast %sign3A : i32 to vector<16x128xi32>
    %sign3A_18 = arith.cmpi sgt, %iota3A_14, %sign3A_17 : vector<16x128xi32>
    %sign3A_19 = arith.extui %sign3A_18 : vector<16x128xi1> to vector<16x128xi32>
    %sign3A_20 = arith.constant 0 : i32
    %sign3A_21 = vector.broadcast %sign3A_20 : i32 to vector<16x128xi32>
    %sign3A_22 = arith.cmpi slt, %iota3A_14, %sign3A_21 : vector<16x128xi32>
    %sign3A_23 = arith.extui %sign3A_22 : vector<16x128xi1> to vector<16x128xi32>
    %sign3A_24 = arith.subi %sign3A_19, %sign3A_23 : vector<16x128xi32>
    %sign3A_25 = arith.constant 0 : i32
    %sign3A_26 = arith.cmpi sgt, %jit3A, %sign3A_25 : i32
    %sign3A_27 = arith.extui %sign3A_26 : i1 to i32
    %sign3A_28 = arith.constant 0 : i32
    %sign3A_29 = arith.cmpi slt, %jit3A, %sign3A_28 : i32
    %sign3A_30 = arith.extui %sign3A_29 : i1 to i32
    %sign3A_31 = arith.subi %sign3A_27, %sign3A_30 : i32
    %ne3A = vector.broadcast %sign3A_31 : i32 to vector<16x128xi32>
    %ne3A_32 = arith.cmpi ne, %sign3A_24, %ne3A : vector<16x128xi32>
    %rem3A = vector.broadcast %jit3A : i32 to vector<16x128xi32>
    %rem3A_33 = arith.remsi %iota3A_14, %rem3A : vector<16x128xi32>
    %ne3A_34 = arith.constant 0 : i32
    %ne3A_35 = vector.broadcast %ne3A_34 : i32 to vector<16x128xi32>
    %ne3A_36 = arith.cmpi ne, %rem3A_33, %ne3A_35 : vector<16x128xi32>
    %and3A = arith.andi %ne3A_32, %ne3A_36 : vector<16x128xi1>
    %sub3A = arith.constant 1 : i32
    %sub3A_37 = vector.broadcast %sub3A : i32 to vector<16x128xi32>
    %sub3A_38 = arith.subi %div3A_16, %sub3A_37 : vector<16x128xi32>
    %select_n3A = arith.select %and3A, %sub3A_38, %div3A_16 : vector<16x128xi1>, vector<16x128xi32>
    %eq3A = arith.cmpi eq, %iota3A, %select_n3A : vector<16x128xi32>
    %convert_element_type3A = arith.extui %eq3A : vector<16x128xi1> to vector<16x128xi32>
    %convert_element_type3A_39 = arith.sitofp %convert_element_type3A : vector<16x128xi32> to vector<16x128xf32>
    %dot_general3A = arith.constant dense<0.000000e+00> : vector<2000x128xf32>
    %dot_general3A_40 = tpu.matmul %div3A_13, %convert_element_type3A_39, %dot_general3A {dimension_numbers = #tpu.dot_dimension_numbers<[1], [0], [0], [1], [0, 0, 1, 1], [], []>, precision = #tpu.contract_precision<fp32>, transpose_lhs_hint = false} : vector<2000x16xf32>, vector<16x128xf32>, vector<2000x128xf32> -> vector<2000x128xf32>
    %slice3A_41 = vector.extract_strided_slice %add3A {offsets = [0, 0], sizes = [2000, 128], strides = [1, 1]} : vector<2000x144xf32> to vector<2000x128xf32>
    %mul3A = arith.mulf %slice3A_41, %dot_general3A_40 : vector<2000x128xf32>
    %gt3A = arith.constant 0.000000e+00 : f32
    %gt3A_42 = vector.broadcast %gt3A : f32 to vector<2000x128xf32>
    %gt3A_43 = arith.cmpf ogt, %mul3A, %gt3A_42 : vector<2000x128xf32>
    %exp3A = math.exp %mul3A : vector<2000x128xf32>
    %sub3A_44 = arith.constant 1.000000e+00 : f32
    %sub3A_45 = vector.broadcast %sub3A_44 : f32 to vector<2000x128xf32>
    %sub3A_46 = arith.subf %exp3A, %sub3A_45 : vector<2000x128xf32>
    %select_n3A_47 = arith.select %gt3A_43, %mul3A, %sub3A_46 : vector<2000x128xi1>, vector<2000x128xf32>
    %get3A_48 = arith.constant 0 : index
    %get3A_49 = arith.constant 0 : index
    %get3A_50 = vector.load %arg2[%get3A_48, %get3A_49] : memref<128x384xf32, #tpu.memory_space<vmem>>, vector<128x384xf32>
    %dot_general3A_51 = arith.constant dense<0.000000e+00> : vector<2000x384xf32>
    %dot_general3A_52 = tpu.matmul %select_n3A_47, %get3A_50, %dot_general3A_51 {dimension_numbers = #tpu.dot_dimension_numbers<[1], [0], [0], [1], [0, 0, 1, 1], [], []>, precision = #tpu.contract_precision<fp32>, transpose_lhs_hint = false} : vector<2000x128xf32>, vector<128x384xf32>, vector<2000x384xf32> -> vector<2000x384xf32>
    %slice3A_53 = vector.extract_strided_slice %dot_general3A_52 {offsets = [0, 0], sizes = [2000, 256], strides = [1, 1]} : vector<2000x384xf32> to vector<2000x256xf32>
    %swap3A = arith.constant 0 : index
    %swap3A_54 = arith.constant 0 : index
    %swap3A_55 = vector.load %arg3[%swap3A, %swap3A_54] : memref<2000x256xf32, #tpu.memory_space<vmem>>, vector<2000x256xf32>
    tpu.vector_store %arg3[%swap3A, %swap3A_54], %slice3A_53 {strides = array<i32>} : memref<2000x256xf32, #tpu.memory_space<vmem>>, vector<2000x256xf32>,
    %slice3A_56 = vector.extract_strided_slice %dot_general3A_52 {offsets = [0, 256], sizes = [2000, 128], strides = [1, 1]} : vector<2000x384xf32> to vector<2000x128xf32>
    %swap3A_57 = arith.constant 0 : index
    %swap3A_58 = arith.constant 0 : index
    %swap3A_59 = vector.load %arg4[%swap3A_57, %swap3A_58] : memref<2000x128xf32, #tpu.memory_space<vmem>>, vector<2000x128xf32>
    tpu.vector_store %arg4[%swap3A_57, %swap3A_58], %slice3A_56 {strides = array<i32>} : memref<2000x128xf32, #tpu.memory_space<vmem>>, vector<2000x128xf32>,
    return
  }
  func.func @transform_0(%arg0: i32) -> (i32, i32, i32) {
    %c0_i32 = arith.constant 0 : i32
    %c0_i32_0 = arith.constant 0 : i32
    %c0_i32_1 = arith.constant 0 : i32
    return %c0_i32, %arg0, %c0_i32_0 : i32, i32, i32
  }
  func.func @transform_1(%arg0: i32) -> (i32, i32) {
    %c0_i32 = arith.constant 0 : i32
    %c0_i32_0 = arith.constant 0 : i32
    %c0_i32_1 = arith.constant 0 : i32
    return %c0_i32, %c0_i32_0 : i32, i32
  }
  func.func @transform_2(%arg0: i32) -> (i32, i32) {
    %c0_i32 = arith.constant 0 : i32
    %c0_i32_0 = arith.constant 0 : i32
    return %arg0, %c0_i32 : i32, i32
  }
  func.func @transform_3(%arg0: i32) -> (i32, i32) {
    %c0_i32 = arith.constant 0 : i32
    %c0_i32_0 = arith.constant 0 : i32
    return %arg0, %c0_i32 : i32, i32
  }
}

module attributes {stable_mosaic.version = 14 : i64} {
  func.func @_final_body(%arg0: i32, %arg1: memref<2x2000x144xf32, #tpu.memory_space<vmem>>, %arg2: memref<128x2xf32, #tpu.memory_space<vmem>>, %arg3: memref<1x2xf32, #tpu.memory_space<vmem>>, %arg4: memref<2000x2xf32, #tpu.memory_space<vmem>>) attributes {dimension_semantics = [#tpu.dimension_semantics<arbitrary>], iteration_bounds = array<i64: 5>, scalar_prefetch = 0 : i64, scratch_operands = 0 : i64, tpu.core_type = #tpu.core_type<tc>, window_params = [{transform_indices = @transform_0, window_bounds = array<i64: 2, 2000, 144>}, {pipeline_mode = #tpu.pipeline_mode<synchronous>, transform_indices = @transform_1, window_bounds = array<i64: 128, 2>}, {pipeline_mode = #tpu.pipeline_mode<synchronous>, transform_indices = @transform_2, window_bounds = array<i64: 1, 2>}, {transform_indices = @transform_3, window_bounds = array<i64: 2000, 2>}]} {
    %get3A = arith.constant 0 : index
    %get3A_0 = arith.constant 0 : index
    %get3A_1 = arith.constant 0 : index
    %get3A_2 = vector.load %arg1[%get3A, %get3A_0, %get3A_1] : memref<2x2000x144xf32, #tpu.memory_space<vmem>>, vector<1x2000x144xf32>
    %get3A_3 = vector.shape_cast %get3A_2 : vector<1x2000x144xf32> to vector<2000x144xf32>
    %get3A_4 = arith.constant 1 : index
    %get3A_5 = arith.constant 0 : index
    %get3A_6 = arith.constant 0 : index
    %get3A_7 = vector.load %arg1[%get3A_4, %get3A_5, %get3A_6] : memref<2x2000x144xf32, #tpu.memory_space<vmem>>, vector<1x2000x144xf32>
    %get3A_8 = vector.shape_cast %get3A_7 : vector<1x2000x144xf32> to vector<2000x144xf32>
    %add3A = arith.addf %get3A_3, %get3A_8 : vector<2000x144xf32>
    %slice3A = vector.extract_strided_slice %add3A {offsets = [0, 128], sizes = [2000, 16], strides = [1, 1]} : vector<2000x144xf32> to vector<2000x16xf32>
    %add3A_9 = arith.constant 9.99999993E-9 : f32
    %add3A_10 = vector.broadcast %add3A_9 : f32 to vector<2000x16xf32>
    %add3A_11 = arith.addf %slice3A, %add3A_10 : vector<2000x16xf32>
    %div3A = arith.constant 1.000000e+00 : f32
    %div3A_12 = vector.broadcast %div3A : f32 to vector<2000x16xf32>
    %div3A_13 = arith.divf %div3A_12, %add3A_11 : vector<2000x16xf32>
    %iota3A = tpu.iota {dimensions = array<i32: 0>} : vector<16x128xi32>
    %iota3A_14 = tpu.iota {dimensions = array<i32: 1>} : vector<16x128xi32>
    %jit3A = arith.constant 16 : i32
    %div3A_15 = vector.broadcast %jit3A : i32 to vector<16x128xi32>
    %div3A_16 = arith.divsi %iota3A_14, %div3A_15 : vector<16x128xi32>
    %sign3A = arith.constant 0 : i32
    %sign3A_17 = vector.broadcast %sign3A : i32 to vector<16x128xi32>
    %sign3A_18 = arith.cmpi sgt, %iota3A_14, %sign3A_17 : vector<16x128xi32>
    %sign3A_19 = arith.extui %sign3A_18 : vector<16x128xi1> to vector<16x128xi32>
    %sign3A_20 = arith.constant 0 : i32
    %sign3A_21 = vector.broadcast %sign3A_20 : i32 to vector<16x128xi32>
    %sign3A_22 = arith.cmpi slt, %iota3A_14, %sign3A_21 : vector<16x128xi32>
    %sign3A_23 = arith.extui %sign3A_22 : vector<16x128xi1> to vector<16x128xi32>
    %sign3A_24 = arith.subi %sign3A_19, %sign3A_23 : vector<16x128xi32>
    %sign3A_25 = arith.constant 0 : i32
    %sign3A_26 = arith.cmpi sgt, %jit3A, %sign3A_25 : i32
    %sign3A_27 = arith.extui %sign3A_26 : i1 to i32
    %sign3A_28 = arith.constant 0 : i32
    %sign3A_29 = arith.cmpi slt, %jit3A, %sign3A_28 : i32
    %sign3A_30 = arith.extui %sign3A_29 : i1 to i32
    %sign3A_31 = arith.subi %sign3A_27, %sign3A_30 : i32
    %ne3A = vector.broadcast %sign3A_31 : i32 to vector<16x128xi32>
    %ne3A_32 = arith.cmpi ne, %sign3A_24, %ne3A : vector<16x128xi32>
    %rem3A = vector.broadcast %jit3A : i32 to vector<16x128xi32>
    %rem3A_33 = arith.remsi %iota3A_14, %rem3A : vector<16x128xi32>
    %ne3A_34 = arith.constant 0 : i32
    %ne3A_35 = vector.broadcast %ne3A_34 : i32 to vector<16x128xi32>
    %ne3A_36 = arith.cmpi ne, %rem3A_33, %ne3A_35 : vector<16x128xi32>
    %and3A = arith.andi %ne3A_32, %ne3A_36 : vector<16x128xi1>
    %sub3A = arith.constant 1 : i32
    %sub3A_37 = vector.broadcast %sub3A : i32 to vector<16x128xi32>
    %sub3A_38 = arith.subi %div3A_16, %sub3A_37 : vector<16x128xi32>
    %select_n3A = arith.select %and3A, %sub3A_38, %div3A_16 : vector<16x128xi1>, vector<16x128xi32>
    %eq3A = arith.cmpi eq, %iota3A, %select_n3A : vector<16x128xi32>
    %convert_element_type3A = arith.extui %eq3A : vector<16x128xi1> to vector<16x128xi32>
    %convert_element_type3A_39 = arith.sitofp %convert_element_type3A : vector<16x128xi32> to vector<16x128xf32>
    %dot_general3A = arith.constant dense<0.000000e+00> : vector<2000x128xf32>
    %dot_general3A_40 = tpu.matmul %div3A_13, %convert_element_type3A_39, %dot_general3A {dimension_numbers = #tpu.dot_dimension_numbers<[1], [0], [0], [1], [0, 0, 1, 1], [], []>, precision = #tpu.contract_precision<fp32>, transpose_lhs_hint = false} : vector<2000x16xf32>, vector<16x128xf32>, vector<2000x128xf32> -> vector<2000x128xf32>
    %slice3A_41 = vector.extract_strided_slice %add3A {offsets = [0, 0], sizes = [2000, 128], strides = [1, 1]} : vector<2000x144xf32> to vector<2000x128xf32>
    %mul3A = arith.mulf %slice3A_41, %dot_general3A_40 : vector<2000x128xf32>
    %gt3A = arith.constant 0.000000e+00 : f32
    %gt3A_42 = vector.broadcast %gt3A : f32 to vector<2000x128xf32>
    %gt3A_43 = arith.cmpf ogt, %mul3A, %gt3A_42 : vector<2000x128xf32>
    %exp3A = math.exp %mul3A : vector<2000x128xf32>
    %sub3A_44 = arith.constant 1.000000e+00 : f32
    %sub3A_45 = vector.broadcast %sub3A_44 : f32 to vector<2000x128xf32>
    %sub3A_46 = arith.subf %exp3A, %sub3A_45 : vector<2000x128xf32>
    %select_n3A_47 = arith.select %gt3A_43, %mul3A, %sub3A_46 : vector<2000x128xi1>, vector<2000x128xf32>
    %get3A_48 = arith.constant 0 : index
    %get3A_49 = arith.constant 0 : index
    %get3A_50 = vector.load %arg2[%get3A_48, %get3A_49] : memref<128x2xf32, #tpu.memory_space<vmem>>, vector<128x2xf32>
    %dot_general3A_51 = arith.constant dense<0.000000e+00> : vector<2000x2xf32>
    %dot_general3A_52 = tpu.matmul %select_n3A_47, %get3A_50, %dot_general3A_51 {dimension_numbers = #tpu.dot_dimension_numbers<[1], [0], [0], [1], [0, 0, 1, 1], [], []>, precision = #tpu.contract_precision<fp32>, transpose_lhs_hint = false} : vector<2000x128xf32>, vector<128x2xf32>, vector<2000x2xf32> -> vector<2000x2xf32>
    %get3A_53 = arith.constant 0 : index
    %get3A_54 = arith.constant 0 : index
    %get3A_55 = vector.load %arg3[%get3A_53, %get3A_54] : memref<1x2xf32, #tpu.memory_space<vmem>>, vector<1x2xf32>
    %add3A_56 = vector.broadcast %get3A_55 : vector<1x2xf32> to vector<2000x2xf32>
    %add3A_57 = arith.addf %dot_general3A_52, %add3A_56 : vector<2000x2xf32>
    %swap3A = arith.constant 0 : index
    %swap3A_58 = arith.constant 0 : index
    %swap3A_59 = vector.load %arg4[%swap3A, %swap3A_58] : memref<2000x2xf32, #tpu.memory_space<vmem>>, vector<2000x2xf32>
    tpu.vector_store %arg4[%swap3A, %swap3A_58], %add3A_57 {strides = array<i32>} : memref<2000x2xf32, #tpu.memory_space<vmem>>, vector<2000x2xf32>,
    return
  }
  func.func @transform_0(%arg0: i32) -> (i32, i32, i32) {
    %c0_i32 = arith.constant 0 : i32
    %c0_i32_0 = arith.constant 0 : i32
    %c0_i32_1 = arith.constant 0 : i32
    return %c0_i32, %arg0, %c0_i32_0 : i32, i32, i32
  }
  func.func @transform_1(%arg0: i32) -> (i32, i32) {
    %c0_i32 = arith.constant 0 : i32
    %c0_i32_0 = arith.constant 0 : i32
    %c0_i32_1 = arith.constant 0 : i32
    return %c0_i32, %c0_i32_0 : i32, i32
  }
  func.func @transform_2(%arg0: i32) -> (i32, i32) {
    %c0_i32 = arith.constant 0 : i32
    %c0_i32_0 = arith.constant 0 : i32
    %c0_i32_1 = arith.constant 0 : i32
    return %c0_i32, %c0_i32_0 : i32, i32
  }
  func.func @transform_3(%arg0: i32) -> (i32, i32) {
    %c0_i32 = arith.constant 0 : i32
    %c0_i32_0 = arith.constant 0 : i32
    return %arg0, %c0_i32 : i32, i32
  }
}

</mosaic_0001>

<sc_bundles>
// kernel: kernel.12.cloned.1.call-start
scs
__scs_entry_jumppad:
0x0: {  	(pc) =	sbr.rel $0x88, $3  }
0x1: {  	(tag) =	ssettag $0x0;
	lr =	simm.s32 $0x1  }
0x2: {  	[smem:$0x3F8D] =	sst lr;
	_ =	strace $0xD0000000  }
0x3: {  	_ = 	snop  }
0x4: {  	_ = 	snop  }
0x5: {  	_ = 	snop  }
0x6: {  	_ = 	snop  }
0x7: {  	_ = 	snop  }
__scs_overlays_trampoline_lowered:
0x8: {  	[smem:$0x3F9C] =	sst s0  }
0x9: {  	[smem:$0x3F9D] =	sst s1  }
0xa: {  	[smem:$0x3F9E] =	sst s2  }
0xb: {  	[smem:$0x3F9F] =	sst s3  }
0xc: {  	[smem:$0x3FA0] =	sst s4  }
0xd: {  	[smem:$0x3FA1] =	sst s5  }
0xe: {  	[smem:$0x3FA2] =	sst s6  }
0xf: {  	[smem:$0x3FA3] =	sst s7  }
0x10: {  	[smem:$0x3FA4] =	sst s8  }
0x11: {  	[smem:$0x3FA5] =	sst s9;
	s0 =	simm.s32 @!p0 $0x0  }
0x12: {  	s1 =	sld [smem:$0x3F8B];
	s0 =	simm.s32 @p0 $0x1  }
0x13: {  	[smem:$0x3FA6] =	sst s0;
	s0 =	simm.s32 @!p1 $0x0  }
0x14: {  	s2 =	sld [smem:$0x3F8A];
	s0 =	simm.s32 @p1 $0x1  }
0x15: {  	[smem:$0x3FA7] =	sst s0;
	s0 =	simm.s32 @!p2 $0x0  }
0x16: {  	s3 =	sld [smem:$0x3FDB];
	s0 =	simm.s32 @p2 $0x1  }
0x17: {  	s4 =	simm.s32 $0x1BF5;
	[smem:$0x3FA9] =	sst s0  }
0x18: {  	s0 =	sld [smem:$0x3F8C];
	_ =	swait.ge [sflag:s4], $0x0  }
0x19: {  	s7 =	sld [smem:$0x3F8D]  }
0x1a: {  	s8 =	sadd.s32 $0xFFFFE003, lr  }
0x1b: {  	s9 =	sadd.s32 $0xFFFFFEF7, lr;
	s5 =	simm.s32 $0xFFFFFFFF;
	p2 =	slt.u32 s8, $0xFFFFF086  }
0x1c: {  	p1 =	slt.u32 s9, $0xF7A;
	s5 =	simm.s32 @!p2 $0x0  }
0x1d: {  	s5 =	simm.s32 @p1 $0x1;
	p0 =	seq.s32 s7, s2  }
0x1e: {  	s7 =	smul.u32 @!p0 $0xF7A, s2;
	p2 =	seq.s32 @!p0 s5, $0x0  }
0x1f: {  	s9 =	smul.u32 $0xF7A, s1;
	s8 =	simm.s32 @!p0 $0x1BF5;
	p2 =	por !p2, p0  }
0x20: {  	[sflag:s8] =	ssyncset.s32 @!p0 $0xFFFFF086;
	s6 =	sadd.s32 @!p0 s3, s7;
	s7 =	simm.s32 @!p0 $0x108  }
0x21: {  	s3 =	sadd.s32 s3, s9;
	s6 =	sadd.s32 @!p0 $0x88, s6;
	s7 =	simm.s32 @p2 $0x1082  }
0x22: {  	[simem:s7], [sflag:s8] =	dma.local @!p0 [hbm:s6], $0xF7A  }
0x23: {  	s9 =	sor.u32 $0xD0000000, s2;
	s6 =	simm.s32 $0x108;
	_ =	swait.ge @!p0 [sflag:s8], $0x0  }
0x24: {  	s3 =	sadd.s32 $0x88, s3;
	s6 =	simm.s32 @!p1 $0x1082;
	[sflag:s4] =	ssyncset.s32 $0xFFFFF086  }
0x25: {  	[simem:s6], [sflag:s4] =	dma.local [hbm:s3], $0xF7A  }
0x26: {  	[smem:$0x3F8D] =	sst s1;
	(tag) =	ssettag s2;
	_ =	strace s9  }
0x27: {  	s1 =	sld [smem:$0x3F9D]  }
0x28: {  	s2 =	sld [smem:$0x3F9E]  }
0x29: {  	s4 =	sld [smem:$0x3FA0]  }
0x2a: {  	p0 =	seq.s32 s5, $0x0;
	s5 =	sld [smem:$0x3FA1]  }
0x2b: {  	s6 =	sld [smem:$0x3FA2]  }
0x2c: {  	s7 =	sld [smem:$0x3FA3]  }
0x2d: {  	s3 =	simm.s32 $0x108;
	s8 =	sld [smem:$0x3FA4]  }
0x2e: {  	s3 =	simm.s32 @!p0 $0x1082;
	s9 =	sld [smem:$0x3FA5]  }
0x2f: {  	lr =	sadd.s32 s0, s3;
	s0 =	sld [smem:$0x3F9C]  }
0x30: {  	s3 =	sld [smem:$0x3F9F]  }
0x31: {  	[smem:$0x3FA8] =	sst s10  }
0x32: {  	s10 =	sld [smem:$0x3FA6];
	_ =	sdelay $0x3  }
0x33: {  	p0 =	seq.s32 s10, $0x1;
	s10 =	sld [smem:$0x3FA8];
	_ =	sdelay $0x3  }
0x34: {  	[smem:$0x3FA8] =	sst s10  }
0x35: {  	s10 =	sld [smem:$0x3FA7];
	_ =	sdelay $0x3  }
0x36: {  	p1 =	seq.s32 s10, $0x1;
	s10 =	sld [smem:$0x3FA8];
	_ =	sdelay $0x3  }
0x37: {  	[smem:$0x3FA8] =	sst s10  }
0x38: {  	s10 =	sld [smem:$0x3FA9]  }
0x39: {  	_ = 	snop;
	(pc) =	sbr.ind lr, $3  }
0x3a: {  	_ = 	snop  }
0x3b: {  	_ = 	snop  }
0x3c: {  	p2 =	seq.s32 s10, $0x1;
	s10 =	sld [smem:$0x3FA8]  }
0x3d: {  	_ =	shalt  }
0x3e: {  	_ =	shalt  }
0x3f: {  	_ =	shalt  }
0x40: {  	_ =	shalt  }
0x41: {  	_ =	shalt  }
0x42: {  	_ =	shalt  }
0x43: {  	_ =	shalt  }
0x44: {  	_ =	shalt  }
0x45: {  	_ =	shalt  }
0x46: {  	_ =	shalt  }
0x47: {  	_ =	shalt  }
0x48: {  	_ =	shalt  }
0x49: {  	_ =	shalt  }
0x4a: {  	_ =	shalt  }
0x4b: {  	_ =	shalt  }
0x4c: {  	_ =	shalt  }
0x4d: {  	_ =	shalt  }
0x4e: {  	_ =	shalt  }
0x4f: {  	_ =	shalt  }
0x50: {  	_ =	shalt  }
0x51: {  	_ =	shalt  }
0x52: {  	_ =	shalt  }
0x53: {  	_ =	shalt  }
0x54: {  	_ =	shalt  }
0x55: {  	_ =	shalt  }
0x56: {  	_ =	shalt  }
0x57: {  	_ =	shalt  }
0x58: {  	_ =	shalt  }
0x59: {  	_ =	shalt  }
0x5a: {  	_ =	shalt  }
0x5b: {  	_ =	shalt  }
0x5c: {  	_ =	shalt  }
0x5d: {  	_ =	shalt  }
0x5e: {  	_ =	shalt  }
0x5f: {  	_ =	shalt  }
0x60: {  	_ =	shalt  }
0x61: {  	_ =	shalt  }
0x62: {  	_ =	shalt  }
0x63: {  	_ =	shalt  }
0x64: {  	_ =	shalt  }
0x65: {  	_ =	shalt  }
0x66: {  	_ =	shalt  }
0x67: {  	_ =	shalt  }
0x68: {  	_ =	shalt  }
0x69: {  	_ =	shalt  }
0x6a: {  	_ =	shalt  }
0x6b: {  	_ =	shalt  }
0x6c: {  	_ =	shalt  }
0x6d: {  	_ =	shalt  }
0x6e: {  	_ =	shalt  }
0x6f: {  	_ =	shalt  }
0x70: {  	_ =	shalt  }
0x71: {  	_ =	shalt  }
0x72: {  	_ =	shalt  }
0x73: {  	_ =	shalt  }
0x74: {  	_ =	shalt  }
0x75: {  	_ =	shalt  }
0x76: {  	_ =	shalt  }
0x77: {  	_ =	shalt  }
0x78: {  	_ =	shalt  }
0x79: {  	_ =	shalt  }
0x7a: {  	_ =	shalt  }
0x7b: {  	_ =	shalt  }
0x7c: {  	_ =	shalt  }
0x7d: {  	_ =	shalt  }
0x7e: {  	_ =	shalt  }
0x7f: {  	_ =	shalt  }
0x80: {  	_ =	shalt  }
0x81: {  	_ =	shalt  }
0x82: {  	_ =	shalt  }
0x83: {  	_ =	shalt  }
0x84: {  	_ =	shalt  }
0x85: {  	_ =	shalt  }
0x86: {  	_ =	shalt  }
0x87: {  	_ =	shalt  }
.Lfunc_end0:
.L_simem_size_0:
called_computation.1_lowered:
.L_overlay_start_0:
0x88: {  	s2 =	sld [smem:$0x3FD9]  }
0x89: {  	s3 =	sld [smem:$0x3FFE];
	_ =	sdelay $0x1  }
0x8a: {  	s1 =	srdreg.scid  }
0x8b: {  	s0 =	sand.u32 $0x1, s1  }
0x8c: {  	s16 =	sshll.u32 s0, $0xA;
	s2 =	sadd.s32 s3, s2  }
0x8d: {  	s2 =	sadd.s32 s2, s16  }
0x8e: {  	[smem:$0x3FB4] =	sst s2  }
0x8f: {  	_ = 	snop  }
0x90: {  	(tm) =	ssettm $0x1  }
0x91: {  	s17 =	sld [smem:$0x3FFB];
	_ =	sdelay $0x3  }
0x92: {  	_ =	strace s17  }
0x93: {  	s2 =	sld [smem:$0x3FFC];
	_ =	sdelay $0x3  }
0x94: {  	_ =	strace s2  }
0x95: {  	s2 =	sld [smem:$0x3FFD];
	_ =	sdelay $0x3  }
0x96: {  	_ =	strace s2  }
0x97: {  	_ =	strace $0x8FFFFFFF  }
0x98: {  	s18 =	sld [smem:$0x3FDB];
	_ =	sdelay $0x1  }
0x99: {  	s19 =	simm.s32 $_scs_section_size  }
0x9a: {  	s4 =	simm.s32 $_size__tile_overlayer_lowered;
	s5 =	simm.s32 $_tile_overlayer_lowered  }
0x9b: {  	s22 =	simm.s32 $0x1BFF;
	s21 =	sshll.u32 s5, $0x1;
	s2 =	sadd.s32 s19, s18  }
0x9c: {  	s6 =	simm.s32 $0x0;
	s20 =	sshll.u32 s4, $0x1;
	s4 =	sadd.s32 s21, s2  }
0x9d: {  	[timem:s6], [sflag:s22] =	dma.local [hbm:s4], s20  }
0x9e: {  	_ =	swait.ge [sflag:s22], s20  }
0x9f: {  	s3 =	ssub.s32 $0x0, s20;
	[sflag:s22] =	ssyncset.done $0x0  }
0xa0: {  	[sflag:s22] =	ssyncadd.s32 s3;
	_ =	sdelay $0x1  }
0xa1: {  	s23 =	simm.s32 $0x1B8B  }
0xa2: {  	_ =	swait.ge [sflag:s23], $0x1  }
0xa3: {  	[sflag:s23] =	ssyncset.done $0x0  }
0xa4: {  	s25 =	simm.s32 $0x1B8E;
	s24 =	sld [smem:$0x3FFE];
	[sflag:s23] =	ssyncadd.s32 $0xFFFFFFFF  }
0xa5: {  	s26 =	simm.s32 $execute0_lowered;
	[smem:$0x3FD2] =	sst s25  }
0xa6: {  	s4 =	sshll.u32 s26, $0x1;
	_ =	strace $0x80000049;
	[dreg:$0x1] =	wrdreg $0xFFFFFFFF  }
0xa7: {  	s28 =	simm.s32 $_size_execute0_lowered;
	s2 =	sadd.s32 s2, s4;
	[dreg:$0x0] =	wrdreg $0x0  }
0xa8: {  	s4 =	sshll.u32 s28, $0x1;
	[dreg:$0x2] =	wrdreg s2  }
0xa9: {  	[dreg:$0x3] =	wrdreg s4  }
0xaa: {  	[dreg:$0x4] =	wrdreg $0xC0  }
0xab: {  	_ =	task [dreg:s6], $0x5FFFF  }
0xac: {  	[dreg:$0x1] =	wrdreg $0xFFFFFFFF  }
0xad: {  	[dreg:$0x0] =	wrdreg $0x60  }
0xae: {  	[dreg:$0x2] =	wrdreg s24  }
0xaf: {  	[dreg:$0x3] =	wrdreg $0x91000  }
0xb0: {  	[dreg:$0x4] =	wrdreg $0x9  }
0xb1: {  	_ =	task.clear_ibuf [dreg:s6], $0x5FFFF;
	_ =	strace $0x90000049  }
0xb2: {  	s29 =	simm.s32 $0x9;
	_ =	strace $0x8000004B  }
0xb3: {  	_ =	swait.ge [sflag:s29], $0x1  }
0xb4: {  	[sflag:s29] =	ssyncadd.s32 $0xFFFFFFFF  }
0xb5: {  	_ =	strace $0x9000004B  }
0xb6: {  	_ =	sfence  }
0xb7: {  	s30 =	sld [smem:$0x0];
	_ =	sdelay $0x2  }
0xb8: {  	s31 =	sshll.u32 s1, $0xD;
	s1 =	sshrl.u32 s1, $0x2  }
0xb9: {  	s3 =	sand.u32 $0x4000, s31;
	s1 =	sadd.s32 s1, s30  }
0xba: {  	s0 =	sor.u32 s3, s0;
	s1 =	sshll.u32 s1, $0x11  }
0xbb: {  	s0 =	sor.u32 s1, s0  }
0xbc: {  	s0 =	sadd.s32 $0x8F2B, s0  }
0xbd: {  	[sflag:s0] =	ssyncadd.remote.s32 $0x1  }
0xbe: {  	_ =	sfence.sel $0xFFFF  }
0xbf: {  	[dreg:$0x0] =	wrdreg $0xFFFFFFFF;
	(pc) =	sbr.abs _section_cstart, $3  }
0xc0: {  	[dreg:$0x1] =	wrdreg $0xFFFFFFFF  }
0xc1: {  	_ =	task.clear_ibuf [dreg:s6], $0x2FFFF;
	_ =	strace $0x9FFFFFFF  }
0xc2: {  	(tm) =	ssettm $0x7FFFFFFF  }
0xc3: {  	_ =	shalt  }
tec
execute0_lowered:
.L_overlay_start_1:
0x0: {  	(tag) =	ssettag $0x1  }
0x1: {  	s0 =	rddreg [dreg:$0x0]  }
0x2: {  	s1 =	rddreg [dreg:$0x1];
	s2 =	simm.s32 $0x0;
	s4 =	srdreg.scid  }
0x3: {  	s16 =	stileid.u32;
	s18 =	simm.s32 $0x5;
	s20 =	simm.s32 $0x40  }
0x4: {  	s28 =	simm.s32 $0x1;
	s29 =	simm.s32 $0x2;
	s30 =	simm.s32 $0x100  }
0x5: {  	s31 =	simm.s32 $0x6D00;
	[smem:$0x7FF] =	sst s2;
	s3 =	sadd.s32 $0xC8600, s0  }
0x6: {  	s5 =	sadd.s32 $0xA1400, s0;
	s6 =	sadd.s32 $0x5000, s0;
	s7 =	sadd.s32 $0x116800, s0  }
0x7: {  	s8 =	sadd.s32 $0x12A200, s0;
	s4 =	sand.u32 $0x1, s4;
	s21 =	sshll.u32 s16, $0x1  }
0x8: {  	s11 =	smul.u32 $0x15F00, s16;
	s0 =	sadd.s32 $0x12CE00, s0;
	s22 =	sshll.u32 s16, $0x6  }
0x9: {  	s15 =	sadd.s32 $0x15F000, s1;
	p0 =	sne.s32 s16, $0xF;
	_ =	strace $0x8000004A  }
0xa: {  	[dreg:$0x3] =	wrdreg s8;
	s10 =	ssub.s32 $0x2, s4;
	s8 =	sor.u32 s4, s21  }
0xb: {  	s4 =	smul.u32 $0x15F900, s4;
	s17 =	sor.u32 $0x1C05, s22;
	s15 =	sshrl.u32 @!p0 s15, $0x3  }
0xc: {  	s21 =	simm.s32 $0x4E200;
	s22 =	simm.s32 $0x3;
	s12 =	sshrl.u32 s10, $0x1  }
0xd: {  	s9 =	smul.u32 $0x2710, s8;
	s14 =	sadd.s32 s11, s1;
	[dreg:$0x4] =	wrdreg s17  }
0xe: {  	s8 =	smul.u32 $0x4E20, s8;
	[dreg:$0xa] =	wrdreg s15;
	s10 =	ssub.s32 s10, s12  }
0xf: {  	s24 =	sadd.s32 s11, s4;
	s4 =	sshrl.u32 s4, $0x3;
	s14 =	sshrl.u32 s14, $0x3  }
0x10: {  	s11 =	simm.s32 $0x0;
	s13 =	sshrl.u32 s9, $0x3;
	s12 =	sadd.s32 s6, s8  }
0x11: {  	s8 =	sshrl.u32 s24, $0x3;
	s26 =	smax.u32 s10, $0x1;
	[dreg:$0x9] =	wrdreg s14  }
0x12: {  	s4 =	sadd.s32 s0, s4;
	s23 =	sadd.s32 s7, s13;
	[dreg:$0x8] =	wrdreg s26  }
0x13: {  	s24 =	simm.s32 $0xD00;
	s0 =	sadd.s32 s0, s8;
	[dreg:$0x5] =	wrdreg s23  }
0x14: {  	s13 =	sadd.s32 $0x80, s9;
	s25 =	sadd.s32 $0x2BE00, s4;
	[dreg:$0x6] =	wrdreg s0  }
0x15: {  	s26 =	simm.s32 $0x80;
	s4 =	simm.s32 $0x700;
	[dreg:$0x7] =	wrdreg s25  }
0x16: {  	v0 =	vimm.f32 $0.0e+00;
	v1 =	vlaneseq.u32;
	s23 =	simm.s32 $0x4;
	s25 =	simm.s32 $0x4D00;
	s0 =	simm.s32 $0xC0  }
.LBB2_1:
0x17: {  	s8 =	rddreg [dreg:$0x3]  }
0x18: {  	[spmem:s14], [sflag:s17] =	dma.local [hbm:s8], $0x2BE0  }
0x19: {  	_ =	swait.ge [sflag:s18], $0x2BE0  }
0x1a: {  	[sflag:s18] =	ssyncset.done $0x0  }
0x1b: {  	[sflag:s18] =	ssyncadd.s32 $0xFFFFD420  }
0x1c: {  	[spmem:s15], [sflag:s17] =	dma.local @!p0 [hbm:s8], $0x120  }
0x1d: {  	s8 =	simm.s32 @!p0 $0x5  }
0x1e: {  	_ =	swait.ge @!p0 [sflag:s8], $0x120  }
0x1f: {  	[sflag:s8] =	ssyncset.done @!p0 $0x0  }
0x20: {  	s10 =	simm.s32 $0x80;
	[sflag:s8] =	ssyncadd.s32 @!p0 $0xFFFFFEE0;
	s8 =	simm.s32 $0x440  }
.LBB2_2:
0x21: {  	p1 =	sne.s32 s8, $0x8FC0;
	[tilespmem:s10+$0x6D00] =	vst v0;
	s10 =	smov.u32 s8;
	s8 =	sadd.s32 $0x240, s8  }
.Ltmp0:
0x22: {  	(pc) =	sbr.rel @p1 .LBB2_2-.Ltmp0, $2  }
0x23: {  	_ =	sdelay $0x2  }
0x24: {  	s10 =	sshra.s32 s10, $0x2  }
0x25: {  	[tilespmem:s10+$0x6D00] =	vst v0  }
0x26: {  	[bflag:$0x0] =	sbarrier.arrive $0xFFFF  }
0x27: {  	s14 =	simm.s32 $0x0;
	s15 =	simm.s32 $0x2;
	s8 =	rddreg [dreg:$0x5]  }
0x28: {  	[tilespmem:s14], [sflag:$0x3] =	stream.strided.gather [hbm4b:s8+s20], $0x80, s21, s20, $0x38;
	[tilespmem:$0x1F090] =	vst v63  }
0x29: {  	s17 =	sadd.s32 $0x0, s12;
	s16 =	simm.s32 $0x118;
	s8 =	simm.s32 $0x100  }
.LBB2_4:
0x2a: {  	[tilespmem:s8], [sflag:$0x4] =	stream.linear.gather [hbm4b:s17+s14], $0x10, $0x38;
	[tilespmem:$0x1F090] =	vst v63  }
0x2b: {  	s10 =	smov.u32 s15;
	s8 =	smov.u32 s16;
	p1 =	sne.s32 s15, $0x7E  }
.Ltmp1:
0x2c: {  	s15 =	sadd.s32 $0x2, s15;
	(pc) =	sbr.rel @p1 .LBB2_4-.Ltmp1, $2  }
0x2d: {  	_ =	sdelay $0x2  }
0x2e: {  	s16 =	sadd.s32 $0x18, s16;
	s17 =	sadd.s32 s10, s12  }
0x2f: {  	[tilespmem:s8], [sflag:$0x4] =	stream.linear.gather [hbm4b:s17+s14], $0x10, $0x38;
	[tilespmem:$0x1F090] =	vst v63  }
.LBB2_6:
0x30: {  	_ =	swait.ge [sflag:s22], $0x80  }
0x31: {  	[sflag:s22] =	ssyncset.done $0x0  }
0x32: {  	[sflag:s22] =	ssyncadd.s32 $0xFFFFFF80  }
0x33: {  	_ =	swait.ge [sflag:s23], $0x400  }
0x34: {  	s15 =	sshll.u32 s14, $0x7;
	[sflag:s23] =	ssyncset.done $0x0  }
0x35: {  	s8 =	simm.s32 $0x0;
	s19 =	sor.u32 $0x40, s15;
	[sflag:s23] =	ssyncadd.s32 $0xFFFFFC00  }
0x36: {  	[tilespmem:s24], [sflag:$0x1] =	stream.indirect.gather [hbm4b:s3+s20], $0x100, s8, s20, $0xb8;
	[tilespmem:$0x1F090] =	vst v63  }
0x37: {  	s8 =	smin.u32 s19, $0x26D0  }
0x38: {  	s8 =	sadd.s32 s9, s8  }
0x39: {  	[tilespmem:s25], [sflag:$0x2] =	stream.indirect.gather [hbm4b:s5+s20], $0x80, s20, s20, $0xb8;
	[tilespmem:$0x1F090] =	vst v63  }
0x3a: {  	s10 =	sshrl.u32 s8, $0x3;
	s8 =	sshll.u32 s8, $0x1  }
0x3b: {  	s10 =	sadd.s32 s7, s10;
	s8 =	sand.u32 $0x1FFFE0, s8  }
0x3c: {  	[tilespmem:s26], [sflag:$0x3] =	stream.strided.gather [hbm4b:s10+s20], $0x80, s21, s20, $0x38;
	[tilespmem:$0x1F090] =	vst v63  }
0x3d: {  	s16 =	simm.s32 $0x700;
	s8 =	sadd.s32 s6, s8  }
0x3e: {  	s17 =	simm.s32 $0x2;
	s19 =	simm.s32 $0x718;
	s10 =	sadd.s32 $0x0, s8  }
.LBB2_7:
0x3f: {  	[tilespmem:s16], [sflag:$0x4] =	stream.linear.gather [hbm4b:s10+s2], $0x10, $0x38;
	[tilespmem:$0x1F090] =	vst v63  }
0x40: {  	s10 =	smov.u32 s17;
	s16 =	smov.u32 s19;
	p1 =	sne.s32 s17, $0x7E  }
.Ltmp2:
0x41: {  	s17 =	sadd.s32 $0x2, s17;
	(pc) =	sbr.rel @p1 .LBB2_7-.Ltmp2, $2  }
0x42: {  	_ =	sdelay $0x2  }
0x43: {  	s19 =	sadd.s32 $0x18, s19;
	s10 =	sadd.s32 s10, s8  }
0x44: {  	[tilespmem:s16], [sflag:$0x4] =	stream.linear.gather [hbm4b:s10+s2], $0x10, $0x38;
	[tilespmem:$0x1F090] =	vst v63  }
0x45: {  	_ =	swait.ge [sflag:s28], $0x4000  }
0x46: {  	[sflag:s28] =	ssyncset.done $0x0  }
0x47: {  	[sflag:s28] =	ssyncadd.s32 $0xFFFFC000  }
0x48: {  	p1 =	seq.s32 s14, $0x4E;
	s8 =	simm.s32 $0x30;
	_ =	swait.ge [sflag:s29], $0x2000  }
0x49: {  	s8 =	simm.s32 @!p1 $0x0;
	[sflag:s29] =	ssyncset.done $0x0  }
0x4a: {  	s16 =	simm.s32 $0x0;
	v2 =	vmov s8;
	s8 =	simm.s32 $0x0;
	[sflag:s29] =	ssyncadd.s32 $0xFFFFE000  }
.LBB2_9:
0x4b: {  	s10 =	sshll.u32 s8, $0x4  }
0x4c: {  	v4 =	vadd.s32 s16, v1;
	v5 =	vor.u32 s10, v1  }
0x4d: {  	v6 =	vand.u32 $0x8, v4;
	v7 =	vand.u32 $0x7, v4;
	v3 =	vshll.u32 v5, $0x8  }
0x4e: {  	v4 =	vshll.u32 v5, $0x7;
	v9 =	vor.u32 $0x70, v6;
	v8 =	vor.u32 v3, v7  }
0x4f: {  	v7 =	vor.u32 v4, v7;
	v10 =	vor.u32 v9, v8  }
0x50: {  	v9 =	vor.u32 v9, v7  }
0x51: {  	v11 =	vor.u32 v6, v8  }
0x52: {  	v12 =	vor.u32 $0x10, v6;
	v13 =	vor.u32 v6, v7  }
0x53: {  	v14 =	vor.u32 v12, v8  }
0x54: {  	v17 =	vor.u32 $0x30, v6;
	v12 =	vor.u32 v12, v7;
	v10 =	vld.idx.msk [tilespmem:v10+s24+$0x0], $0xffff  }
0x55: {  	v15 =	vor.u32 $0x20, v6;
	v30 =	vor.u32 v17, v8;
	v9 =	vld.idx.msk [tilespmem:v9+s25+$0x0], $0xffff  }
0x56: {  	v20 =	vimm.f32 $0.0e+00;
	v18 =	vor.u32 $0x40, v6;
	v16 =	vor.u32 v15, v8;
	v21 =	vld.idx.msk [tilespmem:v11+s24+$0x0], $0xffff  }
0x57: {  	v29 =	vor.u32 v15, v7;
	v17 =	vor.u32 v17, v7;
	v28 =	vor.u32 v18, v8;
	v23 =	vld.idx.msk [tilespmem:v13+s25+$0x0], $0xffff  }
0x58: {  	v27 =	vor.u32 v18, v7;
	v18 =	vimm.f32 $0.0e+00;
	v11 =	vor.u32 $0x50, v6;
	v15 =	vld.idx.msk [tilespmem:v14+s24+$0x0], $0xffff  }
0x59: {  	v6 =	vor.u32 $0x60, v6;
	v19 =	vld.idx.msk [tilespmem:v12+s25+$0x0], $0xffff;
	v12 =	vimm.f32 $0.0e+00;
	v26 =	vor.u32 v11, v8  }
0x5a: {  	s19 =	simm.s32 $0x1;
	v13 =	vld.idx.msk [tilespmem:v30+s24+$0x0], $0xffff;
	v25 =	vor.u32 v11, v7;
	v24 =	vor.u32 v6, v8;
	v22 =	vor.u32 v6, v7  }
0x5b: {  	v6 =	vld.idx.msk [tilespmem:v16+s24+$0x0], $0xffff;
	v7 =	vadd.s32 s19, v1;
	v8 =	vimm.f32 $0.0e+00;
	v9 =	vmul.f32 v9, v10  }
0x5c: {  	v16 =	vld.idx.msk [tilespmem:v29+s25+$0x0], $0xffff;
	v29 =	vand.u32 $0x8, v7;
	v14 =	vand.u32 $0x7, v7;
	v7 =	vimm.f32 $0.0e+00  }
0x5d: {  	s17 =	simm.s32 $0x2;
	v17 =	vld.idx.msk [tilespmem:v17+s25+$0x0], $0xffff;
	v10 =	vimm.f32 $0.0e+00;
	v11 =	vadd.f32 v9, v20;
	v9 =	vimm.f32 $0.0e+00  }
.LBB2_10:
0x5e: {  	p2 =	sne.s32 s17, $0xF;
	v30 =	vor.u32 v3, v14;
	v31 =	vor.u32 $0x10, v29;
	v32 =	vor.u32 $0x70, v29;
	v33 =	vld.idx.msk [tilespmem:v28+s24+$0x0], $0xffff  }
0x5f: {  	v14 =	vor.u32 v4, v14;
	v28 =	vor.u32 $0x20, v29;
	v34 =	vor.u32 v32, v30;
	v35 =	vld.idx.msk [tilespmem:v27+s25+$0x0], $0xffff  }
0x60: {  	v36 =	vor.u32 $0x40, v29;
	v27 =	vor.u32 $0x30, v29;
	v32 =	vor.u32 v32, v14;
	v37 =	vld.idx.msk [tilespmem:v26+s24+$0x0], $0xffff  }
0x61: {  	v39 =	vor.u32 $0x50, v29;
	v40 =	vor.u32 $0x60, v29;
	v38 =	vor.u32 v29, v30;
	v41 =	vld.idx.msk [tilespmem:v25+s25+$0x0], $0xffff  }
0x62: {  	v29 =	vor.u32 v29, v14;
	v42 =	vor.u32 v31, v30;
	v31 =	vor.u32 v31, v14;
	v43 =	vld.idx.msk [tilespmem:v24+s24+$0x0], $0xffff  }
0x63: {  	v44 =	vor.u32 v28, v30;
	v45 =	vor.u32 v28, v14;
	v46 =	vor.u32 v27, v30;
	v47 =	vld.idx.msk [tilespmem:v22+s25+$0x0], $0xffff  }
0x64: {  	v28 =	vor.u32 v36, v30;
	v48 =	vor.u32 v27, v14;
	v27 =	vor.u32 v36, v14;
	v34 =	vld.idx.msk [tilespmem:v34+s24+$0x0], $0xffff  }
0x65: {  	v26 =	vor.u32 v39, v30;
	v25 =	vor.u32 v39, v14;
	v24 =	vor.u32 v40, v30;
	v30 =	vld.idx.msk [tilespmem:v32+s25+$0x0], $0xffff  }
0x66: {  	v22 =	vor.u32 v40, v14;
	v14 =	vmul.f32 v23, v21;
	v32 =	vmul.f32 v19, v15;
	v21 =	vld.idx.msk [tilespmem:v38+s24+$0x0], $0xffff  }
0x67: {  	v6 =	vmul.f32 v16, v6;
	v13 =	vmul.f32 v17, v13;
	v23 =	vld.idx.msk [tilespmem:v29+s25+$0x0], $0xffff  }
0x68: {  	v20 =	vadd.f32 v14, v20;
	v14 =	vmul.f32 v35, v33;
	v17 =	vmul.f32 v41, v37;
	v15 =	vld.idx.msk [tilespmem:v42+s24+$0x0], $0xffff  }
.Ltmp3:
0x69: {  	v7 =	vadd.f32 v6, v7;
	v18 =	vadd.f32 v32, v18;
	v29 =	vmul.f32 v47, v43;
	v19 =	vld.idx.msk [tilespmem:v31+s25+$0x0], $0xffff;
	(pc) =	sbr.rel @p2 .LBB2_10-.Ltmp3, $4  }
0x6a: {  	v8 =	vadd.f32 v13, v8;
	v9 =	vadd.f32 v14, v9;
	v6 =	vld.idx.msk [tilespmem:v44+s24+$0x0], $0xffff  }
0x6b: {  	v10 =	vadd.f32 v17, v10;
	v30 =	vmul.f32 v30, v34;
	v12 =	vadd.f32 v29, v12;
	v16 =	vld.idx.msk [tilespmem:v45+s25+$0x0], $0xffff  }
0x6c: {  	v14 =	vadd.s32 s17, v1;
	v13 =	vld.idx.msk [tilespmem:v46+s24+$0x0], $0xffff  }
0x6d: {  	s17 =	sadd.s32 $0x1, s17;
	v29 =	vand.u32 $0x8, v14;
	v14 =	vand.u32 $0x7, v14;
	v11 =	vadd.f32 v30, v11;
	v17 =	vld.idx.msk [tilespmem:v48+s25+$0x0], $0xffff  }
0x6e: {  	v30 =	vor.u32 v3, v14  }
0x6f: {  	v31 =	vor.u32 v4, v14;
	v4 =	vor.u32 v29, v30  }
0x70: {  	v32 =	vor.u32 v29, v31;
	_ =	sdelay $0x3  }
0x71: {  	v14 =	vmul.u32 $0x18, v5;
	v4 =	vld.idx.msk [tilespmem:v4+s24+$0x0], $0xffff  }
0x72: {  	v32 =	vld.idx.msk [tilespmem:v32+s25+$0x0], $0xffff  }
0x73: {  	v33 =	vadd.s32 $0x8, v14;
	_ =	sdelay $0x1  }
0x74: {  	v21 =	vmul.f32 v23, v21;
	_ =	sdelay $0x1  }
0x75: {  	v20 =	vadd.f32 v21, v20;
	v4 =	vmul.f32 v32, v4  }
0x76: {  	v21 =	vld.idx.msk [tilespmem:v33+s30+$0x0], $0xffff  }
0x77: {  	v4 =	vadd.f32 v4, v20;
	_ =	sdelay $0x1  }
0x78: {  	v4 =	vmul.f32 $2.500000000e-01, v4  }
0x79: {  	v23 =	vld.idx.msk [tilespmem:v28+s24+$0x0], $0xffff;
	v59 =	vor.u32 $0x10, v29  }
0x7a: {  	v27 =	vld.idx.msk [tilespmem:v27+s25+$0x0], $0xffff;
	v61 =	vor.u32 $0x40, v29;
	v34 =	vor.u32 v59, v30;
	v4 =	vadd.f32 v21, v4  }
0x7b: {  	v26 =	vld.idx.msk [tilespmem:v26+s24+$0x0], $0xffff;
	v33 =	vor.u32 v61, v31;
	v20 =	vor.u32 $0x70, v29  }
0x7c: {  	v25 =	vld.idx.msk [tilespmem:v25+s25+$0x0], $0xffff;
	v32 =	vor.u32 v59, v31;
	v28 =	vor.u32 v20, v30;
	v21 =	vmul.f32 $2.000000030e-01, v4  }
0x7d: {  	v24 =	vld.idx.msk [tilespmem:v24+s24+$0x0], $0xffff;
	v60 =	vor.u32 v20, v31;
	v20 =	vor.u32 $0x20, v29;
	vm0 =	vgt.f32 v4, $0.0e+00  }
0x7e: {  	v22 =	vld.idx.msk [tilespmem:v22+s25+$0x0], $0xffff;
	v35 =	vor.u32 v20, v30;
	v4 =	vsel vm0, v4, v21  }
0x7f: {  	v34 =	vld.idx.msk [tilespmem:v34+s24+$0x0], $0xffff;
	v37 =	vor.u32 v20, v31;
	v4 =	vmul.f32 $1.442695020e+00, v4  }
0x80: {  	v36 =	vor.u32 $0x30, v29;
	v33 =	vld.idx.msk [tilespmem:v33+s25+$0x0], $0xffff  }
0x81: {  	v20 =	vld.idx.msk [tilespmem:v28+s24+$0x0], $0xffff;
	v28 =	vor.u32 v36, v30;
	(erf) = vpow2.f32 v4  }
0x82: {  	v32 =	vld.idx.msk [tilespmem:v32+s25+$0x0], $0xffff;
	v36 =	vor.u32 v36, v31  }
0x83: {  	v38 =	vor.u32 v61, v30;
	v35 =	vld.idx.msk [tilespmem:v35+s24+$0x0], $0xffff;
	v4 =	vor.u32 $0x50, v29  }
0x84: {  	v37 =	vld.idx.msk [tilespmem:v37+s25+$0x0], $0xffff;
	v29 =	vor.u32 $0x60, v29;
	v39 =	vor.u32 v4, v30  }
0x85: {  	v21 =	vld.idx.msk [tilespmem:v60+s25+$0x0], $0xffff;
	v40 =	vor.u32 v4, v31;
	v30 =	vor.u32 v29, v30;
	v4 =	vmul.u32 $0x90, v5  }
0x86: {  	v28 =	vld.idx.msk [tilespmem:v28+s24+$0x0], $0xffff  }
0x87: {  	v36 =	vld.idx.msk [tilespmem:v36+s25+$0x0], $0xffff;
	v29 =	vor.u32 v29, v31;
	v62 =	vadd.s32 $0x80, v4  }
0x88: {  	v41 =	vadd.s32 $0x9, v14;
	v31 =	vld.idx.msk [tilespmem:v38+s24+$0x0], $0xffff  }
0x89: {  	v39 =	vld.idx.msk [tilespmem:v39+s24+$0x0], $0xffff  }
0x8a: {  	v15 =	vmul.f32 v19, v15;
	vm9 =	vlt.u32 v5, v2;
	v19 =	vld.idx.msk [tilespmem:v30+s24+$0x0], $0xffff;
	v30 =	vpop (erf)  }
0x8b: {  	v40 =	vld.idx.msk [tilespmem:v40+s25+$0x0], $0xffff;
	v5 =	vsel vm9, $0x0, v30  }
0x8c: {  	v15 =	vadd.f32 v15, v18;
	v18 =	vmul.f32 v32, v34;
	v29 =	vld.idx.msk [tilespmem:v29+s25+$0x0], $0xffff;
	[tilespmem:v62+s31+$0x0] =	vst.idx.msk $0xffff, v5  }
0x8d: {  	v30 =	vld.idx.msk [tilespmem:v41+s30+$0x0], $0xffff  }
0x8e: {  	v15 =	vadd.f32 v18, v15;
	_ =	sdelay $0x1  }
0x8f: {  	v15 =	vmul.f32 $2.500000000e-01, v15;
	_ =	sdelay $0x1  }
0x90: {  	v15 =	vadd.f32 v30, v15;
	_ =	sdelay $0x1  }
0x91: {  	v18 =	vmul.f32 $2.000000030e-01, v15  }
0x92: {  	vm1 =	vgt.f32 v15, $0.0e+00  }
0x93: {  	v15 =	vsel vm1, v15, v18  }
0x94: {  	v15 =	vmul.f32 $1.442695020e+00, v15;
	_ =	sdelay $0x1  }
0x95: {  	(erf) = vpow2.f32 v15;
	_ =	sdelay $0x5  }
0x96: {  	v15 =	vadd.s32 $0x81, v4  }
0x97: {  	v18 =	vadd.s32 $0xA, v14;
	_ =	sdelay $0x1  }
0x98: {  	v16 =	vmul.f32 v16, v6;
	v6 =	vpop (erf)  }
0x99: {  	v6 =	vsel vm9, $0x0, v6  }
0x9a: {  	v7 =	vadd.f32 v16, v7;
	v16 =	vmul.f32 v37, v35;
	[tilespmem:v15+s31+$0x0] =	vst.idx.msk $0xffff, v6  }
0x9b: {  	v15 =	vld.idx.msk [tilespmem:v18+s30+$0x0], $0xffff  }
0x9c: {  	v7 =	vadd.f32 v16, v7;
	_ =	sdelay $0x1  }
0x9d: {  	v7 =	vmul.f32 $2.500000000e-01, v7;
	_ =	sdelay $0x1  }
0x9e: {  	v7 =	vadd.f32 v15, v7;
	_ =	sdelay $0x1  }
0x9f: {  	v15 =	vmul.f32 $2.000000030e-01, v7  }
0xa0: {  	vm10 =	vgt.f32 v7, $0.0e+00  }
0xa1: {  	v7 =	vsel vm10, v7, v15  }
0xa2: {  	v7 =	vmul.f32 $1.442695020e+00, v7;
	_ =	sdelay $0x1  }
0xa3: {  	(erf) = vpow2.f32 v7;
	_ =	sdelay $0x5  }
0xa4: {  	v15 =	vadd.s32 $0x82, v4  }
0xa5: {  	v16 =	vadd.s32 $0xB, v14;
	_ =	sdelay $0x1  }
0xa6: {  	v13 =	vmul.f32 v17, v13;
	v7 =	vpop (erf)  }
0xa7: {  	v7 =	vsel vm9, $0x0, v7  }
0xa8: {  	v8 =	vadd.f32 v13, v8;
	v13 =	vmul.f32 v36, v28;
	[tilespmem:v15+s31+$0x0] =	vst.idx.msk $0xffff, v7  }
0xa9: {  	v15 =	vld.idx.msk [tilespmem:v16+s30+$0x0], $0xffff  }
0xaa: {  	v8 =	vadd.f32 v13, v8;
	_ =	sdelay $0x1  }
0xab: {  	v8 =	vmul.f32 $2.500000000e-01, v8;
	_ =	sdelay $0x1  }
0xac: {  	v8 =	vadd.f32 v15, v8;
	_ =	sdelay $0x1  }
0xad: {  	v13 =	vmul.f32 $2.000000030e-01, v8  }
0xae: {  	vm11 =	vgt.f32 v8, $0.0e+00  }
0xaf: {  	v8 =	vsel vm11, v8, v13  }
0xb0: {  	v8 =	vmul.f32 $1.442695020e+00, v8;
	_ =	sdelay $0x1  }
0xb1: {  	(erf) = vpow2.f32 v8;
	_ =	sdelay $0x5  }
0xb2: {  	v13 =	vadd.s32 $0x83, v4  }
0xb3: {  	v15 =	vadd.s32 $0xC, v14;
	_ =	sdelay $0x1  }
0xb4: {  	v16 =	vmul.f32 v27, v23;
	v8 =	vpop (erf)  }
0xb5: {  	v8 =	vsel vm9, $0x0, v8  }
0xb6: {  	v9 =	vadd.f32 v16, v9;
	v16 =	vmul.f32 v33, v31;
	[tilespmem:v13+s31+$0x0] =	vst.idx.msk $0xffff, v8  }
0xb7: {  	v13 =	vld.idx.msk [tilespmem:v15+s30+$0x0], $0xffff  }
0xb8: {  	v9 =	vadd.f32 v16, v9;
	_ =	sdelay $0x1  }
0xb9: {  	v9 =	vmul.f32 $2.500000000e-01, v9;
	_ =	sdelay $0x1  }
0xba: {  	v9 =	vadd.f32 v13, v9;
	_ =	sdelay $0x1  }
0xbb: {  	v13 =	vmul.f32 $2.000000030e-01, v9  }
0xbc: {  	vm12 =	vgt.f32 v9, $0.0e+00  }
0xbd: {  	v9 =	vsel vm12, v9, v13  }
0xbe: {  	v9 =	vmul.f32 $1.442695020e+00, v9;
	_ =	sdelay $0x1  }
0xbf: {  	(erf) = vpow2.f32 v9;
	_ =	sdelay $0x5  }
0xc0: {  	v13 =	vadd.s32 $0x84, v4  }
0xc1: {  	v15 =	vadd.s32 $0xD, v14;
	_ =	sdelay $0x1  }
0xc2: {  	v16 =	vmul.f32 v25, v26;
	v9 =	vpop (erf)  }
0xc3: {  	v9 =	vsel vm9, $0x0, v9  }
0xc4: {  	v10 =	vadd.f32 v16, v10;
	v16 =	vmul.f32 v40, v39;
	[tilespmem:v13+s31+$0x0] =	vst.idx.msk $0xffff, v9  }
0xc5: {  	v13 =	vld.idx.msk [tilespmem:v15+s30+$0x0], $0xffff  }
0xc6: {  	v10 =	vadd.f32 v16, v10;
	_ =	sdelay $0x1  }
0xc7: {  	v10 =	vmul.f32 $2.500000000e-01, v10;
	_ =	sdelay $0x1  }
0xc8: {  	v10 =	vadd.f32 v13, v10;
	_ =	sdelay $0x1  }
0xc9: {  	v13 =	vmul.f32 $2.000000030e-01, v10  }
0xca: {  	vm13 =	vgt.f32 v10, $0.0e+00  }
0xcb: {  	v10 =	vsel vm13, v10, v13  }
0xcc: {  	v10 =	vmul.f32 $1.442695020e+00, v10;
	_ =	sdelay $0x1  }
0xcd: {  	(erf) = vpow2.f32 v10;
	_ =	sdelay $0x5  }
0xce: {  	v13 =	vadd.s32 $0x85, v4  }
0xcf: {  	v15 =	vadd.s32 $0xE, v14;
	_ =	sdelay $0x1  }
0xd0: {  	v16 =	vmul.f32 v22, v24;
	v10 =	vpop (erf)  }
0xd1: {  	v10 =	vsel vm9, $0x0, v10  }
0xd2: {  	v12 =	vadd.f32 v16, v12;
	v16 =	vmul.f32 v29, v19;
	[tilespmem:v13+s31+$0x0] =	vst.idx.msk $0xffff, v10  }
0xd3: {  	v13 =	vld.idx.msk [tilespmem:v15+s30+$0x0], $0xffff  }
0xd4: {  	v12 =	vadd.f32 v16, v12;
	_ =	sdelay $0x1  }
0xd5: {  	v12 =	vmul.f32 $2.500000000e-01, v12;
	_ =	sdelay $0x1  }
0xd6: {  	v12 =	vadd.f32 v13, v12;
	_ =	sdelay $0x1  }
0xd7: {  	v13 =	vmul.f32 $2.000000030e-01, v12  }
0xd8: {  	vm14 =	vgt.f32 v12, $0.0e+00  }
0xd9: {  	v12 =	vsel vm14, v12, v13  }
0xda: {  	v12 =	vmul.f32 $1.442695020e+00, v12;
	_ =	sdelay $0x1  }
0xdb: {  	(erf) = vpow2.f32 v12;
	_ =	sdelay $0x5  }
0xdc: {  	v13 =	vadd.s32 $0x86, v4  }
0xdd: {  	v14 =	vadd.s32 $0xF, v14;
	_ =	sdelay $0x1  }
0xde: {  	v12 =	vpop (erf)  }
0xdf: {  	v12 =	vsel vm9, $0x0, v12  }
0xe0: {  	v15 =	vmul.f32 v21, v20;
	[tilespmem:v13+s31+$0x0] =	vst.idx.msk $0xffff, v12  }
0xe1: {  	v13 =	vld.idx.msk [tilespmem:v14+s30+$0x0], $0xffff  }
0xe2: {  	v11 =	vadd.f32 v15, v11;
	_ =	sdelay $0x1  }
0xe3: {  	v11 =	vmul.f32 $2.500000000e-01, v11;
	_ =	sdelay $0x1  }
0xe4: {  	v11 =	vadd.f32 v13, v11;
	_ =	sdelay $0x1  }
0xe5: {  	v13 =	vmul.f32 $2.000000030e-01, v11  }
0xe6: {  	vm15 =	vgt.f32 v11, $0.0e+00  }
0xe7: {  	v11 =	vsel vm15, v11, v13  }
0xe8: {  	v11 =	vmul.f32 $1.442695020e+00, v11;
	_ =	sdelay $0x1  }
0xe9: {  	(erf) = vpow2.f32 v11;
	_ =	sdelay $0x3  }
0xea: {  	s10 =	simm.s32 $0x0  }
0xeb: {  	v25 =	vadd.s32 s10, v1  }
0xec: {  	v24 =	vand.u32 $0xF, v25;
	v14 =	vadd.s32 $0x87, v4;
	v13 =	vor.u32 $0x80, v3  }
0xed: {  	v15 =	vor.u32 v13, v24;
	_ =	sdelay $0x1  }
0xee: {  	v11 =	vpop (erf)  }
0xef: {  	v11 =	vsel vm9, $0x0, v11  }
0xf0: {  	[tilespmem:v14+s31+$0x0] =	vst.idx.msk $0xffff, v11  }
0xf1: {  	v15 =	vld.idx.msk [tilespmem:v15+s24+$0x0], $0xffff;
	_ =	sdelay $0x1  }
0xf2: {  	v16 =	vor.u32 v4, v24;
	v14 =	vor.u32 $0x90, v3  }
0xf3: {  	v17 =	vor.u32 v14, v25;
	_ =	sdelay $0x1  }
0xf4: {  	v15 =	vmul.f32 v15, v5;
	_ =	sdelay $0x1  }
0xf5: {  	[tilespmem:v16+s31+$0x0] =	vst.idx.msk $0xffff, v15  }
0xf6: {  	v27 =	vand.u32 $0x8, v25;
	v19 =	vadd.s32 $0x10, v4;
	v16 =	vld.idx.msk [tilespmem:v17+s24+$0x0], $0xffff  }
0xf7: {  	v30 =	vand.u32 $0x7, v25;
	v17 =	vor.u32 v27, v19  }
0xf8: {  	v15 =	vor.u32 $0xA0, v3;
	v17 =	vor.u32 v30, v17  }
0xf9: {  	v18 =	vor.u32 v15, v24;
	_ =	sdelay $0x1  }
0xfa: {  	v16 =	vmul.f32 v16, v6;
	_ =	sdelay $0x1  }
0xfb: {  	[tilespmem:v17+s31+$0x0] =	vst.idx.msk $0xffff, v16  }
0xfc: {  	v26 =	vadd.s32 $0x20, v4;
	v17 =	vld.idx.msk [tilespmem:v18+s24+$0x0], $0xffff  }
0xfd: {  	v18 =	vor.u32 v27, v26  }
0xfe: {  	v16 =	vor.u32 $0xB0, v3;
	v18 =	vor.u32 v30, v18  }
0xff: {  	v20 =	vor.u32 v16, v25;
	_ =	sdelay $0x1  }
0x100: {  	v17 =	vmul.f32 v17, v7;
	_ =	sdelay $0x1  }
0x101: {  	[tilespmem:v18+s31+$0x0] =	vst.idx.msk $0xffff, v17  }
0x102: {  	v17 =	vadd.s32 $0x30, v4;
	v20 =	vld.idx.msk [tilespmem:v20+s24+$0x0], $0xffff  }
0x103: {  	v21 =	vor.u32 v27, v17  }
0x104: {  	v18 =	vor.u32 $0xC0, v3;
	v21 =	vor.u32 v30, v21  }
0x105: {  	v22 =	vor.u32 v18, v24;
	_ =	sdelay $0x1  }
0x106: {  	v20 =	vmul.f32 v20, v8;
	_ =	sdelay $0x1  }
0x107: {  	[tilespmem:v21+s31+$0x0] =	vst.idx.msk $0xffff, v20  }
0x108: {  	v20 =	vadd.s32 $0x40, v4;
	v22 =	vld.idx.msk [tilespmem:v22+s24+$0x0], $0xffff  }
0x109: {  	v23 =	vor.u32 v27, v20  }
0x10a: {  	v21 =	vor.u32 $0xD0, v3;
	v23 =	vor.u32 v30, v23  }
0x10b: {  	v28 =	vor.u32 v21, v25;
	_ =	sdelay $0x1  }
0x10c: {  	v22 =	vmul.f32 v22, v9;
	_ =	sdelay $0x1  }
0x10d: {  	[tilespmem:v23+s31+$0x0] =	vst.idx.msk $0xffff, v22  }
0x10e: {  	v22 =	vadd.s32 $0x50, v4;
	v28 =	vld.idx.msk [tilespmem:v28+s24+$0x0], $0xffff  }
0x10f: {  	v29 =	vor.u32 v27, v22  }
0x110: {  	v23 =	vor.u32 $0xE0, v3;
	v29 =	vor.u32 v30, v29  }
0x111: {  	v31 =	vor.u32 v23, v24;
	_ =	sdelay $0x1  }
0x112: {  	v24 =	vmul.f32 v28, v10;
	_ =	sdelay $0x1  }
0x113: {  	[tilespmem:v29+s31+$0x0] =	vst.idx.msk $0xffff, v24  }
0x114: {  	v24 =	vadd.s32 $0x60, v4;
	v28 =	vld.idx.msk [tilespmem:v31+s24+$0x0], $0xffff  }
0x115: {  	v29 =	vor.u32 v27, v24  }
0x116: {  	v3 =	vor.u32 $0xF0, v3;
	v29 =	vor.u32 v30, v29  }
0x117: {  	v25 =	vor.u32 v3, v25;
	_ =	sdelay $0x1  }
0x118: {  	v28 =	vmul.f32 v28, v12;
	_ =	sdelay $0x1  }
0x119: {  	[tilespmem:v29+s31+$0x0] =	vst.idx.msk $0xffff, v28  }
0x11a: {  	s19 =	simm.s32 $0x1;
	v63 =	vld.idx.msk [tilespmem:v25+s24+$0x0], $0xffff;
	v25 =	vadd.s32 $0x70, v4  }
0x11b: {  	v28 =	vadd.s32 s19, v1;
	v31 =	vor.u32 v27, v25  }
0x11c: {  	v29 =	vand.u32 $0xF, v28;
	v33 =	vor.u32 v30, v31  }
0x11d: {  	v32 =	vor.u32 v13, v29  }
0x11e: {  	v27 =	vand.u32 $0x8, v28  }
0x11f: {  	s17 =	simm.s32 $0x2;
	v31 =	vor.u32 v27, v19;
	v30 =	vor.u32 v27, v26;
	v34 =	vmul.f32 v63, v11  }
.LBB2_12:
0x120: {  	_ = 	snop  }
0x121: {  	p2 =	sne.s32 s17, $0xF;
	s19 =	smov.u32 s17;
	s17 =	sadd.s32 $0x1, s17;
	[tilespmem:v33+s31+$0x0] =	vst.idx.msk $0xffff, v34  }
0x122: {  	v32 =	vld.idx.msk [tilespmem:v32+s24+$0x0], $0xffff;
	_ =	sdelay $0x2  }
0x123: {  	v33 =	vor.u32 v4, v29  }
0x124: {  	v34 =	vor.u32 v14, v28;
	_ =	sdelay $0x1  }
0x125: {  	v32 =	vmul.f32 v32, v5;
	_ =	sdelay $0x1  }
0x126: {  	[tilespmem:v33+s31+$0x0] =	vst.idx.msk $0xffff, v32  }
0x127: {  	v32 =	vld.idx.msk [tilespmem:v34+s24+$0x0], $0xffff;
	_ =	sdelay $0x1  }
0x128: {  	v33 =	vand.u32 $0x7, v28  }
0x129: {  	v31 =	vor.u32 v33, v31;
	v30 =	vor.u32 v33, v30  }
0x12a: {  	v34 =	vor.u32 v15, v29;
	_ =	sdelay $0x1  }
0x12b: {  	v32 =	vmul.f32 v32, v6;
	_ =	sdelay $0x1  }
0x12c: {  	[tilespmem:v31+s31+$0x0] =	vst.idx.msk $0xffff, v32  }
0x12d: {  	v31 =	vld.idx.msk [tilespmem:v34+s24+$0x0], $0xffff;
	_ =	sdelay $0x3  }
0x12e: {  	v32 =	vor.u32 v16, v28;
	_ =	sdelay $0x1  }
0x12f: {  	v31 =	vmul.f32 v31, v7;
	_ =	sdelay $0x1  }
0x130: {  	[tilespmem:v30+s31+$0x0] =	vst.idx.msk $0xffff, v31  }
0x131: {  	v30 =	vld.idx.msk [tilespmem:v32+s24+$0x0], $0xffff;
	_ =	sdelay $0x1  }
0x132: {  	v31 =	vor.u32 v27, v17  }
0x133: {  	v31 =	vor.u32 v33, v31  }
0x134: {  	v32 =	vor.u32 v18, v29;
	_ =	sdelay $0x1  }
0x135: {  	v30 =	vmul.f32 v30, v8;
	_ =	sdelay $0x1  }
0x136: {  	[tilespmem:v31+s31+$0x0] =	vst.idx.msk $0xffff, v30  }
0x137: {  	v30 =	vld.idx.msk [tilespmem:v32+s24+$0x0], $0xffff;
	_ =	sdelay $0x1  }
0x138: {  	v31 =	vor.u32 v27, v20  }
0x139: {  	v31 =	vor.u32 v33, v31  }
0x13a: {  	v32 =	vor.u32 v21, v28;
	_ =	sdelay $0x1  }
0x13b: {  	v30 =	vmul.f32 v30, v9;
	_ =	sdelay $0x1  }
0x13c: {  	[tilespmem:v31+s31+$0x0] =	vst.idx.msk $0xffff, v30  }
0x13d: {  	v30 =	vld.idx.msk [tilespmem:v32+s24+$0x0], $0xffff;
	_ =	sdelay $0x1  }
0x13e: {  	v31 =	vor.u32 v27, v22  }
0x13f: {  	v31 =	vor.u32 v33, v31  }
0x140: {  	v29 =	vor.u32 v23, v29;
	_ =	sdelay $0x1  }
0x141: {  	v30 =	vmul.f32 v30, v10;
	_ =	sdelay $0x1  }
0x142: {  	[tilespmem:v31+s31+$0x0] =	vst.idx.msk $0xffff, v30  }
0x143: {  	v29 =	vld.idx.msk [tilespmem:v29+s24+$0x0], $0xffff;
	_ =	sdelay $0x1  }
0x144: {  	v30 =	vor.u32 v27, v24  }
0x145: {  	v30 =	vor.u32 v33, v30  }
0x146: {  	v28 =	vor.u32 v3, v28;
	_ =	sdelay $0x1  }
0x147: {  	v29 =	vmul.f32 v29, v12;
	_ =	sdelay $0x1  }
0x148: {  	[tilespmem:v30+s31+$0x0] =	vst.idx.msk $0xffff, v29  }
0x149: {  	v34 =	vld.idx.msk [tilespmem:v28+s24+$0x0], $0xffff;
	_ =	sdelay $0x1  }
.Ltmp4:
0x14a: {  	v30 =	vor.u32 v27, v25;
	v28 =	vadd.s32 s19, v1;
	(pc) =	sbr.rel @p2 .LBB2_12-.Ltmp4, $3  }
0x14b: {  	v33 =	vor.u32 v33, v30;
	v29 =	vand.u32 $0xF, v28;
	v27 =	vand.u32 $0x8, v28  }
0x14c: {  	v32 =	vor.u32 v13, v29;
	v31 =	vor.u32 v27, v19;
	v30 =	vor.u32 v27, v26;
	_ =	sdelay $0x1  }
0x14d: {  	v34 =	vmul.f32 v34, v11  }
0x14e: {  	_ =	sdelay $0x3  }
0x14f: {  	[tilespmem:v33+s31+$0x0] =	vst.idx.msk $0xffff, v34  }
0x150: {  	v13 =	vld.idx.msk [tilespmem:v32+s24+$0x0], $0xffff;
	_ =	sdelay $0x1  }
0x151: {  	v4 =	vor.u32 v4, v29  }
0x152: {  	v14 =	vor.u32 v14, v28;
	_ =	sdelay $0x1  }
0x153: {  	v5 =	vmul.f32 v13, v5;
	_ =	sdelay $0x1  }
0x154: {  	[tilespmem:v4+s31+$0x0] =	vst.idx.msk $0xffff, v5  }
0x155: {  	v4 =	vld.idx.msk [tilespmem:v14+s24+$0x0], $0xffff  }
0x156: {  	v51 =	vand.u32 $0x7, v28  }
0x157: {  	v52 =	vor.u32 v51, v31  }
0x158: {  	v53 =	vor.u32 v15, v29;
	_ =	sdelay $0x1  }
0x159: {  	v4 =	vmul.f32 v4, v6;
	_ =	sdelay $0x1  }
0x15a: {  	[tilespmem:v52+s31+$0x0] =	vst.idx.msk $0xffff, v4  }
0x15b: {  	v4 =	vld.idx.msk [tilespmem:v53+s24+$0x0], $0xffff;
	_ =	sdelay $0x1  }
0x15c: {  	v54 =	vor.u32 v51, v30  }
0x15d: {  	v55 =	vor.u32 v16, v28;
	_ =	sdelay $0x1  }
0x15e: {  	v4 =	vmul.f32 v4, v7;
	_ =	sdelay $0x1  }
0x15f: {  	[tilespmem:v54+s31+$0x0] =	vst.idx.msk $0xffff, v4  }
0x160: {  	v4 =	vld.idx.msk [tilespmem:v55+s24+$0x0], $0xffff  }
0x161: {  	v56 =	vor.u32 v27, v17  }
0x162: {  	v6 =	vor.u32 v51, v56  }
0x163: {  	v57 =	vor.u32 v18, v29;
	_ =	sdelay $0x1  }
0x164: {  	v4 =	vmul.f32 v4, v8;
	_ =	sdelay $0x1  }
0x165: {  	[tilespmem:v6+s31+$0x0] =	vst.idx.msk $0xffff, v4  }
0x166: {  	v4 =	vld.idx.msk [tilespmem:v57+s24+$0x0], $0xffff  }
0x167: {  	v58 =	vor.u32 v27, v20  }
0x168: {  	v6 =	vor.u32 v51, v58  }
0x169: {  	v59 =	vor.u32 v21, v28;
	_ =	sdelay $0x1  }
0x16a: {  	v4 =	vmul.f32 v4, v9;
	_ =	sdelay $0x1  }
0x16b: {  	[tilespmem:v6+s31+$0x0] =	vst.idx.msk $0xffff, v4  }
0x16c: {  	v4 =	vld.idx.msk [tilespmem:v59+s24+$0x0], $0xffff  }
0x16d: {  	v60 =	vor.u32 v27, v22  }
0x16e: {  	v6 =	vor.u32 v51, v60  }
0x16f: {  	v61 =	vor.u32 v23, v29;
	_ =	sdelay $0x1  }
0x170: {  	v4 =	vmul.f32 v4, v10;
	_ =	sdelay $0x1  }
0x171: {  	[tilespmem:v6+s31+$0x0] =	vst.idx.msk $0xffff, v4  }
0x172: {  	v4 =	vld.idx.msk [tilespmem:v61+s24+$0x0], $0xffff  }
0x173: {  	v62 =	vor.u32 v27, v24  }
0x174: {  	v6 =	vor.u32 v51, v62  }
0x175: {  	v3 =	vor.u32 v3, v28;
	_ =	sdelay $0x1  }
0x176: {  	v4 =	vmul.f32 v4, v12;
	_ =	sdelay $0x1  }
0x177: {  	[tilespmem:v6+s31+$0x0] =	vst.idx.msk $0xffff, v4  }
0x178: {  	v3 =	vld.idx.msk [tilespmem:v3+s24+$0x0], $0xffff  }
0x179: {  	v63 =	vor.u32 v27, v25;
	s8 =	sadd.s32 $0x1, s8  }
0x17a: {  	p2 =	sne.s32 s8, $0x4;
	v4 =	vor.u32 v51, v63  }
.Ltmp5:
0x17b: {  	_ = 	snop;
	(pc) =	sbr.rel @p2 .LBB2_9-.Ltmp5, $3  }
0x17c: {  	_ = 	snop  }
0x17d: {  	v3 =	vmul.f32 v3, v11;
	_ =	sdelay $0x1  }
0x17e: {  	[tilespmem:v4+s31+$0x0] =	vst.idx.msk $0xffff, v3  }
0x17f: {  	[spmem:s1] =	stream.indirect.scatter.add.f32 [tilespmem:s31], [sflag:$0x5], $0x90, s20, s20, $0xb8;
	[tilespmem:$0x1F090] =	vst v63  }
0x180: {  	_ =	swait.ge [sflag:s18], $0x2400  }
0x181: {  	[sflag:s18] =	ssyncset.done $0x0  }
0x182: {  	[sflag:s18] =	ssyncadd.s32 $0xFFFFDC00  }
0x183: {  	_ =	swait.ge [sflag:s22], $0x80  }
0x184: {  	[sflag:s22] =	ssyncset.done $0x0  }
0x185: {  	[sflag:s22] =	ssyncadd.s32 $0xFFFFFF80  }
0x186: {  	s8 =	smin.u32 s15, $0x2650;
	_ =	swait.ge [sflag:s23], $0x400  }
0x187: {  	s8 =	sadd.s32 s8, s13;
	[sflag:s23] =	ssyncset.done $0x0  }
0x188: {  	s10 =	sshrl.u32 s8, $0x3;
	s8 =	sshll.u32 s8, $0x1;
	[sflag:s23] =	ssyncadd.s32 $0xFFFFFC00  }
0x189: {  	[tilespmem:s24], [sflag:$0x1] =	stream.indirect.gather [hbm4b:s3+s20], $0x100, s26, s20, $0xb8;
	[tilespmem:$0x1F090] =	vst v63  }
0x18a: {  	s19 =	simm.s32 $0x0;
	s8 =	sand.u32 $0x3FFFE0, s8  }
0x18b: {  	[tilespmem:s25], [sflag:$0x2] =	stream.indirect.gather [hbm4b:s5+s20], $0x80, s0, s20, $0xb8;
	[tilespmem:$0x1F090] =	vst v63  }
0x18c: {  	s15 =	simm.s32 $0x100;
	s10 =	sadd.s32 s7, s10;
	s8 =	sadd.s32 s6, s8  }
0x18d: {  	[tilespmem:s19], [sflag:$0x3] =	stream.strided.gather [hbm4b:s10+s20], $0x80, s21, s20, $0x38;
	[tilespmem:$0x1F090] =	vst v63  }
0x18e: {  	s16 =	simm.s32 $0x2;
	s17 =	simm.s32 $0x118;
	s10 =	sadd.s32 $0x0, s8  }
.LBB2_15:
0x18f: {  	[tilespmem:s15], [sflag:$0x4] =	stream.linear.gather [hbm4b:s10+s2], $0x10, $0x38;
	[tilespmem:$0x1F090] =	vst v63  }
0x190: {  	s10 =	smov.u32 s16;
	s15 =	smov.u32 s17;
	p2 =	sne.s32 s16, $0x7E  }
.Ltmp6:
0x191: {  	s16 =	sadd.s32 $0x2, s16;
	(pc) =	sbr.rel @p2 .LBB2_15-.Ltmp6, $2  }
0x192: {  	_ =	sdelay $0x2  }
0x193: {  	s17 =	sadd.s32 $0x18, s17;
	s10 =	sadd.s32 s10, s8  }
0x194: {  	[tilespmem:s15], [sflag:$0x4] =	stream.linear.gather [hbm4b:s10+s2], $0x10, $0x38;
	[tilespmem:$0x1F090] =	vst v63  }
0x195: {  	_ =	swait.ge [sflag:s28], $0x4000  }
0x196: {  	[sflag:s28] =	ssyncset.done $0x0  }
0x197: {  	[sflag:s28] =	ssyncadd.s32 $0xFFFFC000  }
0x198: {  	s8 =	simm.s32 $0x40;
	_ =	swait.ge [sflag:s29], $0x2000  }
0x199: {  	s8 =	simm.s32 @!p1 $0x0;
	[sflag:s29] =	ssyncset.done $0x0  }
0x19a: {  	s15 =	simm.s32 $0x0;
	v2 =	vmov s8;
	s8 =	simm.s32 $0x0;
	[sflag:s29] =	ssyncadd.s32 $0xFFFFE000  }
.LBB2_17:
0x19b: {  	s10 =	sshll.u32 s8, $0x4  }
0x19c: {  	v4 =	vadd.s32 s15, v1;
	v5 =	vor.u32 s10, v1  }
0x19d: {  	v6 =	vand.u32 $0x8, v4;
	v7 =	vand.u32 $0x7, v4;
	v3 =	vshll.u32 v5, $0x8  }
0x19e: {  	v4 =	vshll.u32 v5, $0x7;
	v9 =	vor.u32 $0x70, v6;
	v8 =	vor.u32 v3, v7  }
0x19f: {  	v7 =	vor.u32 v4, v7;
	v10 =	vor.u32 v9, v8  }
0x1a0: {  	v9 =	vor.u32 v9, v7  }
0x1a1: {  	v11 =	vor.u32 v6, v8  }
0x1a2: {  	v12 =	vor.u32 $0x10, v6;
	v13 =	vor.u32 v6, v7  }
0x1a3: {  	v14 =	vor.u32 v12, v8  }
0x1a4: {  	v17 =	vor.u32 $0x30, v6;
	v12 =	vor.u32 v12, v7;
	v10 =	vld.idx.msk [tilespmem:v10+s24+$0x0], $0xffff  }
0x1a5: {  	v15 =	vor.u32 $0x20, v6;
	v30 =	vor.u32 v17, v8;
	v9 =	vld.idx.msk [tilespmem:v9+s25+$0x0], $0xffff  }
0x1a6: {  	v20 =	vimm.f32 $0.0e+00;
	v18 =	vor.u32 $0x40, v6;
	v16 =	vor.u32 v15, v8;
	v21 =	vld.idx.msk [tilespmem:v11+s24+$0x0], $0xffff  }
0x1a7: {  	v29 =	vor.u32 v15, v7;
	v17 =	vor.u32 v17, v7;
	v28 =	vor.u32 v18, v8;
	v23 =	vld.idx.msk [tilespmem:v13+s25+$0x0], $0xffff  }
0x1a8: {  	v27 =	vor.u32 v18, v7;
	v18 =	vimm.f32 $0.0e+00;
	v11 =	vor.u32 $0x50, v6;
	v15 =	vld.idx.msk [tilespmem:v14+s24+$0x0], $0xffff  }
0x1a9: {  	v6 =	vor.u32 $0x60, v6;
	v19 =	vld.idx.msk [tilespmem:v12+s25+$0x0], $0xffff;
	v12 =	vimm.f32 $0.0e+00;
	v26 =	vor.u32 v11, v8  }
0x1aa: {  	s19 =	simm.s32 $0x1;
	v13 =	vld.idx.msk [tilespmem:v30+s24+$0x0], $0xffff;
	v25 =	vor.u32 v11, v7;
	v24 =	vor.u32 v6, v8;
	v22 =	vor.u32 v6, v7  }
0x1ab: {  	v6 =	vld.idx.msk [tilespmem:v16+s24+$0x0], $0xffff;
	v7 =	vadd.s32 s19, v1;
	v8 =	vimm.f32 $0.0e+00;
	v9 =	vmul.f32 v9, v10  }
0x1ac: {  	v16 =	vld.idx.msk [tilespmem:v29+s25+$0x0], $0xffff;
	v29 =	vand.u32 $0x8, v7;
	v14 =	vand.u32 $0x7, v7;
	v7 =	vimm.f32 $0.0e+00  }
0x1ad: {  	s16 =	simm.s32 $0x2;
	v17 =	vld.idx.msk [tilespmem:v17+s25+$0x0], $0xffff;
	v10 =	vimm.f32 $0.0e+00;
	v11 =	vadd.f32 v9, v20;
	v9 =	vimm.f32 $0.0e+00  }
.LBB2_18:
0x1ae: {  	p1 =	sne.s32 s16, $0xF;
	v30 =	vor.u32 v3, v14;
	v31 =	vor.u32 $0x10, v29;
	v32 =	vor.u32 $0x70, v29;
	v33 =	vld.idx.msk [tilespmem:v28+s24+$0x0], $0xffff  }
0x1af: {  	v14 =	vor.u32 v4, v14;
	v28 =	vor.u32 $0x20, v29;
	v34 =	vor.u32 v32, v30;
	v35 =	vld.idx.msk [tilespmem:v27+s25+$0x0], $0xffff  }
0x1b0: {  	v36 =	vor.u32 $0x40, v29;
	v27 =	vor.u32 $0x30, v29;
	v32 =	vor.u32 v32, v14;
	v37 =	vld.idx.msk [tilespmem:v26+s24+$0x0], $0xffff  }
0x1b1: {  	v39 =	vor.u32 $0x50, v29;
	v40 =	vor.u32 $0x60, v29;
	v38 =	vor.u32 v29, v30;
	v41 =	vld.idx.msk [tilespmem:v25+s25+$0x0], $0xffff  }
0x1b2: {  	v29 =	vor.u32 v29, v14;
	v42 =	vor.u32 v31, v30;
	v31 =	vor.u32 v31, v14;
	v43 =	vld.idx.msk [tilespmem:v24+s24+$0x0], $0xffff  }
0x1b3: {  	v44 =	vor.u32 v28, v30;
	v45 =	vor.u32 v28, v14;
	v46 =	vor.u32 v27, v30;
	v47 =	vld.idx.msk [tilespmem:v22+s25+$0x0], $0xffff  }
0x1b4: {  	v28 =	vor.u32 v36, v30;
	v48 =	vor.u32 v27, v14;
	v27 =	vor.u32 v36, v14;
	v34 =	vld.idx.msk [tilespmem:v34+s24+$0x0], $0xffff  }
0x1b5: {  	v26 =	vor.u32 v39, v30;
	v25 =	vor.u32 v39, v14;
	v24 =	vor.u32 v40, v30;
	v30 =	vld.idx.msk [tilespmem:v32+s25+$0x0], $0xffff  }
0x1b6: {  	v22 =	vor.u32 v40, v14;
	v14 =	vmul.f32 v23, v21;
	v32 =	vmul.f32 v19, v15;
	v21 =	vld.idx.msk [tilespmem:v38+s24+$0x0], $0xffff  }
0x1b7: {  	v6 =	vmul.f32 v16, v6;
	v13 =	vmul.f32 v17, v13;
	v23 =	vld.idx.msk [tilespmem:v29+s25+$0x0], $0xffff  }
0x1b8: {  	v20 =	vadd.f32 v14, v20;
	v14 =	vmul.f32 v35, v33;
	v17 =	vmul.f32 v41, v37;
	v15 =	vld.idx.msk [tilespmem:v42+s24+$0x0], $0xffff  }
.Ltmp7:
0x1b9: {  	v7 =	vadd.f32 v6, v7;
	v18 =	vadd.f32 v32, v18;
	v29 =	vmul.f32 v47, v43;
	v19 =	vld.idx.msk [tilespmem:v31+s25+$0x0], $0xffff;
	(pc) =	sbr.rel @p1 .LBB2_18-.Ltmp7, $4  }
0x1ba: {  	v8 =	vadd.f32 v13, v8;
	v9 =	vadd.f32 v14, v9;
	v6 =	vld.idx.msk [tilespmem:v44+s24+$0x0], $0xffff  }
0x1bb: {  	v10 =	vadd.f32 v17, v10;
	v30 =	vmul.f32 v30, v34;
	v12 =	vadd.f32 v29, v12;
	v16 =	vld.idx.msk [tilespmem:v45+s25+$0x0], $0xffff  }
0x1bc: {  	v14 =	vadd.s32 s16, v1;
	v13 =	vld.idx.msk [tilespmem:v46+s24+$0x0], $0xffff  }
0x1bd: {  	s16 =	sadd.s32 $0x1, s16;
	v29 =	vand.u32 $0x8, v14;
	v14 =	vand.u32 $0x7, v14;
	v11 =	vadd.f32 v30, v11;
	v17 =	vld.idx.msk [tilespmem:v48+s25+$0x0], $0xffff  }
0x1be: {  	v30 =	vor.u32 v3, v14  }
0x1bf: {  	v31 =	vor.u32 v4, v14;
	v4 =	vor.u32 v29, v30  }
0x1c0: {  	v32 =	vor.u32 v29, v31;
	_ =	sdelay $0x3  }
0x1c1: {  	v14 =	vmul.u32 $0x18, v5;
	v4 =	vld.idx.msk [tilespmem:v4+s24+$0x0], $0xffff  }
0x1c2: {  	v32 =	vld.idx.msk [tilespmem:v32+s25+$0x0], $0xffff  }
0x1c3: {  	v33 =	vadd.s32 $0x8, v14;
	_ =	sdelay $0x1  }
0x1c4: {  	v21 =	vmul.f32 v23, v21;
	_ =	sdelay $0x1  }
0x1c5: {  	v20 =	vadd.f32 v21, v20;
	v4 =	vmul.f32 v32, v4  }
0x1c6: {  	v21 =	vld.idx.msk [tilespmem:v33+s4+$0x0], $0xffff  }
0x1c7: {  	v4 =	vadd.f32 v4, v20;
	_ =	sdelay $0x1  }
0x1c8: {  	v4 =	vmul.f32 $2.500000000e-01, v4  }
0x1c9: {  	v23 =	vld.idx.msk [tilespmem:v28+s24+$0x0], $0xffff;
	v59 =	vor.u32 $0x10, v29  }
0x1ca: {  	v27 =	vld.idx.msk [tilespmem:v27+s25+$0x0], $0xffff;
	v61 =	vor.u32 $0x40, v29;
	v34 =	vor.u32 v59, v30;
	v4 =	vadd.f32 v21, v4  }
0x1cb: {  	v26 =	vld.idx.msk [tilespmem:v26+s24+$0x0], $0xffff;
	v33 =	vor.u32 v61, v31;
	v20 =	vor.u32 $0x70, v29  }
0x1cc: {  	v25 =	vld.idx.msk [tilespmem:v25+s25+$0x0], $0xffff;
	v32 =	vor.u32 v59, v31;
	v28 =	vor.u32 v20, v30;
	v21 =	vmul.f32 $2.000000030e-01, v4  }
0x1cd: {  	v24 =	vld.idx.msk [tilespmem:v24+s24+$0x0], $0xffff;
	v60 =	vor.u32 v20, v31;
	v20 =	vor.u32 $0x20, v29;
	vm0 =	vgt.f32 v4, $0.0e+00  }
0x1ce: {  	v22 =	vld.idx.msk [tilespmem:v22+s25+$0x0], $0xffff;
	v35 =	vor.u32 v20, v30;
	v4 =	vsel vm0, v4, v21  }
0x1cf: {  	v34 =	vld.idx.msk [tilespmem:v34+s24+$0x0], $0xffff;
	v37 =	vor.u32 v20, v31;
	v4 =	vmul.f32 $1.442695020e+00, v4  }
0x1d0: {  	v36 =	vor.u32 $0x30, v29;
	v33 =	vld.idx.msk [tilespmem:v33+s25+$0x0], $0xffff  }
0x1d1: {  	v20 =	vld.idx.msk [tilespmem:v28+s24+$0x0], $0xffff;
	v28 =	vor.u32 v36, v30;
	(erf) = vpow2.f32 v4  }
0x1d2: {  	v32 =	vld.idx.msk [tilespmem:v32+s25+$0x0], $0xffff;
	v36 =	vor.u32 v36, v31  }
0x1d3: {  	v38 =	vor.u32 v61, v30;
	v35 =	vld.idx.msk [tilespmem:v35+s24+$0x0], $0xffff;
	v4 =	vor.u32 $0x50, v29  }
0x1d4: {  	v37 =	vld.idx.msk [tilespmem:v37+s25+$0x0], $0xffff;
	v29 =	vor.u32 $0x60, v29;
	v39 =	vor.u32 v4, v30  }
0x1d5: {  	v21 =	vld.idx.msk [tilespmem:v60+s25+$0x0], $0xffff;
	v40 =	vor.u32 v4, v31;
	v30 =	vor.u32 v29, v30;
	v4 =	vmul.u32 $0x90, v5  }
0x1d6: {  	v28 =	vld.idx.msk [tilespmem:v28+s24+$0x0], $0xffff  }
0x1d7: {  	v36 =	vld.idx.msk [tilespmem:v36+s25+$0x0], $0xffff;
	v29 =	vor.u32 v29, v31;
	v62 =	vadd.s32 $0x80, v4  }
0x1d8: {  	v41 =	vadd.s32 $0x9, v14;
	v31 =	vld.idx.msk [tilespmem:v38+s24+$0x0], $0xffff  }
0x1d9: {  	v39 =	vld.idx.msk [tilespmem:v39+s24+$0x0], $0xffff  }
0x1da: {  	v15 =	vmul.f32 v19, v15;
	vm9 =	vlt.u32 v5, v2;
	v19 =	vld.idx.msk [tilespmem:v30+s24+$0x0], $0xffff;
	v30 =	vpop (erf)  }
0x1db: {  	v40 =	vld.idx.msk [tilespmem:v40+s25+$0x0], $0xffff;
	v5 =	vsel vm9, $0x0, v30  }
0x1dc: {  	v15 =	vadd.f32 v15, v18;
	v18 =	vmul.f32 v32, v34;
	v29 =	vld.idx.msk [tilespmem:v29+s25+$0x0], $0xffff;
	[tilespmem:v62+s31+$0x0] =	vst.idx.msk $0xffff, v5  }
0x1dd: {  	v30 =	vld.idx.msk [tilespmem:v41+s4+$0x0], $0xffff  }
0x1de: {  	v15 =	vadd.f32 v18, v15;
	_ =	sdelay $0x1  }
0x1df: {  	v15 =	vmul.f32 $2.500000000e-01, v15;
	_ =	sdelay $0x1  }
0x1e0: {  	v15 =	vadd.f32 v30, v15;
	_ =	sdelay $0x1  }
0x1e1: {  	v18 =	vmul.f32 $2.000000030e-01, v15  }
0x1e2: {  	vm1 =	vgt.f32 v15, $0.0e+00  }
0x1e3: {  	v15 =	vsel vm1, v15, v18  }
0x1e4: {  	v15 =	vmul.f32 $1.442695020e+00, v15;
	_ =	sdelay $0x1  }
0x1e5: {  	(erf) = vpow2.f32 v15;
	_ =	sdelay $0x5  }
0x1e6: {  	v15 =	vadd.s32 $0x81, v4  }
0x1e7: {  	v18 =	vadd.s32 $0xA, v14;
	_ =	sdelay $0x1  }
0x1e8: {  	v16 =	vmul.f32 v16, v6;
	v6 =	vpop (erf)  }
0x1e9: {  	v6 =	vsel vm9, $0x0, v6  }
0x1ea: {  	v7 =	vadd.f32 v16, v7;
	v16 =	vmul.f32 v37, v35;
	[tilespmem:v15+s31+$0x0] =	vst.idx.msk $0xffff, v6  }
0x1eb: {  	v15 =	vld.idx.msk [tilespmem:v18+s4+$0x0], $0xffff  }
0x1ec: {  	v7 =	vadd.f32 v16, v7;
	_ =	sdelay $0x1  }
0x1ed: {  	v7 =	vmul.f32 $2.500000000e-01, v7;
	_ =	sdelay $0x1  }
0x1ee: {  	v7 =	vadd.f32 v15, v7;
	_ =	sdelay $0x1  }
0x1ef: {  	v15 =	vmul.f32 $2.000000030e-01, v7  }
0x1f0: {  	vm10 =	vgt.f32 v7, $0.0e+00  }
0x1f1: {  	v7 =	vsel vm10, v7, v15  }
0x1f2: {  	v7 =	vmul.f32 $1.442695020e+00, v7;
	_ =	sdelay $0x1  }
0x1f3: {  	(erf) = vpow2.f32 v7;
	_ =	sdelay $0x5  }
0x1f4: {  	v15 =	vadd.s32 $0x82, v4  }
0x1f5: {  	v16 =	vadd.s32 $0xB, v14;
	_ =	sdelay $0x1  }
0x1f6: {  	v13 =	vmul.f32 v17, v13;
	v7 =	vpop (erf)  }
0x1f7: {  	v7 =	vsel vm9, $0x0, v7  }
0x1f8: {  	v8 =	vadd.f32 v13, v8;
	v13 =	vmul.f32 v36, v28;
	[tilespmem:v15+s31+$0x0] =	vst.idx.msk $0xffff, v7  }
0x1f9: {  	v15 =	vld.idx.msk [tilespmem:v16+s4+$0x0], $0xffff  }
0x1fa: {  	v8 =	vadd.f32 v13, v8;
	_ =	sdelay $0x1  }
0x1fb: {  	v8 =	vmul.f32 $2.500000000e-01, v8;
	_ =	sdelay $0x1  }
0x1fc: {  	v8 =	vadd.f32 v15, v8;
	_ =	sdelay $0x1  }
0x1fd: {  	v13 =	vmul.f32 $2.000000030e-01, v8  }
0x1fe: {  	vm11 =	vgt.f32 v8, $0.0e+00  }
0x1ff: {  	v8 =	vsel vm11, v8, v13  }
0x200: {  	v8 =	vmul.f32 $1.442695020e+00, v8;
	_ =	sdelay $0x1  }
0x201: {  	(erf) = vpow2.f32 v8;
	_ =	sdelay $0x5  }
0x202: {  	v13 =	vadd.s32 $0x83, v4  }
0x203: {  	v15 =	vadd.s32 $0xC, v14;
	_ =	sdelay $0x1  }
0x204: {  	v16 =	vmul.f32 v27, v23;
	v8 =	vpop (erf)  }
0x205: {  	v8 =	vsel vm9, $0x0, v8  }
0x206: {  	v9 =	vadd.f32 v16, v9;
	v16 =	vmul.f32 v33, v31;
	[tilespmem:v13+s31+$0x0] =	vst.idx.msk $0xffff, v8  }
0x207: {  	v13 =	vld.idx.msk [tilespmem:v15+s4+$0x0], $0xffff  }
0x208: {  	v9 =	vadd.f32 v16, v9;
	_ =	sdelay $0x1  }
0x209: {  	v9 =	vmul.f32 $2.500000000e-01, v9;
	_ =	sdelay $0x1  }
0x20a: {  	v9 =	vadd.f32 v13, v9;
	_ =	sdelay $0x1  }
0x20b: {  	v13 =	vmul.f32 $2.000000030e-01, v9  }
0x20c: {  	vm12 =	vgt.f32 v9, $0.0e+00  }
0x20d: {  	v9 =	vsel vm12, v9, v13  }
0x20e: {  	v9 =	vmul.f32 $1.442695020e+00, v9;
	_ =	sdelay $0x1  }
0x20f: {  	(erf) = vpow2.f32 v9;
	_ =	sdelay $0x5  }
0x210: {  	v13 =	vadd.s32 $0x84, v4  }
0x211: {  	v15 =	vadd.s32 $0xD, v14;
	_ =	sdelay $0x1  }
0x212: {  	v16 =	vmul.f32 v25, v26;
	v9 =	vpop (erf)  }
0x213: {  	v9 =	vsel vm9, $0x0, v9  }
0x214: {  	v10 =	vadd.f32 v16, v10;
	v16 =	vmul.f32 v40, v39;
	[tilespmem:v13+s31+$0x0] =	vst.idx.msk $0xffff, v9  }
0x215: {  	v13 =	vld.idx.msk [tilespmem:v15+s4+$0x0], $0xffff  }
0x216: {  	v10 =	vadd.f32 v16, v10;
	_ =	sdelay $0x1  }
0x217: {  	v10 =	vmul.f32 $2.500000000e-01, v10;
	_ =	sdelay $0x1  }
0x218: {  	v10 =	vadd.f32 v13, v10;
	_ =	sdelay $0x1  }
0x219: {  	v13 =	vmul.f32 $2.000000030e-01, v10  }
0x21a: {  	vm13 =	vgt.f32 v10, $0.0e+00  }
0x21b: {  	v10 =	vsel vm13, v10, v13  }
0x21c: {  	v10 =	vmul.f32 $1.442695020e+00, v10;
	_ =	sdelay $0x1  }
0x21d: {  	(erf) = vpow2.f32 v10;
	_ =	sdelay $0x5  }
0x21e: {  	v13 =	vadd.s32 $0x85, v4  }
0x21f: {  	v15 =	vadd.s32 $0xE, v14;
	_ =	sdelay $0x1  }
0x220: {  	v16 =	vmul.f32 v22, v24;
	v10 =	vpop (erf)  }
0x221: {  	v10 =	vsel vm9, $0x0, v10  }
0x222: {  	v12 =	vadd.f32 v16, v12;
	v16 =	vmul.f32 v29, v19;
	[tilespmem:v13+s31+$0x0] =	vst.idx.msk $0xffff, v10  }
0x223: {  	v13 =	vld.idx.msk [tilespmem:v15+s4+$0x0], $0xffff  }
0x224: {  	v12 =	vadd.f32 v16, v12;
	_ =	sdelay $0x1  }
0x225: {  	v12 =	vmul.f32 $2.500000000e-01, v12;
	_ =	sdelay $0x1  }
0x226: {  	v12 =	vadd.f32 v13, v12;
	_ =	sdelay $0x1  }
0x227: {  	v13 =	vmul.f32 $2.000000030e-01, v12  }
0x228: {  	vm14 =	vgt.f32 v12, $0.0e+00  }
0x229: {  	v12 =	vsel vm14, v12, v13  }
0x22a: {  	v12 =	vmul.f32 $1.442695020e+00, v12;
	_ =	sdelay $0x1  }
0x22b: {  	(erf) = vpow2.f32 v12;
	_ =	sdelay $0x5  }
0x22c: {  	v13 =	vadd.s32 $0x86, v4  }
0x22d: {  	v14 =	vadd.s32 $0xF, v14;
	_ =	sdelay $0x1  }
0x22e: {  	v12 =	vpop (erf)  }
0x22f: {  	v12 =	vsel vm9, $0x0, v12  }
0x230: {  	v15 =	vmul.f32 v21, v20;
	[tilespmem:v13+s31+$0x0] =	vst.idx.msk $0xffff, v12  }
0x231: {  	v13 =	vld.idx.msk [tilespmem:v14+s4+$0x0], $0xffff  }
0x232: {  	v11 =	vadd.f32 v15, v11;
	_ =	sdelay $0x1  }
0x233: {  	v11 =	vmul.f32 $2.500000000e-01, v11;
	_ =	sdelay $0x1  }
0x234: {  	v11 =	vadd.f32 v13, v11;
	_ =	sdelay $0x1  }
0x235: {  	v13 =	vmul.f32 $2.000000030e-01, v11  }
0x236: {  	vm15 =	vgt.f32 v11, $0.0e+00  }
0x237: {  	v11 =	vsel vm15, v11, v13  }
0x238: {  	v11 =	vmul.f32 $1.442695020e+00, v11;
	_ =	sdelay $0x1  }
0x239: {  	(erf) = vpow2.f32 v11;
	_ =	sdelay $0x3  }
0x23a: {  	s10 =	simm.s32 $0x0  }
0x23b: {  	v25 =	vadd.s32 s10, v1  }
0x23c: {  	v24 =	vand.u32 $0xF, v25;
	v14 =	vadd.s32 $0x87, v4;
	v13 =	vor.u32 $0x80, v3  }
0x23d: {  	v15 =	vor.u32 v13, v24;
	_ =	sdelay $0x1  }
0x23e: {  	v11 =	vpop (erf)  }
0x23f: {  	v11 =	vsel vm9, $0x0, v11  }
0x240: {  	[tilespmem:v14+s31+$0x0] =	vst.idx.msk $0xffff, v11  }
0x241: {  	v15 =	vld.idx.msk [tilespmem:v15+s24+$0x0], $0xffff;
	_ =	sdelay $0x1  }
0x242: {  	v16 =	vor.u32 v4, v24;
	v14 =	vor.u32 $0x90, v3  }
0x243: {  	v17 =	vor.u32 v14, v25;
	_ =	sdelay $0x1  }
0x244: {  	v15 =	vmul.f32 v15, v5;
	_ =	sdelay $0x1  }
0x245: {  	[tilespmem:v16+s31+$0x0] =	vst.idx.msk $0xffff, v15  }
0x246: {  	v27 =	vand.u32 $0x8, v25;
	v19 =	vadd.s32 $0x10, v4;
	v16 =	vld.idx.msk [tilespmem:v17+s24+$0x0], $0xffff  }
0x247: {  	v30 =	vand.u32 $0x7, v25;
	v17 =	vor.u32 v27, v19  }
0x248: {  	v15 =	vor.u32 $0xA0, v3;
	v17 =	vor.u32 v30, v17  }
0x249: {  	v18 =	vor.u32 v15, v24;
	_ =	sdelay $0x1  }
0x24a: {  	v16 =	vmul.f32 v16, v6;
	_ =	sdelay $0x1  }
0x24b: {  	[tilespmem:v17+s31+$0x0] =	vst.idx.msk $0xffff, v16  }
0x24c: {  	v26 =	vadd.s32 $0x20, v4;
	v17 =	vld.idx.msk [tilespmem:v18+s24+$0x0], $0xffff  }
0x24d: {  	v18 =	vor.u32 v27, v26  }
0x24e: {  	v16 =	vor.u32 $0xB0, v3;
	v18 =	vor.u32 v30, v18  }
0x24f: {  	v20 =	vor.u32 v16, v25;
	_ =	sdelay $0x1  }
0x250: {  	v17 =	vmul.f32 v17, v7;
	_ =	sdelay $0x1  }
0x251: {  	[tilespmem:v18+s31+$0x0] =	vst.idx.msk $0xffff, v17  }
0x252: {  	v17 =	vadd.s32 $0x30, v4;
	v20 =	vld.idx.msk [tilespmem:v20+s24+$0x0], $0xffff  }
0x253: {  	v21 =	vor.u32 v27, v17  }
0x254: {  	v18 =	vor.u32 $0xC0, v3;
	v21 =	vor.u32 v30, v21  }
0x255: {  	v22 =	vor.u32 v18, v24;
	_ =	sdelay $0x1  }
0x256: {  	v20 =	vmul.f32 v20, v8;
	_ =	sdelay $0x1  }
0x257: {  	[tilespmem:v21+s31+$0x0] =	vst.idx.msk $0xffff, v20  }
0x258: {  	v20 =	vadd.s32 $0x40, v4;
	v22 =	vld.idx.msk [tilespmem:v22+s24+$0x0], $0xffff  }
0x259: {  	v23 =	vor.u32 v27, v20  }
0x25a: {  	v21 =	vor.u32 $0xD0, v3;
	v23 =	vor.u32 v30, v23  }
0x25b: {  	v28 =	vor.u32 v21, v25;
	_ =	sdelay $0x1  }
0x25c: {  	v22 =	vmul.f32 v22, v9;
	_ =	sdelay $0x1  }
0x25d: {  	[tilespmem:v23+s31+$0x0] =	vst.idx.msk $0xffff, v22  }
0x25e: {  	v22 =	vadd.s32 $0x50, v4;
	v28 =	vld.idx.msk [tilespmem:v28+s24+$0x0], $0xffff  }
0x25f: {  	v29 =	vor.u32 v27, v22  }
0x260: {  	v23 =	vor.u32 $0xE0, v3;
	v29 =	vor.u32 v30, v29  }
0x261: {  	v31 =	vor.u32 v23, v24;
	_ =	sdelay $0x1  }
0x262: {  	v24 =	vmul.f32 v28, v10;
	_ =	sdelay $0x1  }
0x263: {  	[tilespmem:v29+s31+$0x0] =	vst.idx.msk $0xffff, v24  }
0x264: {  	v24 =	vadd.s32 $0x60, v4;
	v28 =	vld.idx.msk [tilespmem:v31+s24+$0x0], $0xffff  }
0x265: {  	v29 =	vor.u32 v27, v24  }
0x266: {  	v3 =	vor.u32 $0xF0, v3;
	v29 =	vor.u32 v30, v29  }
0x267: {  	v25 =	vor.u32 v3, v25;
	_ =	sdelay $0x1  }
0x268: {  	v28 =	vmul.f32 v28, v12;
	_ =	sdelay $0x1  }
0x269: {  	[tilespmem:v29+s31+$0x0] =	vst.idx.msk $0xffff, v28  }
0x26a: {  	s19 =	simm.s32 $0x1;
	v63 =	vld.idx.msk [tilespmem:v25+s24+$0x0], $0xffff;
	v25 =	vadd.s32 $0x70, v4  }
0x26b: {  	v28 =	vadd.s32 s19, v1;
	v31 =	vor.u32 v27, v25  }
0x26c: {  	v29 =	vand.u32 $0xF, v28;
	v33 =	vor.u32 v30, v31  }
0x26d: {  	v32 =	vor.u32 v13, v29  }
0x26e: {  	v27 =	vand.u32 $0x8, v28  }
0x26f: {  	s16 =	simm.s32 $0x2;
	v31 =	vor.u32 v27, v19;
	v30 =	vor.u32 v27, v26;
	v34 =	vmul.f32 v63, v11  }
.LBB2_20:
0x270: {  	_ = 	snop  }
0x271: {  	p1 =	sne.s32 s16, $0xF;
	s17 =	smov.u32 s16;
	s16 =	sadd.s32 $0x1, s16;
	[tilespmem:v33+s31+$0x0] =	vst.idx.msk $0xffff, v34  }
0x272: {  	v32 =	vld.idx.msk [tilespmem:v32+s24+$0x0], $0xffff;
	_ =	sdelay $0x2  }
0x273: {  	v33 =	vor.u32 v4, v29  }
0x274: {  	v34 =	vor.u32 v14, v28;
	_ =	sdelay $0x1  }
0x275: {  	v32 =	vmul.f32 v32, v5;
	_ =	sdelay $0x1  }
0x276: {  	[tilespmem:v33+s31+$0x0] =	vst.idx.msk $0xffff, v32  }
0x277: {  	v32 =	vld.idx.msk [tilespmem:v34+s24+$0x0], $0xffff;
	_ =	sdelay $0x1  }
0x278: {  	v33 =	vand.u32 $0x7, v28  }
0x279: {  	v31 =	vor.u32 v33, v31;
	v30 =	vor.u32 v33, v30  }
0x27a: {  	v34 =	vor.u32 v15, v29;
	_ =	sdelay $0x1  }
0x27b: {  	v32 =	vmul.f32 v32, v6;
	_ =	sdelay $0x1  }
0x27c: {  	[tilespmem:v31+s31+$0x0] =	vst.idx.msk $0xffff, v32  }
0x27d: {  	v31 =	vld.idx.msk [tilespmem:v34+s24+$0x0], $0xffff;
	_ =	sdelay $0x3  }
0x27e: {  	v32 =	vor.u32 v16, v28;
	_ =	sdelay $0x1  }
0x27f: {  	v31 =	vmul.f32 v31, v7;
	_ =	sdelay $0x1  }
0x280: {  	[tilespmem:v30+s31+$0x0] =	vst.idx.msk $0xffff, v31  }
0x281: {  	v30 =	vld.idx.msk [tilespmem:v32+s24+$0x0], $0xffff;
	_ =	sdelay $0x1  }
0x282: {  	v31 =	vor.u32 v27, v17  }
0x283: {  	v31 =	vor.u32 v33, v31  }
0x284: {  	v32 =	vor.u32 v18, v29;
	_ =	sdelay $0x1  }
0x285: {  	v30 =	vmul.f32 v30, v8;
	_ =	sdelay $0x1  }
0x286: {  	[tilespmem:v31+s31+$0x0] =	vst.idx.msk $0xffff, v30  }
0x287: {  	v30 =	vld.idx.msk [tilespmem:v32+s24+$0x0], $0xffff;
	_ =	sdelay $0x1  }
0x288: {  	v31 =	vor.u32 v27, v20  }
0x289: {  	v31 =	vor.u32 v33, v31  }
0x28a: {  	v32 =	vor.u32 v21, v28;
	_ =	sdelay $0x1  }
0x28b: {  	v30 =	vmul.f32 v30, v9;
	_ =	sdelay $0x1  }
0x28c: {  	[tilespmem:v31+s31+$0x0] =	vst.idx.msk $0xffff, v30  }
0x28d: {  	v30 =	vld.idx.msk [tilespmem:v32+s24+$0x0], $0xffff;
	_ =	sdelay $0x1  }
0x28e: {  	v31 =	vor.u32 v27, v22  }
0x28f: {  	v31 =	vor.u32 v33, v31  }
0x290: {  	v29 =	vor.u32 v23, v29;
	_ =	sdelay $0x1  }
0x291: {  	v30 =	vmul.f32 v30, v10;
	_ =	sdelay $0x1  }
0x292: {  	[tilespmem:v31+s31+$0x0] =	vst.idx.msk $0xffff, v30  }
0x293: {  	v29 =	vld.idx.msk [tilespmem:v29+s24+$0x0], $0xffff;
	_ =	sdelay $0x1  }
0x294: {  	v30 =	vor.u32 v27, v24  }
0x295: {  	v30 =	vor.u32 v33, v30  }
0x296: {  	v28 =	vor.u32 v3, v28;
	_ =	sdelay $0x1  }
0x297: {  	v29 =	vmul.f32 v29, v12;
	_ =	sdelay $0x1  }
0x298: {  	[tilespmem:v30+s31+$0x0] =	vst.idx.msk $0xffff, v29  }
0x299: {  	v34 =	vld.idx.msk [tilespmem:v28+s24+$0x0], $0xffff;
	_ =	sdelay $0x1  }
.Ltmp8:
0x29a: {  	v30 =	vor.u32 v27, v25;
	v28 =	vadd.s32 s17, v1;
	(pc) =	sbr.rel @p1 .LBB2_20-.Ltmp8, $3  }
0x29b: {  	v33 =	vor.u32 v33, v30;
	v29 =	vand.u32 $0xF, v28;
	v27 =	vand.u32 $0x8, v28  }
0x29c: {  	v32 =	vor.u32 v13, v29;
	v31 =	vor.u32 v27, v19;
	v30 =	vor.u32 v27, v26;
	_ =	sdelay $0x1  }
0x29d: {  	v34 =	vmul.f32 v34, v11  }
0x29e: {  	_ =	sdelay $0x3  }
0x29f: {  	[tilespmem:v33+s31+$0x0] =	vst.idx.msk $0xffff, v34  }
0x2a0: {  	v13 =	vld.idx.msk [tilespmem:v32+s24+$0x0], $0xffff;
	_ =	sdelay $0x1  }
0x2a1: {  	v4 =	vor.u32 v4, v29  }
0x2a2: {  	v14 =	vor.u32 v14, v28;
	_ =	sdelay $0x1  }
0x2a3: {  	v5 =	vmul.f32 v13, v5;
	_ =	sdelay $0x1  }
0x2a4: {  	[tilespmem:v4+s31+$0x0] =	vst.idx.msk $0xffff, v5  }
0x2a5: {  	v4 =	vld.idx.msk [tilespmem:v14+s24+$0x0], $0xffff  }
0x2a6: {  	v51 =	vand.u32 $0x7, v28  }
0x2a7: {  	v52 =	vor.u32 v51, v31  }
0x2a8: {  	v53 =	vor.u32 v15, v29;
	_ =	sdelay $0x1  }
0x2a9: {  	v4 =	vmul.f32 v4, v6;
	_ =	sdelay $0x1  }
0x2aa: {  	[tilespmem:v52+s31+$0x0] =	vst.idx.msk $0xffff, v4  }
0x2ab: {  	v4 =	vld.idx.msk [tilespmem:v53+s24+$0x0], $0xffff;
	_ =	sdelay $0x1  }
0x2ac: {  	v54 =	vor.u32 v51, v30  }
0x2ad: {  	v55 =	vor.u32 v16, v28;
	_ =	sdelay $0x1  }
0x2ae: {  	v4 =	vmul.f32 v4, v7;
	_ =	sdelay $0x1  }
0x2af: {  	[tilespmem:v54+s31+$0x0] =	vst.idx.msk $0xffff, v4  }
0x2b0: {  	v4 =	vld.idx.msk [tilespmem:v55+s24+$0x0], $0xffff  }
0x2b1: {  	v56 =	vor.u32 v27, v17  }
0x2b2: {  	v6 =	vor.u32 v51, v56  }
0x2b3: {  	v57 =	vor.u32 v18, v29;
	_ =	sdelay $0x1  }
0x2b4: {  	v4 =	vmul.f32 v4, v8;
	_ =	sdelay $0x1  }
0x2b5: {  	[tilespmem:v6+s31+$0x0] =	vst.idx.msk $0xffff, v4  }
0x2b6: {  	v4 =	vld.idx.msk [tilespmem:v57+s24+$0x0], $0xffff  }
0x2b7: {  	v58 =	vor.u32 v27, v20  }
0x2b8: {  	v6 =	vor.u32 v51, v58  }
0x2b9: {  	v59 =	vor.u32 v21, v28;
	_ =	sdelay $0x1  }
0x2ba: {  	v4 =	vmul.f32 v4, v9;
	_ =	sdelay $0x1  }
0x2bb: {  	[tilespmem:v6+s31+$0x0] =	vst.idx.msk $0xffff, v4  }
0x2bc: {  	v4 =	vld.idx.msk [tilespmem:v59+s24+$0x0], $0xffff  }
0x2bd: {  	v60 =	vor.u32 v27, v22  }
0x2be: {  	v6 =	vor.u32 v51, v60  }
0x2bf: {  	v61 =	vor.u32 v23, v29;
	_ =	sdelay $0x1  }
0x2c0: {  	v4 =	vmul.f32 v4, v10;
	_ =	sdelay $0x1  }
0x2c1: {  	[tilespmem:v6+s31+$0x0] =	vst.idx.msk $0xffff, v4  }
0x2c2: {  	v4 =	vld.idx.msk [tilespmem:v61+s24+$0x0], $0xffff  }
0x2c3: {  	v62 =	vor.u32 v27, v24  }
0x2c4: {  	v6 =	vor.u32 v51, v62  }
0x2c5: {  	v3 =	vor.u32 v3, v28;
	_ =	sdelay $0x1  }
0x2c6: {  	v4 =	vmul.f32 v4, v12;
	_ =	sdelay $0x1  }
0x2c7: {  	[tilespmem:v6+s31+$0x0] =	vst.idx.msk $0xffff, v4  }
0x2c8: {  	v3 =	vld.idx.msk [tilespmem:v3+s24+$0x0], $0xffff  }
0x2c9: {  	v63 =	vor.u32 v27, v25;
	s8 =	sadd.s32 $0x1, s8  }
0x2ca: {  	p1 =	sne.s32 s8, $0x4;
	v4 =	vor.u32 v51, v63  }
.Ltmp9:
0x2cb: {  	_ = 	snop;
	(pc) =	sbr.rel @p1 .LBB2_17-.Ltmp9, $3  }
0x2cc: {  	_ = 	snop  }
0x2cd: {  	v3 =	vmul.f32 v3, v11;
	_ =	sdelay $0x1  }
0x2ce: {  	[tilespmem:v4+s31+$0x0] =	vst.idx.msk $0xffff, v3  }
0x2cf: {  	s14 =	sadd.s32 $0x1, s14  }
0x2d0: {  	p1 =	sne.s32 s14, $0x4F  }
.Ltmp10:
0x2d1: {  	_ = 	snop;
	(pc) =	sbr.rel @p1 .LBB2_6-.Ltmp10, $4  }
0x2d2: {  	[spmem:s1] =	stream.indirect.scatter.add.f32 [tilespmem:s31], [sflag:$0x5], $0x90, s0, s20, $0xb8;
	[tilespmem:$0x1F090] =	vst v63  }
0x2d3: {  	_ =	swait.ge [sflag:s18], $0x2400  }
0x2d4: {  	[sflag:s18] =	ssyncset.done $0x0  }
0x2d5: {  	[sflag:s18] =	ssyncadd.s32 $0xFFFFDC00  }
0x2d6: {  	_ =	swait.ge [sflag:s22], $0x80  }
0x2d7: {  	[sflag:s22] =	ssyncset.done $0x0  }
0x2d8: {  	[sflag:s22] =	ssyncadd.s32 $0xFFFFFF80  }
0x2d9: {  	_ =	swait.ge [sflag:s23], $0x400  }
0x2da: {  	[sflag:s23] =	ssyncset.done $0x0  }
0x2db: {  	[sflag:s23] =	ssyncadd.s32 $0xFFFFFC00  }
0x2dc: {  	[bflag:$0x0] =	sbarrier.arrive $0xFFFF  }
0x2dd: {  	s17 =	rddreg [dreg:$0x4]  }
0x2de: {  	s8 =	rddreg [dreg:$0x6]  }
0x2df: {  	s14 =	rddreg [dreg:$0x9]  }
0x2e0: {  	[hbm:s8], [sflag:s17] =	dma.local [spmem:s14], $0x2BE0  }
0x2e1: {  	_ =	swait.ge [sflag:s18], $0x2BE0  }
0x2e2: {  	[sflag:s18] =	ssyncset.done $0x0;
	s8 =	rddreg [dreg:$0x7]  }
0x2e3: {  	s15 =	rddreg [dreg:$0xa];
	[sflag:s18] =	ssyncadd.s32 $0xFFFFD420  }
0x2e4: {  	[hbm:s8], [sflag:s17] =	dma.local @!p0 [spmem:s15], $0x120  }
0x2e5: {  	s8 =	simm.s32 @!p0 $0x5  }
0x2e6: {  	_ =	swait.ge @!p0 [sflag:s8], $0x120  }
0x2e7: {  	s11 =	sadd.s32 $0x1, s11;
	s10 =	rddreg [dreg:$0x8]  }
0x2e8: {  	p1 =	sne.s32 s11, s10  }
.Ltmp11:
0x2e9: {  	_ = 	snop;
	(pc) =	sbr.rel @p1 .LBB2_1-.Ltmp11, $3  }
0x2ea: {  	_ =	sdelay $0x1  }
0x2eb: {  	[sflag:s8] =	ssyncset.done @!p0 $0x0  }
0x2ec: {  	[sflag:s8] =	ssyncadd.s32 @!p0 $0xFFFFFEE0  }
0x2ed: {  	_ =	sfence.sel $0x180000  }
0x2ee: {  	[bflag:$0x0] =	sbarrier.arrive $0xFFFF  }
0x2ef: {  	_ =	strace $0x9000004A  }
0x2f0: {  	s0 =	stileid.u32;
	[bflag:$0x2] =	sbarrier.arrive $0xFFFF  }
0x2f1: {  	p0 =	sne.s32 s0, $0x0;
	s0 =	rddreg [dreg:$0x2]  }
0x2f2: {  	s0 =	sadd.s32 @!p0 $0x100000, s0  }
0x2f3: {  	[sflag:s0] =	ssyncadd.tile.s32 @!p0 $0x1;
	_ =	shalt  }
.Lfunc_end2:
_tile_overlayer_lowered:
.L_overlay_start_2:
0x2f4: {  	(tag) =	ssettag $0x2  }
0x2f5: {  	s0 =	rddreg [dreg:$0x0];
	s2 =	stileid.u32  }
0x2f6: {  	s1 =	rddreg [dreg:$0x1];
	p0 =	sne.s32 s2, $0x0  }
0x2f7: {  	s3 =	rddreg [dreg:$0x2];
	[bflag:$0x3] =	sbarrier.arrive $0xFFFF;
	s2 =	simm.s32 @!p0 $0x1C05  }
0x2f8: {  	[timem:s3], [sflag:s2] =	dma.local @!p0 [hbm:s0], s1  }
0x2f9: {  	s0 =	simm.s32 @!p0 $0x5  }
0x2fa: {  	_ =	swait.ge @!p0 [sflag:s0], s1  }
0x2fb: {  	s1 =	ssub.s32 @!p0 $0x0, s1;
	[sflag:s0] =	ssyncset.done @!p0 $0x0  }
0x2fc: {  	[sflag:s0] =	ssyncadd.s32 @!p0 s1  }
0x2fd: {  	[bflag:$0x3] =	sbarrier.arrive $0xFFFF  }
0x2fe: {  	_ =	shalt  }

// kernel: kernel.9.cloned.1.call-start
scs
__scs_entry_jumppad:
0x0: {  	(pc) =	sbr.rel $0x88, $3  }
0x1: {  	(tag) =	ssettag $0x0;
	lr =	simm.s32 $0x1  }
0x2: {  	[smem:$0x3F8D] =	sst lr;
	_ =	strace $0xD0000000  }
0x3: {  	_ = 	snop  }
0x4: {  	_ = 	snop  }
0x5: {  	_ = 	snop  }
0x6: {  	_ = 	snop  }
0x7: {  	_ = 	snop  }
__scs_overlays_trampoline_lowered:
0x8: {  	[smem:$0x3F9C] =	sst s0  }
0x9: {  	[smem:$0x3F9D] =	sst s1  }
0xa: {  	[smem:$0x3F9E] =	sst s2  }
0xb: {  	[smem:$0x3F9F] =	sst s3  }
0xc: {  	[smem:$0x3FA0] =	sst s4  }
0xd: {  	[smem:$0x3FA1] =	sst s5  }
0xe: {  	[smem:$0x3FA2] =	sst s6  }
0xf: {  	[smem:$0x3FA3] =	sst s7  }
0x10: {  	[smem:$0x3FA4] =	sst s8  }
0x11: {  	[smem:$0x3FA5] =	sst s9;
	s0 =	simm.s32 @!p0 $0x0  }
0x12: {  	s1 =	sld [smem:$0x3F8B];
	s0 =	simm.s32 @p0 $0x1  }
0x13: {  	[smem:$0x3FA6] =	sst s0;
	s0 =	simm.s32 @!p1 $0x0  }
0x14: {  	s2 =	sld [smem:$0x3F8A];
	s0 =	simm.s32 @p1 $0x1  }
0x15: {  	[smem:$0x3FA7] =	sst s0;
	s0 =	simm.s32 @!p2 $0x0  }
0x16: {  	s3 =	sld [smem:$0x3FDB];
	s0 =	simm.s32 @p2 $0x1  }
0x17: {  	s4 =	simm.s32 $0x1BF5;
	[smem:$0x3FA9] =	sst s0  }
0x18: {  	s0 =	sld [smem:$0x3F8C];
	_ =	swait.ge [sflag:s4], $0x0  }
0x19: {  	s7 =	sld [smem:$0x3F8D]  }
0x1a: {  	s8 =	sadd.s32 $0xFFFFE003, lr  }
0x1b: {  	s9 =	sadd.s32 $0xFFFFFEF7, lr;
	s5 =	simm.s32 $0xFFFFFFFF;
	p2 =	slt.u32 s8, $0xFFFFF086  }
0x1c: {  	p1 =	slt.u32 s9, $0xF7A;
	s5 =	simm.s32 @!p2 $0x0  }
0x1d: {  	s5 =	simm.s32 @p1 $0x1;
	p0 =	seq.s32 s7, s2  }
0x1e: {  	s7 =	smul.u32 @!p0 $0xF7A, s2;
	p2 =	seq.s32 @!p0 s5, $0x0  }
0x1f: {  	s9 =	smul.u32 $0xF7A, s1;
	s8 =	simm.s32 @!p0 $0x1BF5;
	p2 =	por !p2, p0  }
0x20: {  	[sflag:s8] =	ssyncset.s32 @!p0 $0xFFFFF086;
	s6 =	sadd.s32 @!p0 s3, s7;
	s7 =	simm.s32 @!p0 $0x108  }
0x21: {  	s3 =	sadd.s32 s3, s9;
	s6 =	sadd.s32 @!p0 $0x88, s6;
	s7 =	simm.s32 @p2 $0x1082  }
0x22: {  	[simem:s7], [sflag:s8] =	dma.local @!p0 [hbm:s6], $0xF7A  }
0x23: {  	s9 =	sor.u32 $0xD0000000, s2;
	s6 =	simm.s32 $0x108;
	_ =	swait.ge @!p0 [sflag:s8], $0x0  }
0x24: {  	s3 =	sadd.s32 $0x88, s3;
	s6 =	simm.s32 @!p1 $0x1082;
	[sflag:s4] =	ssyncset.s32 $0xFFFFF086  }
0x25: {  	[simem:s6], [sflag:s4] =	dma.local [hbm:s3], $0xF7A  }
0x26: {  	[smem:$0x3F8D] =	sst s1;
	(tag) =	ssettag s2;
	_ =	strace s9  }
0x27: {  	s1 =	sld [smem:$0x3F9D]  }
0x28: {  	s2 =	sld [smem:$0x3F9E]  }
0x29: {  	s4 =	sld [smem:$0x3FA0]  }
0x2a: {  	p0 =	seq.s32 s5, $0x0;
	s5 =	sld [smem:$0x3FA1]  }
0x2b: {  	s6 =	sld [smem:$0x3FA2]  }
0x2c: {  	s7 =	sld [smem:$0x3FA3]  }
0x2d: {  	s3 =	simm.s32 $0x108;
	s8 =	sld [smem:$0x3FA4]  }
0x2e: {  	s3 =	simm.s32 @!p0 $0x1082;
	s9 =	sld [smem:$0x3FA5]  }
0x2f: {  	lr =	sadd.s32 s0, s3;
	s0 =	sld [smem:$0x3F9C]  }
0x30: {  	s3 =	sld [smem:$0x3F9F]  }
0x31: {  	[smem:$0x3FA8] =	sst s10  }
0x32: {  	s10 =	sld [smem:$0x3FA6];
	_ =	sdelay $0x3  }
0x33: {  	p0 =	seq.s32 s10, $0x1;
	s10 =	sld [smem:$0x3FA8];
	_ =	sdelay $0x3  }
0x34: {  	[smem:$0x3FA8] =	sst s10  }
0x35: {  	s10 =	sld [smem:$0x3FA7];
	_ =	sdelay $0x3  }
0x36: {  	p1 =	seq.s32 s10, $0x1;
	s10 =	sld [smem:$0x3FA8];
	_ =	sdelay $0x3  }
0x37: {  	[smem:$0x3FA8] =	sst s10  }
0x38: {  	s10 =	sld [smem:$0x3FA9]  }
0x39: {  	_ = 	snop;
	(pc) =	sbr.ind lr, $3  }
0x3a: {  	_ = 	snop  }
0x3b: {  	_ = 	snop  }
0x3c: {  	p2 =	seq.s32 s10, $0x1;
	s10 =	sld [smem:$0x3FA8]  }
0x3d: {  	_ =	shalt  }
0x3e: {  	_ =	shalt  }
0x3f: {  	_ =	shalt  }
0x40: {  	_ =	shalt  }
0x41: {  	_ =	shalt  }
0x42: {  	_ =	shalt  }
0x43: {  	_ =	shalt  }
0x44: {  	_ =	shalt  }
0x45: {  	_ =	shalt  }
0x46: {  	_ =	shalt  }
0x47: {  	_ =	shalt  }
0x48: {  	_ =	shalt  }
0x49: {  	_ =	shalt  }
0x4a: {  	_ =	shalt  }
0x4b: {  	_ =	shalt  }
0x4c: {  	_ =	shalt  }
0x4d: {  	_ =	shalt  }
0x4e: {  	_ =	shalt  }
0x4f: {  	_ =	shalt  }
0x50: {  	_ =	shalt  }
0x51: {  	_ =	shalt  }
0x52: {  	_ =	shalt  }
0x53: {  	_ =	shalt  }
0x54: {  	_ =	shalt  }
0x55: {  	_ =	shalt  }
0x56: {  	_ =	shalt  }
0x57: {  	_ =	shalt  }
0x58: {  	_ =	shalt  }
0x59: {  	_ =	shalt  }
0x5a: {  	_ =	shalt  }
0x5b: {  	_ =	shalt  }
0x5c: {  	_ =	shalt  }
0x5d: {  	_ =	shalt  }
0x5e: {  	_ =	shalt  }
0x5f: {  	_ =	shalt  }
0x60: {  	_ =	shalt  }
0x61: {  	_ =	shalt  }
0x62: {  	_ =	shalt  }
0x63: {  	_ =	shalt  }
0x64: {  	_ =	shalt  }
0x65: {  	_ =	shalt  }
0x66: {  	_ =	shalt  }
0x67: {  	_ =	shalt  }
0x68: {  	_ =	shalt  }
0x69: {  	_ =	shalt  }
0x6a: {  	_ =	shalt  }
0x6b: {  	_ =	shalt  }
0x6c: {  	_ =	shalt  }
0x6d: {  	_ =	shalt  }
0x6e: {  	_ =	shalt  }
0x6f: {  	_ =	shalt  }
0x70: {  	_ =	shalt  }
0x71: {  	_ =	shalt  }
0x72: {  	_ =	shalt  }
0x73: {  	_ =	shalt  }
0x74: {  	_ =	shalt  }
0x75: {  	_ =	shalt  }
0x76: {  	_ =	shalt  }
0x77: {  	_ =	shalt  }
0x78: {  	_ =	shalt  }
0x79: {  	_ =	shalt  }
0x7a: {  	_ =	shalt  }
0x7b: {  	_ =	shalt  }
0x7c: {  	_ =	shalt  }
0x7d: {  	_ =	shalt  }
0x7e: {  	_ =	shalt  }
0x7f: {  	_ =	shalt  }
0x80: {  	_ =	shalt  }
0x81: {  	_ =	shalt  }
0x82: {  	_ =	shalt  }
0x83: {  	_ =	shalt  }
0x84: {  	_ =	shalt  }
0x85: {  	_ =	shalt  }
0x86: {  	_ =	shalt  }
0x87: {  	_ =	shalt  }
.Lfunc_end0:
.L_simem_size_0:
called_computation_lowered:
.L_overlay_start_0:
0x88: {  	s2 =	sld [smem:$0x3FD9]  }
0x89: {  	s3 =	sld [smem:$0x3FFE];
	_ =	sdelay $0x1  }
0x8a: {  	s1 =	srdreg.scid  }
0x8b: {  	s0 =	sand.u32 $0x1, s1  }
0x8c: {  	s16 =	sshll.u32 s0, $0xA;
	s2 =	sadd.s32 s3, s2  }
0x8d: {  	s2 =	sadd.s32 s2, s16  }
0x8e: {  	[smem:$0x3FB4] =	sst s2  }
0x8f: {  	_ = 	snop  }
0x90: {  	(tm) =	ssettm $0x1  }
0x91: {  	s17 =	sld [smem:$0x3FFB];
	_ =	sdelay $0x3  }
0x92: {  	_ =	strace s17  }
0x93: {  	s2 =	sld [smem:$0x3FFC];
	_ =	sdelay $0x3  }
0x94: {  	_ =	strace s2  }
0x95: {  	s2 =	sld [smem:$0x3FFD];
	_ =	sdelay $0x3  }
0x96: {  	_ =	strace s2  }
0x97: {  	_ =	strace $0x8FFFFFFF  }
0x98: {  	s18 =	sld [smem:$0x3FDB];
	_ =	sdelay $0x1  }
0x99: {  	s19 =	simm.s32 $_scs_section_size  }
0x9a: {  	s4 =	simm.s32 $_size__tile_overlayer_lowered;
	s5 =	simm.s32 $_tile_overlayer_lowered  }
0x9b: {  	s22 =	simm.s32 $0x1BFF;
	s21 =	sshll.u32 s5, $0x1;
	s2 =	sadd.s32 s19, s18  }
0x9c: {  	s6 =	simm.s32 $0x0;
	s20 =	sshll.u32 s4, $0x1;
	s4 =	sadd.s32 s21, s2  }
0x9d: {  	[timem:s6], [sflag:s22] =	dma.local [hbm:s4], s20  }
0x9e: {  	_ =	swait.ge [sflag:s22], s20  }
0x9f: {  	s3 =	ssub.s32 $0x0, s20;
	[sflag:s22] =	ssyncset.done $0x0  }
0xa0: {  	[sflag:s22] =	ssyncadd.s32 s3;
	_ =	sdelay $0x1  }
0xa1: {  	s23 =	simm.s32 $0x1B8B  }
0xa2: {  	_ =	swait.ge [sflag:s23], $0x1  }
0xa3: {  	[sflag:s23] =	ssyncset.done $0x0  }
0xa4: {  	s25 =	simm.s32 $0x1B8E;
	s24 =	sld [smem:$0x3FFE];
	[sflag:s23] =	ssyncadd.s32 $0xFFFFFFFF  }
0xa5: {  	s26 =	simm.s32 $execute0_lowered;
	[smem:$0x3FD2] =	sst s25  }
0xa6: {  	s4 =	sshll.u32 s26, $0x1;
	_ =	strace $0x80000046;
	[dreg:$0x1] =	wrdreg $0xFFFFFFFF  }
0xa7: {  	s28 =	simm.s32 $_size_execute0_lowered;
	s2 =	sadd.s32 s2, s4;
	[dreg:$0x0] =	wrdreg $0x0  }
0xa8: {  	s4 =	sshll.u32 s28, $0x1;
	[dreg:$0x2] =	wrdreg s2  }
0xa9: {  	[dreg:$0x3] =	wrdreg s4  }
0xaa: {  	[dreg:$0x4] =	wrdreg $0xC0  }
0xab: {  	_ =	task [dreg:s6], $0x5FFFF  }
0xac: {  	[dreg:$0x1] =	wrdreg $0xFFFFFFFF  }
0xad: {  	[dreg:$0x0] =	wrdreg $0x60  }
0xae: {  	[dreg:$0x2] =	wrdreg s24  }
0xaf: {  	[dreg:$0x3] =	wrdreg $0x91000  }
0xb0: {  	[dreg:$0x4] =	wrdreg $0x9  }
0xb1: {  	_ =	task.clear_ibuf [dreg:s6], $0x5FFFF;
	_ =	strace $0x90000046  }
0xb2: {  	s29 =	simm.s32 $0x9;
	_ =	strace $0x80000048  }
0xb3: {  	_ =	swait.ge [sflag:s29], $0x1  }
0xb4: {  	[sflag:s29] =	ssyncadd.s32 $0xFFFFFFFF  }
0xb5: {  	_ =	strace $0x90000048  }
0xb6: {  	_ =	sfence  }
0xb7: {  	s30 =	sld [smem:$0x0];
	_ =	sdelay $0x2  }
0xb8: {  	s31 =	sshll.u32 s1, $0xD;
	s1 =	sshrl.u32 s1, $0x2  }
0xb9: {  	s3 =	sand.u32 $0x4000, s31;
	s1 =	sadd.s32 s1, s30  }
0xba: {  	s0 =	sor.u32 s3, s0;
	s1 =	sshll.u32 s1, $0x11  }
0xbb: {  	s0 =	sor.u32 s1, s0  }
0xbc: {  	s0 =	sadd.s32 $0x8F2B, s0  }
0xbd: {  	[sflag:s0] =	ssyncadd.remote.s32 $0x1  }
0xbe: {  	_ =	sfence.sel $0xFFFF  }
0xbf: {  	[dreg:$0x0] =	wrdreg $0xFFFFFFFF;
	(pc) =	sbr.abs _section_cstart, $3  }
0xc0: {  	[dreg:$0x1] =	wrdreg $0xFFFFFFFF  }
0xc1: {  	_ =	task.clear_ibuf [dreg:s6], $0x2FFFF;
	_ =	strace $0x9FFFFFFF  }
0xc2: {  	(tm) =	ssettm $0x7FFFFFFF  }
0xc3: {  	_ =	shalt  }
tec
execute0_lowered:
.L_overlay_start_1:
0x0: {  	(tag) =	ssettag $0x1  }
0x1: {  	s0 =	rddreg [dreg:$0x0]  }
0x2: {  	s1 =	rddreg [dreg:$0x1];
	s2 =	simm.s32 $0x0;
	s4 =	srdreg.scid  }
0x3: {  	s16 =	stileid.u32;
	s18 =	simm.s32 $0x5;
	s20 =	simm.s32 $0x40  }
0x4: {  	s28 =	simm.s32 $0x1;
	s29 =	simm.s32 $0x2;
	s30 =	simm.s32 $0x100  }
0x5: {  	s31 =	simm.s32 $0x6D00;
	[smem:$0x7FF] =	sst s2;
	s3 =	sadd.s32 $0xC8600, s0  }
0x6: {  	s5 =	sadd.s32 $0xA1400, s0;
	s6 =	sadd.s32 $0x5000, s0;
	s7 =	sadd.s32 $0x116800, s0  }
0x7: {  	s8 =	sadd.s32 $0x12A200, s0;
	s4 =	sand.u32 $0x1, s4;
	s21 =	sshll.u32 s16, $0x1  }
0x8: {  	s11 =	smul.u32 $0x15F00, s16;
	s0 =	sadd.s32 $0x12CE00, s0;
	s22 =	sshll.u32 s16, $0x6  }
0x9: {  	s15 =	sadd.s32 $0x15F000, s1;
	p0 =	sne.s32 s16, $0xF;
	_ =	strace $0x80000047  }
0xa: {  	[dreg:$0x3] =	wrdreg s8;
	s10 =	ssub.s32 $0x2, s4;
	s8 =	sor.u32 s4, s21  }
0xb: {  	s4 =	smul.u32 $0x15F900, s4;
	s17 =	sor.u32 $0x1C05, s22;
	s15 =	sshrl.u32 @!p0 s15, $0x3  }
0xc: {  	s21 =	simm.s32 $0x4E200;
	s22 =	simm.s32 $0x3;
	s12 =	sshrl.u32 s10, $0x1  }
0xd: {  	s9 =	smul.u32 $0x2710, s8;
	s14 =	sadd.s32 s11, s1;
	[dreg:$0x4] =	wrdreg s17  }
0xe: {  	s8 =	smul.u32 $0x4E20, s8;
	[dreg:$0xa] =	wrdreg s15;
	s10 =	ssub.s32 s10, s12  }
0xf: {  	s24 =	sadd.s32 s11, s4;
	s4 =	sshrl.u32 s4, $0x3;
	s14 =	sshrl.u32 s14, $0x3  }
0x10: {  	s11 =	simm.s32 $0x0;
	s13 =	sshrl.u32 s9, $0x3;
	s12 =	sadd.s32 s6, s8  }
0x11: {  	s8 =	sshrl.u32 s24, $0x3;
	s26 =	smax.u32 s10, $0x1;
	[dreg:$0x9] =	wrdreg s14  }
0x12: {  	s4 =	sadd.s32 s0, s4;
	s23 =	sadd.s32 s7, s13;
	[dreg:$0x8] =	wrdreg s26  }
0x13: {  	s24 =	simm.s32 $0xD00;
	s0 =	sadd.s32 s0, s8;
	[dreg:$0x5] =	wrdreg s23  }
0x14: {  	s13 =	sadd.s32 $0x80, s9;
	s25 =	sadd.s32 $0x2BE00, s4;
	[dreg:$0x6] =	wrdreg s0  }
0x15: {  	s26 =	simm.s32 $0x80;
	s4 =	simm.s32 $0x700;
	[dreg:$0x7] =	wrdreg s25  }
0x16: {  	v0 =	vimm.f32 $0.0e+00;
	v1 =	vlaneseq.u32;
	s23 =	simm.s32 $0x4;
	s25 =	simm.s32 $0x4D00;
	s0 =	simm.s32 $0xC0  }
.LBB2_1:
0x17: {  	s8 =	rddreg [dreg:$0x3]  }
0x18: {  	[spmem:s14], [sflag:s17] =	dma.local [hbm:s8], $0x2BE0  }
0x19: {  	_ =	swait.ge [sflag:s18], $0x2BE0  }
0x1a: {  	[sflag:s18] =	ssyncset.done $0x0  }
0x1b: {  	[sflag:s18] =	ssyncadd.s32 $0xFFFFD420  }
0x1c: {  	[spmem:s15], [sflag:s17] =	dma.local @!p0 [hbm:s8], $0x120  }
0x1d: {  	s8 =	simm.s32 @!p0 $0x5  }
0x1e: {  	_ =	swait.ge @!p0 [sflag:s8], $0x120  }
0x1f: {  	[sflag:s8] =	ssyncset.done @!p0 $0x0  }
0x20: {  	s10 =	simm.s32 $0x80;
	[sflag:s8] =	ssyncadd.s32 @!p0 $0xFFFFFEE0;
	s8 =	simm.s32 $0x440  }
.LBB2_2:
0x21: {  	p1 =	sne.s32 s8, $0x8FC0;
	[tilespmem:s10+$0x6D00] =	vst v0;
	s10 =	smov.u32 s8;
	s8 =	sadd.s32 $0x240, s8  }
.Ltmp0:
0x22: {  	(pc) =	sbr.rel @p1 .LBB2_2-.Ltmp0, $2  }
0x23: {  	_ =	sdelay $0x2  }
0x24: {  	s10 =	sshra.s32 s10, $0x2  }
0x25: {  	[tilespmem:s10+$0x6D00] =	vst v0  }
0x26: {  	[bflag:$0x0] =	sbarrier.arrive $0xFFFF  }
0x27: {  	s14 =	simm.s32 $0x0;
	s15 =	simm.s32 $0x2;
	s8 =	rddreg [dreg:$0x5]  }
0x28: {  	[tilespmem:s14], [sflag:$0x3] =	stream.strided.gather [hbm4b:s8+s20], $0x80, s21, s20, $0x38;
	[tilespmem:$0x1F090] =	vst v63  }
0x29: {  	s17 =	sadd.s32 $0x0, s12;
	s16 =	simm.s32 $0x118;
	s8 =	simm.s32 $0x100  }
.LBB2_4:
0x2a: {  	[tilespmem:s8], [sflag:$0x4] =	stream.linear.gather [hbm4b:s17+s14], $0x10, $0x38;
	[tilespmem:$0x1F090] =	vst v63  }
0x2b: {  	s10 =	smov.u32 s15;
	s8 =	smov.u32 s16;
	p1 =	sne.s32 s15, $0x7E  }
.Ltmp1:
0x2c: {  	s15 =	sadd.s32 $0x2, s15;
	(pc) =	sbr.rel @p1 .LBB2_4-.Ltmp1, $2  }
0x2d: {  	_ =	sdelay $0x2  }
0x2e: {  	s16 =	sadd.s32 $0x18, s16;
	s17 =	sadd.s32 s10, s12  }
0x2f: {  	[tilespmem:s8], [sflag:$0x4] =	stream.linear.gather [hbm4b:s17+s14], $0x10, $0x38;
	[tilespmem:$0x1F090] =	vst v63  }
.LBB2_6:
0x30: {  	_ =	swait.ge [sflag:s22], $0x80  }
0x31: {  	[sflag:s22] =	ssyncset.done $0x0  }
0x32: {  	[sflag:s22] =	ssyncadd.s32 $0xFFFFFF80  }
0x33: {  	_ =	swait.ge [sflag:s23], $0x400  }
0x34: {  	s15 =	sshll.u32 s14, $0x7;
	[sflag:s23] =	ssyncset.done $0x0  }
0x35: {  	s8 =	simm.s32 $0x0;
	s19 =	sor.u32 $0x40, s15;
	[sflag:s23] =	ssyncadd.s32 $0xFFFFFC00  }
0x36: {  	[tilespmem:s24], [sflag:$0x1] =	stream.indirect.gather [hbm4b:s3+s20], $0x100, s8, s20, $0xb8;
	[tilespmem:$0x1F090] =	vst v63  }
0x37: {  	s8 =	smin.u32 s19, $0x26D0  }
0x38: {  	s8 =	sadd.s32 s9, s8  }
0x39: {  	[tilespmem:s25], [sflag:$0x2] =	stream.indirect.gather [hbm4b:s5+s20], $0x80, s20, s20, $0xb8;
	[tilespmem:$0x1F090] =	vst v63  }
0x3a: {  	s10 =	sshrl.u32 s8, $0x3;
	s8 =	sshll.u32 s8, $0x1  }
0x3b: {  	s10 =	sadd.s32 s7, s10;
	s8 =	sand.u32 $0x1FFFE0, s8  }
0x3c: {  	[tilespmem:s26], [sflag:$0x3] =	stream.strided.gather [hbm4b:s10+s20], $0x80, s21, s20, $0x38;
	[tilespmem:$0x1F090] =	vst v63  }
0x3d: {  	s16 =	simm.s32 $0x700;
	s8 =	sadd.s32 s6, s8  }
0x3e: {  	s17 =	simm.s32 $0x2;
	s19 =	simm.s32 $0x718;
	s10 =	sadd.s32 $0x0, s8  }
.LBB2_7:
0x3f: {  	[tilespmem:s16], [sflag:$0x4] =	stream.linear.gather [hbm4b:s10+s2], $0x10, $0x38;
	[tilespmem:$0x1F090] =	vst v63  }
0x40: {  	s10 =	smov.u32 s17;
	s16 =	smov.u32 s19;
	p1 =	sne.s32 s17, $0x7E  }
.Ltmp2:
0x41: {  	s17 =	sadd.s32 $0x2, s17;
	(pc) =	sbr.rel @p1 .LBB2_7-.Ltmp2, $2  }
0x42: {  	_ =	sdelay $0x2  }
0x43: {  	s19 =	sadd.s32 $0x18, s19;
	s10 =	sadd.s32 s10, s8  }
0x44: {  	[tilespmem:s16], [sflag:$0x4] =	stream.linear.gather [hbm4b:s10+s2], $0x10, $0x38;
	[tilespmem:$0x1F090] =	vst v63  }
0x45: {  	_ =	swait.ge [sflag:s28], $0x4000  }
0x46: {  	[sflag:s28] =	ssyncset.done $0x0  }
0x47: {  	[sflag:s28] =	ssyncadd.s32 $0xFFFFC000  }
0x48: {  	p1 =	seq.s32 s14, $0x4E;
	s8 =	simm.s32 $0x30;
	_ =	swait.ge [sflag:s29], $0x2000  }
0x49: {  	s8 =	simm.s32 @!p1 $0x0;
	[sflag:s29] =	ssyncset.done $0x0  }
0x4a: {  	s16 =	simm.s32 $0x0;
	v2 =	vmov s8;
	s8 =	simm.s32 $0x0;
	[sflag:s29] =	ssyncadd.s32 $0xFFFFE000  }
.LBB2_9:
0x4b: {  	s10 =	sshll.u32 s8, $0x4  }
0x4c: {  	v4 =	vadd.s32 s16, v1;
	v5 =	vor.u32 s10, v1  }
0x4d: {  	v6 =	vand.u32 $0x8, v4;
	v7 =	vand.u32 $0x7, v4;
	v3 =	vshll.u32 v5, $0x8  }
0x4e: {  	v4 =	vshll.u32 v5, $0x7;
	v9 =	vor.u32 $0x70, v6;
	v8 =	vor.u32 v3, v7  }
0x4f: {  	v7 =	vor.u32 v4, v7;
	v10 =	vor.u32 v9, v8  }
0x50: {  	v9 =	vor.u32 v9, v7  }
0x51: {  	v11 =	vor.u32 v6, v8  }
0x52: {  	v12 =	vor.u32 $0x10, v6;
	v13 =	vor.u32 v6, v7  }
0x53: {  	v14 =	vor.u32 v12, v8  }
0x54: {  	v17 =	vor.u32 $0x30, v6;
	v12 =	vor.u32 v12, v7;
	v10 =	vld.idx.msk [tilespmem:v10+s24+$0x0], $0xffff  }
0x55: {  	v15 =	vor.u32 $0x20, v6;
	v30 =	vor.u32 v17, v8;
	v9 =	vld.idx.msk [tilespmem:v9+s25+$0x0], $0xffff  }
0x56: {  	v20 =	vimm.f32 $0.0e+00;
	v18 =	vor.u32 $0x40, v6;
	v16 =	vor.u32 v15, v8;
	v21 =	vld.idx.msk [tilespmem:v11+s24+$0x0], $0xffff  }
0x57: {  	v15 =	vor.u32 v15, v7;
	v17 =	vor.u32 v17, v7;
	v28 =	vor.u32 v18, v8;
	v23 =	vld.idx.msk [tilespmem:v13+s25+$0x0], $0xffff  }
0x58: {  	v27 =	vor.u32 v18, v7;
	v18 =	vimm.f32 $0.0e+00;
	v11 =	vor.u32 $0x50, v6;
	v14 =	vld.idx.msk [tilespmem:v14+s24+$0x0], $0xffff  }
0x59: {  	v6 =	vor.u32 $0x60, v6;
	v19 =	vld.idx.msk [tilespmem:v12+s25+$0x0], $0xffff;
	v12 =	vimm.f32 $0.0e+00;
	v26 =	vor.u32 v11, v8  }
0x5a: {  	s19 =	simm.s32 $0x1;
	v13 =	vld.idx.msk [tilespmem:v30+s24+$0x0], $0xffff;
	v25 =	vor.u32 v11, v7;
	v24 =	vor.u32 v6, v8;
	v22 =	vor.u32 v6, v7  }
0x5b: {  	v6 =	vld.idx.msk [tilespmem:v16+s24+$0x0], $0xffff;
	v7 =	vadd.s32 s19, v1;
	v8 =	vimm.f32 $0.0e+00;
	v9 =	vmul.f32 v9, v10  }
0x5c: {  	v16 =	vld.idx.msk [tilespmem:v15+s25+$0x0], $0xffff;
	v29 =	vand.u32 $0x8, v7;
	v15 =	vand.u32 $0x7, v7;
	v7 =	vimm.f32 $0.0e+00  }
0x5d: {  	s17 =	simm.s32 $0x2;
	v17 =	vld.idx.msk [tilespmem:v17+s25+$0x0], $0xffff;
	v10 =	vimm.f32 $0.0e+00;
	v11 =	vadd.f32 v9, v20;
	v9 =	vimm.f32 $0.0e+00  }
.LBB2_10:
0x5e: {  	p2 =	sne.s32 s17, $0xF;
	v30 =	vor.u32 v3, v15;
	v31 =	vor.u32 $0x10, v29;
	v32 =	vor.u32 $0x70, v29;
	v33 =	vld.idx.msk [tilespmem:v28+s24+$0x0], $0xffff  }
0x5f: {  	v15 =	vor.u32 v4, v15;
	v28 =	vor.u32 $0x20, v29;
	v34 =	vor.u32 v32, v30;
	v35 =	vld.idx.msk [tilespmem:v27+s25+$0x0], $0xffff  }
0x60: {  	v36 =	vor.u32 $0x40, v29;
	v27 =	vor.u32 $0x30, v29;
	v32 =	vor.u32 v32, v15;
	v37 =	vld.idx.msk [tilespmem:v26+s24+$0x0], $0xffff  }
0x61: {  	v39 =	vor.u32 $0x50, v29;
	v40 =	vor.u32 $0x60, v29;
	v38 =	vor.u32 v29, v30;
	v41 =	vld.idx.msk [tilespmem:v25+s25+$0x0], $0xffff  }
0x62: {  	v29 =	vor.u32 v29, v15;
	v42 =	vor.u32 v31, v30;
	v31 =	vor.u32 v31, v15;
	v43 =	vld.idx.msk [tilespmem:v24+s24+$0x0], $0xffff  }
0x63: {  	v44 =	vor.u32 v28, v30;
	v45 =	vor.u32 v28, v15;
	v46 =	vor.u32 v27, v30;
	v47 =	vld.idx.msk [tilespmem:v22+s25+$0x0], $0xffff  }
0x64: {  	v28 =	vor.u32 v36, v30;
	v48 =	vor.u32 v27, v15;
	v27 =	vor.u32 v36, v15;
	v34 =	vld.idx.msk [tilespmem:v34+s24+$0x0], $0xffff  }
0x65: {  	v26 =	vor.u32 v39, v30;
	v25 =	vor.u32 v39, v15;
	v24 =	vor.u32 v40, v30;
	v30 =	vld.idx.msk [tilespmem:v32+s25+$0x0], $0xffff  }
0x66: {  	v22 =	vor.u32 v40, v15;
	v15 =	vmul.f32 v23, v21;
	v32 =	vmul.f32 v19, v14;
	v21 =	vld.idx.msk [tilespmem:v38+s24+$0x0], $0xffff  }
0x67: {  	v6 =	vmul.f32 v16, v6;
	v13 =	vmul.f32 v17, v13;
	v23 =	vld.idx.msk [tilespmem:v29+s25+$0x0], $0xffff  }
0x68: {  	v20 =	vadd.f32 v15, v20;
	v15 =	vmul.f32 v35, v33;
	v17 =	vmul.f32 v41, v37;
	v14 =	vld.idx.msk [tilespmem:v42+s24+$0x0], $0xffff  }
.Ltmp3:
0x69: {  	v7 =	vadd.f32 v6, v7;
	v18 =	vadd.f32 v32, v18;
	v29 =	vmul.f32 v47, v43;
	v19 =	vld.idx.msk [tilespmem:v31+s25+$0x0], $0xffff;
	(pc) =	sbr.rel @p2 .LBB2_10-.Ltmp3, $4  }
0x6a: {  	v8 =	vadd.f32 v13, v8;
	v9 =	vadd.f32 v15, v9;
	v6 =	vld.idx.msk [tilespmem:v44+s24+$0x0], $0xffff  }
0x6b: {  	v10 =	vadd.f32 v17, v10;
	v30 =	vmul.f32 v30, v34;
	v12 =	vadd.f32 v29, v12;
	v16 =	vld.idx.msk [tilespmem:v45+s25+$0x0], $0xffff  }
0x6c: {  	v15 =	vadd.s32 s17, v1;
	v13 =	vld.idx.msk [tilespmem:v46+s24+$0x0], $0xffff  }
0x6d: {  	s17 =	sadd.s32 $0x1, s17;
	v29 =	vand.u32 $0x8, v15;
	v15 =	vand.u32 $0x7, v15;
	v11 =	vadd.f32 v30, v11;
	v17 =	vld.idx.msk [tilespmem:v48+s25+$0x0], $0xffff  }
0x6e: {  	v30 =	vor.u32 v3, v15  }
0x6f: {  	v31 =	vor.u32 v4, v15;
	v4 =	vor.u32 v29, v30  }
0x70: {  	v15 =	vor.u32 v29, v31;
	_ =	sdelay $0x3  }
0x71: {  	v4 =	vld.idx.msk [tilespmem:v4+s24+$0x0], $0xffff  }
0x72: {  	v32 =	vld.idx.msk [tilespmem:v15+s25+$0x0], $0xffff;
	v15 =	vmul.u32 $0x18, v5;
	_ =	sdelay $0x2  }
0x73: {  	v21 =	vmul.f32 v23, v21;
	_ =	sdelay $0x1  }
0x74: {  	v20 =	vadd.f32 v21, v20;
	v4 =	vmul.f32 v32, v4  }
0x75: {  	v21 =	vld.idx.msk [tilespmem:v15+s30+$0x0], $0xffff  }
0x76: {  	v4 =	vadd.f32 v4, v20;
	_ =	sdelay $0x1  }
0x77: {  	v4 =	vmul.f32 $2.500000000e-01, v4  }
0x78: {  	v23 =	vld.idx.msk [tilespmem:v28+s24+$0x0], $0xffff;
	v60 =	vor.u32 $0x10, v29  }
0x79: {  	v27 =	vld.idx.msk [tilespmem:v27+s25+$0x0], $0xffff;
	v34 =	vor.u32 v60, v30;
	v20 =	vor.u32 $0x70, v29;
	v4 =	vadd.f32 v21, v4  }
0x7a: {  	v26 =	vld.idx.msk [tilespmem:v26+s24+$0x0], $0xffff;
	v32 =	vor.u32 v60, v31;
	v28 =	vor.u32 v20, v30  }
0x7b: {  	v25 =	vld.idx.msk [tilespmem:v25+s25+$0x0], $0xffff;
	v33 =	vor.u32 v20, v31;
	v20 =	vor.u32 $0x20, v29;
	v21 =	vmul.f32 $2.000000030e-01, v4  }
0x7c: {  	v24 =	vld.idx.msk [tilespmem:v24+s24+$0x0], $0xffff;
	v35 =	vor.u32 v20, v30;
	vm0 =	vgt.f32 v4, $0.0e+00  }
0x7d: {  	v22 =	vld.idx.msk [tilespmem:v22+s25+$0x0], $0xffff;
	v4 =	vsel vm0, v4, v21  }
0x7e: {  	v36 =	vor.u32 $0x30, v29;
	v34 =	vld.idx.msk [tilespmem:v34+s24+$0x0], $0xffff;
	v37 =	vor.u32 v20, v31;
	v4 =	vmul.f32 $1.442695020e+00, v4  }
0x7f: {  	v20 =	vld.idx.msk [tilespmem:v28+s24+$0x0], $0xffff;
	v28 =	vor.u32 v36, v30  }
0x80: {  	v61 =	vor.u32 $0x40, v29;
	v32 =	vld.idx.msk [tilespmem:v32+s25+$0x0], $0xffff;
	v36 =	vor.u32 v36, v31;
	(erf) = vpow2.f32 v4  }
0x81: {  	v38 =	vor.u32 v61, v30;
	v35 =	vld.idx.msk [tilespmem:v35+s24+$0x0], $0xffff  }
0x82: {  	v21 =	vld.idx.msk [tilespmem:v33+s25+$0x0], $0xffff;
	v33 =	vor.u32 v61, v31;
	v4 =	vor.u32 $0x50, v29  }
0x83: {  	v37 =	vld.idx.msk [tilespmem:v37+s25+$0x0], $0xffff;
	v29 =	vor.u32 $0x60, v29;
	v39 =	vor.u32 v4, v30  }
0x84: {  	v28 =	vld.idx.msk [tilespmem:v28+s24+$0x0], $0xffff;
	v40 =	vor.u32 v4, v31;
	v30 =	vor.u32 v29, v30;
	v4 =	vmul.u32 $0x90, v5  }
0x85: {  	v36 =	vld.idx.msk [tilespmem:v36+s25+$0x0], $0xffff  }
0x86: {  	v29 =	vor.u32 v29, v31;
	v31 =	vld.idx.msk [tilespmem:v38+s24+$0x0], $0xffff;
	v62 =	vadd.s32 $0x80, v4  }
0x87: {  	v41 =	vor.u32 $0x1, v15;
	v33 =	vld.idx.msk [tilespmem:v33+s25+$0x0], $0xffff  }
0x88: {  	v39 =	vld.idx.msk [tilespmem:v39+s24+$0x0], $0xffff  }
0x89: {  	v14 =	vmul.f32 v19, v14;
	vm9 =	vlt.u32 v5, v2;
	v19 =	vld.idx.msk [tilespmem:v30+s24+$0x0], $0xffff;
	v30 =	vpop (erf)  }
0x8a: {  	v40 =	vld.idx.msk [tilespmem:v40+s25+$0x0], $0xffff;
	v5 =	vsel vm9, $0x0, v30  }
0x8b: {  	v14 =	vadd.f32 v14, v18;
	v18 =	vmul.f32 v32, v34;
	v29 =	vld.idx.msk [tilespmem:v29+s25+$0x0], $0xffff;
	[tilespmem:v62+s31+$0x0] =	vst.idx.msk $0xffff, v5  }
0x8c: {  	v30 =	vld.idx.msk [tilespmem:v41+s30+$0x0], $0xffff  }
0x8d: {  	v14 =	vadd.f32 v18, v14;
	_ =	sdelay $0x1  }
0x8e: {  	v14 =	vmul.f32 $2.500000000e-01, v14;
	_ =	sdelay $0x1  }
0x8f: {  	v14 =	vadd.f32 v30, v14;
	_ =	sdelay $0x1  }
0x90: {  	v18 =	vmul.f32 $2.000000030e-01, v14  }
0x91: {  	vm1 =	vgt.f32 v14, $0.0e+00  }
0x92: {  	v14 =	vsel vm1, v14, v18  }
0x93: {  	v14 =	vmul.f32 $1.442695020e+00, v14;
	_ =	sdelay $0x1  }
0x94: {  	(erf) = vpow2.f32 v14;
	_ =	sdelay $0x5  }
0x95: {  	v14 =	vadd.s32 $0x81, v4  }
0x96: {  	v18 =	vor.u32 $0x2, v15;
	_ =	sdelay $0x1  }
0x97: {  	v16 =	vmul.f32 v16, v6;
	v6 =	vpop (erf)  }
0x98: {  	v6 =	vsel vm9, $0x0, v6  }
0x99: {  	v7 =	vadd.f32 v16, v7;
	v16 =	vmul.f32 v37, v35;
	[tilespmem:v14+s31+$0x0] =	vst.idx.msk $0xffff, v6  }
0x9a: {  	v14 =	vld.idx.msk [tilespmem:v18+s30+$0x0], $0xffff  }
0x9b: {  	v7 =	vadd.f32 v16, v7;
	_ =	sdelay $0x1  }
0x9c: {  	v7 =	vmul.f32 $2.500000000e-01, v7;
	_ =	sdelay $0x1  }
0x9d: {  	v7 =	vadd.f32 v14, v7;
	_ =	sdelay $0x1  }
0x9e: {  	v14 =	vmul.f32 $2.000000030e-01, v7  }
0x9f: {  	vm10 =	vgt.f32 v7, $0.0e+00  }
0xa0: {  	v7 =	vsel vm10, v7, v14  }
0xa1: {  	v7 =	vmul.f32 $1.442695020e+00, v7;
	_ =	sdelay $0x1  }
0xa2: {  	(erf) = vpow2.f32 v7;
	_ =	sdelay $0x5  }
0xa3: {  	v14 =	vadd.s32 $0x82, v4  }
0xa4: {  	v16 =	vor.u32 $0x3, v15;
	_ =	sdelay $0x1  }
0xa5: {  	v13 =	vmul.f32 v17, v13;
	v7 =	vpop (erf)  }
0xa6: {  	v7 =	vsel vm9, $0x0, v7  }
0xa7: {  	v8 =	vadd.f32 v13, v8;
	v13 =	vmul.f32 v36, v28;
	[tilespmem:v14+s31+$0x0] =	vst.idx.msk $0xffff, v7  }
0xa8: {  	v14 =	vld.idx.msk [tilespmem:v16+s30+$0x0], $0xffff  }
0xa9: {  	v8 =	vadd.f32 v13, v8;
	_ =	sdelay $0x1  }
0xaa: {  	v8 =	vmul.f32 $2.500000000e-01, v8;
	_ =	sdelay $0x1  }
0xab: {  	v8 =	vadd.f32 v14, v8;
	_ =	sdelay $0x1  }
0xac: {  	v13 =	vmul.f32 $2.000000030e-01, v8  }
0xad: {  	vm11 =	vgt.f32 v8, $0.0e+00  }
0xae: {  	v8 =	vsel vm11, v8, v13  }
0xaf: {  	v8 =	vmul.f32 $1.442695020e+00, v8;
	_ =	sdelay $0x1  }
0xb0: {  	(erf) = vpow2.f32 v8;
	_ =	sdelay $0x5  }
0xb1: {  	v13 =	vadd.s32 $0x83, v4  }
0xb2: {  	v14 =	vor.u32 $0x4, v15;
	_ =	sdelay $0x1  }
0xb3: {  	v16 =	vmul.f32 v27, v23;
	v8 =	vpop (erf)  }
0xb4: {  	v8 =	vsel vm9, $0x0, v8  }
0xb5: {  	v9 =	vadd.f32 v16, v9;
	v16 =	vmul.f32 v33, v31;
	[tilespmem:v13+s31+$0x0] =	vst.idx.msk $0xffff, v8  }
0xb6: {  	v13 =	vld.idx.msk [tilespmem:v14+s30+$0x0], $0xffff  }
0xb7: {  	v9 =	vadd.f32 v16, v9;
	_ =	sdelay $0x1  }
0xb8: {  	v9 =	vmul.f32 $2.500000000e-01, v9;
	_ =	sdelay $0x1  }
0xb9: {  	v9 =	vadd.f32 v13, v9;
	_ =	sdelay $0x1  }
0xba: {  	v13 =	vmul.f32 $2.000000030e-01, v9  }
0xbb: {  	vm12 =	vgt.f32 v9, $0.0e+00  }
0xbc: {  	v9 =	vsel vm12, v9, v13  }
0xbd: {  	v9 =	vmul.f32 $1.442695020e+00, v9;
	_ =	sdelay $0x1  }
0xbe: {  	(erf) = vpow2.f32 v9;
	_ =	sdelay $0x5  }
0xbf: {  	v13 =	vadd.s32 $0x84, v4  }
0xc0: {  	v14 =	vor.u32 $0x5, v15;
	_ =	sdelay $0x1  }
0xc1: {  	v16 =	vmul.f32 v25, v26;
	v9 =	vpop (erf)  }
0xc2: {  	v9 =	vsel vm9, $0x0, v9  }
0xc3: {  	v10 =	vadd.f32 v16, v10;
	v16 =	vmul.f32 v40, v39;
	[tilespmem:v13+s31+$0x0] =	vst.idx.msk $0xffff, v9  }
0xc4: {  	v13 =	vld.idx.msk [tilespmem:v14+s30+$0x0], $0xffff  }
0xc5: {  	v10 =	vadd.f32 v16, v10;
	_ =	sdelay $0x1  }
0xc6: {  	v10 =	vmul.f32 $2.500000000e-01, v10;
	_ =	sdelay $0x1  }
0xc7: {  	v10 =	vadd.f32 v13, v10;
	_ =	sdelay $0x1  }
0xc8: {  	v13 =	vmul.f32 $2.000000030e-01, v10  }
0xc9: {  	vm13 =	vgt.f32 v10, $0.0e+00  }
0xca: {  	v10 =	vsel vm13, v10, v13  }
0xcb: {  	v10 =	vmul.f32 $1.442695020e+00, v10;
	_ =	sdelay $0x1  }
0xcc: {  	(erf) = vpow2.f32 v10;
	_ =	sdelay $0x5  }
0xcd: {  	v13 =	vadd.s32 $0x85, v4  }
0xce: {  	v14 =	vor.u32 $0x6, v15;
	_ =	sdelay $0x1  }
0xcf: {  	v16 =	vmul.f32 v22, v24;
	v10 =	vpop (erf)  }
0xd0: {  	v10 =	vsel vm9, $0x0, v10  }
0xd1: {  	v12 =	vadd.f32 v16, v12;
	v16 =	vmul.f32 v29, v19;
	[tilespmem:v13+s31+$0x0] =	vst.idx.msk $0xffff, v10  }
0xd2: {  	v13 =	vld.idx.msk [tilespmem:v14+s30+$0x0], $0xffff  }
0xd3: {  	v12 =	vadd.f32 v16, v12;
	_ =	sdelay $0x1  }
0xd4: {  	v12 =	vmul.f32 $2.500000000e-01, v12;
	_ =	sdelay $0x1  }
0xd5: {  	v12 =	vadd.f32 v13, v12;
	_ =	sdelay $0x1  }
0xd6: {  	v13 =	vmul.f32 $2.000000030e-01, v12  }
0xd7: {  	vm14 =	vgt.f32 v12, $0.0e+00  }
0xd8: {  	v12 =	vsel vm14, v12, v13  }
0xd9: {  	v12 =	vmul.f32 $1.442695020e+00, v12;
	_ =	sdelay $0x1  }
0xda: {  	(erf) = vpow2.f32 v12;
	_ =	sdelay $0x5  }
0xdb: {  	v13 =	vadd.s32 $0x86, v4  }
0xdc: {  	v14 =	vor.u32 $0x7, v15;
	_ =	sdelay $0x1  }
0xdd: {  	v12 =	vpop (erf)  }
0xde: {  	v12 =	vsel vm9, $0x0, v12  }
0xdf: {  	v15 =	vmul.f32 v21, v20;
	[tilespmem:v13+s31+$0x0] =	vst.idx.msk $0xffff, v12  }
0xe0: {  	v13 =	vld.idx.msk [tilespmem:v14+s30+$0x0], $0xffff  }
0xe1: {  	v11 =	vadd.f32 v15, v11;
	_ =	sdelay $0x1  }
0xe2: {  	v11 =	vmul.f32 $2.500000000e-01, v11;
	_ =	sdelay $0x1  }
0xe3: {  	v11 =	vadd.f32 v13, v11;
	_ =	sdelay $0x1  }
0xe4: {  	v13 =	vmul.f32 $2.000000030e-01, v11  }
0xe5: {  	vm15 =	vgt.f32 v11, $0.0e+00  }
0xe6: {  	v11 =	vsel vm15, v11, v13  }
0xe7: {  	v11 =	vmul.f32 $1.442695020e+00, v11;
	_ =	sdelay $0x1  }
0xe8: {  	(erf) = vpow2.f32 v11;
	_ =	sdelay $0x3  }
0xe9: {  	s10 =	simm.s32 $0x0  }
0xea: {  	v25 =	vadd.s32 s10, v1  }
0xeb: {  	v24 =	vand.u32 $0xF, v25;
	v14 =	vadd.s32 $0x87, v4;
	v13 =	vor.u32 $0x80, v3  }
0xec: {  	v15 =	vor.u32 v13, v24;
	_ =	sdelay $0x1  }
0xed: {  	v11 =	vpop (erf)  }
0xee: {  	v11 =	vsel vm9, $0x0, v11  }
0xef: {  	[tilespmem:v14+s31+$0x0] =	vst.idx.msk $0xffff, v11  }
0xf0: {  	v15 =	vld.idx.msk [tilespmem:v15+s24+$0x0], $0xffff;
	_ =	sdelay $0x1  }
0xf1: {  	v16 =	vor.u32 v4, v24;
	v14 =	vor.u32 $0x90, v3  }
0xf2: {  	v17 =	vor.u32 v14, v25;
	_ =	sdelay $0x1  }
0xf3: {  	v15 =	vmul.f32 v15, v5;
	_ =	sdelay $0x1  }
0xf4: {  	[tilespmem:v16+s31+$0x0] =	vst.idx.msk $0xffff, v15  }
0xf5: {  	v27 =	vand.u32 $0x8, v25;
	v19 =	vadd.s32 $0x10, v4;
	v16 =	vld.idx.msk [tilespmem:v17+s24+$0x0], $0xffff  }
0xf6: {  	v30 =	vand.u32 $0x7, v25;
	v17 =	vor.u32 v27, v19  }
0xf7: {  	v15 =	vor.u32 $0xA0, v3;
	v17 =	vor.u32 v30, v17  }
0xf8: {  	v18 =	vor.u32 v15, v24;
	_ =	sdelay $0x1  }
0xf9: {  	v16 =	vmul.f32 v16, v6;
	_ =	sdelay $0x1  }
0xfa: {  	[tilespmem:v17+s31+$0x0] =	vst.idx.msk $0xffff, v16  }
0xfb: {  	v26 =	vadd.s32 $0x20, v4;
	v17 =	vld.idx.msk [tilespmem:v18+s24+$0x0], $0xffff  }
0xfc: {  	v18 =	vor.u32 v27, v26  }
0xfd: {  	v16 =	vor.u32 $0xB0, v3;
	v18 =	vor.u32 v30, v18  }
0xfe: {  	v20 =	vor.u32 v16, v25;
	_ =	sdelay $0x1  }
0xff: {  	v17 =	vmul.f32 v17, v7;
	_ =	sdelay $0x1  }
0x100: {  	[tilespmem:v18+s31+$0x0] =	vst.idx.msk $0xffff, v17  }
0x101: {  	v17 =	vadd.s32 $0x30, v4;
	v20 =	vld.idx.msk [tilespmem:v20+s24+$0x0], $0xffff  }
0x102: {  	v21 =	vor.u32 v27, v17  }
0x103: {  	v18 =	vor.u32 $0xC0, v3;
	v21 =	vor.u32 v30, v21  }
0x104: {  	v22 =	vor.u32 v18, v24;
	_ =	sdelay $0x1  }
0x105: {  	v20 =	vmul.f32 v20, v8;
	_ =	sdelay $0x1  }
0x106: {  	[tilespmem:v21+s31+$0x0] =	vst.idx.msk $0xffff, v20  }
0x107: {  	v20 =	vadd.s32 $0x40, v4;
	v22 =	vld.idx.msk [tilespmem:v22+s24+$0x0], $0xffff  }
0x108: {  	v23 =	vor.u32 v27, v20  }
0x109: {  	v21 =	vor.u32 $0xD0, v3;
	v23 =	vor.u32 v30, v23  }
0x10a: {  	v28 =	vor.u32 v21, v25;
	_ =	sdelay $0x1  }
0x10b: {  	v22 =	vmul.f32 v22, v9;
	_ =	sdelay $0x1  }
0x10c: {  	[tilespmem:v23+s31+$0x0] =	vst.idx.msk $0xffff, v22  }
0x10d: {  	v22 =	vadd.s32 $0x50, v4;
	v28 =	vld.idx.msk [tilespmem:v28+s24+$0x0], $0xffff  }
0x10e: {  	v29 =	vor.u32 v27, v22  }
0x10f: {  	v23 =	vor.u32 $0xE0, v3;
	v29 =	vor.u32 v30, v29  }
0x110: {  	v31 =	vor.u32 v23, v24;
	_ =	sdelay $0x1  }
0x111: {  	v24 =	vmul.f32 v28, v10;
	_ =	sdelay $0x1  }
0x112: {  	[tilespmem:v29+s31+$0x0] =	vst.idx.msk $0xffff, v24  }
0x113: {  	v24 =	vadd.s32 $0x60, v4;
	v28 =	vld.idx.msk [tilespmem:v31+s24+$0x0], $0xffff  }
0x114: {  	v29 =	vor.u32 v27, v24  }
0x115: {  	v3 =	vor.u32 $0xF0, v3;
	v29 =	vor.u32 v30, v29  }
0x116: {  	v25 =	vor.u32 v3, v25;
	_ =	sdelay $0x1  }
0x117: {  	v28 =	vmul.f32 v28, v12;
	_ =	sdelay $0x1  }
0x118: {  	[tilespmem:v29+s31+$0x0] =	vst.idx.msk $0xffff, v28  }
0x119: {  	s19 =	simm.s32 $0x1;
	v63 =	vld.idx.msk [tilespmem:v25+s24+$0x0], $0xffff;
	v25 =	vadd.s32 $0x70, v4  }
0x11a: {  	v28 =	vadd.s32 s19, v1;
	v31 =	vor.u32 v27, v25  }
0x11b: {  	v29 =	vand.u32 $0xF, v28;
	v33 =	vor.u32 v30, v31  }
0x11c: {  	v32 =	vor.u32 v13, v29  }
0x11d: {  	v27 =	vand.u32 $0x8, v28  }
0x11e: {  	s17 =	simm.s32 $0x2;
	v31 =	vor.u32 v27, v19;
	v30 =	vor.u32 v27, v26;
	v34 =	vmul.f32 v63, v11  }
.LBB2_12:
0x11f: {  	_ = 	snop  }
0x120: {  	p2 =	sne.s32 s17, $0xF;
	s19 =	smov.u32 s17;
	s17 =	sadd.s32 $0x1, s17;
	[tilespmem:v33+s31+$0x0] =	vst.idx.msk $0xffff, v34  }
0x121: {  	v32 =	vld.idx.msk [tilespmem:v32+s24+$0x0], $0xffff;
	_ =	sdelay $0x2  }
0x122: {  	v33 =	vor.u32 v4, v29  }
0x123: {  	v34 =	vor.u32 v14, v28;
	_ =	sdelay $0x1  }
0x124: {  	v32 =	vmul.f32 v32, v5;
	_ =	sdelay $0x1  }
0x125: {  	[tilespmem:v33+s31+$0x0] =	vst.idx.msk $0xffff, v32  }
0x126: {  	v32 =	vld.idx.msk [tilespmem:v34+s24+$0x0], $0xffff;
	_ =	sdelay $0x1  }
0x127: {  	v33 =	vand.u32 $0x7, v28  }
0x128: {  	v31 =	vor.u32 v33, v31;
	v30 =	vor.u32 v33, v30  }
0x129: {  	v34 =	vor.u32 v15, v29;
	_ =	sdelay $0x1  }
0x12a: {  	v32 =	vmul.f32 v32, v6;
	_ =	sdelay $0x1  }
0x12b: {  	[tilespmem:v31+s31+$0x0] =	vst.idx.msk $0xffff, v32  }
0x12c: {  	v31 =	vld.idx.msk [tilespmem:v34+s24+$0x0], $0xffff;
	_ =	sdelay $0x3  }
0x12d: {  	v32 =	vor.u32 v16, v28;
	_ =	sdelay $0x1  }
0x12e: {  	v31 =	vmul.f32 v31, v7;
	_ =	sdelay $0x1  }
0x12f: {  	[tilespmem:v30+s31+$0x0] =	vst.idx.msk $0xffff, v31  }
0x130: {  	v30 =	vld.idx.msk [tilespmem:v32+s24+$0x0], $0xffff;
	_ =	sdelay $0x1  }
0x131: {  	v31 =	vor.u32 v27, v17  }
0x132: {  	v31 =	vor.u32 v33, v31  }
0x133: {  	v32 =	vor.u32 v18, v29;
	_ =	sdelay $0x1  }
0x134: {  	v30 =	vmul.f32 v30, v8;
	_ =	sdelay $0x1  }
0x135: {  	[tilespmem:v31+s31+$0x0] =	vst.idx.msk $0xffff, v30  }
0x136: {  	v30 =	vld.idx.msk [tilespmem:v32+s24+$0x0], $0xffff;
	_ =	sdelay $0x1  }
0x137: {  	v31 =	vor.u32 v27, v20  }
0x138: {  	v31 =	vor.u32 v33, v31  }
0x139: {  	v32 =	vor.u32 v21, v28;
	_ =	sdelay $0x1  }
0x13a: {  	v30 =	vmul.f32 v30, v9;
	_ =	sdelay $0x1  }
0x13b: {  	[tilespmem:v31+s31+$0x0] =	vst.idx.msk $0xffff, v30  }
0x13c: {  	v30 =	vld.idx.msk [tilespmem:v32+s24+$0x0], $0xffff;
	_ =	sdelay $0x1  }
0x13d: {  	v31 =	vor.u32 v27, v22  }
0x13e: {  	v31 =	vor.u32 v33, v31  }
0x13f: {  	v29 =	vor.u32 v23, v29;
	_ =	sdelay $0x1  }
0x140: {  	v30 =	vmul.f32 v30, v10;
	_ =	sdelay $0x1  }
0x141: {  	[tilespmem:v31+s31+$0x0] =	vst.idx.msk $0xffff, v30  }
0x142: {  	v29 =	vld.idx.msk [tilespmem:v29+s24+$0x0], $0xffff;
	_ =	sdelay $0x1  }
0x143: {  	v30 =	vor.u32 v27, v24  }
0x144: {  	v30 =	vor.u32 v33, v30  }
0x145: {  	v28 =	vor.u32 v3, v28;
	_ =	sdelay $0x1  }
0x146: {  	v29 =	vmul.f32 v29, v12;
	_ =	sdelay $0x1  }
0x147: {  	[tilespmem:v30+s31+$0x0] =	vst.idx.msk $0xffff, v29  }
0x148: {  	v34 =	vld.idx.msk [tilespmem:v28+s24+$0x0], $0xffff;
	_ =	sdelay $0x1  }
.Ltmp4:
0x149: {  	v30 =	vor.u32 v27, v25;
	v28 =	vadd.s32 s19, v1;
	(pc) =	sbr.rel @p2 .LBB2_12-.Ltmp4, $3  }
0x14a: {  	v33 =	vor.u32 v33, v30;
	v29 =	vand.u32 $0xF, v28;
	v27 =	vand.u32 $0x8, v28  }
0x14b: {  	v32 =	vor.u32 v13, v29;
	v31 =	vor.u32 v27, v19;
	v30 =	vor.u32 v27, v26;
	_ =	sdelay $0x1  }
0x14c: {  	v34 =	vmul.f32 v34, v11  }
0x14d: {  	_ =	sdelay $0x3  }
0x14e: {  	[tilespmem:v33+s31+$0x0] =	vst.idx.msk $0xffff, v34  }
0x14f: {  	v13 =	vld.idx.msk [tilespmem:v32+s24+$0x0], $0xffff;
	_ =	sdelay $0x1  }
0x150: {  	v4 =	vor.u32 v4, v29  }
0x151: {  	v14 =	vor.u32 v14, v28;
	_ =	sdelay $0x1  }
0x152: {  	v5 =	vmul.f32 v13, v5;
	_ =	sdelay $0x1  }
0x153: {  	[tilespmem:v4+s31+$0x0] =	vst.idx.msk $0xffff, v5  }
0x154: {  	v4 =	vld.idx.msk [tilespmem:v14+s24+$0x0], $0xffff  }
0x155: {  	v51 =	vand.u32 $0x7, v28  }
0x156: {  	v52 =	vor.u32 v51, v31  }
0x157: {  	v53 =	vor.u32 v15, v29;
	_ =	sdelay $0x1  }
0x158: {  	v4 =	vmul.f32 v4, v6;
	_ =	sdelay $0x1  }
0x159: {  	[tilespmem:v52+s31+$0x0] =	vst.idx.msk $0xffff, v4  }
0x15a: {  	v4 =	vld.idx.msk [tilespmem:v53+s24+$0x0], $0xffff;
	_ =	sdelay $0x1  }
0x15b: {  	v54 =	vor.u32 v51, v30  }
0x15c: {  	v55 =	vor.u32 v16, v28;
	_ =	sdelay $0x1  }
0x15d: {  	v4 =	vmul.f32 v4, v7;
	_ =	sdelay $0x1  }
0x15e: {  	[tilespmem:v54+s31+$0x0] =	vst.idx.msk $0xffff, v4  }
0x15f: {  	v4 =	vld.idx.msk [tilespmem:v55+s24+$0x0], $0xffff  }
0x160: {  	v56 =	vor.u32 v27, v17  }
0x161: {  	v6 =	vor.u32 v51, v56  }
0x162: {  	v57 =	vor.u32 v18, v29;
	_ =	sdelay $0x1  }
0x163: {  	v4 =	vmul.f32 v4, v8;
	_ =	sdelay $0x1  }
0x164: {  	[tilespmem:v6+s31+$0x0] =	vst.idx.msk $0xffff, v4  }
0x165: {  	v4 =	vld.idx.msk [tilespmem:v57+s24+$0x0], $0xffff  }
0x166: {  	v58 =	vor.u32 v27, v20  }
0x167: {  	v6 =	vor.u32 v51, v58  }
0x168: {  	v59 =	vor.u32 v21, v28;
	_ =	sdelay $0x1  }
0x169: {  	v4 =	vmul.f32 v4, v9;
	_ =	sdelay $0x1  }
0x16a: {  	[tilespmem:v6+s31+$0x0] =	vst.idx.msk $0xffff, v4  }
0x16b: {  	v4 =	vld.idx.msk [tilespmem:v59+s24+$0x0], $0xffff  }
0x16c: {  	v60 =	vor.u32 v27, v22  }
0x16d: {  	v6 =	vor.u32 v51, v60  }
0x16e: {  	v61 =	vor.u32 v23, v29;
	_ =	sdelay $0x1  }
0x16f: {  	v4 =	vmul.f32 v4, v10;
	_ =	sdelay $0x1  }
0x170: {  	[tilespmem:v6+s31+$0x0] =	vst.idx.msk $0xffff, v4  }
0x171: {  	v4 =	vld.idx.msk [tilespmem:v61+s24+$0x0], $0xffff  }
0x172: {  	v62 =	vor.u32 v27, v24  }
0x173: {  	v6 =	vor.u32 v51, v62  }
0x174: {  	v3 =	vor.u32 v3, v28;
	_ =	sdelay $0x1  }
0x175: {  	v4 =	vmul.f32 v4, v12;
	_ =	sdelay $0x1  }
0x176: {  	[tilespmem:v6+s31+$0x0] =	vst.idx.msk $0xffff, v4  }
0x177: {  	v3 =	vld.idx.msk [tilespmem:v3+s24+$0x0], $0xffff  }
0x178: {  	v63 =	vor.u32 v27, v25;
	s8 =	sadd.s32 $0x1, s8  }
0x179: {  	p2 =	sne.s32 s8, $0x4;
	v4 =	vor.u32 v51, v63  }
.Ltmp5:
0x17a: {  	_ = 	snop;
	(pc) =	sbr.rel @p2 .LBB2_9-.Ltmp5, $3  }
0x17b: {  	_ = 	snop  }
0x17c: {  	v3 =	vmul.f32 v3, v11;
	_ =	sdelay $0x1  }
0x17d: {  	[tilespmem:v4+s31+$0x0] =	vst.idx.msk $0xffff, v3  }
0x17e: {  	[spmem:s1] =	stream.indirect.scatter.add.f32 [tilespmem:s31], [sflag:$0x5], $0x90, s20, s20, $0xb8;
	[tilespmem:$0x1F090] =	vst v63  }
0x17f: {  	_ =	swait.ge [sflag:s18], $0x2400  }
0x180: {  	[sflag:s18] =	ssyncset.done $0x0  }
0x181: {  	[sflag:s18] =	ssyncadd.s32 $0xFFFFDC00  }
0x182: {  	_ =	swait.ge [sflag:s22], $0x80  }
0x183: {  	[sflag:s22] =	ssyncset.done $0x0  }
0x184: {  	[sflag:s22] =	ssyncadd.s32 $0xFFFFFF80  }
0x185: {  	s8 =	smin.u32 s15, $0x2650;
	_ =	swait.ge [sflag:s23], $0x400  }
0x186: {  	s8 =	sadd.s32 s8, s13;
	[sflag:s23] =	ssyncset.done $0x0  }
0x187: {  	s10 =	sshrl.u32 s8, $0x3;
	s8 =	sshll.u32 s8, $0x1;
	[sflag:s23] =	ssyncadd.s32 $0xFFFFFC00  }
0x188: {  	[tilespmem:s24], [sflag:$0x1] =	stream.indirect.gather [hbm4b:s3+s20], $0x100, s26, s20, $0xb8;
	[tilespmem:$0x1F090] =	vst v63  }
0x189: {  	s19 =	simm.s32 $0x0;
	s8 =	sand.u32 $0x3FFFE0, s8  }
0x18a: {  	[tilespmem:s25], [sflag:$0x2] =	stream.indirect.gather [hbm4b:s5+s20], $0x80, s0, s20, $0xb8;
	[tilespmem:$0x1F090] =	vst v63  }
0x18b: {  	s15 =	simm.s32 $0x100;
	s10 =	sadd.s32 s7, s10;
	s8 =	sadd.s32 s6, s8  }
0x18c: {  	[tilespmem:s19], [sflag:$0x3] =	stream.strided.gather [hbm4b:s10+s20], $0x80, s21, s20, $0x38;
	[tilespmem:$0x1F090] =	vst v63  }
0x18d: {  	s16 =	simm.s32 $0x2;
	s17 =	simm.s32 $0x118;
	s10 =	sadd.s32 $0x0, s8  }
.LBB2_15:
0x18e: {  	[tilespmem:s15], [sflag:$0x4] =	stream.linear.gather [hbm4b:s10+s2], $0x10, $0x38;
	[tilespmem:$0x1F090] =	vst v63  }
0x18f: {  	s10 =	smov.u32 s16;
	s15 =	smov.u32 s17;
	p2 =	sne.s32 s16, $0x7E  }
.Ltmp6:
0x190: {  	s16 =	sadd.s32 $0x2, s16;
	(pc) =	sbr.rel @p2 .LBB2_15-.Ltmp6, $2  }
0x191: {  	_ =	sdelay $0x2  }
0x192: {  	s17 =	sadd.s32 $0x18, s17;
	s10 =	sadd.s32 s10, s8  }
0x193: {  	[tilespmem:s15], [sflag:$0x4] =	stream.linear.gather [hbm4b:s10+s2], $0x10, $0x38;
	[tilespmem:$0x1F090] =	vst v63  }
0x194: {  	_ =	swait.ge [sflag:s28], $0x4000  }
0x195: {  	[sflag:s28] =	ssyncset.done $0x0  }
0x196: {  	[sflag:s28] =	ssyncadd.s32 $0xFFFFC000  }
0x197: {  	s8 =	simm.s32 $0x40;
	_ =	swait.ge [sflag:s29], $0x2000  }
0x198: {  	s8 =	simm.s32 @!p1 $0x0;
	[sflag:s29] =	ssyncset.done $0x0  }
0x199: {  	s15 =	simm.s32 $0x0;
	v2 =	vmov s8;
	s8 =	simm.s32 $0x0;
	[sflag:s29] =	ssyncadd.s32 $0xFFFFE000  }
.LBB2_17:
0x19a: {  	s10 =	sshll.u32 s8, $0x4  }
0x19b: {  	v4 =	vadd.s32 s15, v1;
	v5 =	vor.u32 s10, v1  }
0x19c: {  	v6 =	vand.u32 $0x8, v4;
	v7 =	vand.u32 $0x7, v4;
	v3 =	vshll.u32 v5, $0x8  }
0x19d: {  	v4 =	vshll.u32 v5, $0x7;
	v9 =	vor.u32 $0x70, v6;
	v8 =	vor.u32 v3, v7  }
0x19e: {  	v7 =	vor.u32 v4, v7;
	v10 =	vor.u32 v9, v8  }
0x19f: {  	v9 =	vor.u32 v9, v7  }
0x1a0: {  	v11 =	vor.u32 v6, v8  }
0x1a1: {  	v12 =	vor.u32 $0x10, v6;
	v13 =	vor.u32 v6, v7  }
0x1a2: {  	v14 =	vor.u32 v12, v8  }
0x1a3: {  	v17 =	vor.u32 $0x30, v6;
	v12 =	vor.u32 v12, v7;
	v10 =	vld.idx.msk [tilespmem:v10+s24+$0x0], $0xffff  }
0x1a4: {  	v15 =	vor.u32 $0x20, v6;
	v30 =	vor.u32 v17, v8;
	v9 =	vld.idx.msk [tilespmem:v9+s25+$0x0], $0xffff  }
0x1a5: {  	v20 =	vimm.f32 $0.0e+00;
	v18 =	vor.u32 $0x40, v6;
	v16 =	vor.u32 v15, v8;
	v21 =	vld.idx.msk [tilespmem:v11+s24+$0x0], $0xffff  }
0x1a6: {  	v15 =	vor.u32 v15, v7;
	v17 =	vor.u32 v17, v7;
	v28 =	vor.u32 v18, v8;
	v23 =	vld.idx.msk [tilespmem:v13+s25+$0x0], $0xffff  }
0x1a7: {  	v27 =	vor.u32 v18, v7;
	v18 =	vimm.f32 $0.0e+00;
	v11 =	vor.u32 $0x50, v6;
	v14 =	vld.idx.msk [tilespmem:v14+s24+$0x0], $0xffff  }
0x1a8: {  	v6 =	vor.u32 $0x60, v6;
	v19 =	vld.idx.msk [tilespmem:v12+s25+$0x0], $0xffff;
	v12 =	vimm.f32 $0.0e+00;
	v26 =	vor.u32 v11, v8  }
0x1a9: {  	s19 =	simm.s32 $0x1;
	v13 =	vld.idx.msk [tilespmem:v30+s24+$0x0], $0xffff;
	v25 =	vor.u32 v11, v7;
	v24 =	vor.u32 v6, v8;
	v22 =	vor.u32 v6, v7  }
0x1aa: {  	v6 =	vld.idx.msk [tilespmem:v16+s24+$0x0], $0xffff;
	v7 =	vadd.s32 s19, v1;
	v8 =	vimm.f32 $0.0e+00;
	v9 =	vmul.f32 v9, v10  }
0x1ab: {  	v16 =	vld.idx.msk [tilespmem:v15+s25+$0x0], $0xffff;
	v29 =	vand.u32 $0x8, v7;
	v15 =	vand.u32 $0x7, v7;
	v7 =	vimm.f32 $0.0e+00  }
0x1ac: {  	s16 =	simm.s32 $0x2;
	v17 =	vld.idx.msk [tilespmem:v17+s25+$0x0], $0xffff;
	v10 =	vimm.f32 $0.0e+00;
	v11 =	vadd.f32 v9, v20;
	v9 =	vimm.f32 $0.0e+00  }
.LBB2_18:
0x1ad: {  	p1 =	sne.s32 s16, $0xF;
	v30 =	vor.u32 v3, v15;
	v31 =	vor.u32 $0x10, v29;
	v32 =	vor.u32 $0x70, v29;
	v33 =	vld.idx.msk [tilespmem:v28+s24+$0x0], $0xffff  }
0x1ae: {  	v15 =	vor.u32 v4, v15;
	v28 =	vor.u32 $0x20, v29;
	v34 =	vor.u32 v32, v30;
	v35 =	vld.idx.msk [tilespmem:v27+s25+$0x0], $0xffff  }
0x1af: {  	v36 =	vor.u32 $0x40, v29;
	v27 =	vor.u32 $0x30, v29;
	v32 =	vor.u32 v32, v15;
	v37 =	vld.idx.msk [tilespmem:v26+s24+$0x0], $0xffff  }
0x1b0: {  	v39 =	vor.u32 $0x50, v29;
	v40 =	vor.u32 $0x60, v29;
	v38 =	vor.u32 v29, v30;
	v41 =	vld.idx.msk [tilespmem:v25+s25+$0x0], $0xffff  }
0x1b1: {  	v29 =	vor.u32 v29, v15;
	v42 =	vor.u32 v31, v30;
	v31 =	vor.u32 v31, v15;
	v43 =	vld.idx.msk [tilespmem:v24+s24+$0x0], $0xffff  }
0x1b2: {  	v44 =	vor.u32 v28, v30;
	v45 =	vor.u32 v28, v15;
	v46 =	vor.u32 v27, v30;
	v47 =	vld.idx.msk [tilespmem:v22+s25+$0x0], $0xffff  }
0x1b3: {  	v28 =	vor.u32 v36, v30;
	v48 =	vor.u32 v27, v15;
	v27 =	vor.u32 v36, v15;
	v34 =	vld.idx.msk [tilespmem:v34+s24+$0x0], $0xffff  }
0x1b4: {  	v26 =	vor.u32 v39, v30;
	v25 =	vor.u32 v39, v15;
	v24 =	vor.u32 v40, v30;
	v30 =	vld.idx.msk [tilespmem:v32+s25+$0x0], $0xffff  }
0x1b5: {  	v22 =	vor.u32 v40, v15;
	v15 =	vmul.f32 v23, v21;
	v32 =	vmul.f32 v19, v14;
	v21 =	vld.idx.msk [tilespmem:v38+s24+$0x0], $0xffff  }
0x1b6: {  	v6 =	vmul.f32 v16, v6;
	v13 =	vmul.f32 v17, v13;
	v23 =	vld.idx.msk [tilespmem:v29+s25+$0x0], $0xffff  }
0x1b7: {  	v20 =	vadd.f32 v15, v20;
	v15 =	vmul.f32 v35, v33;
	v17 =	vmul.f32 v41, v37;
	v14 =	vld.idx.msk [tilespmem:v42+s24+$0x0], $0xffff  }
.Ltmp7:
0x1b8: {  	v7 =	vadd.f32 v6, v7;
	v18 =	vadd.f32 v32, v18;
	v29 =	vmul.f32 v47, v43;
	v19 =	vld.idx.msk [tilespmem:v31+s25+$0x0], $0xffff;
	(pc) =	sbr.rel @p1 .LBB2_18-.Ltmp7, $4  }
0x1b9: {  	v8 =	vadd.f32 v13, v8;
	v9 =	vadd.f32 v15, v9;
	v6 =	vld.idx.msk [tilespmem:v44+s24+$0x0], $0xffff  }
0x1ba: {  	v10 =	vadd.f32 v17, v10;
	v30 =	vmul.f32 v30, v34;
	v12 =	vadd.f32 v29, v12;
	v16 =	vld.idx.msk [tilespmem:v45+s25+$0x0], $0xffff  }
0x1bb: {  	v15 =	vadd.s32 s16, v1;
	v13 =	vld.idx.msk [tilespmem:v46+s24+$0x0], $0xffff  }
0x1bc: {  	s16 =	sadd.s32 $0x1, s16;
	v29 =	vand.u32 $0x8, v15;
	v15 =	vand.u32 $0x7, v15;
	v11 =	vadd.f32 v30, v11;
	v17 =	vld.idx.msk [tilespmem:v48+s25+$0x0], $0xffff  }
0x1bd: {  	v30 =	vor.u32 v3, v15  }
0x1be: {  	v31 =	vor.u32 v4, v15;
	v4 =	vor.u32 v29, v30  }
0x1bf: {  	v15 =	vor.u32 v29, v31;
	_ =	sdelay $0x3  }
0x1c0: {  	v4 =	vld.idx.msk [tilespmem:v4+s24+$0x0], $0xffff  }
0x1c1: {  	v32 =	vld.idx.msk [tilespmem:v15+s25+$0x0], $0xffff;
	v15 =	vmul.u32 $0x18, v5;
	_ =	sdelay $0x2  }
0x1c2: {  	v21 =	vmul.f32 v23, v21;
	_ =	sdelay $0x1  }
0x1c3: {  	v20 =	vadd.f32 v21, v20;
	v4 =	vmul.f32 v32, v4  }
0x1c4: {  	v21 =	vld.idx.msk [tilespmem:v15+s4+$0x0], $0xffff  }
0x1c5: {  	v4 =	vadd.f32 v4, v20;
	_ =	sdelay $0x1  }
0x1c6: {  	v4 =	vmul.f32 $2.500000000e-01, v4  }
0x1c7: {  	v23 =	vld.idx.msk [tilespmem:v28+s24+$0x0], $0xffff;
	v60 =	vor.u32 $0x10, v29  }
0x1c8: {  	v27 =	vld.idx.msk [tilespmem:v27+s25+$0x0], $0xffff;
	v34 =	vor.u32 v60, v30;
	v20 =	vor.u32 $0x70, v29;
	v4 =	vadd.f32 v21, v4  }
0x1c9: {  	v26 =	vld.idx.msk [tilespmem:v26+s24+$0x0], $0xffff;
	v32 =	vor.u32 v60, v31;
	v28 =	vor.u32 v20, v30  }
0x1ca: {  	v25 =	vld.idx.msk [tilespmem:v25+s25+$0x0], $0xffff;
	v33 =	vor.u32 v20, v31;
	v20 =	vor.u32 $0x20, v29;
	v21 =	vmul.f32 $2.000000030e-01, v4  }
0x1cb: {  	v24 =	vld.idx.msk [tilespmem:v24+s24+$0x0], $0xffff;
	v35 =	vor.u32 v20, v30;
	vm0 =	vgt.f32 v4, $0.0e+00  }
0x1cc: {  	v22 =	vld.idx.msk [tilespmem:v22+s25+$0x0], $0xffff;
	v4 =	vsel vm0, v4, v21  }
0x1cd: {  	v36 =	vor.u32 $0x30, v29;
	v34 =	vld.idx.msk [tilespmem:v34+s24+$0x0], $0xffff;
	v37 =	vor.u32 v20, v31;
	v4 =	vmul.f32 $1.442695020e+00, v4  }
0x1ce: {  	v20 =	vld.idx.msk [tilespmem:v28+s24+$0x0], $0xffff;
	v28 =	vor.u32 v36, v30  }
0x1cf: {  	v61 =	vor.u32 $0x40, v29;
	v32 =	vld.idx.msk [tilespmem:v32+s25+$0x0], $0xffff;
	v36 =	vor.u32 v36, v31;
	(erf) = vpow2.f32 v4  }
0x1d0: {  	v38 =	vor.u32 v61, v30;
	v35 =	vld.idx.msk [tilespmem:v35+s24+$0x0], $0xffff  }
0x1d1: {  	v21 =	vld.idx.msk [tilespmem:v33+s25+$0x0], $0xffff;
	v33 =	vor.u32 v61, v31;
	v4 =	vor.u32 $0x50, v29  }
0x1d2: {  	v37 =	vld.idx.msk [tilespmem:v37+s25+$0x0], $0xffff;
	v29 =	vor.u32 $0x60, v29;
	v39 =	vor.u32 v4, v30  }
0x1d3: {  	v28 =	vld.idx.msk [tilespmem:v28+s24+$0x0], $0xffff;
	v40 =	vor.u32 v4, v31;
	v30 =	vor.u32 v29, v30;
	v4 =	vmul.u32 $0x90, v5  }
0x1d4: {  	v36 =	vld.idx.msk [tilespmem:v36+s25+$0x0], $0xffff  }
0x1d5: {  	v29 =	vor.u32 v29, v31;
	v31 =	vld.idx.msk [tilespmem:v38+s24+$0x0], $0xffff;
	v62 =	vadd.s32 $0x80, v4  }
0x1d6: {  	v41 =	vor.u32 $0x1, v15;
	v33 =	vld.idx.msk [tilespmem:v33+s25+$0x0], $0xffff  }
0x1d7: {  	v39 =	vld.idx.msk [tilespmem:v39+s24+$0x0], $0xffff  }
0x1d8: {  	v14 =	vmul.f32 v19, v14;
	vm9 =	vlt.u32 v5, v2;
	v19 =	vld.idx.msk [tilespmem:v30+s24+$0x0], $0xffff;
	v30 =	vpop (erf)  }
0x1d9: {  	v40 =	vld.idx.msk [tilespmem:v40+s25+$0x0], $0xffff;
	v5 =	vsel vm9, $0x0, v30  }
0x1da: {  	v14 =	vadd.f32 v14, v18;
	v18 =	vmul.f32 v32, v34;
	v29 =	vld.idx.msk [tilespmem:v29+s25+$0x0], $0xffff;
	[tilespmem:v62+s31+$0x0] =	vst.idx.msk $0xffff, v5  }
0x1db: {  	v30 =	vld.idx.msk [tilespmem:v41+s4+$0x0], $0xffff  }
0x1dc: {  	v14 =	vadd.f32 v18, v14;
	_ =	sdelay $0x1  }
0x1dd: {  	v14 =	vmul.f32 $2.500000000e-01, v14;
	_ =	sdelay $0x1  }
0x1de: {  	v14 =	vadd.f32 v30, v14;
	_ =	sdelay $0x1  }
0x1df: {  	v18 =	vmul.f32 $2.000000030e-01, v14  }
0x1e0: {  	vm1 =	vgt.f32 v14, $0.0e+00  }
0x1e1: {  	v14 =	vsel vm1, v14, v18  }
0x1e2: {  	v14 =	vmul.f32 $1.442695020e+00, v14;
	_ =	sdelay $0x1  }
0x1e3: {  	(erf) = vpow2.f32 v14;
	_ =	sdelay $0x5  }
0x1e4: {  	v14 =	vadd.s32 $0x81, v4  }
0x1e5: {  	v18 =	vor.u32 $0x2, v15;
	_ =	sdelay $0x1  }
0x1e6: {  	v16 =	vmul.f32 v16, v6;
	v6 =	vpop (erf)  }
0x1e7: {  	v6 =	vsel vm9, $0x0, v6  }
0x1e8: {  	v7 =	vadd.f32 v16, v7;
	v16 =	vmul.f32 v37, v35;
	[tilespmem:v14+s31+$0x0] =	vst.idx.msk $0xffff, v6  }
0x1e9: {  	v14 =	vld.idx.msk [tilespmem:v18+s4+$0x0], $0xffff  }
0x1ea: {  	v7 =	vadd.f32 v16, v7;
	_ =	sdelay $0x1  }
0x1eb: {  	v7 =	vmul.f32 $2.500000000e-01, v7;
	_ =	sdelay $0x1  }
0x1ec: {  	v7 =	vadd.f32 v14, v7;
	_ =	sdelay $0x1  }
0x1ed: {  	v14 =	vmul.f32 $2.000000030e-01, v7  }
0x1ee: {  	vm10 =	vgt.f32 v7, $0.0e+00  }
0x1ef: {  	v7 =	vsel vm10, v7, v14  }
0x1f0: {  	v7 =	vmul.f32 $1.442695020e+00, v7;
	_ =	sdelay $0x1  }
0x1f1: {  	(erf) = vpow2.f32 v7;
	_ =	sdelay $0x5  }
0x1f2: {  	v14 =	vadd.s32 $0x82, v4  }
0x1f3: {  	v16 =	vor.u32 $0x3, v15;
	_ =	sdelay $0x1  }
0x1f4: {  	v13 =	vmul.f32 v17, v13;
	v7 =	vpop (erf)  }
0x1f5: {  	v7 =	vsel vm9, $0x0, v7  }
0x1f6: {  	v8 =	vadd.f32 v13, v8;
	v13 =	vmul.f32 v36, v28;
	[tilespmem:v14+s31+$0x0] =	vst.idx.msk $0xffff, v7  }
0x1f7: {  	v14 =	vld.idx.msk [tilespmem:v16+s4+$0x0], $0xffff  }
0x1f8: {  	v8 =	vadd.f32 v13, v8;
	_ =	sdelay $0x1  }
0x1f9: {  	v8 =	vmul.f32 $2.500000000e-01, v8;
	_ =	sdelay $0x1  }
0x1fa: {  	v8 =	vadd.f32 v14, v8;
	_ =	sdelay $0x1  }
0x1fb: {  	v13 =	vmul.f32 $2.000000030e-01, v8  }
0x1fc: {  	vm11 =	vgt.f32 v8, $0.0e+00  }
0x1fd: {  	v8 =	vsel vm11, v8, v13  }
0x1fe: {  	v8 =	vmul.f32 $1.442695020e+00, v8;
	_ =	sdelay $0x1  }
0x1ff: {  	(erf) = vpow2.f32 v8;
	_ =	sdelay $0x5  }
0x200: {  	v13 =	vadd.s32 $0x83, v4  }
0x201: {  	v14 =	vor.u32 $0x4, v15;
	_ =	sdelay $0x1  }
0x202: {  	v16 =	vmul.f32 v27, v23;
	v8 =	vpop (erf)  }
0x203: {  	v8 =	vsel vm9, $0x0, v8  }
0x204: {  	v9 =	vadd.f32 v16, v9;
	v16 =	vmul.f32 v33, v31;
	[tilespmem:v13+s31+$0x0] =	vst.idx.msk $0xffff, v8  }
0x205: {  	v13 =	vld.idx.msk [tilespmem:v14+s4+$0x0], $0xffff  }
0x206: {  	v9 =	vadd.f32 v16, v9;
	_ =	sdelay $0x1  }
0x207: {  	v9 =	vmul.f32 $2.500000000e-01, v9;
	_ =	sdelay $0x1  }
0x208: {  	v9 =	vadd.f32 v13, v9;
	_ =	sdelay $0x1  }
0x209: {  	v13 =	vmul.f32 $2.000000030e-01, v9  }
0x20a: {  	vm12 =	vgt.f32 v9, $0.0e+00  }
0x20b: {  	v9 =	vsel vm12, v9, v13  }
0x20c: {  	v9 =	vmul.f32 $1.442695020e+00, v9;
	_ =	sdelay $0x1  }
0x20d: {  	(erf) = vpow2.f32 v9;
	_ =	sdelay $0x5  }
0x20e: {  	v13 =	vadd.s32 $0x84, v4  }
0x20f: {  	v14 =	vor.u32 $0x5, v15;
	_ =	sdelay $0x1  }
0x210: {  	v16 =	vmul.f32 v25, v26;
	v9 =	vpop (erf)  }
0x211: {  	v9 =	vsel vm9, $0x0, v9  }
0x212: {  	v10 =	vadd.f32 v16, v10;
	v16 =	vmul.f32 v40, v39;
	[tilespmem:v13+s31+$0x0] =	vst.idx.msk $0xffff, v9  }
0x213: {  	v13 =	vld.idx.msk [tilespmem:v14+s4+$0x0], $0xffff  }
0x214: {  	v10 =	vadd.f32 v16, v10;
	_ =	sdelay $0x1  }
0x215: {  	v10 =	vmul.f32 $2.500000000e-01, v10;
	_ =	sdelay $0x1  }
0x216: {  	v10 =	vadd.f32 v13, v10;
	_ =	sdelay $0x1  }
0x217: {  	v13 =	vmul.f32 $2.000000030e-01, v10  }
0x218: {  	vm13 =	vgt.f32 v10, $0.0e+00  }
0x219: {  	v10 =	vsel vm13, v10, v13  }
0x21a: {  	v10 =	vmul.f32 $1.442695020e+00, v10;
	_ =	sdelay $0x1  }
0x21b: {  	(erf) = vpow2.f32 v10;
	_ =	sdelay $0x5  }
0x21c: {  	v13 =	vadd.s32 $0x85, v4  }
0x21d: {  	v14 =	vor.u32 $0x6, v15;
	_ =	sdelay $0x1  }
0x21e: {  	v16 =	vmul.f32 v22, v24;
	v10 =	vpop (erf)  }
0x21f: {  	v10 =	vsel vm9, $0x0, v10  }
0x220: {  	v12 =	vadd.f32 v16, v12;
	v16 =	vmul.f32 v29, v19;
	[tilespmem:v13+s31+$0x0] =	vst.idx.msk $0xffff, v10  }
0x221: {  	v13 =	vld.idx.msk [tilespmem:v14+s4+$0x0], $0xffff  }
0x222: {  	v12 =	vadd.f32 v16, v12;
	_ =	sdelay $0x1  }
0x223: {  	v12 =	vmul.f32 $2.500000000e-01, v12;
	_ =	sdelay $0x1  }
0x224: {  	v12 =	vadd.f32 v13, v12;
	_ =	sdelay $0x1  }
0x225: {  	v13 =	vmul.f32 $2.000000030e-01, v12  }
0x226: {  	vm14 =	vgt.f32 v12, $0.0e+00  }
0x227: {  	v12 =	vsel vm14, v12, v13  }
0x228: {  	v12 =	vmul.f32 $1.442695020e+00, v12;
	_ =	sdelay $0x1  }
0x229: {  	(erf) = vpow2.f32 v12;
	_ =	sdelay $0x5  }
0x22a: {  	v13 =	vadd.s32 $0x86, v4  }
0x22b: {  	v14 =	vor.u32 $0x7, v15;
	_ =	sdelay $0x1  }
0x22c: {  	v12 =	vpop (erf)  }
0x22d: {  	v12 =	vsel vm9, $0x0, v12  }
0x22e: {  	v15 =	vmul.f32 v21, v20;
	[tilespmem:v13+s31+$0x0] =	vst.idx.msk $0xffff, v12  }
0x22f: {  	v13 =	vld.idx.msk [tilespmem:v14+s4+$0x0], $0xffff  }
0x230: {  	v11 =	vadd.f32 v15, v11;
	_ =	sdelay $0x1  }
0x231: {  	v11 =	vmul.f32 $2.500000000e-01, v11;
	_ =	sdelay $0x1  }
0x232: {  	v11 =	vadd.f32 v13, v11;
	_ =	sdelay $0x1  }
0x233: {  	v13 =	vmul.f32 $2.000000030e-01, v11  }
0x234: {  	vm15 =	vgt.f32 v11, $0.0e+00  }
0x235: {  	v11 =	vsel vm15, v11, v13  }
0x236: {  	v11 =	vmul.f32 $1.442695020e+00, v11;
	_ =	sdelay $0x1  }
0x237: {  	(erf) = vpow2.f32 v11;
	_ =	sdelay $0x3  }
0x238: {  	s10 =	simm.s32 $0x0  }
0x239: {  	v25 =	vadd.s32 s10, v1  }
0x23a: {  	v24 =	vand.u32 $0xF, v25;
	v14 =	vadd.s32 $0x87, v4;
	v13 =	vor.u32 $0x80, v3  }
0x23b: {  	v15 =	vor.u32 v13, v24;
	_ =	sdelay $0x1  }
0x23c: {  	v11 =	vpop (erf)  }
0x23d: {  	v11 =	vsel vm9, $0x0, v11  }
0x23e: {  	[tilespmem:v14+s31+$0x0] =	vst.idx.msk $0xffff, v11  }
0x23f: {  	v15 =	vld.idx.msk [tilespmem:v15+s24+$0x0], $0xffff;
	_ =	sdelay $0x1  }
0x240: {  	v16 =	vor.u32 v4, v24;
	v14 =	vor.u32 $0x90, v3  }
0x241: {  	v17 =	vor.u32 v14, v25;
	_ =	sdelay $0x1  }
0x242: {  	v15 =	vmul.f32 v15, v5;
	_ =	sdelay $0x1  }
0x243: {  	[tilespmem:v16+s31+$0x0] =	vst.idx.msk $0xffff, v15  }
0x244: {  	v27 =	vand.u32 $0x8, v25;
	v19 =	vadd.s32 $0x10, v4;
	v16 =	vld.idx.msk [tilespmem:v17+s24+$0x0], $0xffff  }
0x245: {  	v30 =	vand.u32 $0x7, v25;
	v17 =	vor.u32 v27, v19  }
0x246: {  	v15 =	vor.u32 $0xA0, v3;
	v17 =	vor.u32 v30, v17  }
0x247: {  	v18 =	vor.u32 v15, v24;
	_ =	sdelay $0x1  }
0x248: {  	v16 =	vmul.f32 v16, v6;
	_ =	sdelay $0x1  }
0x249: {  	[tilespmem:v17+s31+$0x0] =	vst.idx.msk $0xffff, v16  }
0x24a: {  	v26 =	vadd.s32 $0x20, v4;
	v17 =	vld.idx.msk [tilespmem:v18+s24+$0x0], $0xffff  }
0x24b: {  	v18 =	vor.u32 v27, v26  }
0x24c: {  	v16 =	vor.u32 $0xB0, v3;
	v18 =	vor.u32 v30, v18  }
0x24d: {  	v20 =	vor.u32 v16, v25;
	_ =	sdelay $0x1  }
0x24e: {  	v17 =	vmul.f32 v17, v7;
	_ =	sdelay $0x1  }
0x24f: {  	[tilespmem:v18+s31+$0x0] =	vst.idx.msk $0xffff, v17  }
0x250: {  	v17 =	vadd.s32 $0x30, v4;
	v20 =	vld.idx.msk [tilespmem:v20+s24+$0x0], $0xffff  }
0x251: {  	v21 =	vor.u32 v27, v17  }
0x252: {  	v18 =	vor.u32 $0xC0, v3;
	v21 =	vor.u32 v30, v21  }
0x253: {  	v22 =	vor.u32 v18, v24;
	_ =	sdelay $0x1  }
0x254: {  	v20 =	vmul.f32 v20, v8;
	_ =	sdelay $0x1  }
0x255: {  	[tilespmem:v21+s31+$0x0] =	vst.idx.msk $0xffff, v20  }
0x256: {  	v20 =	vadd.s32 $0x40, v4;
	v22 =	vld.idx.msk [tilespmem:v22+s24+$0x0], $0xffff  }
0x257: {  	v23 =	vor.u32 v27, v20  }
0x258: {  	v21 =	vor.u32 $0xD0, v3;
	v23 =	vor.u32 v30, v23  }
0x259: {  	v28 =	vor.u32 v21, v25;
	_ =	sdelay $0x1  }
0x25a: {  	v22 =	vmul.f32 v22, v9;
	_ =	sdelay $0x1  }
0x25b: {  	[tilespmem:v23+s31+$0x0] =	vst.idx.msk $0xffff, v22  }
0x25c: {  	v22 =	vadd.s32 $0x50, v4;
	v28 =	vld.idx.msk [tilespmem:v28+s24+$0x0], $0xffff  }
0x25d: {  	v29 =	vor.u32 v27, v22  }
0x25e: {  	v23 =	vor.u32 $0xE0, v3;
	v29 =	vor.u32 v30, v29  }
0x25f: {  	v31 =	vor.u32 v23, v24;
	_ =	sdelay $0x1  }
0x260: {  	v24 =	vmul.f32 v28, v10;
	_ =	sdelay $0x1  }
0x261: {  	[tilespmem:v29+s31+$0x0] =	vst.idx.msk $0xffff, v24  }
0x262: {  	v24 =	vadd.s32 $0x60, v4;
	v28 =	vld.idx.msk [tilespmem:v31+s24+$0x0], $0xffff  }
0x263: {  	v29 =	vor.u32 v27, v24  }
0x264: {  	v3 =	vor.u32 $0xF0, v3;
	v29 =	vor.u32 v30, v29  }
0x265: {  	v25 =	vor.u32 v3, v25;
	_ =	sdelay $0x1  }
0x266: {  	v28 =	vmul.f32 v28, v12;
	_ =	sdelay $0x1  }
0x267: {  	[tilespmem:v29+s31+$0x0] =	vst.idx.msk $0xffff, v28  }
0x268: {  	s19 =	simm.s32 $0x1;
	v63 =	vld.idx.msk [tilespmem:v25+s24+$0x0], $0xffff;
	v25 =	vadd.s32 $0x70, v4  }
0x269: {  	v28 =	vadd.s32 s19, v1;
	v31 =	vor.u32 v27, v25  }
0x26a: {  	v29 =	vand.u32 $0xF, v28;
	v33 =	vor.u32 v30, v31  }
0x26b: {  	v32 =	vor.u32 v13, v29  }
0x26c: {  	v27 =	vand.u32 $0x8, v28  }
0x26d: {  	s16 =	simm.s32 $0x2;
	v31 =	vor.u32 v27, v19;
	v30 =	vor.u32 v27, v26;
	v34 =	vmul.f32 v63, v11  }
.LBB2_20:
0x26e: {  	_ = 	snop  }
0x26f: {  	p1 =	sne.s32 s16, $0xF;
	s17 =	smov.u32 s16;
	s16 =	sadd.s32 $0x1, s16;
	[tilespmem:v33+s31+$0x0] =	vst.idx.msk $0xffff, v34  }
0x270: {  	v32 =	vld.idx.msk [tilespmem:v32+s24+$0x0], $0xffff;
	_ =	sdelay $0x2  }
0x271: {  	v33 =	vor.u32 v4, v29  }
0x272: {  	v34 =	vor.u32 v14, v28;
	_ =	sdelay $0x1  }
0x273: {  	v32 =	vmul.f32 v32, v5;
	_ =	sdelay $0x1  }
0x274: {  	[tilespmem:v33+s31+$0x0] =	vst.idx.msk $0xffff, v32  }
0x275: {  	v32 =	vld.idx.msk [tilespmem:v34+s24+$0x0], $0xffff;
	_ =	sdelay $0x1  }
0x276: {  	v33 =	vand.u32 $0x7, v28  }
0x277: {  	v31 =	vor.u32 v33, v31;
	v30 =	vor.u32 v33, v30  }
0x278: {  	v34 =	vor.u32 v15, v29;
	_ =	sdelay $0x1  }
0x279: {  	v32 =	vmul.f32 v32, v6;
	_ =	sdelay $0x1  }
0x27a: {  	[tilespmem:v31+s31+$0x0] =	vst.idx.msk $0xffff, v32  }
0x27b: {  	v31 =	vld.idx.msk [tilespmem:v34+s24+$0x0], $0xffff;
	_ =	sdelay $0x3  }
0x27c: {  	v32 =	vor.u32 v16, v28;
	_ =	sdelay $0x1  }
0x27d: {  	v31 =	vmul.f32 v31, v7;
	_ =	sdelay $0x1  }
0x27e: {  	[tilespmem:v30+s31+$0x0] =	vst.idx.msk $0xffff, v31  }
0x27f: {  	v30 =	vld.idx.msk [tilespmem:v32+s24+$0x0], $0xffff;
	_ =	sdelay $0x1  }
0x280: {  	v31 =	vor.u32 v27, v17  }
0x281: {  	v31 =	vor.u32 v33, v31  }
0x282: {  	v32 =	vor.u32 v18, v29;
	_ =	sdelay $0x1  }
0x283: {  	v30 =	vmul.f32 v30, v8;
	_ =	sdelay $0x1  }
0x284: {  	[tilespmem:v31+s31+$0x0] =	vst.idx.msk $0xffff, v30  }
0x285: {  	v30 =	vld.idx.msk [tilespmem:v32+s24+$0x0], $0xffff;
	_ =	sdelay $0x1  }
0x286: {  	v31 =	vor.u32 v27, v20  }
0x287: {  	v31 =	vor.u32 v33, v31  }
0x288: {  	v32 =	vor.u32 v21, v28;
	_ =	sdelay $0x1  }
0x289: {  	v30 =	vmul.f32 v30, v9;
	_ =	sdelay $0x1  }
0x28a: {  	[tilespmem:v31+s31+$0x0] =	vst.idx.msk $0xffff, v30  }
0x28b: {  	v30 =	vld.idx.msk [tilespmem:v32+s24+$0x0], $0xffff;
	_ =	sdelay $0x1  }
0x28c: {  	v31 =	vor.u32 v27, v22  }
0x28d: {  	v31 =	vor.u32 v33, v31  }
0x28e: {  	v29 =	vor.u32 v23, v29;
	_ =	sdelay $0x1  }
0x28f: {  	v30 =	vmul.f32 v30, v10;
	_ =	sdelay $0x1  }
0x290: {  	[tilespmem:v31+s31+$0x0] =	vst.idx.msk $0xffff, v30  }
0x291: {  	v29 =	vld.idx.msk [tilespmem:v29+s24+$0x0], $0xffff;
	_ =	sdelay $0x1  }
0x292: {  	v30 =	vor.u32 v27, v24  }
0x293: {  	v30 =	vor.u32 v33, v30  }
0x294: {  	v28 =	vor.u32 v3, v28;
	_ =	sdelay $0x1  }
0x295: {  	v29 =	vmul.f32 v29, v12;
	_ =	sdelay $0x1  }
0x296: {  	[tilespmem:v30+s31+$0x0] =	vst.idx.msk $0xffff, v29  }
0x297: {  	v34 =	vld.idx.msk [tilespmem:v28+s24+$0x0], $0xffff;
	_ =	sdelay $0x1  }
.Ltmp8:
0x298: {  	v30 =	vor.u32 v27, v25;
	v28 =	vadd.s32 s17, v1;
	(pc) =	sbr.rel @p1 .LBB2_20-.Ltmp8, $3  }
0x299: {  	v33 =	vor.u32 v33, v30;
	v29 =	vand.u32 $0xF, v28;
	v27 =	vand.u32 $0x8, v28  }
0x29a: {  	v32 =	vor.u32 v13, v29;
	v31 =	vor.u32 v27, v19;
	v30 =	vor.u32 v27, v26;
	_ =	sdelay $0x1  }
0x29b: {  	v34 =	vmul.f32 v34, v11  }
0x29c: {  	_ =	sdelay $0x3  }
0x29d: {  	[tilespmem:v33+s31+$0x0] =	vst.idx.msk $0xffff, v34  }
0x29e: {  	v13 =	vld.idx.msk [tilespmem:v32+s24+$0x0], $0xffff;
	_ =	sdelay $0x1  }
0x29f: {  	v4 =	vor.u32 v4, v29  }
0x2a0: {  	v14 =	vor.u32 v14, v28;
	_ =	sdelay $0x1  }
0x2a1: {  	v5 =	vmul.f32 v13, v5;
	_ =	sdelay $0x1  }
0x2a2: {  	[tilespmem:v4+s31+$0x0] =	vst.idx.msk $0xffff, v5  }
0x2a3: {  	v4 =	vld.idx.msk [tilespmem:v14+s24+$0x0], $0xffff  }
0x2a4: {  	v51 =	vand.u32 $0x7, v28  }
0x2a5: {  	v52 =	vor.u32 v51, v31  }
0x2a6: {  	v53 =	vor.u32 v15, v29;
	_ =	sdelay $0x1  }
0x2a7: {  	v4 =	vmul.f32 v4, v6;
	_ =	sdelay $0x1  }
0x2a8: {  	[tilespmem:v52+s31+$0x0] =	vst.idx.msk $0xffff, v4  }
0x2a9: {  	v4 =	vld.idx.msk [tilespmem:v53+s24+$0x0], $0xffff;
	_ =	sdelay $0x1  }
0x2aa: {  	v54 =	vor.u32 v51, v30  }
0x2ab: {  	v55 =	vor.u32 v16, v28;
	_ =	sdelay $0x1  }
0x2ac: {  	v4 =	vmul.f32 v4, v7;
	_ =	sdelay $0x1  }
0x2ad: {  	[tilespmem:v54+s31+$0x0] =	vst.idx.msk $0xffff, v4  }
0x2ae: {  	v4 =	vld.idx.msk [tilespmem:v55+s24+$0x0], $0xffff  }
0x2af: {  	v56 =	vor.u32 v27, v17  }
0x2b0: {  	v6 =	vor.u32 v51, v56  }
0x2b1: {  	v57 =	vor.u32 v18, v29;
	_ =	sdelay $0x1  }
0x2b2: {  	v4 =	vmul.f32 v4, v8;
	_ =	sdelay $0x1  }
0x2b3: {  	[tilespmem:v6+s31+$0x0] =	vst.idx.msk $0xffff, v4  }
0x2b4: {  	v4 =	vld.idx.msk [tilespmem:v57+s24+$0x0], $0xffff  }
0x2b5: {  	v58 =	vor.u32 v27, v20  }
0x2b6: {  	v6 =	vor.u32 v51, v58  }
0x2b7: {  	v59 =	vor.u32 v21, v28;
	_ =	sdelay $0x1  }
0x2b8: {  	v4 =	vmul.f32 v4, v9;
	_ =	sdelay $0x1  }
0x2b9: {  	[tilespmem:v6+s31+$0x0] =	vst.idx.msk $0xffff, v4  }
0x2ba: {  	v4 =	vld.idx.msk [tilespmem:v59+s24+$0x0], $0xffff  }
0x2bb: {  	v60 =	vor.u32 v27, v22  }
0x2bc: {  	v6 =	vor.u32 v51, v60  }
0x2bd: {  	v61 =	vor.u32 v23, v29;
	_ =	sdelay $0x1  }
0x2be: {  	v4 =	vmul.f32 v4, v10;
	_ =	sdelay $0x1  }
0x2bf: {  	[tilespmem:v6+s31+$0x0] =	vst.idx.msk $0xffff, v4  }
0x2c0: {  	v4 =	vld.idx.msk [tilespmem:v61+s24+$0x0], $0xffff  }
0x2c1: {  	v62 =	vor.u32 v27, v24  }
0x2c2: {  	v6 =	vor.u32 v51, v62  }
0x2c3: {  	v3 =	vor.u32 v3, v28;
	_ =	sdelay $0x1  }
0x2c4: {  	v4 =	vmul.f32 v4, v12;
	_ =	sdelay $0x1  }
0x2c5: {  	[tilespmem:v6+s31+$0x0] =	vst.idx.msk $0xffff, v4  }
0x2c6: {  	v3 =	vld.idx.msk [tilespmem:v3+s24+$0x0], $0xffff  }
0x2c7: {  	v63 =	vor.u32 v27, v25;
	s8 =	sadd.s32 $0x1, s8  }
0x2c8: {  	p1 =	sne.s32 s8, $0x4;
	v4 =	vor.u32 v51, v63  }
.Ltmp9:
0x2c9: {  	_ = 	snop;
	(pc) =	sbr.rel @p1 .LBB2_17-.Ltmp9, $3  }
0x2ca: {  	_ = 	snop  }
0x2cb: {  	v3 =	vmul.f32 v3, v11;
	_ =	sdelay $0x1  }
0x2cc: {  	[tilespmem:v4+s31+$0x0] =	vst.idx.msk $0xffff, v3  }
0x2cd: {  	s14 =	sadd.s32 $0x1, s14  }
0x2ce: {  	p1 =	sne.s32 s14, $0x4F  }
.Ltmp10:
0x2cf: {  	_ = 	snop;
	(pc) =	sbr.rel @p1 .LBB2_6-.Ltmp10, $4  }
0x2d0: {  	[spmem:s1] =	stream.indirect.scatter.add.f32 [tilespmem:s31], [sflag:$0x5], $0x90, s0, s20, $0xb8;
	[tilespmem:$0x1F090] =	vst v63  }
0x2d1: {  	_ =	swait.ge [sflag:s18], $0x2400  }
0x2d2: {  	[sflag:s18] =	ssyncset.done $0x0  }
0x2d3: {  	[sflag:s18] =	ssyncadd.s32 $0xFFFFDC00  }
0x2d4: {  	_ =	swait.ge [sflag:s22], $0x80  }
0x2d5: {  	[sflag:s22] =	ssyncset.done $0x0  }
0x2d6: {  	[sflag:s22] =	ssyncadd.s32 $0xFFFFFF80  }
0x2d7: {  	_ =	swait.ge [sflag:s23], $0x400  }
0x2d8: {  	[sflag:s23] =	ssyncset.done $0x0  }
0x2d9: {  	[sflag:s23] =	ssyncadd.s32 $0xFFFFFC00  }
0x2da: {  	[bflag:$0x0] =	sbarrier.arrive $0xFFFF  }
0x2db: {  	s17 =	rddreg [dreg:$0x4]  }
0x2dc: {  	s8 =	rddreg [dreg:$0x6]  }
0x2dd: {  	s14 =	rddreg [dreg:$0x9]  }
0x2de: {  	[hbm:s8], [sflag:s17] =	dma.local [spmem:s14], $0x2BE0  }
0x2df: {  	_ =	swait.ge [sflag:s18], $0x2BE0  }
0x2e0: {  	[sflag:s18] =	ssyncset.done $0x0;
	s8 =	rddreg [dreg:$0x7]  }
0x2e1: {  	s15 =	rddreg [dreg:$0xa];
	[sflag:s18] =	ssyncadd.s32 $0xFFFFD420  }
0x2e2: {  	[hbm:s8], [sflag:s17] =	dma.local @!p0 [spmem:s15], $0x120  }
0x2e3: {  	s8 =	simm.s32 @!p0 $0x5  }
0x2e4: {  	_ =	swait.ge @!p0 [sflag:s8], $0x120  }
0x2e5: {  	s11 =	sadd.s32 $0x1, s11;
	s10 =	rddreg [dreg:$0x8]  }
0x2e6: {  	p1 =	sne.s32 s11, s10  }
.Ltmp11:
0x2e7: {  	_ = 	snop;
	(pc) =	sbr.rel @p1 .LBB2_1-.Ltmp11, $3  }
0x2e8: {  	_ =	sdelay $0x1  }
0x2e9: {  	[sflag:s8] =	ssyncset.done @!p0 $0x0  }
0x2ea: {  	[sflag:s8] =	ssyncadd.s32 @!p0 $0xFFFFFEE0  }
0x2eb: {  	_ =	sfence.sel $0x180000  }
0x2ec: {  	[bflag:$0x0] =	sbarrier.arrive $0xFFFF  }
0x2ed: {  	_ =	strace $0x90000047  }
0x2ee: {  	s0 =	stileid.u32;
	[bflag:$0x2] =	sbarrier.arrive $0xFFFF  }
0x2ef: {  	p0 =	sne.s32 s0, $0x0;
	s0 =	rddreg [dreg:$0x2]  }
0x2f0: {  	s0 =	sadd.s32 @!p0 $0x100000, s0  }
0x2f1: {  	[sflag:s0] =	ssyncadd.tile.s32 @!p0 $0x1;
	_ =	shalt  }
.Lfunc_end2:
_tile_overlayer_lowered:
.L_overlay_start_2:
0x2f2: {  	(tag) =	ssettag $0x2  }
0x2f3: {  	s0 =	rddreg [dreg:$0x0];
	s2 =	stileid.u32  }
0x2f4: {  	s1 =	rddreg [dreg:$0x1];
	p0 =	sne.s32 s2, $0x0  }
0x2f5: {  	s3 =	rddreg [dreg:$0x2];
	[bflag:$0x3] =	sbarrier.arrive $0xFFFF;
	s2 =	simm.s32 @!p0 $0x1C05  }
0x2f6: {  	[timem:s3], [sflag:s2] =	dma.local @!p0 [hbm:s0], s1  }
0x2f7: {  	s0 =	simm.s32 @!p0 $0x5  }
0x2f8: {  	_ =	swait.ge @!p0 [sflag:s0], s1  }
0x2f9: {  	s1 =	ssub.s32 @!p0 $0x0, s1;
	[sflag:s0] =	ssyncset.done @!p0 $0x0  }
0x2fa: {  	[sflag:s0] =	ssyncadd.s32 @!p0 s1  }
0x2fb: {  	[bflag:$0x3] =	sbarrier.arrive $0xFFFF  }
0x2fc: {  	_ =	shalt  }

</sc_bundles>
